<compile_context>
chip_gen: v7x
topology: tpu7x:2x2x1
jax: 0.10.2.dev20260603
libtpu: 0.0.44.dev20260713+nightly
codegen_flags: <defaults>
</compile_context>

<pallas_src>
import jax
import jax.numpy as jnp
from jax import lax
from jax.experimental import pallas as pl
from jax.experimental.pallas import tpu as pltpu
from jax.experimental.pallas import tpu_sc as plsc

N = 10000
FEATS = 128
CLASSES = 16
HIDDEN = 64
DEPTH = 10
DIFFUSION = 0.9

NTILES = 16
NCORES = 2
RPT = 640
NP = NTILES * RPT
CHUNK = 128
K = 80
EPT = K * CHUNK
EPAD = EPT * NTILES * NCORES

_mesh = plsc.VectorSubcoreMesh(core_axis_name="c", subcore_axis_name="s")



def _deg_body(dst_hbm, deg_out, agg, dst_buf, ones_buf, mine_buf, other_buf,
              dsem, xsem):
    core = lax.axis_index("c")
    t = lax.axis_index("s")
    rows = pl.ds(t * RPT, RPT)
    widx = core * NTILES + t

    pltpu.sync_copy(dst_hbm.at[widx], dst_buf)
    one = jnp.full((16,), 1.0, jnp.float32)
    zer = jnp.zeros((16,), jnp.float32)

    @pl.loop(0, CHUNK)
    def _(r):
        ones_buf[r, :] = one

    @pl.loop(0, RPT)
    def _(r):
        mine_buf[r, :] = zer

    pltpu.sync_copy(mine_buf, agg.at[rows])
    plsc.subcore_barrier()

    @pl.loop(0, K, step=4)
    def _(j):
        for q in range(4):
            pltpu.async_copy(ones_buf, agg.at[dst_buf.at[j + q]],
                             dsem, add=True)
        for q in range(4):
            pltpu.make_async_copy(ones_buf,
                                  agg.at[dst_buf.at[j + q]],
                                  dsem).wait()

    plsc.subcore_barrier()
    @pl.when(core == 1)
    def _():
        pltpu.sync_copy(agg.at[rows], deg_out.at[rows])

    pl.semaphore_signal(xsem, 1, core_index=1 - core)
    pl.semaphore_wait(xsem, 1)

    @pl.when(core == 0)
    def _():
        pltpu.sync_copy(deg_out.at[rows], other_buf)
        pltpu.sync_copy(agg.at[rows], mine_buf)

        @pl.loop(0, RPT)
        def _(r):
            mine_buf[r, :] = mine_buf[r, :] + other_buf[r, :]

        pltpu.sync_copy(mine_buf, deg_out.at[rows])


def _deg_kernel(dst_tiled):
    return pl.kernel(
        _deg_body,
        out_type=jax.ShapeDtypeStruct((NP, CLASSES), jnp.float32),
        mesh=_mesh,
        compiler_params=pltpu.CompilerParams(use_tc_tiling_on_sc=False),
        scratch_types=[
            pltpu.MemorySpace.VMEM_SHARED((NP, CLASSES), jnp.float32),
            pltpu.VMEM((K, CHUNK), jnp.int32),
            pltpu.VMEM((CHUNK, CLASSES), jnp.float32),
            pltpu.VMEM((RPT, CLASSES), jnp.float32),
            pltpu.VMEM((RPT, CLASSES), jnp.float32),
            pltpu.SemaphoreType.DMA,
            pltpu.SemaphoreType.REGULAR,
        ],
    )(dst_tiled)



def _diff_body(src_hbm, dst_hbm, u0_hbm, u0t_hbm, c1_hbm, osc_hbm,
               out_hbm, utab0, utab1, part0, part1, agg,
               src_buf, dst_buf, msga, msgb, msgc, msgd, u_sl, t0_sl, c1_sl,
               agg_sl, aggo_sl, zro_sl, gsa, gsb, gsc, gsd, ssa, ssb, ssc,
               ssd, xsem):
    core = lax.axis_index("c")
    t = lax.axis_index("s")
    rows = pl.ds(t * RPT, RPT)
    widx = core * NTILES + t

    pltpu.sync_copy(src_hbm.at[widx], src_buf)
    pltpu.sync_copy(dst_hbm.at[widx], dst_buf)
    pltpu.sync_copy(u0_hbm.at[rows], u_sl)
    pltpu.sync_copy(u0t_hbm.at[rows], t0_sl)
    pltpu.sync_copy(c1_hbm.at[rows], c1_sl)
    zer = jnp.zeros((16,), jnp.float32)

    @pl.loop(0, RPT)
    def _(r):
        zro_sl[r, :] = zer

    pltpu.sync_copy(zro_sl, agg.at[rows])

    @pl.when(core == 0)
    def _():
        pltpu.sync_copy(u_sl, utab0.at[rows])

    @pl.when(core == 1)
    def _():
        pltpu.sync_copy(u_sl, utab1.at[rows])

    plsc.subcore_barrier()

    msgs = (msga, msgb, msgc, msgd)
    gsems = (gsa, gsb, gsc, gsd)
    ssems = (ssa, ssb, ssc, ssd)

    def scatter_phase(utab):
        for q in range(4):
            pltpu.async_copy(utab.at[src_buf.at[q]], msgs[q], gsems[q])

        @pl.loop(0, K, step=4)
        def _(j):
            for q in range(4):
                pltpu.make_async_copy(utab.at[src_buf.at[j + q]],
                                      msgs[q], gsems[q]).wait()
                pltpu.async_copy(msgs[q], agg.at[dst_buf.at[j + q]],
                                 ssems[q], add=True)
            for q in range(4):
                pltpu.make_async_copy(msgs[q], agg.at[dst_buf.at[j + q]],
                                      ssems[q]).wait()

                @pl.when(j + q + 4 < K)
                def _():
                    pltpu.async_copy(utab.at[src_buf.at[j + q + 4]],
                                     msgs[q], gsems[q])

    def publish_and_update(mypart, otherpart, myutab):
        pltpu.sync_copy(agg.at[rows], mypart.at[rows])
        pl.semaphore_signal(xsem, 1, core_index=1 - core)
        pl.semaphore_wait(xsem, 1)
        pltpu.sync_copy(agg.at[rows], agg_sl)
        pltpu.sync_copy(otherpart.at[rows], aggo_sl)

        @pl.loop(0, RPT, unroll=4)
        def _(r):
            u_sl[r, :] = (c1_sl[r, :]
                          * (agg_sl[r, :] + aggo_sl[r, :] + u_sl[r, :])
                          + t0_sl[r, :])

        pltpu.sync_copy(zro_sl, agg.at[rows])
        pltpu.sync_copy(u_sl, myutab.at[rows])

    @pl.loop(0, DEPTH)
    def _(it):
        @pl.when(core == 0)
        def _():
            scatter_phase(utab0)

        @pl.when(core == 1)
        def _():
            scatter_phase(utab1)

        plsc.subcore_barrier()

        @pl.when(core == 0)
        def _():
            publish_and_update(part0, part1, utab0)

        @pl.when(core == 1)
        def _():
            publish_and_update(part1, part0, utab1)

        plsc.subcore_barrier()

    @pl.when(core == 0)
    def _():
        pltpu.sync_copy(osc_hbm.at[rows], t0_sl)

        @pl.loop(0, RPT)
        def _(r):
            u_sl[r, :] = u_sl[r, :] * t0_sl[r, :]

        pltpu.sync_copy(u_sl, out_hbm.at[rows])


def _diff_kernel(src_tiled, dst_tiled, u0, u0t, c1, osc):
    o16 = jax.ShapeDtypeStruct((NP, CLASSES), jnp.float32)
    outs = pl.kernel(
        _diff_body,
        out_type=[o16, o16, o16, o16, o16],
        mesh=_mesh,
        compiler_params=pltpu.CompilerParams(use_tc_tiling_on_sc=False),
        scratch_types=[
            pltpu.MemorySpace.VMEM_SHARED((NP, CLASSES), jnp.float32),
            pltpu.VMEM((K, CHUNK), jnp.int32),
            pltpu.VMEM((K, CHUNK), jnp.int32),
            pltpu.VMEM((CHUNK, CLASSES), jnp.float32),
            pltpu.VMEM((CHUNK, CLASSES), jnp.float32),
            pltpu.VMEM((CHUNK, CLASSES), jnp.float32),
            pltpu.VMEM((CHUNK, CLASSES), jnp.float32),
            pltpu.VMEM((RPT, CLASSES), jnp.float32),
            pltpu.VMEM((RPT, CLASSES), jnp.float32),
            pltpu.VMEM((RPT, CLASSES), jnp.float32),
            pltpu.VMEM((RPT, CLASSES), jnp.float32),
            pltpu.VMEM((RPT, CLASSES), jnp.float32),
            pltpu.VMEM((RPT, CLASSES), jnp.float32),
            pltpu.SemaphoreType.DMA,
            pltpu.SemaphoreType.DMA,
            pltpu.SemaphoreType.DMA,
            pltpu.SemaphoreType.DMA,
            pltpu.SemaphoreType.DMA,
            pltpu.SemaphoreType.DMA,
            pltpu.SemaphoreType.DMA,
            pltpu.SemaphoreType.DMA,
            pltpu.SemaphoreType.REGULAR,
        ],
    )(src_tiled, dst_tiled, u0, u0t, c1, osc)
    return outs[0]



def _prep_body(deg_ref, x_ref, w1_ref, b1_ref, wf_ref, ba1_ref,
               u0_ref, u0t_ref, c1_ref, osc_ref, s_ref, pre_ref):
    deg = deg_ref[:, :] + 1.0
    s = lax.rsqrt(deg)
    h0 = lax.dot_general(x_ref[:, :], w1_ref[:, :],
                         (((1,), (1,)), ((), ())),
                         preferred_element_type=jnp.float32) + b1_ref[:, :]
    u0 = s * h0
    u0_ref[:, :] = u0
    u0t_ref[:, :] = 0.1 * u0
    c1_ref[:, :] = DIFFUSION * s * s
    osc_ref[:, :] = jnp.sqrt(deg)
    s_ref[:, :] = s
    pre_ref[:, :] = lax.dot_general(x_ref[:, :], wf_ref[:, :],
                                    (((1,), (1,)), ((), ())),
                                    preferred_element_type=jnp.float32
                                    ) + ba1_ref[:, :]


def _prep_kernel(deg, xp, W1, b1, Wfeat, ba1):
    blk = NP // 4
    o16 = jax.ShapeDtypeStruct((NP, CLASSES), jnp.float32)
    return pl.pallas_call(
        _prep_body,
        grid=(4,),
        in_specs=[
            pl.BlockSpec((blk, CLASSES), lambda i: (i, 0)),
            pl.BlockSpec((blk, FEATS), lambda i: (i, 0)),
            pl.BlockSpec((CLASSES, FEATS), lambda i: (0, 0)),
            pl.BlockSpec((1, CLASSES), lambda i: (0, 0)),
            pl.BlockSpec((HIDDEN, FEATS), lambda i: (0, 0)),
            pl.BlockSpec((1, HIDDEN), lambda i: (0, 0)),
        ],
        out_specs=[
            pl.BlockSpec((blk, CLASSES), lambda i: (i, 0)),
            pl.BlockSpec((blk, CLASSES), lambda i: (i, 0)),
            pl.BlockSpec((blk, CLASSES), lambda i: (i, 0)),
            pl.BlockSpec((blk, CLASSES), lambda i: (i, 0)),
            pl.BlockSpec((blk, CLASSES), lambda i: (i, 0)),
            pl.BlockSpec((blk, HIDDEN), lambda i: (i, 0)),
        ],
        out_shape=[o16, o16, o16, o16, o16,
                   jax.ShapeDtypeStruct((NP, HIDDEN), jnp.float32)],
    )(deg, xp, W1, b1, Wfeat, ba1)



def _mlp_body(h1_ref, pre_ref, wcol_ref, wind_ref, wa2_ref, ba2_ref, s_ref,
              u0_ref, u0t_ref):
    h1 = h1_ref[:, :]
    pre = pre_ref[:, :]
    wcol = wcol_ref[:, :]
    wa2 = wa2_ref[:, :]
    ba2 = ba2_ref[0, 0]
    cols = []
    for c in range(CLASSES):
        tz = jnp.maximum(pre + wind_ref[c:c + 1, :] + h1[:, c:c + 1] * wcol,
                         0.0)
        oc = lax.dot_general(tz, wa2, (((1,), (0,)), ((), ())),
                             preferred_element_type=jnp.float32)
        cols.append(oc)
    h2 = jnp.maximum(jnp.concatenate(cols, axis=1) + ba2, 0.0)
    u0 = s_ref[:, :] * h2
    u0_ref[:, :] = u0
    u0t_ref[:, :] = 0.1 * u0


def _mlp_kernel(h1, pre, wcol, Wind, wa2, ba2, s16):
    blk = NP // 4
    o16 = jax.ShapeDtypeStruct((NP, CLASSES), jnp.float32)
    return pl.pallas_call(
        _mlp_body,
        grid=(4,),
        in_specs=[
            pl.BlockSpec((blk, CLASSES), lambda i: (i, 0)),
            pl.BlockSpec((blk, HIDDEN), lambda i: (i, 0)),
            pl.BlockSpec((1, HIDDEN), lambda i: (0, 0)),
            pl.BlockSpec((CLASSES, HIDDEN), lambda i: (0, 0)),
            pl.BlockSpec((HIDDEN, 1), lambda i: (0, 0)),
            pl.BlockSpec((1, 1), lambda i: (0, 0)),
            pl.BlockSpec((blk, CLASSES), lambda i: (i, 0)),
        ],
        out_specs=[
            pl.BlockSpec((blk, CLASSES), lambda i: (i, 0)),
            pl.BlockSpec((blk, CLASSES), lambda i: (i, 0)),
        ],
        out_shape=[o16, o16],
    )(h1, pre, wcol, Wind, wa2, ba2, s16)



@jax.jit
def kernel(x, edges, W1, b1, Wa1, ba1, Wa2, ba2):
    src, dst = edges[0], edges[1]
    npad = EPAD - src.shape[0]
    pad = (N + (jnp.arange(npad, dtype=jnp.int32) % (NP - N))).astype(jnp.int32)
    src_t = jnp.concatenate([src, pad]).reshape(NTILES * NCORES, K, CHUNK)
    dst_t = jnp.concatenate([dst, pad]).reshape(NTILES * NCORES, K, CHUNK)
    xp = jnp.pad(x, ((0, NP - N), (0, 0)))

    wcol = Wa1[:, 0:1].T
    Wind = Wa1[:, 1:1 + CLASSES].T
    Wfeat = Wa1[:, 1 + CLASSES:]

    deg = _deg_kernel(dst_t)
    u0, u0t, c1, osc, s16, pre = _prep_kernel(
        deg, xp, W1, b1.reshape(1, CLASSES), Wfeat, ba1.reshape(1, HIDDEN))
    h1 = _diff_kernel(src_t, dst_t, u0, u0t, c1, osc)
    u0b, u0bt = _mlp_kernel(h1, pre, wcol, Wind, Wa2.T, ba2.reshape(1, 1),
                            s16)
    h2 = _diff_kernel(src_t, dst_t, u0b, u0bt, c1, osc)
    return h2[:N]

# --- scband reference (transcript-rebuilt; emitter-appended) ---
"""Pipeline reference for scband-universal-p-17961553232123 (READ-ONLY COPY).

The authoritative reference and input builder live on the scoring server;
editing this copy changes nothing except your own understanding.
"""

import jax, jax.numpy as jnp
import numpy as np

N = 10000
E = 320000
FEATS = 128
CLASSES = 16
HIDDEN = 64
DEPTH = 10
DIFFUSION = 0.9


def setup_inputs(seed: int = 0) -> dict:
    key = jax.random.key(seed)
    ks = jax.random.split(key, 8)
    x = jax.random.normal(ks[0], (N, FEATS), dtype=jnp.float32)
    edges = jax.random.randint(ks[1], (2, E), 0, N, dtype=jnp.int32)
    adj_in = 1 + CLASSES + FEATS
    W1 = jax.random.normal(ks[2], (CLASSES, FEATS), dtype=jnp.float32) / np.sqrt(FEATS)
    b1 = jnp.zeros((CLASSES,), dtype=jnp.float32)
    Wa1 = jax.random.normal(ks[3], (HIDDEN, adj_in), dtype=jnp.float32) / np.sqrt(adj_in)
    ba1 = jnp.zeros((HIDDEN,), dtype=jnp.float32)
    Wa2 = jax.random.normal(ks[4], (1, HIDDEN), dtype=jnp.float32) / np.sqrt(HIDDEN)
    ba2 = jnp.zeros((1,), dtype=jnp.float32)
    return {"x": x, "edges": edges, "W1": W1, "b1": b1, "Wa1": Wa1, "ba1": ba1, "Wa2": Wa2, "ba2": ba2}


def gcn_conv(x, src, dst, deg_inv_sqrt, n):
    # symmetric-normalized graph convolution (GCN propagation with self-loops)
    norm = deg_inv_sqrt[src] * deg_inv_sqrt[dst]
    msg = x[src] * norm[:, None]
    out = jnp.zeros_like(x).at[dst].add(msg)
    # self-loop contribution
    out = out + x * (deg_inv_sqrt * deg_inv_sqrt)[:, None]
    return out


def reference(x, edges, W1, b1, Wa1, ba1, Wa2, ba2):
    n = x.shape[0]
    src, dst = edges[0], edges[1]
    # degree including self-loop
    deg = jnp.zeros((n,), dtype=x.dtype).at[dst].add(1.0) + 1.0
    deg_inv_sqrt = jax.lax.rsqrt(deg)
    datax = x  # eval mode: dropout is identity
    h = x @ W1.T + b1
    h0 = h
    for _ in range(DEPTH):
        h = gcn_conv(h, src, dst, deg_inv_sqrt, n) * DIFFUSION + (1.0 - DIFFUSION) * h0
    # class indicator: block one-hot [N*CLASSES, CLASSES]
    class_indicator = jnp.repeat(jnp.eye(CLASSES, dtype=x.dtype), n, axis=0)
    col = h.T.reshape(-1, 1)
    feat_rep = jnp.tile(datax, (CLASSES, 1))
    z = jnp.concatenate([col, class_indicator, feat_rep], axis=1)
    z = jax.nn.relu(z @ Wa1.T + ba1)
    z = jax.nn.relu(z @ Wa2.T + ba2)
    h = z.reshape(CLASSES, n).T
    h0 = h
    for _ in range(DEPTH):
        h = gcn_conv(h, src, dst, deg_inv_sqrt, n) * DIFFUSION + (1.0 - DIFFUSION) * h0
    return h

if __name__ == "__main__":
    import jax
    _d = setup_inputs()
    print(jax.jit(kernel)(*tuple(_d.values())))

</pallas_src>

<mosaic_0001>
#map = affine_map<(d0, d1) -> (0, 0, 0)>
#map1 = affine_map<(d0, d1) -> (0, 0)>
module attributes {stable_mosaic.version = 14 : i64} {
  func.func @_diff_body(%arg0: i32, %arg1: i32, %arg2: memref<32x80x128xi32, #tpu.memory_space<hbm>>, %arg3: memref<32x80x128xi32, #tpu.memory_space<hbm>>, %arg4: memref<10240x16xf32, #tpu.memory_space<hbm>>, %arg5: memref<10240x16xf32, #tpu.memory_space<hbm>>, %arg6: memref<10240x16xf32, #tpu.memory_space<hbm>>, %arg7: memref<10240x16xf32, #tpu.memory_space<hbm>>, %arg8: memref<10240x16xf32, #tpu.memory_space<hbm>>, %arg9: memref<10240x16xf32, #tpu.memory_space<hbm>>, %arg10: memref<10240x16xf32, #tpu.memory_space<hbm>>, %arg11: memref<10240x16xf32, #tpu.memory_space<hbm>>, %arg12: memref<10240x16xf32, #tpu.memory_space<hbm>>, %arg13: memref<10240x16xf32, #tpu.memory_space<vmem_shared>>, %arg14: memref<80x128xi32, #tpu.memory_space<vmem>>, %arg15: memref<80x128xi32, #tpu.memory_space<vmem>>, %arg16: memref<128x16xf32, #tpu.memory_space<vmem>>, %arg17: memref<128x16xf32, #tpu.memory_space<vmem>>, %arg18: memref<128x16xf32, #tpu.memory_space<vmem>>, %arg19: memref<128x16xf32, #tpu.memory_space<vmem>>, %arg20: memref<640x16xf32, #tpu.memory_space<vmem>>, %arg21: memref<640x16xf32, #tpu.memory_space<vmem>>, %arg22: memref<640x16xf32, #tpu.memory_space<vmem>>, %arg23: memref<640x16xf32, #tpu.memory_space<vmem>>, %arg24: memref<640x16xf32, #tpu.memory_space<vmem>>, %arg25: memref<640x16xf32, #tpu.memory_space<vmem>>, %arg26: memref<!tpu.dma_semaphore, #tpu.memory_space<semaphore_mem>>, %arg27: memref<!tpu.dma_semaphore, #tpu.memory_space<semaphore_mem>>, %arg28: memref<!tpu.dma_semaphore, #tpu.memory_space<semaphore_mem>>, %arg29: memref<!tpu.dma_semaphore, #tpu.memory_space<semaphore_mem>>, %arg30: memref<!tpu.dma_semaphore, #tpu.memory_space<semaphore_mem>>, %arg31: memref<!tpu.dma_semaphore, #tpu.memory_space<semaphore_mem>>, %arg32: memref<!tpu.dma_semaphore, #tpu.memory_space<semaphore_mem>>, %arg33: memref<!tpu.dma_semaphore, #tpu.memory_space<semaphore_mem>>, %arg34: memref<!tpu.semaphore, #tpu.memory_space<semaphore_mem>>) attributes {dimension_semantics = [#tpu.dimension_semantics<core_parallel>, #tpu.dimension_semantics<subcore_parallel>], iteration_bounds = array<i64: 2, 16>, scalar_prefetch = 0 : i64, scratch_operands = 22 : i64, tpu.core_type = #tpu.core_type<sc_vector_subcore>, window_params = [{transform_indices = #map}, {transform_indices = #map}, {transform_indices = #map1}, {transform_indices = #map1}, {transform_indices = #map1}, {transform_indices = #map1}, {transform_indices = #map1}, {transform_indices = #map1}, {transform_indices = #map1}, {transform_indices = #map1}, {transform_indices = #map1}]} {
    %mul3A = arith.constant 640 : i32
    %mul3A_0 = arith.muli %arg1, %mul3A : i32
    %mul3A_1 = arith.constant 16 : i32
    %mul3A_2 = arith.muli %arg0, %mul3A_1 : i32
    %add3A = arith.addi %mul3A_2, %arg1 : i32
    "tpu.region"() ({
      %run_scoped3A = tpu.sem_alloc : memref<!tpu.dma_semaphore, #tpu.memory_space<semaphore_mem>>
      %dma_start3A = arith.constant 0 : i32
      %dma_start3A_25 = arith.constant 0 : i32
      %dma_start3A_26 = tpu.memref_slice %arg2[%add3A, %dma_start3A, %dma_start3A_25] : memref<32x80x128xi32, #tpu.memory_space<hbm>> -> memref<1x80x128xi32, #tpu.memory_space<hbm>>
      %dma_start3A_27 = tpu.memref_squeeze %dma_start3A_26 : memref<1x80x128xi32, #tpu.memory_space<hbm>> -> memref<80x128xi32, #tpu.memory_space<hbm>>
      %dma_start3A_28 = arith.constant 0 : i32
      %dma_start3A_29 = arith.constant 0 : i32
      %dma_start3A_30 = tpu.memref_slice %arg2[%add3A, %dma_start3A_28, %dma_start3A_29] : memref<32x80x128xi32, #tpu.memory_space<hbm>> -> memref<1x80x128xi32, #tpu.memory_space<hbm>>
      %dma_start3A_31 = tpu.memref_squeeze %dma_start3A_30 : memref<1x80x128xi32, #tpu.memory_space<hbm>> -> memref<80x128xi32, #tpu.memory_space<hbm>>
      tpu.enqueue_dma source(%dma_start3A_31 : memref<80x128xi32, #tpu.memory_space<hbm>>) target(%arg14 : memref<80x128xi32, #tpu.memory_space<vmem>>) target_semaphore(%run_scoped3A : memref<!tpu.dma_semaphore, #tpu.memory_space<semaphore_mem>>)
      %dma_wait3A = arith.constant 0 : i32
      %dma_wait3A_32 = arith.constant 0 : i32
      %dma_wait3A_33 = tpu.memref_slice %arg2[%add3A, %dma_wait3A, %dma_wait3A_32] : memref<32x80x128xi32, #tpu.memory_space<hbm>> -> memref<1x80x128xi32, #tpu.memory_space<hbm>>
      %dma_wait3A_34 = tpu.memref_squeeze %dma_wait3A_33 : memref<1x80x128xi32, #tpu.memory_space<hbm>> -> memref<80x128xi32, #tpu.memory_space<hbm>>
      %dma_wait3A_35 = arith.constant 0 : i32
      %dma_wait3A_36 = arith.constant 0 : i32
      %dma_wait3A_37 = tpu.memref_slice %arg2[%add3A, %dma_wait3A_35, %dma_wait3A_36] : memref<32x80x128xi32, #tpu.memory_space<hbm>> -> memref<1x80x128xi32, #tpu.memory_space<hbm>>
      %dma_wait3A_38 = tpu.memref_squeeze %dma_wait3A_37 : memref<1x80x128xi32, #tpu.memory_space<hbm>> -> memref<80x128xi32, #tpu.memory_space<hbm>>
      tpu.wait_dma2 semaphore(%run_scoped3A : memref<!tpu.dma_semaphore, #tpu.memory_space<semaphore_mem>>) src(%dma_wait3A_38 : memref<80x128xi32, #tpu.memory_space<hbm>>) dst(%arg14 : memref<80x128xi32, #tpu.memory_space<vmem>>)
      tpu.yield
    }) : () -> ()
    "tpu.region"() ({
      %run_scoped3A = tpu.sem_alloc : memref<!tpu.dma_semaphore, #tpu.memory_space<semaphore_mem>>
      %dma_start3A = arith.constant 0 : i32
      %dma_start3A_25 = arith.constant 0 : i32
      %dma_start3A_26 = tpu.memref_slice %arg3[%add3A, %dma_start3A, %dma_start3A_25] : memref<32x80x128xi32, #tpu.memory_space<hbm>> -> memref<1x80x128xi32, #tpu.memory_space<hbm>>
      %dma_start3A_27 = tpu.memref_squeeze %dma_start3A_26 : memref<1x80x128xi32, #tpu.memory_space<hbm>> -> memref<80x128xi32, #tpu.memory_space<hbm>>
      %dma_start3A_28 = arith.constant 0 : i32
      %dma_start3A_29 = arith.constant 0 : i32
      %dma_start3A_30 = tpu.memref_slice %arg3[%add3A, %dma_start3A_28, %dma_start3A_29] : memref<32x80x128xi32, #tpu.memory_space<hbm>> -> memref<1x80x128xi32, #tpu.memory_space<hbm>>
      %dma_start3A_31 = tpu.memref_squeeze %dma_start3A_30 : memref<1x80x128xi32, #tpu.memory_space<hbm>> -> memref<80x128xi32, #tpu.memory_space<hbm>>
      tpu.enqueue_dma source(%dma_start3A_31 : memref<80x128xi32, #tpu.memory_space<hbm>>) target(%arg15 : memref<80x128xi32, #tpu.memory_space<vmem>>) target_semaphore(%run_scoped3A : memref<!tpu.dma_semaphore, #tpu.memory_space<semaphore_mem>>)
      %dma_wait3A = arith.constant 0 : i32
      %dma_wait3A_32 = arith.constant 0 : i32
      %dma_wait3A_33 = tpu.memref_slice %arg3[%add3A, %dma_wait3A, %dma_wait3A_32] : memref<32x80x128xi32, #tpu.memory_space<hbm>> -> memref<1x80x128xi32, #tpu.memory_space<hbm>>
      %dma_wait3A_34 = tpu.memref_squeeze %dma_wait3A_33 : memref<1x80x128xi32, #tpu.memory_space<hbm>> -> memref<80x128xi32, #tpu.memory_space<hbm>>
      %dma_wait3A_35 = arith.constant 0 : i32
      %dma_wait3A_36 = arith.constant 0 : i32
      %dma_wait3A_37 = tpu.memref_slice %arg3[%add3A, %dma_wait3A_35, %dma_wait3A_36] : memref<32x80x128xi32, #tpu.memory_space<hbm>> -> memref<1x80x128xi32, #tpu.memory_space<hbm>>
      %dma_wait3A_38 = tpu.memref_squeeze %dma_wait3A_37 : memref<1x80x128xi32, #tpu.memory_space<hbm>> -> memref<80x128xi32, #tpu.memory_space<hbm>>
      tpu.wait_dma2 semaphore(%run_scoped3A : memref<!tpu.dma_semaphore, #tpu.memory_space<semaphore_mem>>) src(%dma_wait3A_38 : memref<80x128xi32, #tpu.memory_space<hbm>>) dst(%arg15 : memref<80x128xi32, #tpu.memory_space<vmem>>)
      tpu.yield
    }) : () -> ()
    "tpu.region"() ({
      %run_scoped3A = tpu.sem_alloc : memref<!tpu.dma_semaphore, #tpu.memory_space<semaphore_mem>>
      %dma_start3A = arith.constant 0 : i32
      %dma_start3A_25 = tpu.memref_slice %arg4[%mul3A_0, %dma_start3A] : memref<10240x16xf32, #tpu.memory_space<hbm>> -> memref<640x16xf32, #tpu.memory_space<hbm>>
      %dma_start3A_26 = arith.constant 0 : i32
      %dma_start3A_27 = tpu.memref_slice %arg4[%mul3A_0, %dma_start3A_26] : memref<10240x16xf32, #tpu.memory_space<hbm>> -> memref<640x16xf32, #tpu.memory_space<hbm>>
      tpu.enqueue_dma source(%dma_start3A_27 : memref<640x16xf32, #tpu.memory_space<hbm>>) target(%arg20 : memref<640x16xf32, #tpu.memory_space<vmem>>) target_semaphore(%run_scoped3A : memref<!tpu.dma_semaphore, #tpu.memory_space<semaphore_mem>>)
      %dma_wait3A = arith.constant 0 : i32
      %dma_wait3A_28 = tpu.memref_slice %arg4[%mul3A_0, %dma_wait3A] : memref<10240x16xf32, #tpu.memory_space<hbm>> -> memref<640x16xf32, #tpu.memory_space<hbm>>
      %dma_wait3A_29 = arith.constant 0 : i32
      %dma_wait3A_30 = tpu.memref_slice %arg4[%mul3A_0, %dma_wait3A_29] : memref<10240x16xf32, #tpu.memory_space<hbm>> -> memref<640x16xf32, #tpu.memory_space<hbm>>
      tpu.wait_dma2 semaphore(%run_scoped3A : memref<!tpu.dma_semaphore, #tpu.memory_space<semaphore_mem>>) src(%dma_wait3A_30 : memref<640x16xf32, #tpu.memory_space<hbm>>) dst(%arg20 : memref<640x16xf32, #tpu.memory_space<vmem>>)
      tpu.yield
    }) : () -> ()
    "tpu.region"() ({
      %run_scoped3A = tpu.sem_alloc : memref<!tpu.dma_semaphore, #tpu.memory_space<semaphore_mem>>
      %dma_start3A = arith.constant 0 : i32
      %dma_start3A_25 = tpu.memref_slice %arg5[%mul3A_0, %dma_start3A] : memref<10240x16xf32, #tpu.memory_space<hbm>> -> memref<640x16xf32, #tpu.memory_space<hbm>>
      %dma_start3A_26 = arith.constant 0 : i32
      %dma_start3A_27 = tpu.memref_slice %arg5[%mul3A_0, %dma_start3A_26] : memref<10240x16xf32, #tpu.memory_space<hbm>> -> memref<640x16xf32, #tpu.memory_space<hbm>>
      tpu.enqueue_dma source(%dma_start3A_27 : memref<640x16xf32, #tpu.memory_space<hbm>>) target(%arg21 : memref<640x16xf32, #tpu.memory_space<vmem>>) target_semaphore(%run_scoped3A : memref<!tpu.dma_semaphore, #tpu.memory_space<semaphore_mem>>)
      %dma_wait3A = arith.constant 0 : i32
      %dma_wait3A_28 = tpu.memref_slice %arg5[%mul3A_0, %dma_wait3A] : memref<10240x16xf32, #tpu.memory_space<hbm>> -> memref<640x16xf32, #tpu.memory_space<hbm>>
      %dma_wait3A_29 = arith.constant 0 : i32
      %dma_wait3A_30 = tpu.memref_slice %arg5[%mul3A_0, %dma_wait3A_29] : memref<10240x16xf32, #tpu.memory_space<hbm>> -> memref<640x16xf32, #tpu.memory_space<hbm>>
      tpu.wait_dma2 semaphore(%run_scoped3A : memref<!tpu.dma_semaphore, #tpu.memory_space<semaphore_mem>>) src(%dma_wait3A_30 : memref<640x16xf32, #tpu.memory_space<hbm>>) dst(%arg21 : memref<640x16xf32, #tpu.memory_space<vmem>>)
      tpu.yield
    }) : () -> ()
    "tpu.region"() ({
      %run_scoped3A = tpu.sem_alloc : memref<!tpu.dma_semaphore, #tpu.memory_space<semaphore_mem>>
      %dma_start3A = arith.constant 0 : i32
      %dma_start3A_25 = tpu.memref_slice %arg6[%mul3A_0, %dma_start3A] : memref<10240x16xf32, #tpu.memory_space<hbm>> -> memref<640x16xf32, #tpu.memory_space<hbm>>
      %dma_start3A_26 = arith.constant 0 : i32
      %dma_start3A_27 = tpu.memref_slice %arg6[%mul3A_0, %dma_start3A_26] : memref<10240x16xf32, #tpu.memory_space<hbm>> -> memref<640x16xf32, #tpu.memory_space<hbm>>
      tpu.enqueue_dma source(%dma_start3A_27 : memref<640x16xf32, #tpu.memory_space<hbm>>) target(%arg22 : memref<640x16xf32, #tpu.memory_space<vmem>>) target_semaphore(%run_scoped3A : memref<!tpu.dma_semaphore, #tpu.memory_space<semaphore_mem>>)
      %dma_wait3A = arith.constant 0 : i32
      %dma_wait3A_28 = tpu.memref_slice %arg6[%mul3A_0, %dma_wait3A] : memref<10240x16xf32, #tpu.memory_space<hbm>> -> memref<640x16xf32, #tpu.memory_space<hbm>>
      %dma_wait3A_29 = arith.constant 0 : i32
      %dma_wait3A_30 = tpu.memref_slice %arg6[%mul3A_0, %dma_wait3A_29] : memref<10240x16xf32, #tpu.memory_space<hbm>> -> memref<640x16xf32, #tpu.memory_space<hbm>>
      tpu.wait_dma2 semaphore(%run_scoped3A : memref<!tpu.dma_semaphore, #tpu.memory_space<semaphore_mem>>) src(%dma_wait3A_30 : memref<640x16xf32, #tpu.memory_space<hbm>>) dst(%arg22 : memref<640x16xf32, #tpu.memory_space<vmem>>)
      tpu.yield
    }) : () -> ()
    %broadcast_in_dim3A = arith.constant 0.000000e+00 : f32
    %broadcast_in_dim3A_3 = vector.broadcast %broadcast_in_dim3A : f32 to vector<16xf32>
    %scan3A = arith.constant 0 : i32
    %scan3A_4 = arith.constant 640 : i32
    %scan3A_5 = arith.addi %scan3A, %scan3A_4 : i32
    %scan3A_6 = arith.constant 1 : i32
    scf.for %scan3A_25 = %scan3A to %scan3A_5 step %scan3A_6  : i32 {
      %mul3A_26 = arith.constant 1 : i32
      %mul3A_27 = arith.muli %scan3A_25, %mul3A_26 : i32
      %add3A_28 = arith.constant 0 : i32
      %add3A_29 = arith.addi %add3A_28, %mul3A_27 : i32
      %swap3A = arith.index_cast %add3A_29 : i32 to index
      %swap3A_30 = arith.constant 0 : index
      %swap3A_31 = tpu.vector_load %arg25[%swap3A, %swap3A_30] {strides = array<i32>} : memref<640x16xf32, #tpu.memory_space<vmem>>, vector<1x16xf32>,
      %swap3A_32 = vector.shape_cast %swap3A_31 : vector<1x16xf32> to vector<16xf32>
      %swap3A_33 = vector.shape_cast %broadcast_in_dim3A_3 : vector<16xf32> to vector<1x16xf32>
      tpu.vector_store %arg25[%swap3A, %swap3A_30], %swap3A_33 {strides = array<i32>} : memref<640x16xf32, #tpu.memory_space<vmem>>, vector<1x16xf32>,
    }
    %scan3A_7 = arith.constant 640 : i32
    "tpu.region"() ({
      %run_scoped3A = tpu.sem_alloc : memref<!tpu.dma_semaphore, #tpu.memory_space<semaphore_mem>>
      %dma_start3A = arith.constant 0 : i32
      %dma_start3A_25 = tpu.memref_slice %arg13[%mul3A_0, %dma_start3A] : memref<10240x16xf32, #tpu.memory_space<vmem_shared>> -> memref<640x16xf32, #tpu.memory_space<vmem_shared>>
      %dma_start3A_26 = arith.constant 0 : i32
      %dma_start3A_27 = tpu.memref_slice %arg13[%mul3A_0, %dma_start3A_26] : memref<10240x16xf32, #tpu.memory_space<vmem_shared>> -> memref<640x16xf32, #tpu.memory_space<vmem_shared>>
      tpu.enqueue_dma source(%arg25 : memref<640x16xf32, #tpu.memory_space<vmem>>) target(%dma_start3A_27 : memref<640x16xf32, #tpu.memory_space<vmem_shared>>) target_semaphore(%run_scoped3A : memref<!tpu.dma_semaphore, #tpu.memory_space<semaphore_mem>>)
      %dma_wait3A = arith.constant 0 : i32
      %dma_wait3A_28 = tpu.memref_slice %arg13[%mul3A_0, %dma_wait3A] : memref<10240x16xf32, #tpu.memory_space<vmem_shared>> -> memref<640x16xf32, #tpu.memory_space<vmem_shared>>
      %dma_wait3A_29 = arith.constant 0 : i32
      %dma_wait3A_30 = tpu.memref_slice %arg13[%mul3A_0, %dma_wait3A_29] : memref<10240x16xf32, #tpu.memory_space<vmem_shared>> -> memref<640x16xf32, #tpu.memory_space<vmem_shared>>
      tpu.wait_dma2 semaphore(%run_scoped3A : memref<!tpu.dma_semaphore, #tpu.memory_space<semaphore_mem>>) src(%arg25 : memref<640x16xf32, #tpu.memory_space<vmem>>) dst(%dma_wait3A_30 : memref<640x16xf32, #tpu.memory_space<vmem_shared>>)
      tpu.yield
    }) : () -> ()
    %eq3A = arith.constant 0 : i32
    %eq3A_8 = arith.cmpi eq, %arg0, %eq3A : i32
    %convert_element_type3A = arith.extui %eq3A_8 : i1 to i32
    %cond3A = arith.constant 0 : i32
    %cond3A_9 = arith.cmpi ne, %convert_element_type3A, %cond3A : i32
    scf.if %cond3A_9 {
      "tpu.region"() ({
        %run_scoped3A = tpu.sem_alloc : memref<!tpu.dma_semaphore, #tpu.memory_space<semaphore_mem>>
        %dma_start3A = arith.constant 0 : i32
        %dma_start3A_25 = tpu.memref_slice %arg9[%mul3A_0, %dma_start3A] : memref<10240x16xf32, #tpu.memory_space<hbm>> -> memref<640x16xf32, #tpu.memory_space<hbm>>
        %dma_start3A_26 = arith.constant 0 : i32
        %dma_start3A_27 = tpu.memref_slice %arg9[%mul3A_0, %dma_start3A_26] : memref<10240x16xf32, #tpu.memory_space<hbm>> -> memref<640x16xf32, #tpu.memory_space<hbm>>
        tpu.enqueue_dma source(%arg20 : memref<640x16xf32, #tpu.memory_space<vmem>>) target(%dma_start3A_27 : memref<640x16xf32, #tpu.memory_space<hbm>>) target_semaphore(%run_scoped3A : memref<!tpu.dma_semaphore, #tpu.memory_space<semaphore_mem>>)
        %dma_wait3A = arith.constant 0 : i32
        %dma_wait3A_28 = tpu.memref_slice %arg9[%mul3A_0, %dma_wait3A] : memref<10240x16xf32, #tpu.memory_space<hbm>> -> memref<640x16xf32, #tpu.memory_space<hbm>>
        %dma_wait3A_29 = arith.constant 0 : i32
        %dma_wait3A_30 = tpu.memref_slice %arg9[%mul3A_0, %dma_wait3A_29] : memref<10240x16xf32, #tpu.memory_space<hbm>> -> memref<640x16xf32, #tpu.memory_space<hbm>>
        tpu.wait_dma2 semaphore(%run_scoped3A : memref<!tpu.dma_semaphore, #tpu.memory_space<semaphore_mem>>) src(%arg20 : memref<640x16xf32, #tpu.memory_space<vmem>>) dst(%dma_wait3A_30 : memref<640x16xf32, #tpu.memory_space<hbm>>)
        tpu.yield
      }) : () -> ()
    } else {
    }
    %eq3A_10 = arith.constant 1 : i32
    %eq3A_11 = arith.cmpi eq, %arg0, %eq3A_10 : i32
    %convert_element_type3A_12 = arith.extui %eq3A_11 : i1 to i32
    %cond3A_13 = arith.constant 0 : i32
    %cond3A_14 = arith.cmpi ne, %convert_element_type3A_12, %cond3A_13 : i32
    scf.if %cond3A_14 {
      "tpu.region"() ({
        %run_scoped3A = tpu.sem_alloc : memref<!tpu.dma_semaphore, #tpu.memory_space<semaphore_mem>>
        %dma_start3A = arith.constant 0 : i32
        %dma_start3A_25 = tpu.memref_slice %arg10[%mul3A_0, %dma_start3A] : memref<10240x16xf32, #tpu.memory_space<hbm>> -> memref<640x16xf32, #tpu.memory_space<hbm>>
        %dma_start3A_26 = arith.constant 0 : i32
        %dma_start3A_27 = tpu.memref_slice %arg10[%mul3A_0, %dma_start3A_26] : memref<10240x16xf32, #tpu.memory_space<hbm>> -> memref<640x16xf32, #tpu.memory_space<hbm>>
        tpu.enqueue_dma source(%arg20 : memref<640x16xf32, #tpu.memory_space<vmem>>) target(%dma_start3A_27 : memref<640x16xf32, #tpu.memory_space<hbm>>) target_semaphore(%run_scoped3A : memref<!tpu.dma_semaphore, #tpu.memory_space<semaphore_mem>>)
        %dma_wait3A = arith.constant 0 : i32
        %dma_wait3A_28 = tpu.memref_slice %arg10[%mul3A_0, %dma_wait3A] : memref<10240x16xf32, #tpu.memory_space<hbm>> -> memref<640x16xf32, #tpu.memory_space<hbm>>
        %dma_wait3A_29 = arith.constant 0 : i32
        %dma_wait3A_30 = tpu.memref_slice %arg10[%mul3A_0, %dma_wait3A_29] : memref<10240x16xf32, #tpu.memory_space<hbm>> -> memref<640x16xf32, #tpu.memory_space<hbm>>
        tpu.wait_dma2 semaphore(%run_scoped3A : memref<!tpu.dma_semaphore, #tpu.memory_space<semaphore_mem>>) src(%arg20 : memref<640x16xf32, #tpu.memory_space<vmem>>) dst(%dma_wait3A_30 : memref<640x16xf32, #tpu.memory_space<hbm>>)
        tpu.yield
      }) : () -> ()
    } else {
    }
    %barrier3A = arith.constant 0 : index
    tpu.barrier barrier_id(%barrier3A)
    %scan3A_15 = arith.constant 0 : i32
    %scan3A_16 = arith.constant 10 : i32
    %scan3A_17 = arith.addi %scan3A_15, %scan3A_16 : i32
    %scan3A_18 = arith.constant 1 : i32
    scf.for %scan3A_25 = %scan3A_15 to %scan3A_17 step %scan3A_18  : i32 {
      %mul3A_26 = arith.constant 1 : i32
      %mul3A_27 = arith.muli %scan3A_25, %mul3A_26 : i32
      %add3A_28 = arith.constant 0 : i32
      %add3A_29 = arith.addi %add3A_28, %mul3A_27 : i32
      %eq3A_30 = arith.constant 0 : i32
      %eq3A_31 = arith.cmpi eq, %arg0, %eq3A_30 : i32
      %convert_element_type3A_32 = arith.extui %eq3A_31 : i1 to i32
      %cond3A_33 = arith.constant 0 : i32
      %cond3A_34 = arith.cmpi ne, %convert_element_type3A_32, %cond3A_33 : i32
      scf.if %cond3A_34 {
        %dma_start3A = arith.constant 0 : i32
        %dma_start3A_52 = arith.constant 0 : i32
        %dma_start3A_53 = tpu.memref_slice %arg14[%dma_start3A, %dma_start3A_52] : memref<80x128xi32, #tpu.memory_space<vmem>> -> memref<1x128xi32, #tpu.memory_space<vmem>>
        %dma_start3A_54 = tpu.memref_squeeze %dma_start3A_53 : memref<1x128xi32, #tpu.memory_space<vmem>> -> memref<128xi32, #tpu.memory_space<vmem>>
        %dma_start3A_55 = arith.constant 0 : i32
        %dma_start3A_56 = arith.constant 0 : i32
        %dma_start3A_57 = tpu.memref_slice %arg9[%dma_start3A_55, %dma_start3A_56] : memref<10240x16xf32, #tpu.memory_space<hbm>> -> memref<10240x16xf32, #tpu.memory_space<hbm>>
        tpu.enqueue_indirect_dma source(%dma_start3A_57 : memref<10240x16xf32, #tpu.memory_space<hbm>>) target(%arg16 : memref<128x16xf32, #tpu.memory_space<vmem>>) offsets(%dma_start3A_54 : memref<128xi32, #tpu.memory_space<vmem>>) semaphore(%arg26 : memref<!tpu.dma_semaphore, #tpu.memory_space<semaphore_mem>>)
        %dma_start3A_58 = arith.constant 1 : i32
        %dma_start3A_59 = arith.constant 0 : i32
        %dma_start3A_60 = tpu.memref_slice %arg14[%dma_start3A_58, %dma_start3A_59] : memref<80x128xi32, #tpu.memory_space<vmem>> -> memref<1x128xi32, #tpu.memory_space<vmem>>
        %dma_start3A_61 = tpu.memref_squeeze %dma_start3A_60 : memref<1x128xi32, #tpu.memory_space<vmem>> -> memref<128xi32, #tpu.memory_space<vmem>>
        %dma_start3A_62 = arith.constant 0 : i32
        %dma_start3A_63 = arith.constant 0 : i32
        %dma_start3A_64 = tpu.memref_slice %arg9[%dma_start3A_62, %dma_start3A_63] : memref<10240x16xf32, #tpu.memory_space<hbm>> -> memref<10240x16xf32, #tpu.memory_space<hbm>>
        tpu.enqueue_indirect_dma source(%dma_start3A_64 : memref<10240x16xf32, #tpu.memory_space<hbm>>) target(%arg17 : memref<128x16xf32, #tpu.memory_space<vmem>>) offsets(%dma_start3A_61 : memref<128xi32, #tpu.memory_space<vmem>>) semaphore(%arg27 : memref<!tpu.dma_semaphore, #tpu.memory_space<semaphore_mem>>)
        %dma_start3A_65 = arith.constant 2 : i32
        %dma_start3A_66 = arith.constant 0 : i32
        %dma_start3A_67 = tpu.memref_slice %arg14[%dma_start3A_65, %dma_start3A_66] : memref<80x128xi32, #tpu.memory_space<vmem>> -> memref<1x128xi32, #tpu.memory_space<vmem>>
        %dma_start3A_68 = tpu.memref_squeeze %dma_start3A_67 : memref<1x128xi32, #tpu.memory_space<vmem>> -> memref<128xi32, #tpu.memory_space<vmem>>
        %dma_start3A_69 = arith.constant 0 : i32
        %dma_start3A_70 = arith.constant 0 : i32
        %dma_start3A_71 = tpu.memref_slice %arg9[%dma_start3A_69, %dma_start3A_70] : memref<10240x16xf32, #tpu.memory_space<hbm>> -> memref<10240x16xf32, #tpu.memory_space<hbm>>
        tpu.enqueue_indirect_dma source(%dma_start3A_71 : memref<10240x16xf32, #tpu.memory_space<hbm>>) target(%arg18 : memref<128x16xf32, #tpu.memory_space<vmem>>) offsets(%dma_start3A_68 : memref<128xi32, #tpu.memory_space<vmem>>) semaphore(%arg28 : memref<!tpu.dma_semaphore, #tpu.memory_space<semaphore_mem>>)
        %dma_start3A_72 = arith.constant 3 : i32
        %dma_start3A_73 = arith.constant 0 : i32
        %dma_start3A_74 = tpu.memref_slice %arg14[%dma_start3A_72, %dma_start3A_73] : memref<80x128xi32, #tpu.memory_space<vmem>> -> memref<1x128xi32, #tpu.memory_space<vmem>>
        %dma_start3A_75 = tpu.memref_squeeze %dma_start3A_74 : memref<1x128xi32, #tpu.memory_space<vmem>> -> memref<128xi32, #tpu.memory_space<vmem>>
        %dma_start3A_76 = arith.constant 0 : i32
        %dma_start3A_77 = arith.constant 0 : i32
        %dma_start3A_78 = tpu.memref_slice %arg9[%dma_start3A_76, %dma_start3A_77] : memref<10240x16xf32, #tpu.memory_space<hbm>> -> memref<10240x16xf32, #tpu.memory_space<hbm>>
        tpu.enqueue_indirect_dma source(%dma_start3A_78 : memref<10240x16xf32, #tpu.memory_space<hbm>>) target(%arg19 : memref<128x16xf32, #tpu.memory_space<vmem>>) offsets(%dma_start3A_75 : memref<128xi32, #tpu.memory_space<vmem>>) semaphore(%arg29 : memref<!tpu.dma_semaphore, #tpu.memory_space<semaphore_mem>>)
        %scan3A_79 = arith.constant 0 : i32
        %scan3A_80 = arith.constant 20 : i32
        %scan3A_81 = arith.addi %scan3A_79, %scan3A_80 : i32
        %scan3A_82 = arith.constant 1 : i32
        scf.for %scan3A_84 = %scan3A_79 to %scan3A_81 step %scan3A_82  : i32 {
          %mul3A_85 = arith.constant 4 : i32
          %mul3A_86 = arith.muli %scan3A_84, %mul3A_85 : i32
          %add3A_87 = arith.constant 0 : i32
          %add3A_88 = arith.addi %add3A_87, %mul3A_86 : i32
          %add3A_89 = arith.constant 0 : i32
          %add3A_90 = arith.addi %add3A_88, %add3A_89 : i32
          %dma_wait3A = arith.constant 0 : i32
          %dma_wait3A_91 = tpu.memref_slice %arg14[%add3A_90, %dma_wait3A] : memref<80x128xi32, #tpu.memory_space<vmem>> -> memref<1x128xi32, #tpu.memory_space<vmem>>
          %dma_wait3A_92 = tpu.memref_squeeze %dma_wait3A_91 : memref<1x128xi32, #tpu.memory_space<vmem>> -> memref<128xi32, #tpu.memory_space<vmem>>
          %dma_wait3A_93 = arith.constant 0 : i32
          %dma_wait3A_94 = arith.constant 0 : i32
          %dma_wait3A_95 = tpu.memref_slice %arg9[%dma_wait3A_93, %dma_wait3A_94] : memref<10240x16xf32, #tpu.memory_space<hbm>> -> memref<10240x16xf32, #tpu.memory_space<hbm>>
          tpu.wait_indirect_dma semaphore(%arg26 : memref<!tpu.dma_semaphore, #tpu.memory_space<semaphore_mem>>) src(%dma_wait3A_95 : memref<10240x16xf32, #tpu.memory_space<hbm>>) dst(%arg16 : memref<128x16xf32, #tpu.memory_space<vmem>>)
          %add3A_96 = arith.constant 0 : i32
          %add3A_97 = arith.addi %add3A_88, %add3A_96 : i32
          %dma_start3A_98 = arith.constant 0 : i32
          %dma_start3A_99 = tpu.memref_slice %arg15[%add3A_97, %dma_start3A_98] : memref<80x128xi32, #tpu.memory_space<vmem>> -> memref<1x128xi32, #tpu.memory_space<vmem>>
          %dma_start3A_100 = tpu.memref_squeeze %dma_start3A_99 : memref<1x128xi32, #tpu.memory_space<vmem>> -> memref<128xi32, #tpu.memory_space<vmem>>
          %dma_start3A_101 = arith.constant 0 : i32
          %dma_start3A_102 = arith.constant 0 : i32
          %dma_start3A_103 = tpu.memref_slice %arg13[%dma_start3A_101, %dma_start3A_102] : memref<10240x16xf32, #tpu.memory_space<vmem_shared>> -> memref<10240x16xf32, #tpu.memory_space<vmem_shared>>
          tpu.enqueue_indirect_dma source(%arg16 : memref<128x16xf32, #tpu.memory_space<vmem>>) target(%dma_start3A_103 : memref<10240x16xf32, #tpu.memory_space<vmem_shared>>) offsets(%dma_start3A_100 : memref<128xi32, #tpu.memory_space<vmem>>) semaphore(%arg30 : memref<!tpu.dma_semaphore, #tpu.memory_space<semaphore_mem>>) {add = true}
          %add3A_104 = arith.constant 1 : i32
          %add3A_105 = arith.addi %add3A_88, %add3A_104 : i32
          %dma_wait3A_106 = arith.constant 0 : i32
          %dma_wait3A_107 = tpu.memref_slice %arg14[%add3A_105, %dma_wait3A_106] : memref<80x128xi32, #tpu.memory_space<vmem>> -> memref<1x128xi32, #tpu.memory_space<vmem>>
          %dma_wait3A_108 = tpu.memref_squeeze %dma_wait3A_107 : memref<1x128xi32, #tpu.memory_space<vmem>> -> memref<128xi32, #tpu.memory_space<vmem>>
          %dma_wait3A_109 = arith.constant 0 : i32
          %dma_wait3A_110 = arith.constant 0 : i32
          %dma_wait3A_111 = tpu.memref_slice %arg9[%dma_wait3A_109, %dma_wait3A_110] : memref<10240x16xf32, #tpu.memory_space<hbm>> -> memref<10240x16xf32, #tpu.memory_space<hbm>>
          tpu.wait_indirect_dma semaphore(%arg27 : memref<!tpu.dma_semaphore, #tpu.memory_space<semaphore_mem>>) src(%dma_wait3A_111 : memref<10240x16xf32, #tpu.memory_space<hbm>>) dst(%arg17 : memref<128x16xf32, #tpu.memory_space<vmem>>)
          %add3A_112 = arith.constant 1 : i32
          %add3A_113 = arith.addi %add3A_88, %add3A_112 : i32
          %dma_start3A_114 = arith.constant 0 : i32
          %dma_start3A_115 = tpu.memref_slice %arg15[%add3A_113, %dma_start3A_114] : memref<80x128xi32, #tpu.memory_space<vmem>> -> memref<1x128xi32, #tpu.memory_space<vmem>>
          %dma_start3A_116 = tpu.memref_squeeze %dma_start3A_115 : memref<1x128xi32, #tpu.memory_space<vmem>> -> memref<128xi32, #tpu.memory_space<vmem>>
          %dma_start3A_117 = arith.constant 0 : i32
          %dma_start3A_118 = arith.constant 0 : i32
          %dma_start3A_119 = tpu.memref_slice %arg13[%dma_start3A_117, %dma_start3A_118] : memref<10240x16xf32, #tpu.memory_space<vmem_shared>> -> memref<10240x16xf32, #tpu.memory_space<vmem_shared>>
          tpu.enqueue_indirect_dma source(%arg17 : memref<128x16xf32, #tpu.memory_space<vmem>>) target(%dma_start3A_119 : memref<10240x16xf32, #tpu.memory_space<vmem_shared>>) offsets(%dma_start3A_116 : memref<128xi32, #tpu.memory_space<vmem>>) semaphore(%arg31 : memref<!tpu.dma_semaphore, #tpu.memory_space<semaphore_mem>>) {add = true}
          %add3A_120 = arith.constant 2 : i32
          %add3A_121 = arith.addi %add3A_88, %add3A_120 : i32
          %dma_wait3A_122 = arith.constant 0 : i32
          %dma_wait3A_123 = tpu.memref_slice %arg14[%add3A_121, %dma_wait3A_122] : memref<80x128xi32, #tpu.memory_space<vmem>> -> memref<1x128xi32, #tpu.memory_space<vmem>>
          %dma_wait3A_124 = tpu.memref_squeeze %dma_wait3A_123 : memref<1x128xi32, #tpu.memory_space<vmem>> -> memref<128xi32, #tpu.memory_space<vmem>>
          %dma_wait3A_125 = arith.constant 0 : i32
          %dma_wait3A_126 = arith.constant 0 : i32
          %dma_wait3A_127 = tpu.memref_slice %arg9[%dma_wait3A_125, %dma_wait3A_126] : memref<10240x16xf32, #tpu.memory_space<hbm>> -> memref<10240x16xf32, #tpu.memory_space<hbm>>
          tpu.wait_indirect_dma semaphore(%arg28 : memref<!tpu.dma_semaphore, #tpu.memory_space<semaphore_mem>>) src(%dma_wait3A_127 : memref<10240x16xf32, #tpu.memory_space<hbm>>) dst(%arg18 : memref<128x16xf32, #tpu.memory_space<vmem>>)
          %add3A_128 = arith.constant 2 : i32
          %add3A_129 = arith.addi %add3A_88, %add3A_128 : i32
          %dma_start3A_130 = arith.constant 0 : i32
          %dma_start3A_131 = tpu.memref_slice %arg15[%add3A_129, %dma_start3A_130] : memref<80x128xi32, #tpu.memory_space<vmem>> -> memref<1x128xi32, #tpu.memory_space<vmem>>
          %dma_start3A_132 = tpu.memref_squeeze %dma_start3A_131 : memref<1x128xi32, #tpu.memory_space<vmem>> -> memref<128xi32, #tpu.memory_space<vmem>>
          %dma_start3A_133 = arith.constant 0 : i32
          %dma_start3A_134 = arith.constant 0 : i32
          %dma_start3A_135 = tpu.memref_slice %arg13[%dma_start3A_133, %dma_start3A_134] : memref<10240x16xf32, #tpu.memory_space<vmem_shared>> -> memref<10240x16xf32, #tpu.memory_space<vmem_shared>>
          tpu.enqueue_indirect_dma source(%arg18 : memref<128x16xf32, #tpu.memory_space<vmem>>) target(%dma_start3A_135 : memref<10240x16xf32, #tpu.memory_space<vmem_shared>>) offsets(%dma_start3A_132 : memref<128xi32, #tpu.memory_space<vmem>>) semaphore(%arg32 : memref<!tpu.dma_semaphore, #tpu.memory_space<semaphore_mem>>) {add = true}
          %add3A_136 = arith.constant 3 : i32
          %add3A_137 = arith.addi %add3A_88, %add3A_136 : i32
          %dma_wait3A_138 = arith.constant 0 : i32
          %dma_wait3A_139 = tpu.memref_slice %arg14[%add3A_137, %dma_wait3A_138] : memref<80x128xi32, #tpu.memory_space<vmem>> -> memref<1x128xi32, #tpu.memory_space<vmem>>
          %dma_wait3A_140 = tpu.memref_squeeze %dma_wait3A_139 : memref<1x128xi32, #tpu.memory_space<vmem>> -> memref<128xi32, #tpu.memory_space<vmem>>
          %dma_wait3A_141 = arith.constant 0 : i32
          %dma_wait3A_142 = arith.constant 0 : i32
          %dma_wait3A_143 = tpu.memref_slice %arg9[%dma_wait3A_141, %dma_wait3A_142] : memref<10240x16xf32, #tpu.memory_space<hbm>> -> memref<10240x16xf32, #tpu.memory_space<hbm>>
          tpu.wait_indirect_dma semaphore(%arg29 : memref<!tpu.dma_semaphore, #tpu.memory_space<semaphore_mem>>) src(%dma_wait3A_143 : memref<10240x16xf32, #tpu.memory_space<hbm>>) dst(%arg19 : memref<128x16xf32, #tpu.memory_space<vmem>>)
          %add3A_144 = arith.constant 3 : i32
          %add3A_145 = arith.addi %add3A_88, %add3A_144 : i32
          %dma_start3A_146 = arith.constant 0 : i32
          %dma_start3A_147 = tpu.memref_slice %arg15[%add3A_145, %dma_start3A_146] : memref<80x128xi32, #tpu.memory_space<vmem>> -> memref<1x128xi32, #tpu.memory_space<vmem>>
          %dma_start3A_148 = tpu.memref_squeeze %dma_start3A_147 : memref<1x128xi32, #tpu.memory_space<vmem>> -> memref<128xi32, #tpu.memory_space<vmem>>
          %dma_start3A_149 = arith.constant 0 : i32
          %dma_start3A_150 = arith.constant 0 : i32
          %dma_start3A_151 = tpu.memref_slice %arg13[%dma_start3A_149, %dma_start3A_150] : memref<10240x16xf32, #tpu.memory_space<vmem_shared>> -> memref<10240x16xf32, #tpu.memory_space<vmem_shared>>
          tpu.enqueue_indirect_dma source(%arg19 : memref<128x16xf32, #tpu.memory_space<vmem>>) target(%dma_start3A_151 : memref<10240x16xf32, #tpu.memory_space<vmem_shared>>) offsets(%dma_start3A_148 : memref<128xi32, #tpu.memory_space<vmem>>) semaphore(%arg33 : memref<!tpu.dma_semaphore, #tpu.memory_space<semaphore_mem>>) {add = true}
          %add3A_152 = arith.constant 0 : i32
          %add3A_153 = arith.addi %add3A_88, %add3A_152 : i32
          %dma_wait3A_154 = arith.constant 0 : i32
          %dma_wait3A_155 = tpu.memref_slice %arg15[%add3A_153, %dma_wait3A_154] : memref<80x128xi32, #tpu.memory_space<vmem>> -> memref<1x128xi32, #tpu.memory_space<vmem>>
          %dma_wait3A_156 = tpu.memref_squeeze %dma_wait3A_155 : memref<1x128xi32, #tpu.memory_space<vmem>> -> memref<128xi32, #tpu.memory_space<vmem>>
          %dma_wait3A_157 = arith.constant 0 : i32
          %dma_wait3A_158 = arith.constant 0 : i32
          %dma_wait3A_159 = tpu.memref_slice %arg13[%dma_wait3A_157, %dma_wait3A_158] : memref<10240x16xf32, #tpu.memory_space<vmem_shared>> -> memref<10240x16xf32, #tpu.memory_space<vmem_shared>>
          tpu.wait_indirect_dma semaphore(%arg30 : memref<!tpu.dma_semaphore, #tpu.memory_space<semaphore_mem>>) src(%arg16 : memref<128x16xf32, #tpu.memory_space<vmem>>) dst(%dma_wait3A_159 : memref<10240x16xf32, #tpu.memory_space<vmem_shared>>)
          %add3A_160 = arith.constant 0 : i32
          %add3A_161 = arith.addi %add3A_88, %add3A_160 : i32
          %add3A_162 = arith.constant 4 : i32
          %add3A_163 = arith.addi %add3A_161, %add3A_162 : i32
          %lt3A = arith.constant 80 : i32
          %lt3A_164 = arith.cmpi slt, %add3A_163, %lt3A : i32
          %convert_element_type3A_165 = arith.extui %lt3A_164 : i1 to i32
          %cond3A_166 = arith.constant 0 : i32
          %cond3A_167 = arith.cmpi ne, %convert_element_type3A_165, %cond3A_166 : i32
          scf.if %cond3A_167 {
            %add3A_219 = arith.constant 0 : i32
            %add3A_220 = arith.addi %add3A_88, %add3A_219 : i32
            %add3A_221 = arith.constant 4 : i32
            %add3A_222 = arith.addi %add3A_220, %add3A_221 : i32
            %dma_start3A_223 = arith.constant 0 : i32
            %dma_start3A_224 = tpu.memref_slice %arg14[%add3A_222, %dma_start3A_223] : memref<80x128xi32, #tpu.memory_space<vmem>> -> memref<1x128xi32, #tpu.memory_space<vmem>>
            %dma_start3A_225 = tpu.memref_squeeze %dma_start3A_224 : memref<1x128xi32, #tpu.memory_space<vmem>> -> memref<128xi32, #tpu.memory_space<vmem>>
            %dma_start3A_226 = arith.constant 0 : i32
            %dma_start3A_227 = arith.constant 0 : i32
            %dma_start3A_228 = tpu.memref_slice %arg9[%dma_start3A_226, %dma_start3A_227] : memref<10240x16xf32, #tpu.memory_space<hbm>> -> memref<10240x16xf32, #tpu.memory_space<hbm>>
            tpu.enqueue_indirect_dma source(%dma_start3A_228 : memref<10240x16xf32, #tpu.memory_space<hbm>>) target(%arg16 : memref<128x16xf32, #tpu.memory_space<vmem>>) offsets(%dma_start3A_225 : memref<128xi32, #tpu.memory_space<vmem>>) semaphore(%arg26 : memref<!tpu.dma_semaphore, #tpu.memory_space<semaphore_mem>>)
          } else {
          }
          %add3A_168 = arith.constant 1 : i32
          %add3A_169 = arith.addi %add3A_88, %add3A_168 : i32
          %dma_wait3A_170 = arith.constant 0 : i32
          %dma_wait3A_171 = tpu.memref_slice %arg15[%add3A_169, %dma_wait3A_170] : memref<80x128xi32, #tpu.memory_space<vmem>> -> memref<1x128xi32, #tpu.memory_space<vmem>>
          %dma_wait3A_172 = tpu.memref_squeeze %dma_wait3A_171 : memref<1x128xi32, #tpu.memory_space<vmem>> -> memref<128xi32, #tpu.memory_space<vmem>>
          %dma_wait3A_173 = arith.constant 0 : i32
          %dma_wait3A_174 = arith.constant 0 : i32
          %dma_wait3A_175 = tpu.memref_slice %arg13[%dma_wait3A_173, %dma_wait3A_174] : memref<10240x16xf32, #tpu.memory_space<vmem_shared>> -> memref<10240x16xf32, #tpu.memory_space<vmem_shared>>
          tpu.wait_indirect_dma semaphore(%arg31 : memref<!tpu.dma_semaphore, #tpu.memory_space<semaphore_mem>>) src(%arg17 : memref<128x16xf32, #tpu.memory_space<vmem>>) dst(%dma_wait3A_175 : memref<10240x16xf32, #tpu.memory_space<vmem_shared>>)
          %add3A_176 = arith.constant 1 : i32
          %add3A_177 = arith.addi %add3A_88, %add3A_176 : i32
          %add3A_178 = arith.constant 4 : i32
          %add3A_179 = arith.addi %add3A_177, %add3A_178 : i32
          %lt3A_180 = arith.constant 80 : i32
          %lt3A_181 = arith.cmpi slt, %add3A_179, %lt3A_180 : i32
          %convert_element_type3A_182 = arith.extui %lt3A_181 : i1 to i32
          %cond3A_183 = arith.constant 0 : i32
          %cond3A_184 = arith.cmpi ne, %convert_element_type3A_182, %cond3A_183 : i32
          scf.if %cond3A_184 {
            %add3A_219 = arith.constant 1 : i32
            %add3A_220 = arith.addi %add3A_88, %add3A_219 : i32
            %add3A_221 = arith.constant 4 : i32
            %add3A_222 = arith.addi %add3A_220, %add3A_221 : i32
            %dma_start3A_223 = arith.constant 0 : i32
            %dma_start3A_224 = tpu.memref_slice %arg14[%add3A_222, %dma_start3A_223] : memref<80x128xi32, #tpu.memory_space<vmem>> -> memref<1x128xi32, #tpu.memory_space<vmem>>
            %dma_start3A_225 = tpu.memref_squeeze %dma_start3A_224 : memref<1x128xi32, #tpu.memory_space<vmem>> -> memref<128xi32, #tpu.memory_space<vmem>>
            %dma_start3A_226 = arith.constant 0 : i32
            %dma_start3A_227 = arith.constant 0 : i32
            %dma_start3A_228 = tpu.memref_slice %arg9[%dma_start3A_226, %dma_start3A_227] : memref<10240x16xf32, #tpu.memory_space<hbm>> -> memref<10240x16xf32, #tpu.memory_space<hbm>>
            tpu.enqueue_indirect_dma source(%dma_start3A_228 : memref<10240x16xf32, #tpu.memory_space<hbm>>) target(%arg17 : memref<128x16xf32, #tpu.memory_space<vmem>>) offsets(%dma_start3A_225 : memref<128xi32, #tpu.memory_space<vmem>>) semaphore(%arg27 : memref<!tpu.dma_semaphore, #tpu.memory_space<semaphore_mem>>)
          } else {
          }
          %add3A_185 = arith.constant 2 : i32
          %add3A_186 = arith.addi %add3A_88, %add3A_185 : i32
          %dma_wait3A_187 = arith.constant 0 : i32
          %dma_wait3A_188 = tpu.memref_slice %arg15[%add3A_186, %dma_wait3A_187] : memref<80x128xi32, #tpu.memory_space<vmem>> -> memref<1x128xi32, #tpu.memory_space<vmem>>
          %dma_wait3A_189 = tpu.memref_squeeze %dma_wait3A_188 : memref<1x128xi32, #tpu.memory_space<vmem>> -> memref<128xi32, #tpu.memory_space<vmem>>
          %dma_wait3A_190 = arith.constant 0 : i32
          %dma_wait3A_191 = arith.constant 0 : i32
          %dma_wait3A_192 = tpu.memref_slice %arg13[%dma_wait3A_190, %dma_wait3A_191] : memref<10240x16xf32, #tpu.memory_space<vmem_shared>> -> memref<10240x16xf32, #tpu.memory_space<vmem_shared>>
          tpu.wait_indirect_dma semaphore(%arg32 : memref<!tpu.dma_semaphore, #tpu.memory_space<semaphore_mem>>) src(%arg18 : memref<128x16xf32, #tpu.memory_space<vmem>>) dst(%dma_wait3A_192 : memref<10240x16xf32, #tpu.memory_space<vmem_shared>>)
          %add3A_193 = arith.constant 2 : i32
          %add3A_194 = arith.addi %add3A_88, %add3A_193 : i32
          %add3A_195 = arith.constant 4 : i32
          %add3A_196 = arith.addi %add3A_194, %add3A_195 : i32
          %lt3A_197 = arith.constant 80 : i32
          %lt3A_198 = arith.cmpi slt, %add3A_196, %lt3A_197 : i32
          %convert_element_type3A_199 = arith.extui %lt3A_198 : i1 to i32
          %cond3A_200 = arith.constant 0 : i32
          %cond3A_201 = arith.cmpi ne, %convert_element_type3A_199, %cond3A_200 : i32
          scf.if %cond3A_201 {
            %add3A_219 = arith.constant 2 : i32
            %add3A_220 = arith.addi %add3A_88, %add3A_219 : i32
            %add3A_221 = arith.constant 4 : i32
            %add3A_222 = arith.addi %add3A_220, %add3A_221 : i32
            %dma_start3A_223 = arith.constant 0 : i32
            %dma_start3A_224 = tpu.memref_slice %arg14[%add3A_222, %dma_start3A_223] : memref<80x128xi32, #tpu.memory_space<vmem>> -> memref<1x128xi32, #tpu.memory_space<vmem>>
            %dma_start3A_225 = tpu.memref_squeeze %dma_start3A_224 : memref<1x128xi32, #tpu.memory_space<vmem>> -> memref<128xi32, #tpu.memory_space<vmem>>
            %dma_start3A_226 = arith.constant 0 : i32
            %dma_start3A_227 = arith.constant 0 : i32
            %dma_start3A_228 = tpu.memref_slice %arg9[%dma_start3A_226, %dma_start3A_227] : memref<10240x16xf32, #tpu.memory_space<hbm>> -> memref<10240x16xf32, #tpu.memory_space<hbm>>
            tpu.enqueue_indirect_dma source(%dma_start3A_228 : memref<10240x16xf32, #tpu.memory_space<hbm>>) target(%arg18 : memref<128x16xf32, #tpu.memory_space<vmem>>) offsets(%dma_start3A_225 : memref<128xi32, #tpu.memory_space<vmem>>) semaphore(%arg28 : memref<!tpu.dma_semaphore, #tpu.memory_space<semaphore_mem>>)
          } else {
          }
          %add3A_202 = arith.constant 3 : i32
          %add3A_203 = arith.addi %add3A_88, %add3A_202 : i32
          %dma_wait3A_204 = arith.constant 0 : i32
          %dma_wait3A_205 = tpu.memref_slice %arg15[%add3A_203, %dma_wait3A_204] : memref<80x128xi32, #tpu.memory_space<vmem>> -> memref<1x128xi32, #tpu.memory_space<vmem>>
          %dma_wait3A_206 = tpu.memref_squeeze %dma_wait3A_205 : memref<1x128xi32, #tpu.memory_space<vmem>> -> memref<128xi32, #tpu.memory_space<vmem>>
          %dma_wait3A_207 = arith.constant 0 : i32
          %dma_wait3A_208 = arith.constant 0 : i32
          %dma_wait3A_209 = tpu.memref_slice %arg13[%dma_wait3A_207, %dma_wait3A_208] : memref<10240x16xf32, #tpu.memory_space<vmem_shared>> -> memref<10240x16xf32, #tpu.memory_space<vmem_shared>>
          tpu.wait_indirect_dma semaphore(%arg33 : memref<!tpu.dma_semaphore, #tpu.memory_space<semaphore_mem>>) src(%arg19 : memref<128x16xf32, #tpu.memory_space<vmem>>) dst(%dma_wait3A_209 : memref<10240x16xf32, #tpu.memory_space<vmem_shared>>)
          %add3A_210 = arith.constant 3 : i32
          %add3A_211 = arith.addi %add3A_88, %add3A_210 : i32
          %add3A_212 = arith.constant 4 : i32
          %add3A_213 = arith.addi %add3A_211, %add3A_212 : i32
          %lt3A_214 = arith.constant 80 : i32
          %lt3A_215 = arith.cmpi slt, %add3A_213, %lt3A_214 : i32
          %convert_element_type3A_216 = arith.extui %lt3A_215 : i1 to i32
          %cond3A_217 = arith.constant 0 : i32
          %cond3A_218 = arith.cmpi ne, %convert_element_type3A_216, %cond3A_217 : i32
          scf.if %cond3A_218 {
            %add3A_219 = arith.constant 3 : i32
            %add3A_220 = arith.addi %add3A_88, %add3A_219 : i32
            %add3A_221 = arith.constant 4 : i32
            %add3A_222 = arith.addi %add3A_220, %add3A_221 : i32
            %dma_start3A_223 = arith.constant 0 : i32
            %dma_start3A_224 = tpu.memref_slice %arg14[%add3A_222, %dma_start3A_223] : memref<80x128xi32, #tpu.memory_space<vmem>> -> memref<1x128xi32, #tpu.memory_space<vmem>>
            %dma_start3A_225 = tpu.memref_squeeze %dma_start3A_224 : memref<1x128xi32, #tpu.memory_space<vmem>> -> memref<128xi32, #tpu.memory_space<vmem>>
            %dma_start3A_226 = arith.constant 0 : i32
            %dma_start3A_227 = arith.constant 0 : i32
            %dma_start3A_228 = tpu.memref_slice %arg9[%dma_start3A_226, %dma_start3A_227] : memref<10240x16xf32, #tpu.memory_space<hbm>> -> memref<10240x16xf32, #tpu.memory_space<hbm>>
            tpu.enqueue_indirect_dma source(%dma_start3A_228 : memref<10240x16xf32, #tpu.memory_space<hbm>>) target(%arg19 : memref<128x16xf32, #tpu.memory_space<vmem>>) offsets(%dma_start3A_225 : memref<128xi32, #tpu.memory_space<vmem>>) semaphore(%arg29 : memref<!tpu.dma_semaphore, #tpu.memory_space<semaphore_mem>>)
          } else {
          }
        }
        %scan3A_83 = arith.constant 20 : i32
      } else {
      }
      %eq3A_35 = arith.constant 1 : i32
      %eq3A_36 = arith.cmpi eq, %arg0, %eq3A_35 : i32
      %convert_element_type3A_37 = arith.extui %eq3A_36 : i1 to i32
      %cond3A_38 = arith.constant 0 : i32
      %cond3A_39 = arith.cmpi ne, %convert_element_type3A_37, %cond3A_38 : i32
      scf.if %cond3A_39 {
        %dma_start3A = arith.constant 0 : i32
        %dma_start3A_52 = arith.constant 0 : i32
        %dma_start3A_53 = tpu.memref_slice %arg14[%dma_start3A, %dma_start3A_52] : memref<80x128xi32, #tpu.memory_space<vmem>> -> memref<1x128xi32, #tpu.memory_space<vmem>>
        %dma_start3A_54 = tpu.memref_squeeze %dma_start3A_53 : memref<1x128xi32, #tpu.memory_space<vmem>> -> memref<128xi32, #tpu.memory_space<vmem>>
        %dma_start3A_55 = arith.constant 0 : i32
        %dma_start3A_56 = arith.constant 0 : i32
        %dma_start3A_57 = tpu.memref_slice %arg10[%dma_start3A_55, %dma_start3A_56] : memref<10240x16xf32, #tpu.memory_space<hbm>> -> memref<10240x16xf32, #tpu.memory_space<hbm>>
        tpu.enqueue_indirect_dma source(%dma_start3A_57 : memref<10240x16xf32, #tpu.memory_space<hbm>>) target(%arg16 : memref<128x16xf32, #tpu.memory_space<vmem>>) offsets(%dma_start3A_54 : memref<128xi32, #tpu.memory_space<vmem>>) semaphore(%arg26 : memref<!tpu.dma_semaphore, #tpu.memory_space<semaphore_mem>>)
        %dma_start3A_58 = arith.constant 1 : i32
        %dma_start3A_59 = arith.constant 0 : i32
        %dma_start3A_60 = tpu.memref_slice %arg14[%dma_start3A_58, %dma_start3A_59] : memref<80x128xi32, #tpu.memory_space<vmem>> -> memref<1x128xi32, #tpu.memory_space<vmem>>
        %dma_start3A_61 = tpu.memref_squeeze %dma_start3A_60 : memref<1x128xi32, #tpu.memory_space<vmem>> -> memref<128xi32, #tpu.memory_space<vmem>>
        %dma_start3A_62 = arith.constant 0 : i32
        %dma_start3A_63 = arith.constant 0 : i32
        %dma_start3A_64 = tpu.memref_slice %arg10[%dma_start3A_62, %dma_start3A_63] : memref<10240x16xf32, #tpu.memory_space<hbm>> -> memref<10240x16xf32, #tpu.memory_space<hbm>>
        tpu.enqueue_indirect_dma source(%dma_start3A_64 : memref<10240x16xf32, #tpu.memory_space<hbm>>) target(%arg17 : memref<128x16xf32, #tpu.memory_space<vmem>>) offsets(%dma_start3A_61 : memref<128xi32, #tpu.memory_space<vmem>>) semaphore(%arg27 : memref<!tpu.dma_semaphore, #tpu.memory_space<semaphore_mem>>)
        %dma_start3A_65 = arith.constant 2 : i32
        %dma_start3A_66 = arith.constant 0 : i32
        %dma_start3A_67 = tpu.memref_slice %arg14[%dma_start3A_65, %dma_start3A_66] : memref<80x128xi32, #tpu.memory_space<vmem>> -> memref<1x128xi32, #tpu.memory_space<vmem>>
        %dma_start3A_68 = tpu.memref_squeeze %dma_start3A_67 : memref<1x128xi32, #tpu.memory_space<vmem>> -> memref<128xi32, #tpu.memory_space<vmem>>
        %dma_start3A_69 = arith.constant 0 : i32
        %dma_start3A_70 = arith.constant 0 : i32
        %dma_start3A_71 = tpu.memref_slice %arg10[%dma_start3A_69, %dma_start3A_70] : memref<10240x16xf32, #tpu.memory_space<hbm>> -> memref<10240x16xf32, #tpu.memory_space<hbm>>
        tpu.enqueue_indirect_dma source(%dma_start3A_71 : memref<10240x16xf32, #tpu.memory_space<hbm>>) target(%arg18 : memref<128x16xf32, #tpu.memory_space<vmem>>) offsets(%dma_start3A_68 : memref<128xi32, #tpu.memory_space<vmem>>) semaphore(%arg28 : memref<!tpu.dma_semaphore, #tpu.memory_space<semaphore_mem>>)
        %dma_start3A_72 = arith.constant 3 : i32
        %dma_start3A_73 = arith.constant 0 : i32
        %dma_start3A_74 = tpu.memref_slice %arg14[%dma_start3A_72, %dma_start3A_73] : memref<80x128xi32, #tpu.memory_space<vmem>> -> memref<1x128xi32, #tpu.memory_space<vmem>>
        %dma_start3A_75 = tpu.memref_squeeze %dma_start3A_74 : memref<1x128xi32, #tpu.memory_space<vmem>> -> memref<128xi32, #tpu.memory_space<vmem>>
        %dma_start3A_76 = arith.constant 0 : i32
        %dma_start3A_77 = arith.constant 0 : i32
        %dma_start3A_78 = tpu.memref_slice %arg10[%dma_start3A_76, %dma_start3A_77] : memref<10240x16xf32, #tpu.memory_space<hbm>> -> memref<10240x16xf32, #tpu.memory_space<hbm>>
        tpu.enqueue_indirect_dma source(%dma_start3A_78 : memref<10240x16xf32, #tpu.memory_space<hbm>>) target(%arg19 : memref<128x16xf32, #tpu.memory_space<vmem>>) offsets(%dma_start3A_75 : memref<128xi32, #tpu.memory_space<vmem>>) semaphore(%arg29 : memref<!tpu.dma_semaphore, #tpu.memory_space<semaphore_mem>>)
        %scan3A_79 = arith.constant 0 : i32
        %scan3A_80 = arith.constant 20 : i32
        %scan3A_81 = arith.addi %scan3A_79, %scan3A_80 : i32
        %scan3A_82 = arith.constant 1 : i32
        scf.for %scan3A_84 = %scan3A_79 to %scan3A_81 step %scan3A_82  : i32 {
          %mul3A_85 = arith.constant 4 : i32
          %mul3A_86 = arith.muli %scan3A_84, %mul3A_85 : i32
          %add3A_87 = arith.constant 0 : i32
          %add3A_88 = arith.addi %add3A_87, %mul3A_86 : i32
          %add3A_89 = arith.constant 0 : i32
          %add3A_90 = arith.addi %add3A_88, %add3A_89 : i32
          %dma_wait3A = arith.constant 0 : i32
          %dma_wait3A_91 = tpu.memref_slice %arg14[%add3A_90, %dma_wait3A] : memref<80x128xi32, #tpu.memory_space<vmem>> -> memref<1x128xi32, #tpu.memory_space<vmem>>
          %dma_wait3A_92 = tpu.memref_squeeze %dma_wait3A_91 : memref<1x128xi32, #tpu.memory_space<vmem>> -> memref<128xi32, #tpu.memory_space<vmem>>
          %dma_wait3A_93 = arith.constant 0 : i32
          %dma_wait3A_94 = arith.constant 0 : i32
          %dma_wait3A_95 = tpu.memref_slice %arg10[%dma_wait3A_93, %dma_wait3A_94] : memref<10240x16xf32, #tpu.memory_space<hbm>> -> memref<10240x16xf32, #tpu.memory_space<hbm>>
          tpu.wait_indirect_dma semaphore(%arg26 : memref<!tpu.dma_semaphore, #tpu.memory_space<semaphore_mem>>) src(%dma_wait3A_95 : memref<10240x16xf32, #tpu.memory_space<hbm>>) dst(%arg16 : memref<128x16xf32, #tpu.memory_space<vmem>>)
          %add3A_96 = arith.constant 0 : i32
          %add3A_97 = arith.addi %add3A_88, %add3A_96 : i32
          %dma_start3A_98 = arith.constant 0 : i32
          %dma_start3A_99 = tpu.memref_slice %arg15[%add3A_97, %dma_start3A_98] : memref<80x128xi32, #tpu.memory_space<vmem>> -> memref<1x128xi32, #tpu.memory_space<vmem>>
          %dma_start3A_100 = tpu.memref_squeeze %dma_start3A_99 : memref<1x128xi32, #tpu.memory_space<vmem>> -> memref<128xi32, #tpu.memory_space<vmem>>
          %dma_start3A_101 = arith.constant 0 : i32
          %dma_start3A_102 = arith.constant 0 : i32
          %dma_start3A_103 = tpu.memref_slice %arg13[%dma_start3A_101, %dma_start3A_102] : memref<10240x16xf32, #tpu.memory_space<vmem_shared>> -> memref<10240x16xf32, #tpu.memory_space<vmem_shared>>
          tpu.enqueue_indirect_dma source(%arg16 : memref<128x16xf32, #tpu.memory_space<vmem>>) target(%dma_start3A_103 : memref<10240x16xf32, #tpu.memory_space<vmem_shared>>) offsets(%dma_start3A_100 : memref<128xi32, #tpu.memory_space<vmem>>) semaphore(%arg30 : memref<!tpu.dma_semaphore, #tpu.memory_space<semaphore_mem>>) {add = true}
          %add3A_104 = arith.constant 1 : i32
          %add3A_105 = arith.addi %add3A_88, %add3A_104 : i32
          %dma_wait3A_106 = arith.constant 0 : i32
          %dma_wait3A_107 = tpu.memref_slice %arg14[%add3A_105, %dma_wait3A_106] : memref<80x128xi32, #tpu.memory_space<vmem>> -> memref<1x128xi32, #tpu.memory_space<vmem>>
          %dma_wait3A_108 = tpu.memref_squeeze %dma_wait3A_107 : memref<1x128xi32, #tpu.memory_space<vmem>> -> memref<128xi32, #tpu.memory_space<vmem>>
          %dma_wait3A_109 = arith.constant 0 : i32
          %dma_wait3A_110 = arith.constant 0 : i32
          %dma_wait3A_111 = tpu.memref_slice %arg10[%dma_wait3A_109, %dma_wait3A_110] : memref<10240x16xf32, #tpu.memory_space<hbm>> -> memref<10240x16xf32, #tpu.memory_space<hbm>>
          tpu.wait_indirect_dma semaphore(%arg27 : memref<!tpu.dma_semaphore, #tpu.memory_space<semaphore_mem>>) src(%dma_wait3A_111 : memref<10240x16xf32, #tpu.memory_space<hbm>>) dst(%arg17 : memref<128x16xf32, #tpu.memory_space<vmem>>)
          %add3A_112 = arith.constant 1 : i32
          %add3A_113 = arith.addi %add3A_88, %add3A_112 : i32
          %dma_start3A_114 = arith.constant 0 : i32
          %dma_start3A_115 = tpu.memref_slice %arg15[%add3A_113, %dma_start3A_114] : memref<80x128xi32, #tpu.memory_space<vmem>> -> memref<1x128xi32, #tpu.memory_space<vmem>>
          %dma_start3A_116 = tpu.memref_squeeze %dma_start3A_115 : memref<1x128xi32, #tpu.memory_space<vmem>> -> memref<128xi32, #tpu.memory_space<vmem>>
          %dma_start3A_117 = arith.constant 0 : i32
          %dma_start3A_118 = arith.constant 0 : i32
          %dma_start3A_119 = tpu.memref_slice %arg13[%dma_start3A_117, %dma_start3A_118] : memref<10240x16xf32, #tpu.memory_space<vmem_shared>> -> memref<10240x16xf32, #tpu.memory_space<vmem_shared>>
          tpu.enqueue_indirect_dma source(%arg17 : memref<128x16xf32, #tpu.memory_space<vmem>>) target(%dma_start3A_119 : memref<10240x16xf32, #tpu.memory_space<vmem_shared>>) offsets(%dma_start3A_116 : memref<128xi32, #tpu.memory_space<vmem>>) semaphore(%arg31 : memref<!tpu.dma_semaphore, #tpu.memory_space<semaphore_mem>>) {add = true}
          %add3A_120 = arith.constant 2 : i32
          %add3A_121 = arith.addi %add3A_88, %add3A_120 : i32
          %dma_wait3A_122 = arith.constant 0 : i32
          %dma_wait3A_123 = tpu.memref_slice %arg14[%add3A_121, %dma_wait3A_122] : memref<80x128xi32, #tpu.memory_space<vmem>> -> memref<1x128xi32, #tpu.memory_space<vmem>>
          %dma_wait3A_124 = tpu.memref_squeeze %dma_wait3A_123 : memref<1x128xi32, #tpu.memory_space<vmem>> -> memref<128xi32, #tpu.memory_space<vmem>>
          %dma_wait3A_125 = arith.constant 0 : i32
          %dma_wait3A_126 = arith.constant 0 : i32
          %dma_wait3A_127 = tpu.memref_slice %arg10[%dma_wait3A_125, %dma_wait3A_126] : memref<10240x16xf32, #tpu.memory_space<hbm>> -> memref<10240x16xf32, #tpu.memory_space<hbm>>
          tpu.wait_indirect_dma semaphore(%arg28 : memref<!tpu.dma_semaphore, #tpu.memory_space<semaphore_mem>>) src(%dma_wait3A_127 : memref<10240x16xf32, #tpu.memory_space<hbm>>) dst(%arg18 : memref<128x16xf32, #tpu.memory_space<vmem>>)
          %add3A_128 = arith.constant 2 : i32
          %add3A_129 = arith.addi %add3A_88, %add3A_128 : i32
          %dma_start3A_130 = arith.constant 0 : i32
          %dma_start3A_131 = tpu.memref_slice %arg15[%add3A_129, %dma_start3A_130] : memref<80x128xi32, #tpu.memory_space<vmem>> -> memref<1x128xi32, #tpu.memory_space<vmem>>
          %dma_start3A_132 = tpu.memref_squeeze %dma_start3A_131 : memref<1x128xi32, #tpu.memory_space<vmem>> -> memref<128xi32, #tpu.memory_space<vmem>>
          %dma_start3A_133 = arith.constant 0 : i32
          %dma_start3A_134 = arith.constant 0 : i32
          %dma_start3A_135 = tpu.memref_slice %arg13[%dma_start3A_133, %dma_start3A_134] : memref<10240x16xf32, #tpu.memory_space<vmem_shared>> -> memref<10240x16xf32, #tpu.memory_space<vmem_shared>>
          tpu.enqueue_indirect_dma source(%arg18 : memref<128x16xf32, #tpu.memory_space<vmem>>) target(%dma_start3A_135 : memref<10240x16xf32, #tpu.memory_space<vmem_shared>>) offsets(%dma_start3A_132 : memref<128xi32, #tpu.memory_space<vmem>>) semaphore(%arg32 : memref<!tpu.dma_semaphore, #tpu.memory_space<semaphore_mem>>) {add = true}
          %add3A_136 = arith.constant 3 : i32
          %add3A_137 = arith.addi %add3A_88, %add3A_136 : i32
          %dma_wait3A_138 = arith.constant 0 : i32
          %dma_wait3A_139 = tpu.memref_slice %arg14[%add3A_137, %dma_wait3A_138] : memref<80x128xi32, #tpu.memory_space<vmem>> -> memref<1x128xi32, #tpu.memory_space<vmem>>
          %dma_wait3A_140 = tpu.memref_squeeze %dma_wait3A_139 : memref<1x128xi32, #tpu.memory_space<vmem>> -> memref<128xi32, #tpu.memory_space<vmem>>
          %dma_wait3A_141 = arith.constant 0 : i32
          %dma_wait3A_142 = arith.constant 0 : i32
          %dma_wait3A_143 = tpu.memref_slice %arg10[%dma_wait3A_141, %dma_wait3A_142] : memref<10240x16xf32, #tpu.memory_space<hbm>> -> memref<10240x16xf32, #tpu.memory_space<hbm>>
          tpu.wait_indirect_dma semaphore(%arg29 : memref<!tpu.dma_semaphore, #tpu.memory_space<semaphore_mem>>) src(%dma_wait3A_143 : memref<10240x16xf32, #tpu.memory_space<hbm>>) dst(%arg19 : memref<128x16xf32, #tpu.memory_space<vmem>>)
          %add3A_144 = arith.constant 3 : i32
          %add3A_145 = arith.addi %add3A_88, %add3A_144 : i32
          %dma_start3A_146 = arith.constant 0 : i32
          %dma_start3A_147 = tpu.memref_slice %arg15[%add3A_145, %dma_start3A_146] : memref<80x128xi32, #tpu.memory_space<vmem>> -> memref<1x128xi32, #tpu.memory_space<vmem>>
          %dma_start3A_148 = tpu.memref_squeeze %dma_start3A_147 : memref<1x128xi32, #tpu.memory_space<vmem>> -> memref<128xi32, #tpu.memory_space<vmem>>
          %dma_start3A_149 = arith.constant 0 : i32
          %dma_start3A_150 = arith.constant 0 : i32
          %dma_start3A_151 = tpu.memref_slice %arg13[%dma_start3A_149, %dma_start3A_150] : memref<10240x16xf32, #tpu.memory_space<vmem_shared>> -> memref<10240x16xf32, #tpu.memory_space<vmem_shared>>
          tpu.enqueue_indirect_dma source(%arg19 : memref<128x16xf32, #tpu.memory_space<vmem>>) target(%dma_start3A_151 : memref<10240x16xf32, #tpu.memory_space<vmem_shared>>) offsets(%dma_start3A_148 : memref<128xi32, #tpu.memory_space<vmem>>) semaphore(%arg33 : memref<!tpu.dma_semaphore, #tpu.memory_space<semaphore_mem>>) {add = true}
          %add3A_152 = arith.constant 0 : i32
          %add3A_153 = arith.addi %add3A_88, %add3A_152 : i32
          %dma_wait3A_154 = arith.constant 0 : i32
          %dma_wait3A_155 = tpu.memref_slice %arg15[%add3A_153, %dma_wait3A_154] : memref<80x128xi32, #tpu.memory_space<vmem>> -> memref<1x128xi32, #tpu.memory_space<vmem>>
          %dma_wait3A_156 = tpu.memref_squeeze %dma_wait3A_155 : memref<1x128xi32, #tpu.memory_space<vmem>> -> memref<128xi32, #tpu.memory_space<vmem>>
          %dma_wait3A_157 = arith.constant 0 : i32
          %dma_wait3A_158 = arith.constant 0 : i32
          %dma_wait3A_159 = tpu.memref_slice %arg13[%dma_wait3A_157, %dma_wait3A_158] : memref<10240x16xf32, #tpu.memory_space<vmem_shared>> -> memref<10240x16xf32, #tpu.memory_space<vmem_shared>>
          tpu.wait_indirect_dma semaphore(%arg30 : memref<!tpu.dma_semaphore, #tpu.memory_space<semaphore_mem>>) src(%arg16 : memref<128x16xf32, #tpu.memory_space<vmem>>) dst(%dma_wait3A_159 : memref<10240x16xf32, #tpu.memory_space<vmem_shared>>)
          %add3A_160 = arith.constant 0 : i32
          %add3A_161 = arith.addi %add3A_88, %add3A_160 : i32
          %add3A_162 = arith.constant 4 : i32
          %add3A_163 = arith.addi %add3A_161, %add3A_162 : i32
          %lt3A = arith.constant 80 : i32
          %lt3A_164 = arith.cmpi slt, %add3A_163, %lt3A : i32
          %convert_element_type3A_165 = arith.extui %lt3A_164 : i1 to i32
          %cond3A_166 = arith.constant 0 : i32
          %cond3A_167 = arith.cmpi ne, %convert_element_type3A_165, %cond3A_166 : i32
          scf.if %cond3A_167 {
            %add3A_219 = arith.constant 0 : i32
            %add3A_220 = arith.addi %add3A_88, %add3A_219 : i32
            %add3A_221 = arith.constant 4 : i32
            %add3A_222 = arith.addi %add3A_220, %add3A_221 : i32
            %dma_start3A_223 = arith.constant 0 : i32
            %dma_start3A_224 = tpu.memref_slice %arg14[%add3A_222, %dma_start3A_223] : memref<80x128xi32, #tpu.memory_space<vmem>> -> memref<1x128xi32, #tpu.memory_space<vmem>>
            %dma_start3A_225 = tpu.memref_squeeze %dma_start3A_224 : memref<1x128xi32, #tpu.memory_space<vmem>> -> memref<128xi32, #tpu.memory_space<vmem>>
            %dma_start3A_226 = arith.constant 0 : i32
            %dma_start3A_227 = arith.constant 0 : i32
            %dma_start3A_228 = tpu.memref_slice %arg10[%dma_start3A_226, %dma_start3A_227] : memref<10240x16xf32, #tpu.memory_space<hbm>> -> memref<10240x16xf32, #tpu.memory_space<hbm>>
            tpu.enqueue_indirect_dma source(%dma_start3A_228 : memref<10240x16xf32, #tpu.memory_space<hbm>>) target(%arg16 : memref<128x16xf32, #tpu.memory_space<vmem>>) offsets(%dma_start3A_225 : memref<128xi32, #tpu.memory_space<vmem>>) semaphore(%arg26 : memref<!tpu.dma_semaphore, #tpu.memory_space<semaphore_mem>>)
          } else {
          }
          %add3A_168 = arith.constant 1 : i32
          %add3A_169 = arith.addi %add3A_88, %add3A_168 : i32
          %dma_wait3A_170 = arith.constant 0 : i32
          %dma_wait3A_171 = tpu.memref_slice %arg15[%add3A_169, %dma_wait3A_170] : memref<80x128xi32, #tpu.memory_space<vmem>> -> memref<1x128xi32, #tpu.memory_space<vmem>>
          %dma_wait3A_172 = tpu.memref_squeeze %dma_wait3A_171 : memref<1x128xi32, #tpu.memory_space<vmem>> -> memref<128xi32, #tpu.memory_space<vmem>>
          %dma_wait3A_173 = arith.constant 0 : i32
          %dma_wait3A_174 = arith.constant 0 : i32
          %dma_wait3A_175 = tpu.memref_slice %arg13[%dma_wait3A_173, %dma_wait3A_174] : memref<10240x16xf32, #tpu.memory_space<vmem_shared>> -> memref<10240x16xf32, #tpu.memory_space<vmem_shared>>
          tpu.wait_indirect_dma semaphore(%arg31 : memref<!tpu.dma_semaphore, #tpu.memory_space<semaphore_mem>>) src(%arg17 : memref<128x16xf32, #tpu.memory_space<vmem>>) dst(%dma_wait3A_175 : memref<10240x16xf32, #tpu.memory_space<vmem_shared>>)
          %add3A_176 = arith.constant 1 : i32
          %add3A_177 = arith.addi %add3A_88, %add3A_176 : i32
          %add3A_178 = arith.constant 4 : i32
          %add3A_179 = arith.addi %add3A_177, %add3A_178 : i32
          %lt3A_180 = arith.constant 80 : i32
          %lt3A_181 = arith.cmpi slt, %add3A_179, %lt3A_180 : i32
          %convert_element_type3A_182 = arith.extui %lt3A_181 : i1 to i32
          %cond3A_183 = arith.constant 0 : i32
          %cond3A_184 = arith.cmpi ne, %convert_element_type3A_182, %cond3A_183 : i32
          scf.if %cond3A_184 {
            %add3A_219 = arith.constant 1 : i32
            %add3A_220 = arith.addi %add3A_88, %add3A_219 : i32
            %add3A_221 = arith.constant 4 : i32
            %add3A_222 = arith.addi %add3A_220, %add3A_221 : i32
            %dma_start3A_223 = arith.constant 0 : i32
            %dma_start3A_224 = tpu.memref_slice %arg14[%add3A_222, %dma_start3A_223] : memref<80x128xi32, #tpu.memory_space<vmem>> -> memref<1x128xi32, #tpu.memory_space<vmem>>
            %dma_start3A_225 = tpu.memref_squeeze %dma_start3A_224 : memref<1x128xi32, #tpu.memory_space<vmem>> -> memref<128xi32, #tpu.memory_space<vmem>>
            %dma_start3A_226 = arith.constant 0 : i32
            %dma_start3A_227 = arith.constant 0 : i32
            %dma_start3A_228 = tpu.memref_slice %arg10[%dma_start3A_226, %dma_start3A_227] : memref<10240x16xf32, #tpu.memory_space<hbm>> -> memref<10240x16xf32, #tpu.memory_space<hbm>>
            tpu.enqueue_indirect_dma source(%dma_start3A_228 : memref<10240x16xf32, #tpu.memory_space<hbm>>) target(%arg17 : memref<128x16xf32, #tpu.memory_space<vmem>>) offsets(%dma_start3A_225 : memref<128xi32, #tpu.memory_space<vmem>>) semaphore(%arg27 : memref<!tpu.dma_semaphore, #tpu.memory_space<semaphore_mem>>)
          } else {
          }
          %add3A_185 = arith.constant 2 : i32
          %add3A_186 = arith.addi %add3A_88, %add3A_185 : i32
          %dma_wait3A_187 = arith.constant 0 : i32
          %dma_wait3A_188 = tpu.memref_slice %arg15[%add3A_186, %dma_wait3A_187] : memref<80x128xi32, #tpu.memory_space<vmem>> -> memref<1x128xi32, #tpu.memory_space<vmem>>
          %dma_wait3A_189 = tpu.memref_squeeze %dma_wait3A_188 : memref<1x128xi32, #tpu.memory_space<vmem>> -> memref<128xi32, #tpu.memory_space<vmem>>
          %dma_wait3A_190 = arith.constant 0 : i32
          %dma_wait3A_191 = arith.constant 0 : i32
          %dma_wait3A_192 = tpu.memref_slice %arg13[%dma_wait3A_190, %dma_wait3A_191] : memref<10240x16xf32, #tpu.memory_space<vmem_shared>> -> memref<10240x16xf32, #tpu.memory_space<vmem_shared>>
          tpu.wait_indirect_dma semaphore(%arg32 : memref<!tpu.dma_semaphore, #tpu.memory_space<semaphore_mem>>) src(%arg18 : memref<128x16xf32, #tpu.memory_space<vmem>>) dst(%dma_wait3A_192 : memref<10240x16xf32, #tpu.memory_space<vmem_shared>>)
          %add3A_193 = arith.constant 2 : i32
          %add3A_194 = arith.addi %add3A_88, %add3A_193 : i32
          %add3A_195 = arith.constant 4 : i32
          %add3A_196 = arith.addi %add3A_194, %add3A_195 : i32
          %lt3A_197 = arith.constant 80 : i32
          %lt3A_198 = arith.cmpi slt, %add3A_196, %lt3A_197 : i32
          %convert_element_type3A_199 = arith.extui %lt3A_198 : i1 to i32
          %cond3A_200 = arith.constant 0 : i32
          %cond3A_201 = arith.cmpi ne, %convert_element_type3A_199, %cond3A_200 : i32
          scf.if %cond3A_201 {
            %add3A_219 = arith.constant 2 : i32
            %add3A_220 = arith.addi %add3A_88, %add3A_219 : i32
            %add3A_221 = arith.constant 4 : i32
            %add3A_222 = arith.addi %add3A_220, %add3A_221 : i32
            %dma_start3A_223 = arith.constant 0 : i32
            %dma_start3A_224 = tpu.memref_slice %arg14[%add3A_222, %dma_start3A_223] : memref<80x128xi32, #tpu.memory_space<vmem>> -> memref<1x128xi32, #tpu.memory_space<vmem>>
            %dma_start3A_225 = tpu.memref_squeeze %dma_start3A_224 : memref<1x128xi32, #tpu.memory_space<vmem>> -> memref<128xi32, #tpu.memory_space<vmem>>
            %dma_start3A_226 = arith.constant 0 : i32
            %dma_start3A_227 = arith.constant 0 : i32
            %dma_start3A_228 = tpu.memref_slice %arg10[%dma_start3A_226, %dma_start3A_227] : memref<10240x16xf32, #tpu.memory_space<hbm>> -> memref<10240x16xf32, #tpu.memory_space<hbm>>
            tpu.enqueue_indirect_dma source(%dma_start3A_228 : memref<10240x16xf32, #tpu.memory_space<hbm>>) target(%arg18 : memref<128x16xf32, #tpu.memory_space<vmem>>) offsets(%dma_start3A_225 : memref<128xi32, #tpu.memory_space<vmem>>) semaphore(%arg28 : memref<!tpu.dma_semaphore, #tpu.memory_space<semaphore_mem>>)
          } else {
          }
          %add3A_202 = arith.constant 3 : i32
          %add3A_203 = arith.addi %add3A_88, %add3A_202 : i32
          %dma_wait3A_204 = arith.constant 0 : i32
          %dma_wait3A_205 = tpu.memref_slice %arg15[%add3A_203, %dma_wait3A_204] : memref<80x128xi32, #tpu.memory_space<vmem>> -> memref<1x128xi32, #tpu.memory_space<vmem>>
          %dma_wait3A_206 = tpu.memref_squeeze %dma_wait3A_205 : memref<1x128xi32, #tpu.memory_space<vmem>> -> memref<128xi32, #tpu.memory_space<vmem>>
          %dma_wait3A_207 = arith.constant 0 : i32
          %dma_wait3A_208 = arith.constant 0 : i32
          %dma_wait3A_209 = tpu.memref_slice %arg13[%dma_wait3A_207, %dma_wait3A_208] : memref<10240x16xf32, #tpu.memory_space<vmem_shared>> -> memref<10240x16xf32, #tpu.memory_space<vmem_shared>>
          tpu.wait_indirect_dma semaphore(%arg33 : memref<!tpu.dma_semaphore, #tpu.memory_space<semaphore_mem>>) src(%arg19 : memref<128x16xf32, #tpu.memory_space<vmem>>) dst(%dma_wait3A_209 : memref<10240x16xf32, #tpu.memory_space<vmem_shared>>)
          %add3A_210 = arith.constant 3 : i32
          %add3A_211 = arith.addi %add3A_88, %add3A_210 : i32
          %add3A_212 = arith.constant 4 : i32
          %add3A_213 = arith.addi %add3A_211, %add3A_212 : i32
          %lt3A_214 = arith.constant 80 : i32
          %lt3A_215 = arith.cmpi slt, %add3A_213, %lt3A_214 : i32
          %convert_element_type3A_216 = arith.extui %lt3A_215 : i1 to i32
          %cond3A_217 = arith.constant 0 : i32
          %cond3A_218 = arith.cmpi ne, %convert_element_type3A_216, %cond3A_217 : i32
          scf.if %cond3A_218 {
            %add3A_219 = arith.constant 3 : i32
            %add3A_220 = arith.addi %add3A_88, %add3A_219 : i32
            %add3A_221 = arith.constant 4 : i32
            %add3A_222 = arith.addi %add3A_220, %add3A_221 : i32
            %dma_start3A_223 = arith.constant 0 : i32
            %dma_start3A_224 = tpu.memref_slice %arg14[%add3A_222, %dma_start3A_223] : memref<80x128xi32, #tpu.memory_space<vmem>> -> memref<1x128xi32, #tpu.memory_space<vmem>>
            %dma_start3A_225 = tpu.memref_squeeze %dma_start3A_224 : memref<1x128xi32, #tpu.memory_space<vmem>> -> memref<128xi32, #tpu.memory_space<vmem>>
            %dma_start3A_226 = arith.constant 0 : i32
            %dma_start3A_227 = arith.constant 0 : i32
            %dma_start3A_228 = tpu.memref_slice %arg10[%dma_start3A_226, %dma_start3A_227] : memref<10240x16xf32, #tpu.memory_space<hbm>> -> memref<10240x16xf32, #tpu.memory_space<hbm>>
            tpu.enqueue_indirect_dma source(%dma_start3A_228 : memref<10240x16xf32, #tpu.memory_space<hbm>>) target(%arg19 : memref<128x16xf32, #tpu.memory_space<vmem>>) offsets(%dma_start3A_225 : memref<128xi32, #tpu.memory_space<vmem>>) semaphore(%arg29 : memref<!tpu.dma_semaphore, #tpu.memory_space<semaphore_mem>>)
          } else {
          }
        }
        %scan3A_83 = arith.constant 20 : i32
      } else {
      }
      %barrier3A_40 = arith.constant 0 : index
      tpu.barrier barrier_id(%barrier3A_40)
      %eq3A_41 = arith.constant 0 : i32
      %eq3A_42 = arith.cmpi eq, %arg0, %eq3A_41 : i32
      %convert_element_type3A_43 = arith.extui %eq3A_42 : i1 to i32
      %cond3A_44 = arith.constant 0 : i32
      %cond3A_45 = arith.cmpi ne, %convert_element_type3A_43, %cond3A_44 : i32
      scf.if %cond3A_45 {
        "tpu.region"() ({
          %run_scoped3A = tpu.sem_alloc : memref<!tpu.dma_semaphore, #tpu.memory_space<semaphore_mem>>
          %dma_start3A = arith.constant 0 : i32
          %dma_start3A_59 = tpu.memref_slice %arg11[%mul3A_0, %dma_start3A] : memref<10240x16xf32, #tpu.memory_space<hbm>> -> memref<640x16xf32, #tpu.memory_space<hbm>>
          %dma_start3A_60 = arith.constant 0 : i32
          %dma_start3A_61 = tpu.memref_slice %arg13[%mul3A_0, %dma_start3A_60] : memref<10240x16xf32, #tpu.memory_space<vmem_shared>> -> memref<640x16xf32, #tpu.memory_space<vmem_shared>>
          tpu.enqueue_dma source(%dma_start3A_61 : memref<640x16xf32, #tpu.memory_space<vmem_shared>>) target(%dma_start3A_59 : memref<640x16xf32, #tpu.memory_space<hbm>>) target_semaphore(%run_scoped3A : memref<!tpu.dma_semaphore, #tpu.memory_space<semaphore_mem>>)
          %dma_wait3A = arith.constant 0 : i32
          %dma_wait3A_62 = tpu.memref_slice %arg11[%mul3A_0, %dma_wait3A] : memref<10240x16xf32, #tpu.memory_space<hbm>> -> memref<640x16xf32, #tpu.memory_space<hbm>>
          %dma_wait3A_63 = arith.constant 0 : i32
          %dma_wait3A_64 = tpu.memref_slice %arg13[%mul3A_0, %dma_wait3A_63] : memref<10240x16xf32, #tpu.memory_space<vmem_shared>> -> memref<640x16xf32, #tpu.memory_space<vmem_shared>>
          tpu.wait_dma2 semaphore(%run_scoped3A : memref<!tpu.dma_semaphore, #tpu.memory_space<semaphore_mem>>) src(%dma_wait3A_64 : memref<640x16xf32, #tpu.memory_space<vmem_shared>>) dst(%dma_wait3A_62 : memref<640x16xf32, #tpu.memory_space<hbm>>)
          tpu.yield
        }) : () -> ()
        %sub3A = arith.constant 1 : i32
        %sub3A_52 = arith.subi %sub3A, %arg0 : i32
        %semaphore_signal3A = arith.constant 1 : i32
        tpu.sem_signal %arg34, %semaphore_signal3A core_id %sub3A_52 : memref<!tpu.semaphore, #tpu.memory_space<semaphore_mem>>
        %semaphore_wait3A = arith.constant 1 : i32
        %semaphore_wait3A_53 = arith.constant true
        tpu.sem_wait %arg34, %semaphore_wait3A : memref<!tpu.semaphore, #tpu.memory_space<semaphore_mem>>
        "tpu.region"() ({
          %run_scoped3A = tpu.sem_alloc : memref<!tpu.dma_semaphore, #tpu.memory_space<semaphore_mem>>
          %dma_start3A = arith.constant 0 : i32
          %dma_start3A_59 = tpu.memref_slice %arg13[%mul3A_0, %dma_start3A] : memref<10240x16xf32, #tpu.memory_space<vmem_shared>> -> memref<640x16xf32, #tpu.memory_space<vmem_shared>>
          %dma_start3A_60 = arith.constant 0 : i32
          %dma_start3A_61 = tpu.memref_slice %arg13[%mul3A_0, %dma_start3A_60] : memref<10240x16xf32, #tpu.memory_space<vmem_shared>> -> memref<640x16xf32, #tpu.memory_space<vmem_shared>>
          tpu.enqueue_dma source(%dma_start3A_61 : memref<640x16xf32, #tpu.memory_space<vmem_shared>>) target(%arg23 : memref<640x16xf32, #tpu.memory_space<vmem>>) target_semaphore(%run_scoped3A : memref<!tpu.dma_semaphore, #tpu.memory_space<semaphore_mem>>)
          %dma_wait3A = arith.constant 0 : i32
          %dma_wait3A_62 = tpu.memref_slice %arg13[%mul3A_0, %dma_wait3A] : memref<10240x16xf32, #tpu.memory_space<vmem_shared>> -> memref<640x16xf32, #tpu.memory_space<vmem_shared>>
          %dma_wait3A_63 = arith.constant 0 : i32
          %dma_wait3A_64 = tpu.memref_slice %arg13[%mul3A_0, %dma_wait3A_63] : memref<10240x16xf32, #tpu.memory_space<vmem_shared>> -> memref<640x16xf32, #tpu.memory_space<vmem_shared>>
          tpu.wait_dma2 semaphore(%run_scoped3A : memref<!tpu.dma_semaphore, #tpu.memory_space<semaphore_mem>>) src(%dma_wait3A_64 : memref<640x16xf32, #tpu.memory_space<vmem_shared>>) dst(%arg23 : memref<640x16xf32, #tpu.memory_space<vmem>>)
          tpu.yield
        }) : () -> ()
        "tpu.region"() ({
          %run_scoped3A = tpu.sem_alloc : memref<!tpu.dma_semaphore, #tpu.memory_space<semaphore_mem>>
          %dma_start3A = arith.constant 0 : i32
          %dma_start3A_59 = tpu.memref_slice %arg12[%mul3A_0, %dma_start3A] : memref<10240x16xf32, #tpu.memory_space<hbm>> -> memref<640x16xf32, #tpu.memory_space<hbm>>
          %dma_start3A_60 = arith.constant 0 : i32
          %dma_start3A_61 = tpu.memref_slice %arg12[%mul3A_0, %dma_start3A_60] : memref<10240x16xf32, #tpu.memory_space<hbm>> -> memref<640x16xf32, #tpu.memory_space<hbm>>
          tpu.enqueue_dma source(%dma_start3A_61 : memref<640x16xf32, #tpu.memory_space<hbm>>) target(%arg24 : memref<640x16xf32, #tpu.memory_space<vmem>>) target_semaphore(%run_scoped3A : memref<!tpu.dma_semaphore, #tpu.memory_space<semaphore_mem>>)
          %dma_wait3A = arith.constant 0 : i32
          %dma_wait3A_62 = tpu.memref_slice %arg12[%mul3A_0, %dma_wait3A] : memref<10240x16xf32, #tpu.memory_space<hbm>> -> memref<640x16xf32, #tpu.memory_space<hbm>>
          %dma_wait3A_63 = arith.constant 0 : i32
          %dma_wait3A_64 = tpu.memref_slice %arg12[%mul3A_0, %dma_wait3A_63] : memref<10240x16xf32, #tpu.memory_space<hbm>> -> memref<640x16xf32, #tpu.memory_space<hbm>>
          tpu.wait_dma2 semaphore(%run_scoped3A : memref<!tpu.dma_semaphore, #tpu.memory_space<semaphore_mem>>) src(%dma_wait3A_64 : memref<640x16xf32, #tpu.memory_space<hbm>>) dst(%arg24 : memref<640x16xf32, #tpu.memory_space<vmem>>)
          tpu.yield
        }) : () -> ()
        %scan3A_54 = arith.constant 0 : i32
        %scan3A_55 = arith.constant 640 : i32
        %scan3A_56 = arith.addi %scan3A_54, %scan3A_55 : i32
        %scan3A_57 = arith.constant 4 : i32
        scf.for %scan3A_59 = %scan3A_54 to %scan3A_56 step %scan3A_57  : i32 {
          %mul3A_60 = arith.constant 1 : i32
          %mul3A_61 = arith.muli %scan3A_59, %mul3A_60 : i32
          %add3A_62 = arith.constant 0 : i32
          %add3A_63 = arith.addi %add3A_62, %mul3A_61 : i32
          %get3A = arith.index_cast %add3A_63 : i32 to index
          %get3A_64 = arith.constant 0 : index
          %get3A_65 = tpu.vector_load %arg22[%get3A, %get3A_64] {strides = array<i32>} : memref<640x16xf32, #tpu.memory_space<vmem>>, vector<1x16xf32>,
          %get3A_66 = vector.shape_cast %get3A_65 : vector<1x16xf32> to vector<16xf32>
          %get3A_67 = arith.index_cast %add3A_63 : i32 to index
          %get3A_68 = arith.constant 0 : index
          %get3A_69 = tpu.vector_load %arg23[%get3A_67, %get3A_68] {strides = array<i32>} : memref<640x16xf32, #tpu.memory_space<vmem>>, vector<1x16xf32>,
          %get3A_70 = vector.shape_cast %get3A_69 : vector<1x16xf32> to vector<16xf32>
          %get3A_71 = arith.index_cast %add3A_63 : i32 to index
          %get3A_72 = arith.constant 0 : index
          %get3A_73 = tpu.vector_load %arg24[%get3A_71, %get3A_72] {strides = array<i32>} : memref<640x16xf32, #tpu.memory_space<vmem>>, vector<1x16xf32>,
          %get3A_74 = vector.shape_cast %get3A_73 : vector<1x16xf32> to vector<16xf32>
          %add3A_75 = arith.addf %get3A_70, %get3A_74 : vector<16xf32>
          %get3A_76 = arith.index_cast %add3A_63 : i32 to index
          %get3A_77 = arith.constant 0 : index
          %get3A_78 = tpu.vector_load %arg20[%get3A_76, %get3A_77] {strides = array<i32>} : memref<640x16xf32, #tpu.memory_space<vmem>>, vector<1x16xf32>,
          %get3A_79 = vector.shape_cast %get3A_78 : vector<1x16xf32> to vector<16xf32>
          %add3A_80 = arith.addf %add3A_75, %get3A_79 : vector<16xf32>
          %mul3A_81 = arith.mulf %get3A_66, %add3A_80 : vector<16xf32>
          %get3A_82 = arith.index_cast %add3A_63 : i32 to index
          %get3A_83 = arith.constant 0 : index
          %get3A_84 = tpu.vector_load %arg21[%get3A_82, %get3A_83] {strides = array<i32>} : memref<640x16xf32, #tpu.memory_space<vmem>>, vector<1x16xf32>,
          %get3A_85 = vector.shape_cast %get3A_84 : vector<1x16xf32> to vector<16xf32>
          %add3A_86 = arith.addf %mul3A_81, %get3A_85 : vector<16xf32>
          %swap3A = arith.index_cast %add3A_63 : i32 to index
          %swap3A_87 = arith.constant 0 : index
          %swap3A_88 = tpu.vector_load %arg20[%swap3A, %swap3A_87] {strides = array<i32>} : memref<640x16xf32, #tpu.memory_space<vmem>>, vector<1x16xf32>,
          %swap3A_89 = vector.shape_cast %swap3A_88 : vector<1x16xf32> to vector<16xf32>
          %swap3A_90 = vector.shape_cast %add3A_86 : vector<16xf32> to vector<1x16xf32>
          tpu.vector_store %arg20[%swap3A, %swap3A_87], %swap3A_90 {strides = array<i32>} : memref<640x16xf32, #tpu.memory_space<vmem>>, vector<1x16xf32>,
          %scan3A_91 = arith.constant 1 : i32
          %scan3A_92 = arith.addi %scan3A_59, %scan3A_91 : i32
          %mul3A_93 = arith.constant 1 : i32
          %mul3A_94 = arith.muli %scan3A_92, %mul3A_93 : i32
          %add3A_95 = arith.constant 0 : i32
          %add3A_96 = arith.addi %add3A_95, %mul3A_94 : i32
          %get3A_97 = arith.index_cast %add3A_96 : i32 to index
          %get3A_98 = arith.constant 0 : index
          %get3A_99 = tpu.vector_load %arg22[%get3A_97, %get3A_98] {strides = array<i32>} : memref<640x16xf32, #tpu.memory_space<vmem>>, vector<1x16xf32>,
          %get3A_100 = vector.shape_cast %get3A_99 : vector<1x16xf32> to vector<16xf32>
          %get3A_101 = arith.index_cast %add3A_96 : i32 to index
          %get3A_102 = arith.constant 0 : index
          %get3A_103 = tpu.vector_load %arg23[%get3A_101, %get3A_102] {strides = array<i32>} : memref<640x16xf32, #tpu.memory_space<vmem>>, vector<1x16xf32>,
          %get3A_104 = vector.shape_cast %get3A_103 : vector<1x16xf32> to vector<16xf32>
          %get3A_105 = arith.index_cast %add3A_96 : i32 to index
          %get3A_106 = arith.constant 0 : index
          %get3A_107 = tpu.vector_load %arg24[%get3A_105, %get3A_106] {strides = array<i32>} : memref<640x16xf32, #tpu.memory_space<vmem>>, vector<1x16xf32>,
          %get3A_108 = vector.shape_cast %get3A_107 : vector<1x16xf32> to vector<16xf32>
          %add3A_109 = arith.addf %get3A_104, %get3A_108 : vector<16xf32>
          %get3A_110 = arith.index_cast %add3A_96 : i32 to index
          %get3A_111 = arith.constant 0 : index
          %get3A_112 = tpu.vector_load %arg20[%get3A_110, %get3A_111] {strides = array<i32>} : memref<640x16xf32, #tpu.memory_space<vmem>>, vector<1x16xf32>,
          %get3A_113 = vector.shape_cast %get3A_112 : vector<1x16xf32> to vector<16xf32>
          %add3A_114 = arith.addf %add3A_109, %get3A_113 : vector<16xf32>
          %mul3A_115 = arith.mulf %get3A_100, %add3A_114 : vector<16xf32>
          %get3A_116 = arith.index_cast %add3A_96 : i32 to index
          %get3A_117 = arith.constant 0 : index
          %get3A_118 = tpu.vector_load %arg21[%get3A_116, %get3A_117] {strides = array<i32>} : memref<640x16xf32, #tpu.memory_space<vmem>>, vector<1x16xf32>,
          %get3A_119 = vector.shape_cast %get3A_118 : vector<1x16xf32> to vector<16xf32>
          %add3A_120 = arith.addf %mul3A_115, %get3A_119 : vector<16xf32>
          %swap3A_121 = arith.index_cast %add3A_96 : i32 to index
          %swap3A_122 = arith.constant 0 : index
          %swap3A_123 = tpu.vector_load %arg20[%swap3A_121, %swap3A_122] {strides = array<i32>} : memref<640x16xf32, #tpu.memory_space<vmem>>, vector<1x16xf32>,
          %swap3A_124 = vector.shape_cast %swap3A_123 : vector<1x16xf32> to vector<16xf32>
          %swap3A_125 = vector.shape_cast %add3A_120 : vector<16xf32> to vector<1x16xf32>
          tpu.vector_store %arg20[%swap3A_121, %swap3A_122], %swap3A_125 {strides = array<i32>} : memref<640x16xf32, #tpu.memory_space<vmem>>, vector<1x16xf32>,
          %scan3A_126 = arith.constant 2 : i32
          %scan3A_127 = arith.addi %scan3A_59, %scan3A_126 : i32
          %mul3A_128 = arith.constant 1 : i32
          %mul3A_129 = arith.muli %scan3A_127, %mul3A_128 : i32
          %add3A_130 = arith.constant 0 : i32
          %add3A_131 = arith.addi %add3A_130, %mul3A_129 : i32
          %get3A_132 = arith.index_cast %add3A_131 : i32 to index
          %get3A_133 = arith.constant 0 : index
          %get3A_134 = tpu.vector_load %arg22[%get3A_132, %get3A_133] {strides = array<i32>} : memref<640x16xf32, #tpu.memory_space<vmem>>, vector<1x16xf32>,
          %get3A_135 = vector.shape_cast %get3A_134 : vector<1x16xf32> to vector<16xf32>
          %get3A_136 = arith.index_cast %add3A_131 : i32 to index
          %get3A_137 = arith.constant 0 : index
          %get3A_138 = tpu.vector_load %arg23[%get3A_136, %get3A_137] {strides = array<i32>} : memref<640x16xf32, #tpu.memory_space<vmem>>, vector<1x16xf32>,
          %get3A_139 = vector.shape_cast %get3A_138 : vector<1x16xf32> to vector<16xf32>
          %get3A_140 = arith.index_cast %add3A_131 : i32 to index
          %get3A_141 = arith.constant 0 : index
          %get3A_142 = tpu.vector_load %arg24[%get3A_140, %get3A_141] {strides = array<i32>} : memref<640x16xf32, #tpu.memory_space<vmem>>, vector<1x16xf32>,
          %get3A_143 = vector.shape_cast %get3A_142 : vector<1x16xf32> to vector<16xf32>
          %add3A_144 = arith.addf %get3A_139, %get3A_143 : vector<16xf32>
          %get3A_145 = arith.index_cast %add3A_131 : i32 to index
          %get3A_146 = arith.constant 0 : index
          %get3A_147 = tpu.vector_load %arg20[%get3A_145, %get3A_146] {strides = array<i32>} : memref<640x16xf32, #tpu.memory_space<vmem>>, vector<1x16xf32>,
          %get3A_148 = vector.shape_cast %get3A_147 : vector<1x16xf32> to vector<16xf32>
          %add3A_149 = arith.addf %add3A_144, %get3A_148 : vector<16xf32>
          %mul3A_150 = arith.mulf %get3A_135, %add3A_149 : vector<16xf32>
          %get3A_151 = arith.index_cast %add3A_131 : i32 to index
          %get3A_152 = arith.constant 0 : index
          %get3A_153 = tpu.vector_load %arg21[%get3A_151, %get3A_152] {strides = array<i32>} : memref<640x16xf32, #tpu.memory_space<vmem>>, vector<1x16xf32>,
          %get3A_154 = vector.shape_cast %get3A_153 : vector<1x16xf32> to vector<16xf32>
          %add3A_155 = arith.addf %mul3A_150, %get3A_154 : vector<16xf32>
          %swap3A_156 = arith.index_cast %add3A_131 : i32 to index
          %swap3A_157 = arith.constant 0 : index
          %swap3A_158 = tpu.vector_load %arg20[%swap3A_156, %swap3A_157] {strides = array<i32>} : memref<640x16xf32, #tpu.memory_space<vmem>>, vector<1x16xf32>,
          %swap3A_159 = vector.shape_cast %swap3A_158 : vector<1x16xf32> to vector<16xf32>
          %swap3A_160 = vector.shape_cast %add3A_155 : vector<16xf32> to vector<1x16xf32>
          tpu.vector_store %arg20[%swap3A_156, %swap3A_157], %swap3A_160 {strides = array<i32>} : memref<640x16xf32, #tpu.memory_space<vmem>>, vector<1x16xf32>,
          %scan3A_161 = arith.constant 3 : i32
          %scan3A_162 = arith.addi %scan3A_59, %scan3A_161 : i32
          %mul3A_163 = arith.constant 1 : i32
          %mul3A_164 = arith.muli %scan3A_162, %mul3A_163 : i32
          %add3A_165 = arith.constant 0 : i32
          %add3A_166 = arith.addi %add3A_165, %mul3A_164 : i32
          %get3A_167 = arith.index_cast %add3A_166 : i32 to index
          %get3A_168 = arith.constant 0 : index
          %get3A_169 = tpu.vector_load %arg22[%get3A_167, %get3A_168] {strides = array<i32>} : memref<640x16xf32, #tpu.memory_space<vmem>>, vector<1x16xf32>,
          %get3A_170 = vector.shape_cast %get3A_169 : vector<1x16xf32> to vector<16xf32>
          %get3A_171 = arith.index_cast %add3A_166 : i32 to index
          %get3A_172 = arith.constant 0 : index
          %get3A_173 = tpu.vector_load %arg23[%get3A_171, %get3A_172] {strides = array<i32>} : memref<640x16xf32, #tpu.memory_space<vmem>>, vector<1x16xf32>,
          %get3A_174 = vector.shape_cast %get3A_173 : vector<1x16xf32> to vector<16xf32>
          %get3A_175 = arith.index_cast %add3A_166 : i32 to index
          %get3A_176 = arith.constant 0 : index
          %get3A_177 = tpu.vector_load %arg24[%get3A_175, %get3A_176] {strides = array<i32>} : memref<640x16xf32, #tpu.memory_space<vmem>>, vector<1x16xf32>,
          %get3A_178 = vector.shape_cast %get3A_177 : vector<1x16xf32> to vector<16xf32>
          %add3A_179 = arith.addf %get3A_174, %get3A_178 : vector<16xf32>
          %get3A_180 = arith.index_cast %add3A_166 : i32 to index
          %get3A_181 = arith.constant 0 : index
          %get3A_182 = tpu.vector_load %arg20[%get3A_180, %get3A_181] {strides = array<i32>} : memref<640x16xf32, #tpu.memory_space<vmem>>, vector<1x16xf32>,
          %get3A_183 = vector.shape_cast %get3A_182 : vector<1x16xf32> to vector<16xf32>
          %add3A_184 = arith.addf %add3A_179, %get3A_183 : vector<16xf32>
          %mul3A_185 = arith.mulf %get3A_170, %add3A_184 : vector<16xf32>
          %get3A_186 = arith.index_cast %add3A_166 : i32 to index
          %get3A_187 = arith.constant 0 : index
          %get3A_188 = tpu.vector_load %arg21[%get3A_186, %get3A_187] {strides = array<i32>} : memref<640x16xf32, #tpu.memory_space<vmem>>, vector<1x16xf32>,
          %get3A_189 = vector.shape_cast %get3A_188 : vector<1x16xf32> to vector<16xf32>
          %add3A_190 = arith.addf %mul3A_185, %get3A_189 : vector<16xf32>
          %swap3A_191 = arith.index_cast %add3A_166 : i32 to index
          %swap3A_192 = arith.constant 0 : index
          %swap3A_193 = tpu.vector_load %arg20[%swap3A_191, %swap3A_192] {strides = array<i32>} : memref<640x16xf32, #tpu.memory_space<vmem>>, vector<1x16xf32>,
          %swap3A_194 = vector.shape_cast %swap3A_193 : vector<1x16xf32> to vector<16xf32>
          %swap3A_195 = vector.shape_cast %add3A_190 : vector<16xf32> to vector<1x16xf32>
          tpu.vector_store %arg20[%swap3A_191, %swap3A_192], %swap3A_195 {strides = array<i32>} : memref<640x16xf32, #tpu.memory_space<vmem>>, vector<1x16xf32>,
        }
        %scan3A_58 = arith.constant 640 : i32
        "tpu.region"() ({
          %run_scoped3A = tpu.sem_alloc : memref<!tpu.dma_semaphore, #tpu.memory_space<semaphore_mem>>
          %dma_start3A = arith.constant 0 : i32
          %dma_start3A_59 = tpu.memref_slice %arg13[%mul3A_0, %dma_start3A] : memref<10240x16xf32, #tpu.memory_space<vmem_shared>> -> memref<640x16xf32, #tpu.memory_space<vmem_shared>>
          %dma_start3A_60 = arith.constant 0 : i32
          %dma_start3A_61 = tpu.memref_slice %arg13[%mul3A_0, %dma_start3A_60] : memref<10240x16xf32, #tpu.memory_space<vmem_shared>> -> memref<640x16xf32, #tpu.memory_space<vmem_shared>>
          tpu.enqueue_dma source(%arg25 : memref<640x16xf32, #tpu.memory_space<vmem>>) target(%dma_start3A_61 : memref<640x16xf32, #tpu.memory_space<vmem_shared>>) target_semaphore(%run_scoped3A : memref<!tpu.dma_semaphore, #tpu.memory_space<semaphore_mem>>)
          %dma_wait3A = arith.constant 0 : i32
          %dma_wait3A_62 = tpu.memref_slice %arg13[%mul3A_0, %dma_wait3A] : memref<10240x16xf32, #tpu.memory_space<vmem_shared>> -> memref<640x16xf32, #tpu.memory_space<vmem_shared>>
          %dma_wait3A_63 = arith.constant 0 : i32
          %dma_wait3A_64 = tpu.memref_slice %arg13[%mul3A_0, %dma_wait3A_63] : memref<10240x16xf32, #tpu.memory_space<vmem_shared>> -> memref<640x16xf32, #tpu.memory_space<vmem_shared>>
          tpu.wait_dma2 semaphore(%run_scoped3A : memref<!tpu.dma_semaphore, #tpu.memory_space<semaphore_mem>>) src(%arg25 : memref<640x16xf32, #tpu.memory_space<vmem>>) dst(%dma_wait3A_64 : memref<640x16xf32, #tpu.memory_space<vmem_shared>>)
          tpu.yield
        }) : () -> ()
        "tpu.region"() ({
          %run_scoped3A = tpu.sem_alloc : memref<!tpu.dma_semaphore, #tpu.memory_space<semaphore_mem>>
          %dma_start3A = arith.constant 0 : i32
          %dma_start3A_59 = tpu.memref_slice %arg9[%mul3A_0, %dma_start3A] : memref<10240x16xf32, #tpu.memory_space<hbm>> -> memref<640x16xf32, #tpu.memory_space<hbm>>
          %dma_start3A_60 = arith.constant 0 : i32
          %dma_start3A_61 = tpu.memref_slice %arg9[%mul3A_0, %dma_start3A_60] : memref<10240x16xf32, #tpu.memory_space<hbm>> -> memref<640x16xf32, #tpu.memory_space<hbm>>
          tpu.enqueue_dma source(%arg20 : memref<640x16xf32, #tpu.memory_space<vmem>>) target(%dma_start3A_61 : memref<640x16xf32, #tpu.memory_space<hbm>>) target_semaphore(%run_scoped3A : memref<!tpu.dma_semaphore, #tpu.memory_space<semaphore_mem>>)
          %dma_wait3A = arith.constant 0 : i32
          %dma_wait3A_62 = tpu.memref_slice %arg9[%mul3A_0, %dma_wait3A] : memref<10240x16xf32, #tpu.memory_space<hbm>> -> memref<640x16xf32, #tpu.memory_space<hbm>>
          %dma_wait3A_63 = arith.constant 0 : i32
          %dma_wait3A_64 = tpu.memref_slice %arg9[%mul3A_0, %dma_wait3A_63] : memref<10240x16xf32, #tpu.memory_space<hbm>> -> memref<640x16xf32, #tpu.memory_space<hbm>>
          tpu.wait_dma2 semaphore(%run_scoped3A : memref<!tpu.dma_semaphore, #tpu.memory_space<semaphore_mem>>) src(%arg20 : memref<640x16xf32, #tpu.memory_space<vmem>>) dst(%dma_wait3A_64 : memref<640x16xf32, #tpu.memory_space<hbm>>)
          tpu.yield
        }) : () -> ()
      } else {
      }
      %eq3A_46 = arith.constant 1 : i32
      %eq3A_47 = arith.cmpi eq, %arg0, %eq3A_46 : i32
      %convert_element_type3A_48 = arith.extui %eq3A_47 : i1 to i32
      %cond3A_49 = arith.constant 0 : i32
      %cond3A_50 = arith.cmpi ne, %convert_element_type3A_48, %cond3A_49 : i32
      scf.if %cond3A_50 {
        "tpu.region"() ({
          %run_scoped3A = tpu.sem_alloc : memref<!tpu.dma_semaphore, #tpu.memory_space<semaphore_mem>>
          %dma_start3A = arith.constant 0 : i32
          %dma_start3A_59 = tpu.memref_slice %arg12[%mul3A_0, %dma_start3A] : memref<10240x16xf32, #tpu.memory_space<hbm>> -> memref<640x16xf32, #tpu.memory_space<hbm>>
          %dma_start3A_60 = arith.constant 0 : i32
          %dma_start3A_61 = tpu.memref_slice %arg13[%mul3A_0, %dma_start3A_60] : memref<10240x16xf32, #tpu.memory_space<vmem_shared>> -> memref<640x16xf32, #tpu.memory_space<vmem_shared>>
          tpu.enqueue_dma source(%dma_start3A_61 : memref<640x16xf32, #tpu.memory_space<vmem_shared>>) target(%dma_start3A_59 : memref<640x16xf32, #tpu.memory_space<hbm>>) target_semaphore(%run_scoped3A : memref<!tpu.dma_semaphore, #tpu.memory_space<semaphore_mem>>)
          %dma_wait3A = arith.constant 0 : i32
          %dma_wait3A_62 = tpu.memref_slice %arg12[%mul3A_0, %dma_wait3A] : memref<10240x16xf32, #tpu.memory_space<hbm>> -> memref<640x16xf32, #tpu.memory_space<hbm>>
          %dma_wait3A_63 = arith.constant 0 : i32
          %dma_wait3A_64 = tpu.memref_slice %arg13[%mul3A_0, %dma_wait3A_63] : memref<10240x16xf32, #tpu.memory_space<vmem_shared>> -> memref<640x16xf32, #tpu.memory_space<vmem_shared>>
          tpu.wait_dma2 semaphore(%run_scoped3A : memref<!tpu.dma_semaphore, #tpu.memory_space<semaphore_mem>>) src(%dma_wait3A_64 : memref<640x16xf32, #tpu.memory_space<vmem_shared>>) dst(%dma_wait3A_62 : memref<640x16xf32, #tpu.memory_space<hbm>>)
          tpu.yield
        }) : () -> ()
        %sub3A = arith.constant 1 : i32
        %sub3A_52 = arith.subi %sub3A, %arg0 : i32
        %semaphore_signal3A = arith.constant 1 : i32
        tpu.sem_signal %arg34, %semaphore_signal3A core_id %sub3A_52 : memref<!tpu.semaphore, #tpu.memory_space<semaphore_mem>>
        %semaphore_wait3A = arith.constant 1 : i32
        %semaphore_wait3A_53 = arith.constant true
        tpu.sem_wait %arg34, %semaphore_wait3A : memref<!tpu.semaphore, #tpu.memory_space<semaphore_mem>>
        "tpu.region"() ({
          %run_scoped3A = tpu.sem_alloc : memref<!tpu.dma_semaphore, #tpu.memory_space<semaphore_mem>>
          %dma_start3A = arith.constant 0 : i32
          %dma_start3A_59 = tpu.memref_slice %arg13[%mul3A_0, %dma_start3A] : memref<10240x16xf32, #tpu.memory_space<vmem_shared>> -> memref<640x16xf32, #tpu.memory_space<vmem_shared>>
          %dma_start3A_60 = arith.constant 0 : i32
          %dma_start3A_61 = tpu.memref_slice %arg13[%mul3A_0, %dma_start3A_60] : memref<10240x16xf32, #tpu.memory_space<vmem_shared>> -> memref<640x16xf32, #tpu.memory_space<vmem_shared>>
          tpu.enqueue_dma source(%dma_start3A_61 : memref<640x16xf32, #tpu.memory_space<vmem_shared>>) target(%arg23 : memref<640x16xf32, #tpu.memory_space<vmem>>) target_semaphore(%run_scoped3A : memref<!tpu.dma_semaphore, #tpu.memory_space<semaphore_mem>>)
          %dma_wait3A = arith.constant 0 : i32
          %dma_wait3A_62 = tpu.memref_slice %arg13[%mul3A_0, %dma_wait3A] : memref<10240x16xf32, #tpu.memory_space<vmem_shared>> -> memref<640x16xf32, #tpu.memory_space<vmem_shared>>
          %dma_wait3A_63 = arith.constant 0 : i32
          %dma_wait3A_64 = tpu.memref_slice %arg13[%mul3A_0, %dma_wait3A_63] : memref<10240x16xf32, #tpu.memory_space<vmem_shared>> -> memref<640x16xf32, #tpu.memory_space<vmem_shared>>
          tpu.wait_dma2 semaphore(%run_scoped3A : memref<!tpu.dma_semaphore, #tpu.memory_space<semaphore_mem>>) src(%dma_wait3A_64 : memref<640x16xf32, #tpu.memory_space<vmem_shared>>) dst(%arg23 : memref<640x16xf32, #tpu.memory_space<vmem>>)
          tpu.yield
        }) : () -> ()
        "tpu.region"() ({
          %run_scoped3A = tpu.sem_alloc : memref<!tpu.dma_semaphore, #tpu.memory_space<semaphore_mem>>
          %dma_start3A = arith.constant 0 : i32
          %dma_start3A_59 = tpu.memref_slice %arg11[%mul3A_0, %dma_start3A] : memref<10240x16xf32, #tpu.memory_space<hbm>> -> memref<640x16xf32, #tpu.memory_space<hbm>>
          %dma_start3A_60 = arith.constant 0 : i32
          %dma_start3A_61 = tpu.memref_slice %arg11[%mul3A_0, %dma_start3A_60] : memref<10240x16xf32, #tpu.memory_space<hbm>> -> memref<640x16xf32, #tpu.memory_space<hbm>>
          tpu.enqueue_dma source(%dma_start3A_61 : memref<640x16xf32, #tpu.memory_space<hbm>>) target(%arg24 : memref<640x16xf32, #tpu.memory_space<vmem>>) target_semaphore(%run_scoped3A : memref<!tpu.dma_semaphore, #tpu.memory_space<semaphore_mem>>)
          %dma_wait3A = arith.constant 0 : i32
          %dma_wait3A_62 = tpu.memref_slice %arg11[%mul3A_0, %dma_wait3A] : memref<10240x16xf32, #tpu.memory_space<hbm>> -> memref<640x16xf32, #tpu.memory_space<hbm>>
          %dma_wait3A_63 = arith.constant 0 : i32
          %dma_wait3A_64 = tpu.memref_slice %arg11[%mul3A_0, %dma_wait3A_63] : memref<10240x16xf32, #tpu.memory_space<hbm>> -> memref<640x16xf32, #tpu.memory_space<hbm>>
          tpu.wait_dma2 semaphore(%run_scoped3A : memref<!tpu.dma_semaphore, #tpu.memory_space<semaphore_mem>>) src(%dma_wait3A_64 : memref<640x16xf32, #tpu.memory_space<hbm>>) dst(%arg24 : memref<640x16xf32, #tpu.memory_space<vmem>>)
          tpu.yield
        }) : () -> ()
        %scan3A_54 = arith.constant 0 : i32
        %scan3A_55 = arith.constant 640 : i32
        %scan3A_56 = arith.addi %scan3A_54, %scan3A_55 : i32
        %scan3A_57 = arith.constant 4 : i32
        scf.for %scan3A_59 = %scan3A_54 to %scan3A_56 step %scan3A_57  : i32 {
          %mul3A_60 = arith.constant 1 : i32
          %mul3A_61 = arith.muli %scan3A_59, %mul3A_60 : i32
          %add3A_62 = arith.constant 0 : i32
          %add3A_63 = arith.addi %add3A_62, %mul3A_61 : i32
          %get3A = arith.index_cast %add3A_63 : i32 to index
          %get3A_64 = arith.constant 0 : index
          %get3A_65 = tpu.vector_load %arg22[%get3A, %get3A_64] {strides = array<i32>} : memref<640x16xf32, #tpu.memory_space<vmem>>, vector<1x16xf32>,
          %get3A_66 = vector.shape_cast %get3A_65 : vector<1x16xf32> to vector<16xf32>
          %get3A_67 = arith.index_cast %add3A_63 : i32 to index
          %get3A_68 = arith.constant 0 : index
          %get3A_69 = tpu.vector_load %arg23[%get3A_67, %get3A_68] {strides = array<i32>} : memref<640x16xf32, #tpu.memory_space<vmem>>, vector<1x16xf32>,
          %get3A_70 = vector.shape_cast %get3A_69 : vector<1x16xf32> to vector<16xf32>
          %get3A_71 = arith.index_cast %add3A_63 : i32 to index
          %get3A_72 = arith.constant 0 : index
          %get3A_73 = tpu.vector_load %arg24[%get3A_71, %get3A_72] {strides = array<i32>} : memref<640x16xf32, #tpu.memory_space<vmem>>, vector<1x16xf32>,
          %get3A_74 = vector.shape_cast %get3A_73 : vector<1x16xf32> to vector<16xf32>
          %add3A_75 = arith.addf %get3A_70, %get3A_74 : vector<16xf32>
          %get3A_76 = arith.index_cast %add3A_63 : i32 to index
          %get3A_77 = arith.constant 0 : index
          %get3A_78 = tpu.vector_load %arg20[%get3A_76, %get3A_77] {strides = array<i32>} : memref<640x16xf32, #tpu.memory_space<vmem>>, vector<1x16xf32>,
          %get3A_79 = vector.shape_cast %get3A_78 : vector<1x16xf32> to vector<16xf32>
          %add3A_80 = arith.addf %add3A_75, %get3A_79 : vector<16xf32>
          %mul3A_81 = arith.mulf %get3A_66, %add3A_80 : vector<16xf32>
          %get3A_82 = arith.index_cast %add3A_63 : i32 to index
          %get3A_83 = arith.constant 0 : index
          %get3A_84 = tpu.vector_load %arg21[%get3A_82, %get3A_83] {strides = array<i32>} : memref<640x16xf32, #tpu.memory_space<vmem>>, vector<1x16xf32>,
          %get3A_85 = vector.shape_cast %get3A_84 : vector<1x16xf32> to vector<16xf32>
          %add3A_86 = arith.addf %mul3A_81, %get3A_85 : vector<16xf32>
          %swap3A = arith.index_cast %add3A_63 : i32 to index
          %swap3A_87 = arith.constant 0 : index
          %swap3A_88 = tpu.vector_load %arg20[%swap3A, %swap3A_87] {strides = array<i32>} : memref<640x16xf32, #tpu.memory_space<vmem>>, vector<1x16xf32>,
          %swap3A_89 = vector.shape_cast %swap3A_88 : vector<1x16xf32> to vector<16xf32>
          %swap3A_90 = vector.shape_cast %add3A_86 : vector<16xf32> to vector<1x16xf32>
          tpu.vector_store %arg20[%swap3A, %swap3A_87], %swap3A_90 {strides = array<i32>} : memref<640x16xf32, #tpu.memory_space<vmem>>, vector<1x16xf32>,
          %scan3A_91 = arith.constant 1 : i32
          %scan3A_92 = arith.addi %scan3A_59, %scan3A_91 : i32
          %mul3A_93 = arith.constant 1 : i32
          %mul3A_94 = arith.muli %scan3A_92, %mul3A_93 : i32
          %add3A_95 = arith.constant 0 : i32
          %add3A_96 = arith.addi %add3A_95, %mul3A_94 : i32
          %get3A_97 = arith.index_cast %add3A_96 : i32 to index
          %get3A_98 = arith.constant 0 : index
          %get3A_99 = tpu.vector_load %arg22[%get3A_97, %get3A_98] {strides = array<i32>} : memref<640x16xf32, #tpu.memory_space<vmem>>, vector<1x16xf32>,
          %get3A_100 = vector.shape_cast %get3A_99 : vector<1x16xf32> to vector<16xf32>
          %get3A_101 = arith.index_cast %add3A_96 : i32 to index
          %get3A_102 = arith.constant 0 : index
          %get3A_103 = tpu.vector_load %arg23[%get3A_101, %get3A_102] {strides = array<i32>} : memref<640x16xf32, #tpu.memory_space<vmem>>, vector<1x16xf32>,
          %get3A_104 = vector.shape_cast %get3A_103 : vector<1x16xf32> to vector<16xf32>
          %get3A_105 = arith.index_cast %add3A_96 : i32 to index
          %get3A_106 = arith.constant 0 : index
          %get3A_107 = tpu.vector_load %arg24[%get3A_105, %get3A_106] {strides = array<i32>} : memref<640x16xf32, #tpu.memory_space<vmem>>, vector<1x16xf32>,
          %get3A_108 = vector.shape_cast %get3A_107 : vector<1x16xf32> to vector<16xf32>
          %add3A_109 = arith.addf %get3A_104, %get3A_108 : vector<16xf32>
          %get3A_110 = arith.index_cast %add3A_96 : i32 to index
          %get3A_111 = arith.constant 0 : index
          %get3A_112 = tpu.vector_load %arg20[%get3A_110, %get3A_111] {strides = array<i32>} : memref<640x16xf32, #tpu.memory_space<vmem>>, vector<1x16xf32>,
          %get3A_113 = vector.shape_cast %get3A_112 : vector<1x16xf32> to vector<16xf32>
          %add3A_114 = arith.addf %add3A_109, %get3A_113 : vector<16xf32>
          %mul3A_115 = arith.mulf %get3A_100, %add3A_114 : vector<16xf32>
          %get3A_116 = arith.index_cast %add3A_96 : i32 to index
          %get3A_117 = arith.constant 0 : index
          %get3A_118 = tpu.vector_load %arg21[%get3A_116, %get3A_117] {strides = array<i32>} : memref<640x16xf32, #tpu.memory_space<vmem>>, vector<1x16xf32>,
          %get3A_119 = vector.shape_cast %get3A_118 : vector<1x16xf32> to vector<16xf32>
          %add3A_120 = arith.addf %mul3A_115, %get3A_119 : vector<16xf32>
          %swap3A_121 = arith.index_cast %add3A_96 : i32 to index
          %swap3A_122 = arith.constant 0 : index
          %swap3A_123 = tpu.vector_load %arg20[%swap3A_121, %swap3A_122] {strides = array<i32>} : memref<640x16xf32, #tpu.memory_space<vmem>>, vector<1x16xf32>,
          %swap3A_124 = vector.shape_cast %swap3A_123 : vector<1x16xf32> to vector<16xf32>
          %swap3A_125 = vector.shape_cast %add3A_120 : vector<16xf32> to vector<1x16xf32>
          tpu.vector_store %arg20[%swap3A_121, %swap3A_122], %swap3A_125 {strides = array<i32>} : memref<640x16xf32, #tpu.memory_space<vmem>>, vector<1x16xf32>,
          %scan3A_126 = arith.constant 2 : i32
          %scan3A_127 = arith.addi %scan3A_59, %scan3A_126 : i32
          %mul3A_128 = arith.constant 1 : i32
          %mul3A_129 = arith.muli %scan3A_127, %mul3A_128 : i32
          %add3A_130 = arith.constant 0 : i32
          %add3A_131 = arith.addi %add3A_130, %mul3A_129 : i32
          %get3A_132 = arith.index_cast %add3A_131 : i32 to index
          %get3A_133 = arith.constant 0 : index
          %get3A_134 = tpu.vector_load %arg22[%get3A_132, %get3A_133] {strides = array<i32>} : memref<640x16xf32, #tpu.memory_space<vmem>>, vector<1x16xf32>,
          %get3A_135 = vector.shape_cast %get3A_134 : vector<1x16xf32> to vector<16xf32>
          %get3A_136 = arith.index_cast %add3A_131 : i32 to index
          %get3A_137 = arith.constant 0 : index
          %get3A_138 = tpu.vector_load %arg23[%get3A_136, %get3A_137] {strides = array<i32>} : memref<640x16xf32, #tpu.memory_space<vmem>>, vector<1x16xf32>,
          %get3A_139 = vector.shape_cast %get3A_138 : vector<1x16xf32> to vector<16xf32>
          %get3A_140 = arith.index_cast %add3A_131 : i32 to index
          %get3A_141 = arith.constant 0 : index
          %get3A_142 = tpu.vector_load %arg24[%get3A_140, %get3A_141] {strides = array<i32>} : memref<640x16xf32, #tpu.memory_space<vmem>>, vector<1x16xf32>,
          %get3A_143 = vector.shape_cast %get3A_142 : vector<1x16xf32> to vector<16xf32>
          %add3A_144 = arith.addf %get3A_139, %get3A_143 : vector<16xf32>
          %get3A_145 = arith.index_cast %add3A_131 : i32 to index
          %get3A_146 = arith.constant 0 : index
          %get3A_147 = tpu.vector_load %arg20[%get3A_145, %get3A_146] {strides = array<i32>} : memref<640x16xf32, #tpu.memory_space<vmem>>, vector<1x16xf32>,
          %get3A_148 = vector.shape_cast %get3A_147 : vector<1x16xf32> to vector<16xf32>
          %add3A_149 = arith.addf %add3A_144, %get3A_148 : vector<16xf32>
          %mul3A_150 = arith.mulf %get3A_135, %add3A_149 : vector<16xf32>
          %get3A_151 = arith.index_cast %add3A_131 : i32 to index
          %get3A_152 = arith.constant 0 : index
          %get3A_153 = tpu.vector_load %arg21[%get3A_151, %get3A_152] {strides = array<i32>} : memref<640x16xf32, #tpu.memory_space<vmem>>, vector<1x16xf32>,
          %get3A_154 = vector.shape_cast %get3A_153 : vector<1x16xf32> to vector<16xf32>
          %add3A_155 = arith.addf %mul3A_150, %get3A_154 : vector<16xf32>
          %swap3A_156 = arith.index_cast %add3A_131 : i32 to index
          %swap3A_157 = arith.constant 0 : index
          %swap3A_158 = tpu.vector_load %arg20[%swap3A_156, %swap3A_157] {strides = array<i32>} : memref<640x16xf32, #tpu.memory_space<vmem>>, vector<1x16xf32>,
          %swap3A_159 = vector.shape_cast %swap3A_158 : vector<1x16xf32> to vector<16xf32>
          %swap3A_160 = vector.shape_cast %add3A_155 : vector<16xf32> to vector<1x16xf32>
          tpu.vector_store %arg20[%swap3A_156, %swap3A_157], %swap3A_160 {strides = array<i32>} : memref<640x16xf32, #tpu.memory_space<vmem>>, vector<1x16xf32>,
          %scan3A_161 = arith.constant 3 : i32
          %scan3A_162 = arith.addi %scan3A_59, %scan3A_161 : i32
          %mul3A_163 = arith.constant 1 : i32
          %mul3A_164 = arith.muli %scan3A_162, %mul3A_163 : i32
          %add3A_165 = arith.constant 0 : i32
          %add3A_166 = arith.addi %add3A_165, %mul3A_164 : i32
          %get3A_167 = arith.index_cast %add3A_166 : i32 to index
          %get3A_168 = arith.constant 0 : index
          %get3A_169 = tpu.vector_load %arg22[%get3A_167, %get3A_168] {strides = array<i32>} : memref<640x16xf32, #tpu.memory_space<vmem>>, vector<1x16xf32>,
          %get3A_170 = vector.shape_cast %get3A_169 : vector<1x16xf32> to vector<16xf32>
          %get3A_171 = arith.index_cast %add3A_166 : i32 to index
          %get3A_172 = arith.constant 0 : index
          %get3A_173 = tpu.vector_load %arg23[%get3A_171, %get3A_172] {strides = array<i32>} : memref<640x16xf32, #tpu.memory_space<vmem>>, vector<1x16xf32>,
          %get3A_174 = vector.shape_cast %get3A_173 : vector<1x16xf32> to vector<16xf32>
          %get3A_175 = arith.index_cast %add3A_166 : i32 to index
          %get3A_176 = arith.constant 0 : index
          %get3A_177 = tpu.vector_load %arg24[%get3A_175, %get3A_176] {strides = array<i32>} : memref<640x16xf32, #tpu.memory_space<vmem>>, vector<1x16xf32>,
          %get3A_178 = vector.shape_cast %get3A_177 : vector<1x16xf32> to vector<16xf32>
          %add3A_179 = arith.addf %get3A_174, %get3A_178 : vector<16xf32>
          %get3A_180 = arith.index_cast %add3A_166 : i32 to index
          %get3A_181 = arith.constant 0 : index
          %get3A_182 = tpu.vector_load %arg20[%get3A_180, %get3A_181] {strides = array<i32>} : memref<640x16xf32, #tpu.memory_space<vmem>>, vector<1x16xf32>,
          %get3A_183 = vector.shape_cast %get3A_182 : vector<1x16xf32> to vector<16xf32>
          %add3A_184 = arith.addf %add3A_179, %get3A_183 : vector<16xf32>
          %mul3A_185 = arith.mulf %get3A_170, %add3A_184 : vector<16xf32>
          %get3A_186 = arith.index_cast %add3A_166 : i32 to index
          %get3A_187 = arith.constant 0 : index
          %get3A_188 = tpu.vector_load %arg21[%get3A_186, %get3A_187] {strides = array<i32>} : memref<640x16xf32, #tpu.memory_space<vmem>>, vector<1x16xf32>,
          %get3A_189 = vector.shape_cast %get3A_188 : vector<1x16xf32> to vector<16xf32>
          %add3A_190 = arith.addf %mul3A_185, %get3A_189 : vector<16xf32>
          %swap3A_191 = arith.index_cast %add3A_166 : i32 to index
          %swap3A_192 = arith.constant 0 : index
          %swap3A_193 = tpu.vector_load %arg20[%swap3A_191, %swap3A_192] {strides = array<i32>} : memref<640x16xf32, #tpu.memory_space<vmem>>, vector<1x16xf32>,
          %swap3A_194 = vector.shape_cast %swap3A_193 : vector<1x16xf32> to vector<16xf32>
          %swap3A_195 = vector.shape_cast %add3A_190 : vector<16xf32> to vector<1x16xf32>
          tpu.vector_store %arg20[%swap3A_191, %swap3A_192], %swap3A_195 {strides = array<i32>} : memref<640x16xf32, #tpu.memory_space<vmem>>, vector<1x16xf32>,
        }
        %scan3A_58 = arith.constant 640 : i32
        "tpu.region"() ({
          %run_scoped3A = tpu.sem_alloc : memref<!tpu.dma_semaphore, #tpu.memory_space<semaphore_mem>>
          %dma_start3A = arith.constant 0 : i32
          %dma_start3A_59 = tpu.memref_slice %arg13[%mul3A_0, %dma_start3A] : memref<10240x16xf32, #tpu.memory_space<vmem_shared>> -> memref<640x16xf32, #tpu.memory_space<vmem_shared>>
          %dma_start3A_60 = arith.constant 0 : i32
          %dma_start3A_61 = tpu.memref_slice %arg13[%mul3A_0, %dma_start3A_60] : memref<10240x16xf32, #tpu.memory_space<vmem_shared>> -> memref<640x16xf32, #tpu.memory_space<vmem_shared>>
          tpu.enqueue_dma source(%arg25 : memref<640x16xf32, #tpu.memory_space<vmem>>) target(%dma_start3A_61 : memref<640x16xf32, #tpu.memory_space<vmem_shared>>) target_semaphore(%run_scoped3A : memref<!tpu.dma_semaphore, #tpu.memory_space<semaphore_mem>>)
          %dma_wait3A = arith.constant 0 : i32
          %dma_wait3A_62 = tpu.memref_slice %arg13[%mul3A_0, %dma_wait3A] : memref<10240x16xf32, #tpu.memory_space<vmem_shared>> -> memref<640x16xf32, #tpu.memory_space<vmem_shared>>
          %dma_wait3A_63 = arith.constant 0 : i32
          %dma_wait3A_64 = tpu.memref_slice %arg13[%mul3A_0, %dma_wait3A_63] : memref<10240x16xf32, #tpu.memory_space<vmem_shared>> -> memref<640x16xf32, #tpu.memory_space<vmem_shared>>
          tpu.wait_dma2 semaphore(%run_scoped3A : memref<!tpu.dma_semaphore, #tpu.memory_space<semaphore_mem>>) src(%arg25 : memref<640x16xf32, #tpu.memory_space<vmem>>) dst(%dma_wait3A_64 : memref<640x16xf32, #tpu.memory_space<vmem_shared>>)
          tpu.yield
        }) : () -> ()
        "tpu.region"() ({
          %run_scoped3A = tpu.sem_alloc : memref<!tpu.dma_semaphore, #tpu.memory_space<semaphore_mem>>
          %dma_start3A = arith.constant 0 : i32
          %dma_start3A_59 = tpu.memref_slice %arg10[%mul3A_0, %dma_start3A] : memref<10240x16xf32, #tpu.memory_space<hbm>> -> memref<640x16xf32, #tpu.memory_space<hbm>>
          %dma_start3A_60 = arith.constant 0 : i32
          %dma_start3A_61 = tpu.memref_slice %arg10[%mul3A_0, %dma_start3A_60] : memref<10240x16xf32, #tpu.memory_space<hbm>> -> memref<640x16xf32, #tpu.memory_space<hbm>>
          tpu.enqueue_dma source(%arg20 : memref<640x16xf32, #tpu.memory_space<vmem>>) target(%dma_start3A_61 : memref<640x16xf32, #tpu.memory_space<hbm>>) target_semaphore(%run_scoped3A : memref<!tpu.dma_semaphore, #tpu.memory_space<semaphore_mem>>)
          %dma_wait3A = arith.constant 0 : i32
          %dma_wait3A_62 = tpu.memref_slice %arg10[%mul3A_0, %dma_wait3A] : memref<10240x16xf32, #tpu.memory_space<hbm>> -> memref<640x16xf32, #tpu.memory_space<hbm>>
          %dma_wait3A_63 = arith.constant 0 : i32
          %dma_wait3A_64 = tpu.memref_slice %arg10[%mul3A_0, %dma_wait3A_63] : memref<10240x16xf32, #tpu.memory_space<hbm>> -> memref<640x16xf32, #tpu.memory_space<hbm>>
          tpu.wait_dma2 semaphore(%run_scoped3A : memref<!tpu.dma_semaphore, #tpu.memory_space<semaphore_mem>>) src(%arg20 : memref<640x16xf32, #tpu.memory_space<vmem>>) dst(%dma_wait3A_64 : memref<640x16xf32, #tpu.memory_space<hbm>>)
          tpu.yield
        }) : () -> ()
      } else {
      }
      %barrier3A_51 = arith.constant 0 : index
      tpu.barrier barrier_id(%barrier3A_51)
    }
    %scan3A_19 = arith.constant 10 : i32
    %eq3A_20 = arith.constant 0 : i32
    %eq3A_21 = arith.cmpi eq, %arg0, %eq3A_20 : i32
    %convert_element_type3A_22 = arith.extui %eq3A_21 : i1 to i32
    %cond3A_23 = arith.constant 0 : i32
    %cond3A_24 = arith.cmpi ne, %convert_element_type3A_22, %cond3A_23 : i32
    scf.if %cond3A_24 {
      "tpu.region"() ({
        %run_scoped3A = tpu.sem_alloc : memref<!tpu.dma_semaphore, #tpu.memory_space<semaphore_mem>>
        %dma_start3A = arith.constant 0 : i32
        %dma_start3A_30 = tpu.memref_slice %arg7[%mul3A_0, %dma_start3A] : memref<10240x16xf32, #tpu.memory_space<hbm>> -> memref<640x16xf32, #tpu.memory_space<hbm>>
        %dma_start3A_31 = arith.constant 0 : i32
        %dma_start3A_32 = tpu.memref_slice %arg7[%mul3A_0, %dma_start3A_31] : memref<10240x16xf32, #tpu.memory_space<hbm>> -> memref<640x16xf32, #tpu.memory_space<hbm>>
        tpu.enqueue_dma source(%dma_start3A_32 : memref<640x16xf32, #tpu.memory_space<hbm>>) target(%arg21 : memref<640x16xf32, #tpu.memory_space<vmem>>) target_semaphore(%run_scoped3A : memref<!tpu.dma_semaphore, #tpu.memory_space<semaphore_mem>>)
        %dma_wait3A = arith.constant 0 : i32
        %dma_wait3A_33 = tpu.memref_slice %arg7[%mul3A_0, %dma_wait3A] : memref<10240x16xf32, #tpu.memory_space<hbm>> -> memref<640x16xf32, #tpu.memory_space<hbm>>
        %dma_wait3A_34 = arith.constant 0 : i32
        %dma_wait3A_35 = tpu.memref_slice %arg7[%mul3A_0, %dma_wait3A_34] : memref<10240x16xf32, #tpu.memory_space<hbm>> -> memref<640x16xf32, #tpu.memory_space<hbm>>
        tpu.wait_dma2 semaphore(%run_scoped3A : memref<!tpu.dma_semaphore, #tpu.memory_space<semaphore_mem>>) src(%dma_wait3A_35 : memref<640x16xf32, #tpu.memory_space<hbm>>) dst(%arg21 : memref<640x16xf32, #tpu.memory_space<vmem>>)
        tpu.yield
      }) : () -> ()
      %scan3A_25 = arith.constant 0 : i32
      %scan3A_26 = arith.constant 640 : i32
      %scan3A_27 = arith.addi %scan3A_25, %scan3A_26 : i32
      %scan3A_28 = arith.constant 1 : i32
      scf.for %scan3A_30 = %scan3A_25 to %scan3A_27 step %scan3A_28  : i32 {
        %mul3A_31 = arith.constant 1 : i32
        %mul3A_32 = arith.muli %scan3A_30, %mul3A_31 : i32
        %add3A_33 = arith.constant 0 : i32
        %add3A_34 = arith.addi %add3A_33, %mul3A_32 : i32
        %get3A = arith.index_cast %add3A_34 : i32 to index
        %get3A_35 = arith.constant 0 : index
        %get3A_36 = tpu.vector_load %arg20[%get3A, %get3A_35] {strides = array<i32>} : memref<640x16xf32, #tpu.memory_space<vmem>>, vector<1x16xf32>,
        %get3A_37 = vector.shape_cast %get3A_36 : vector<1x16xf32> to vector<16xf32>
        %get3A_38 = arith.index_cast %add3A_34 : i32 to index
        %get3A_39 = arith.constant 0 : index
        %get3A_40 = tpu.vector_load %arg21[%get3A_38, %get3A_39] {strides = array<i32>} : memref<640x16xf32, #tpu.memory_space<vmem>>, vector<1x16xf32>,
        %get3A_41 = vector.shape_cast %get3A_40 : vector<1x16xf32> to vector<16xf32>
        %mul3A_42 = arith.mulf %get3A_37, %get3A_41 : vector<16xf32>
        %swap3A = arith.index_cast %add3A_34 : i32 to index
        %swap3A_43 = arith.constant 0 : index
        %swap3A_44 = tpu.vector_load %arg20[%swap3A, %swap3A_43] {strides = array<i32>} : memref<640x16xf32, #tpu.memory_space<vmem>>, vector<1x16xf32>,
        %swap3A_45 = vector.shape_cast %swap3A_44 : vector<1x16xf32> to vector<16xf32>
        %swap3A_46 = vector.shape_cast %mul3A_42 : vector<16xf32> to vector<1x16xf32>
        tpu.vector_store %arg20[%swap3A, %swap3A_43], %swap3A_46 {strides = array<i32>} : memref<640x16xf32, #tpu.memory_space<vmem>>, vector<1x16xf32>,
      }
      %scan3A_29 = arith.constant 640 : i32
      "tpu.region"() ({
        %run_scoped3A = tpu.sem_alloc : memref<!tpu.dma_semaphore, #tpu.memory_space<semaphore_mem>>
        %dma_start3A = arith.constant 0 : i32
        %dma_start3A_30 = tpu.memref_slice %arg8[%mul3A_0, %dma_start3A] : memref<10240x16xf32, #tpu.memory_space<hbm>> -> memref<640x16xf32, #tpu.memory_space<hbm>>
        %dma_start3A_31 = arith.constant 0 : i32
        %dma_start3A_32 = tpu.memref_slice %arg8[%mul3A_0, %dma_start3A_31] : memref<10240x16xf32, #tpu.memory_space<hbm>> -> memref<640x16xf32, #tpu.memory_space<hbm>>
        tpu.enqueue_dma source(%arg20 : memref<640x16xf32, #tpu.memory_space<vmem>>) target(%dma_start3A_32 : memref<640x16xf32, #tpu.memory_space<hbm>>) target_semaphore(%run_scoped3A : memref<!tpu.dma_semaphore, #tpu.memory_space<semaphore_mem>>)
        %dma_wait3A = arith.constant 0 : i32
        %dma_wait3A_33 = tpu.memref_slice %arg8[%mul3A_0, %dma_wait3A] : memref<10240x16xf32, #tpu.memory_space<hbm>> -> memref<640x16xf32, #tpu.memory_space<hbm>>
        %dma_wait3A_34 = arith.constant 0 : i32
        %dma_wait3A_35 = tpu.memref_slice %arg8[%mul3A_0, %dma_wait3A_34] : memref<10240x16xf32, #tpu.memory_space<hbm>> -> memref<640x16xf32, #tpu.memory_space<hbm>>
        tpu.wait_dma2 semaphore(%run_scoped3A : memref<!tpu.dma_semaphore, #tpu.memory_space<semaphore_mem>>) src(%arg20 : memref<640x16xf32, #tpu.memory_space<vmem>>) dst(%dma_wait3A_35 : memref<640x16xf32, #tpu.memory_space<hbm>>)
        tpu.yield
      }) : () -> ()
    } else {
    }
    return
  }
}

#map = affine_map<(d0, d1) -> (0, 0, 0)>
#map1 = affine_map<(d0, d1) -> (0, 0)>
module attributes {stable_mosaic.version = 14 : i64} {
  func.func @_deg_body(%arg0: i32, %arg1: i32, %arg2: memref<32x80x128xi32, #tpu.memory_space<hbm>>, %arg3: memref<10240x16xf32, #tpu.memory_space<hbm>>, %arg4: memref<10240x16xf32, #tpu.memory_space<vmem_shared>>, %arg5: memref<80x128xi32, #tpu.memory_space<vmem>>, %arg6: memref<128x16xf32, #tpu.memory_space<vmem>>, %arg7: memref<640x16xf32, #tpu.memory_space<vmem>>, %arg8: memref<640x16xf32, #tpu.memory_space<vmem>>, %arg9: memref<!tpu.dma_semaphore, #tpu.memory_space<semaphore_mem>>, %arg10: memref<!tpu.semaphore, #tpu.memory_space<semaphore_mem>>) attributes {dimension_semantics = [#tpu.dimension_semantics<core_parallel>, #tpu.dimension_semantics<subcore_parallel>], iteration_bounds = array<i64: 2, 16>, scalar_prefetch = 0 : i64, scratch_operands = 7 : i64, tpu.core_type = #tpu.core_type<sc_vector_subcore>, window_params = [{transform_indices = #map}, {transform_indices = #map1}]} {
    %mul3A = arith.constant 640 : i32
    %mul3A_0 = arith.muli %arg1, %mul3A : i32
    %mul3A_1 = arith.constant 16 : i32
    %mul3A_2 = arith.muli %arg0, %mul3A_1 : i32
    %add3A = arith.addi %mul3A_2, %arg1 : i32
    "tpu.region"() ({
      %run_scoped3A = tpu.sem_alloc : memref<!tpu.dma_semaphore, #tpu.memory_space<semaphore_mem>>
      %dma_start3A = arith.constant 0 : i32
      %dma_start3A_30 = arith.constant 0 : i32
      %dma_start3A_31 = tpu.memref_slice %arg2[%add3A, %dma_start3A, %dma_start3A_30] : memref<32x80x128xi32, #tpu.memory_space<hbm>> -> memref<1x80x128xi32, #tpu.memory_space<hbm>>
      %dma_start3A_32 = tpu.memref_squeeze %dma_start3A_31 : memref<1x80x128xi32, #tpu.memory_space<hbm>> -> memref<80x128xi32, #tpu.memory_space<hbm>>
      %dma_start3A_33 = arith.constant 0 : i32
      %dma_start3A_34 = arith.constant 0 : i32
      %dma_start3A_35 = tpu.memref_slice %arg2[%add3A, %dma_start3A_33, %dma_start3A_34] : memref<32x80x128xi32, #tpu.memory_space<hbm>> -> memref<1x80x128xi32, #tpu.memory_space<hbm>>
      %dma_start3A_36 = tpu.memref_squeeze %dma_start3A_35 : memref<1x80x128xi32, #tpu.memory_space<hbm>> -> memref<80x128xi32, #tpu.memory_space<hbm>>
      tpu.enqueue_dma source(%dma_start3A_36 : memref<80x128xi32, #tpu.memory_space<hbm>>) target(%arg5 : memref<80x128xi32, #tpu.memory_space<vmem>>) target_semaphore(%run_scoped3A : memref<!tpu.dma_semaphore, #tpu.memory_space<semaphore_mem>>)
      %dma_wait3A = arith.constant 0 : i32
      %dma_wait3A_37 = arith.constant 0 : i32
      %dma_wait3A_38 = tpu.memref_slice %arg2[%add3A, %dma_wait3A, %dma_wait3A_37] : memref<32x80x128xi32, #tpu.memory_space<hbm>> -> memref<1x80x128xi32, #tpu.memory_space<hbm>>
      %dma_wait3A_39 = tpu.memref_squeeze %dma_wait3A_38 : memref<1x80x128xi32, #tpu.memory_space<hbm>> -> memref<80x128xi32, #tpu.memory_space<hbm>>
      %dma_wait3A_40 = arith.constant 0 : i32
      %dma_wait3A_41 = arith.constant 0 : i32
      %dma_wait3A_42 = tpu.memref_slice %arg2[%add3A, %dma_wait3A_40, %dma_wait3A_41] : memref<32x80x128xi32, #tpu.memory_space<hbm>> -> memref<1x80x128xi32, #tpu.memory_space<hbm>>
      %dma_wait3A_43 = tpu.memref_squeeze %dma_wait3A_42 : memref<1x80x128xi32, #tpu.memory_space<hbm>> -> memref<80x128xi32, #tpu.memory_space<hbm>>
      tpu.wait_dma2 semaphore(%run_scoped3A : memref<!tpu.dma_semaphore, #tpu.memory_space<semaphore_mem>>) src(%dma_wait3A_43 : memref<80x128xi32, #tpu.memory_space<hbm>>) dst(%arg5 : memref<80x128xi32, #tpu.memory_space<vmem>>)
      tpu.yield
    }) : () -> ()
    %broadcast_in_dim3A = arith.constant 1.000000e+00 : f32
    %broadcast_in_dim3A_3 = vector.broadcast %broadcast_in_dim3A : f32 to vector<16xf32>
    %broadcast_in_dim3A_4 = arith.constant 0.000000e+00 : f32
    %broadcast_in_dim3A_5 = vector.broadcast %broadcast_in_dim3A_4 : f32 to vector<16xf32>
    %scan3A = arith.constant 0 : i32
    %scan3A_6 = arith.constant 128 : i32
    %scan3A_7 = arith.addi %scan3A, %scan3A_6 : i32
    %scan3A_8 = arith.constant 1 : i32
    scf.for %scan3A_30 = %scan3A to %scan3A_7 step %scan3A_8  : i32 {
      %mul3A_31 = arith.constant 1 : i32
      %mul3A_32 = arith.muli %scan3A_30, %mul3A_31 : i32
      %add3A_33 = arith.constant 0 : i32
      %add3A_34 = arith.addi %add3A_33, %mul3A_32 : i32
      %swap3A = arith.index_cast %add3A_34 : i32 to index
      %swap3A_35 = arith.constant 0 : index
      %swap3A_36 = tpu.vector_load %arg6[%swap3A, %swap3A_35] {strides = array<i32>} : memref<128x16xf32, #tpu.memory_space<vmem>>, vector<1x16xf32>,
      %swap3A_37 = vector.shape_cast %swap3A_36 : vector<1x16xf32> to vector<16xf32>
      %swap3A_38 = vector.shape_cast %broadcast_in_dim3A_3 : vector<16xf32> to vector<1x16xf32>
      tpu.vector_store %arg6[%swap3A, %swap3A_35], %swap3A_38 {strides = array<i32>} : memref<128x16xf32, #tpu.memory_space<vmem>>, vector<1x16xf32>,
    }
    %scan3A_9 = arith.constant 128 : i32
    %scan3A_10 = arith.constant 0 : i32
    %scan3A_11 = arith.constant 640 : i32
    %scan3A_12 = arith.addi %scan3A_10, %scan3A_11 : i32
    %scan3A_13 = arith.constant 1 : i32
    scf.for %scan3A_30 = %scan3A_10 to %scan3A_12 step %scan3A_13  : i32 {
      %mul3A_31 = arith.constant 1 : i32
      %mul3A_32 = arith.muli %scan3A_30, %mul3A_31 : i32
      %add3A_33 = arith.constant 0 : i32
      %add3A_34 = arith.addi %add3A_33, %mul3A_32 : i32
      %swap3A = arith.index_cast %add3A_34 : i32 to index
      %swap3A_35 = arith.constant 0 : index
      %swap3A_36 = tpu.vector_load %arg7[%swap3A, %swap3A_35] {strides = array<i32>} : memref<640x16xf32, #tpu.memory_space<vmem>>, vector<1x16xf32>,
      %swap3A_37 = vector.shape_cast %swap3A_36 : vector<1x16xf32> to vector<16xf32>
      %swap3A_38 = vector.shape_cast %broadcast_in_dim3A_5 : vector<16xf32> to vector<1x16xf32>
      tpu.vector_store %arg7[%swap3A, %swap3A_35], %swap3A_38 {strides = array<i32>} : memref<640x16xf32, #tpu.memory_space<vmem>>, vector<1x16xf32>,
    }
    %scan3A_14 = arith.constant 640 : i32
    "tpu.region"() ({
      %run_scoped3A = tpu.sem_alloc : memref<!tpu.dma_semaphore, #tpu.memory_space<semaphore_mem>>
      %dma_start3A = arith.constant 0 : i32
      %dma_start3A_30 = tpu.memref_slice %arg4[%mul3A_0, %dma_start3A] : memref<10240x16xf32, #tpu.memory_space<vmem_shared>> -> memref<640x16xf32, #tpu.memory_space<vmem_shared>>
      %dma_start3A_31 = arith.constant 0 : i32
      %dma_start3A_32 = tpu.memref_slice %arg4[%mul3A_0, %dma_start3A_31] : memref<10240x16xf32, #tpu.memory_space<vmem_shared>> -> memref<640x16xf32, #tpu.memory_space<vmem_shared>>
      tpu.enqueue_dma source(%arg7 : memref<640x16xf32, #tpu.memory_space<vmem>>) target(%dma_start3A_32 : memref<640x16xf32, #tpu.memory_space<vmem_shared>>) target_semaphore(%run_scoped3A : memref<!tpu.dma_semaphore, #tpu.memory_space<semaphore_mem>>)
      %dma_wait3A = arith.constant 0 : i32
      %dma_wait3A_33 = tpu.memref_slice %arg4[%mul3A_0, %dma_wait3A] : memref<10240x16xf32, #tpu.memory_space<vmem_shared>> -> memref<640x16xf32, #tpu.memory_space<vmem_shared>>
      %dma_wait3A_34 = arith.constant 0 : i32
      %dma_wait3A_35 = tpu.memref_slice %arg4[%mul3A_0, %dma_wait3A_34] : memref<10240x16xf32, #tpu.memory_space<vmem_shared>> -> memref<640x16xf32, #tpu.memory_space<vmem_shared>>
      tpu.wait_dma2 semaphore(%run_scoped3A : memref<!tpu.dma_semaphore, #tpu.memory_space<semaphore_mem>>) src(%arg7 : memref<640x16xf32, #tpu.memory_space<vmem>>) dst(%dma_wait3A_35 : memref<640x16xf32, #tpu.memory_space<vmem_shared>>)
      tpu.yield
    }) : () -> ()
    %barrier3A = arith.constant 0 : index
    tpu.barrier barrier_id(%barrier3A)
    %scan3A_15 = arith.constant 0 : i32
    %scan3A_16 = arith.constant 20 : i32
    %scan3A_17 = arith.addi %scan3A_15, %scan3A_16 : i32
    %scan3A_18 = arith.constant 1 : i32
    scf.for %scan3A_30 = %scan3A_15 to %scan3A_17 step %scan3A_18  : i32 {
      %mul3A_31 = arith.constant 4 : i32
      %mul3A_32 = arith.muli %scan3A_30, %mul3A_31 : i32
      %add3A_33 = arith.constant 0 : i32
      %add3A_34 = arith.addi %add3A_33, %mul3A_32 : i32
      %add3A_35 = arith.constant 0 : i32
      %add3A_36 = arith.addi %add3A_34, %add3A_35 : i32
      %dma_start3A = arith.constant 0 : i32
      %dma_start3A_37 = tpu.memref_slice %arg5[%add3A_36, %dma_start3A] : memref<80x128xi32, #tpu.memory_space<vmem>> -> memref<1x128xi32, #tpu.memory_space<vmem>>
      %dma_start3A_38 = tpu.memref_squeeze %dma_start3A_37 : memref<1x128xi32, #tpu.memory_space<vmem>> -> memref<128xi32, #tpu.memory_space<vmem>>
      %dma_start3A_39 = arith.constant 0 : i32
      %dma_start3A_40 = arith.constant 0 : i32
      %dma_start3A_41 = tpu.memref_slice %arg4[%dma_start3A_39, %dma_start3A_40] : memref<10240x16xf32, #tpu.memory_space<vmem_shared>> -> memref<10240x16xf32, #tpu.memory_space<vmem_shared>>
      tpu.enqueue_indirect_dma source(%arg6 : memref<128x16xf32, #tpu.memory_space<vmem>>) target(%dma_start3A_41 : memref<10240x16xf32, #tpu.memory_space<vmem_shared>>) offsets(%dma_start3A_38 : memref<128xi32, #tpu.memory_space<vmem>>) semaphore(%arg9 : memref<!tpu.dma_semaphore, #tpu.memory_space<semaphore_mem>>) {add = true}
      %add3A_42 = arith.constant 1 : i32
      %add3A_43 = arith.addi %add3A_34, %add3A_42 : i32
      %dma_start3A_44 = arith.constant 0 : i32
      %dma_start3A_45 = tpu.memref_slice %arg5[%add3A_43, %dma_start3A_44] : memref<80x128xi32, #tpu.memory_space<vmem>> -> memref<1x128xi32, #tpu.memory_space<vmem>>
      %dma_start3A_46 = tpu.memref_squeeze %dma_start3A_45 : memref<1x128xi32, #tpu.memory_space<vmem>> -> memref<128xi32, #tpu.memory_space<vmem>>
      %dma_start3A_47 = arith.constant 0 : i32
      %dma_start3A_48 = arith.constant 0 : i32
      %dma_start3A_49 = tpu.memref_slice %arg4[%dma_start3A_47, %dma_start3A_48] : memref<10240x16xf32, #tpu.memory_space<vmem_shared>> -> memref<10240x16xf32, #tpu.memory_space<vmem_shared>>
      tpu.enqueue_indirect_dma source(%arg6 : memref<128x16xf32, #tpu.memory_space<vmem>>) target(%dma_start3A_49 : memref<10240x16xf32, #tpu.memory_space<vmem_shared>>) offsets(%dma_start3A_46 : memref<128xi32, #tpu.memory_space<vmem>>) semaphore(%arg9 : memref<!tpu.dma_semaphore, #tpu.memory_space<semaphore_mem>>) {add = true}
      %add3A_50 = arith.constant 2 : i32
      %add3A_51 = arith.addi %add3A_34, %add3A_50 : i32
      %dma_start3A_52 = arith.constant 0 : i32
      %dma_start3A_53 = tpu.memref_slice %arg5[%add3A_51, %dma_start3A_52] : memref<80x128xi32, #tpu.memory_space<vmem>> -> memref<1x128xi32, #tpu.memory_space<vmem>>
      %dma_start3A_54 = tpu.memref_squeeze %dma_start3A_53 : memref<1x128xi32, #tpu.memory_space<vmem>> -> memref<128xi32, #tpu.memory_space<vmem>>
      %dma_start3A_55 = arith.constant 0 : i32
      %dma_start3A_56 = arith.constant 0 : i32
      %dma_start3A_57 = tpu.memref_slice %arg4[%dma_start3A_55, %dma_start3A_56] : memref<10240x16xf32, #tpu.memory_space<vmem_shared>> -> memref<10240x16xf32, #tpu.memory_space<vmem_shared>>
      tpu.enqueue_indirect_dma source(%arg6 : memref<128x16xf32, #tpu.memory_space<vmem>>) target(%dma_start3A_57 : memref<10240x16xf32, #tpu.memory_space<vmem_shared>>) offsets(%dma_start3A_54 : memref<128xi32, #tpu.memory_space<vmem>>) semaphore(%arg9 : memref<!tpu.dma_semaphore, #tpu.memory_space<semaphore_mem>>) {add = true}
      %add3A_58 = arith.constant 3 : i32
      %add3A_59 = arith.addi %add3A_34, %add3A_58 : i32
      %dma_start3A_60 = arith.constant 0 : i32
      %dma_start3A_61 = tpu.memref_slice %arg5[%add3A_59, %dma_start3A_60] : memref<80x128xi32, #tpu.memory_space<vmem>> -> memref<1x128xi32, #tpu.memory_space<vmem>>
      %dma_start3A_62 = tpu.memref_squeeze %dma_start3A_61 : memref<1x128xi32, #tpu.memory_space<vmem>> -> memref<128xi32, #tpu.memory_space<vmem>>
      %dma_start3A_63 = arith.constant 0 : i32
      %dma_start3A_64 = arith.constant 0 : i32
      %dma_start3A_65 = tpu.memref_slice %arg4[%dma_start3A_63, %dma_start3A_64] : memref<10240x16xf32, #tpu.memory_space<vmem_shared>> -> memref<10240x16xf32, #tpu.memory_space<vmem_shared>>
      tpu.enqueue_indirect_dma source(%arg6 : memref<128x16xf32, #tpu.memory_space<vmem>>) target(%dma_start3A_65 : memref<10240x16xf32, #tpu.memory_space<vmem_shared>>) offsets(%dma_start3A_62 : memref<128xi32, #tpu.memory_space<vmem>>) semaphore(%arg9 : memref<!tpu.dma_semaphore, #tpu.memory_space<semaphore_mem>>) {add = true}
      %add3A_66 = arith.constant 0 : i32
      %add3A_67 = arith.addi %add3A_34, %add3A_66 : i32
      %dma_wait3A = arith.constant 0 : i32
      %dma_wait3A_68 = tpu.memref_slice %arg5[%add3A_67, %dma_wait3A] : memref<80x128xi32, #tpu.memory_space<vmem>> -> memref<1x128xi32, #tpu.memory_space<vmem>>
      %dma_wait3A_69 = tpu.memref_squeeze %dma_wait3A_68 : memref<1x128xi32, #tpu.memory_space<vmem>> -> memref<128xi32, #tpu.memory_space<vmem>>
      %dma_wait3A_70 = arith.constant 0 : i32
      %dma_wait3A_71 = arith.constant 0 : i32
      %dma_wait3A_72 = tpu.memref_slice %arg4[%dma_wait3A_70, %dma_wait3A_71] : memref<10240x16xf32, #tpu.memory_space<vmem_shared>> -> memref<10240x16xf32, #tpu.memory_space<vmem_shared>>
      tpu.wait_indirect_dma semaphore(%arg9 : memref<!tpu.dma_semaphore, #tpu.memory_space<semaphore_mem>>) src(%arg6 : memref<128x16xf32, #tpu.memory_space<vmem>>) dst(%dma_wait3A_72 : memref<10240x16xf32, #tpu.memory_space<vmem_shared>>)
      %add3A_73 = arith.constant 1 : i32
      %add3A_74 = arith.addi %add3A_34, %add3A_73 : i32
      %dma_wait3A_75 = arith.constant 0 : i32
      %dma_wait3A_76 = tpu.memref_slice %arg5[%add3A_74, %dma_wait3A_75] : memref<80x128xi32, #tpu.memory_space<vmem>> -> memref<1x128xi32, #tpu.memory_space<vmem>>
      %dma_wait3A_77 = tpu.memref_squeeze %dma_wait3A_76 : memref<1x128xi32, #tpu.memory_space<vmem>> -> memref<128xi32, #tpu.memory_space<vmem>>
      %dma_wait3A_78 = arith.constant 0 : i32
      %dma_wait3A_79 = arith.constant 0 : i32
      %dma_wait3A_80 = tpu.memref_slice %arg4[%dma_wait3A_78, %dma_wait3A_79] : memref<10240x16xf32, #tpu.memory_space<vmem_shared>> -> memref<10240x16xf32, #tpu.memory_space<vmem_shared>>
      tpu.wait_indirect_dma semaphore(%arg9 : memref<!tpu.dma_semaphore, #tpu.memory_space<semaphore_mem>>) src(%arg6 : memref<128x16xf32, #tpu.memory_space<vmem>>) dst(%dma_wait3A_80 : memref<10240x16xf32, #tpu.memory_space<vmem_shared>>)
      %add3A_81 = arith.constant 2 : i32
      %add3A_82 = arith.addi %add3A_34, %add3A_81 : i32
      %dma_wait3A_83 = arith.constant 0 : i32
      %dma_wait3A_84 = tpu.memref_slice %arg5[%add3A_82, %dma_wait3A_83] : memref<80x128xi32, #tpu.memory_space<vmem>> -> memref<1x128xi32, #tpu.memory_space<vmem>>
      %dma_wait3A_85 = tpu.memref_squeeze %dma_wait3A_84 : memref<1x128xi32, #tpu.memory_space<vmem>> -> memref<128xi32, #tpu.memory_space<vmem>>
      %dma_wait3A_86 = arith.constant 0 : i32
      %dma_wait3A_87 = arith.constant 0 : i32
      %dma_wait3A_88 = tpu.memref_slice %arg4[%dma_wait3A_86, %dma_wait3A_87] : memref<10240x16xf32, #tpu.memory_space<vmem_shared>> -> memref<10240x16xf32, #tpu.memory_space<vmem_shared>>
      tpu.wait_indirect_dma semaphore(%arg9 : memref<!tpu.dma_semaphore, #tpu.memory_space<semaphore_mem>>) src(%arg6 : memref<128x16xf32, #tpu.memory_space<vmem>>) dst(%dma_wait3A_88 : memref<10240x16xf32, #tpu.memory_space<vmem_shared>>)
      %add3A_89 = arith.constant 3 : i32
      %add3A_90 = arith.addi %add3A_34, %add3A_89 : i32
      %dma_wait3A_91 = arith.constant 0 : i32
      %dma_wait3A_92 = tpu.memref_slice %arg5[%add3A_90, %dma_wait3A_91] : memref<80x128xi32, #tpu.memory_space<vmem>> -> memref<1x128xi32, #tpu.memory_space<vmem>>
      %dma_wait3A_93 = tpu.memref_squeeze %dma_wait3A_92 : memref<1x128xi32, #tpu.memory_space<vmem>> -> memref<128xi32, #tpu.memory_space<vmem>>
      %dma_wait3A_94 = arith.constant 0 : i32
      %dma_wait3A_95 = arith.constant 0 : i32
      %dma_wait3A_96 = tpu.memref_slice %arg4[%dma_wait3A_94, %dma_wait3A_95] : memref<10240x16xf32, #tpu.memory_space<vmem_shared>> -> memref<10240x16xf32, #tpu.memory_space<vmem_shared>>
      tpu.wait_indirect_dma semaphore(%arg9 : memref<!tpu.dma_semaphore, #tpu.memory_space<semaphore_mem>>) src(%arg6 : memref<128x16xf32, #tpu.memory_space<vmem>>) dst(%dma_wait3A_96 : memref<10240x16xf32, #tpu.memory_space<vmem_shared>>)
    }
    %scan3A_19 = arith.constant 20 : i32
    %barrier3A_20 = arith.constant 0 : index
    tpu.barrier barrier_id(%barrier3A_20)
    %eq3A = arith.constant 1 : i32
    %eq3A_21 = arith.cmpi eq, %arg0, %eq3A : i32
    %convert_element_type3A = arith.extui %eq3A_21 : i1 to i32
    %cond3A = arith.constant 0 : i32
    %cond3A_22 = arith.cmpi ne, %convert_element_type3A, %cond3A : i32
    scf.if %cond3A_22 {
      "tpu.region"() ({
        %run_scoped3A = tpu.sem_alloc : memref<!tpu.dma_semaphore, #tpu.memory_space<semaphore_mem>>
        %dma_start3A = arith.constant 0 : i32
        %dma_start3A_30 = tpu.memref_slice %arg3[%mul3A_0, %dma_start3A] : memref<10240x16xf32, #tpu.memory_space<hbm>> -> memref<640x16xf32, #tpu.memory_space<hbm>>
        %dma_start3A_31 = arith.constant 0 : i32
        %dma_start3A_32 = tpu.memref_slice %arg4[%mul3A_0, %dma_start3A_31] : memref<10240x16xf32, #tpu.memory_space<vmem_shared>> -> memref<640x16xf32, #tpu.memory_space<vmem_shared>>
        tpu.enqueue_dma source(%dma_start3A_32 : memref<640x16xf32, #tpu.memory_space<vmem_shared>>) target(%dma_start3A_30 : memref<640x16xf32, #tpu.memory_space<hbm>>) target_semaphore(%run_scoped3A : memref<!tpu.dma_semaphore, #tpu.memory_space<semaphore_mem>>)
        %dma_wait3A = arith.constant 0 : i32
        %dma_wait3A_33 = tpu.memref_slice %arg3[%mul3A_0, %dma_wait3A] : memref<10240x16xf32, #tpu.memory_space<hbm>> -> memref<640x16xf32, #tpu.memory_space<hbm>>
        %dma_wait3A_34 = arith.constant 0 : i32
        %dma_wait3A_35 = tpu.memref_slice %arg4[%mul3A_0, %dma_wait3A_34] : memref<10240x16xf32, #tpu.memory_space<vmem_shared>> -> memref<640x16xf32, #tpu.memory_space<vmem_shared>>
        tpu.wait_dma2 semaphore(%run_scoped3A : memref<!tpu.dma_semaphore, #tpu.memory_space<semaphore_mem>>) src(%dma_wait3A_35 : memref<640x16xf32, #tpu.memory_space<vmem_shared>>) dst(%dma_wait3A_33 : memref<640x16xf32, #tpu.memory_space<hbm>>)
        tpu.yield
      }) : () -> ()
    } else {
    }
    %sub3A = arith.constant 1 : i32
    %sub3A_23 = arith.subi %sub3A, %arg0 : i32
    %semaphore_signal3A = arith.constant 1 : i32
    tpu.sem_signal %arg10, %semaphore_signal3A core_id %sub3A_23 : memref<!tpu.semaphore, #tpu.memory_space<semaphore_mem>>
    %semaphore_wait3A = arith.constant 1 : i32
    %semaphore_wait3A_24 = arith.constant true
    tpu.sem_wait %arg10, %semaphore_wait3A : memref<!tpu.semaphore, #tpu.memory_space<semaphore_mem>>
    %eq3A_25 = arith.constant 0 : i32
    %eq3A_26 = arith.cmpi eq, %arg0, %eq3A_25 : i32
    %convert_element_type3A_27 = arith.extui %eq3A_26 : i1 to i32
    %cond3A_28 = arith.constant 0 : i32
    %cond3A_29 = arith.cmpi ne, %convert_element_type3A_27, %cond3A_28 : i32
    scf.if %cond3A_29 {
      "tpu.region"() ({
        %run_scoped3A = tpu.sem_alloc : memref<!tpu.dma_semaphore, #tpu.memory_space<semaphore_mem>>
        %dma_start3A = arith.constant 0 : i32
        %dma_start3A_35 = tpu.memref_slice %arg3[%mul3A_0, %dma_start3A] : memref<10240x16xf32, #tpu.memory_space<hbm>> -> memref<640x16xf32, #tpu.memory_space<hbm>>
        %dma_start3A_36 = arith.constant 0 : i32
        %dma_start3A_37 = tpu.memref_slice %arg3[%mul3A_0, %dma_start3A_36] : memref<10240x16xf32, #tpu.memory_space<hbm>> -> memref<640x16xf32, #tpu.memory_space<hbm>>
        tpu.enqueue_dma source(%dma_start3A_37 : memref<640x16xf32, #tpu.memory_space<hbm>>) target(%arg8 : memref<640x16xf32, #tpu.memory_space<vmem>>) target_semaphore(%run_scoped3A : memref<!tpu.dma_semaphore, #tpu.memory_space<semaphore_mem>>)
        %dma_wait3A = arith.constant 0 : i32
        %dma_wait3A_38 = tpu.memref_slice %arg3[%mul3A_0, %dma_wait3A] : memref<10240x16xf32, #tpu.memory_space<hbm>> -> memref<640x16xf32, #tpu.memory_space<hbm>>
        %dma_wait3A_39 = arith.constant 0 : i32
        %dma_wait3A_40 = tpu.memref_slice %arg3[%mul3A_0, %dma_wait3A_39] : memref<10240x16xf32, #tpu.memory_space<hbm>> -> memref<640x16xf32, #tpu.memory_space<hbm>>
        tpu.wait_dma2 semaphore(%run_scoped3A : memref<!tpu.dma_semaphore, #tpu.memory_space<semaphore_mem>>) src(%dma_wait3A_40 : memref<640x16xf32, #tpu.memory_space<hbm>>) dst(%arg8 : memref<640x16xf32, #tpu.memory_space<vmem>>)
        tpu.yield
      }) : () -> ()
      "tpu.region"() ({
        %run_scoped3A = tpu.sem_alloc : memref<!tpu.dma_semaphore, #tpu.memory_space<semaphore_mem>>
        %dma_start3A = arith.constant 0 : i32
        %dma_start3A_35 = tpu.memref_slice %arg4[%mul3A_0, %dma_start3A] : memref<10240x16xf32, #tpu.memory_space<vmem_shared>> -> memref<640x16xf32, #tpu.memory_space<vmem_shared>>
        %dma_start3A_36 = arith.constant 0 : i32
        %dma_start3A_37 = tpu.memref_slice %arg4[%mul3A_0, %dma_start3A_36] : memref<10240x16xf32, #tpu.memory_space<vmem_shared>> -> memref<640x16xf32, #tpu.memory_space<vmem_shared>>
        tpu.enqueue_dma source(%dma_start3A_37 : memref<640x16xf32, #tpu.memory_space<vmem_shared>>) target(%arg7 : memref<640x16xf32, #tpu.memory_space<vmem>>) target_semaphore(%run_scoped3A : memref<!tpu.dma_semaphore, #tpu.memory_space<semaphore_mem>>)
        %dma_wait3A = arith.constant 0 : i32
        %dma_wait3A_38 = tpu.memref_slice %arg4[%mul3A_0, %dma_wait3A] : memref<10240x16xf32, #tpu.memory_space<vmem_shared>> -> memref<640x16xf32, #tpu.memory_space<vmem_shared>>
        %dma_wait3A_39 = arith.constant 0 : i32
        %dma_wait3A_40 = tpu.memref_slice %arg4[%mul3A_0, %dma_wait3A_39] : memref<10240x16xf32, #tpu.memory_space<vmem_shared>> -> memref<640x16xf32, #tpu.memory_space<vmem_shared>>
        tpu.wait_dma2 semaphore(%run_scoped3A : memref<!tpu.dma_semaphore, #tpu.memory_space<semaphore_mem>>) src(%dma_wait3A_40 : memref<640x16xf32, #tpu.memory_space<vmem_shared>>) dst(%arg7 : memref<640x16xf32, #tpu.memory_space<vmem>>)
        tpu.yield
      }) : () -> ()
      %scan3A_30 = arith.constant 0 : i32
      %scan3A_31 = arith.constant 640 : i32
      %scan3A_32 = arith.addi %scan3A_30, %scan3A_31 : i32
      %scan3A_33 = arith.constant 1 : i32
      scf.for %scan3A_35 = %scan3A_30 to %scan3A_32 step %scan3A_33  : i32 {
        %mul3A_36 = arith.constant 1 : i32
        %mul3A_37 = arith.muli %scan3A_35, %mul3A_36 : i32
        %add3A_38 = arith.constant 0 : i32
        %add3A_39 = arith.addi %add3A_38, %mul3A_37 : i32
        %get3A = arith.index_cast %add3A_39 : i32 to index
        %get3A_40 = arith.constant 0 : index
        %get3A_41 = tpu.vector_load %arg7[%get3A, %get3A_40] {strides = array<i32>} : memref<640x16xf32, #tpu.memory_space<vmem>>, vector<1x16xf32>,
        %get3A_42 = vector.shape_cast %get3A_41 : vector<1x16xf32> to vector<16xf32>
        %get3A_43 = arith.index_cast %add3A_39 : i32 to index
        %get3A_44 = arith.constant 0 : index
        %get3A_45 = tpu.vector_load %arg8[%get3A_43, %get3A_44] {strides = array<i32>} : memref<640x16xf32, #tpu.memory_space<vmem>>, vector<1x16xf32>,
        %get3A_46 = vector.shape_cast %get3A_45 : vector<1x16xf32> to vector<16xf32>
        %add3A_47 = arith.addf %get3A_42, %get3A_46 : vector<16xf32>
        %swap3A = arith.index_cast %add3A_39 : i32 to index
        %swap3A_48 = arith.constant 0 : index
        %swap3A_49 = tpu.vector_load %arg7[%swap3A, %swap3A_48] {strides = array<i32>} : memref<640x16xf32, #tpu.memory_space<vmem>>, vector<1x16xf32>,
        %swap3A_50 = vector.shape_cast %swap3A_49 : vector<1x16xf32> to vector<16xf32>
        %swap3A_51 = vector.shape_cast %add3A_47 : vector<16xf32> to vector<1x16xf32>
        tpu.vector_store %arg7[%swap3A, %swap3A_48], %swap3A_51 {strides = array<i32>} : memref<640x16xf32, #tpu.memory_space<vmem>>, vector<1x16xf32>,
      }
      %scan3A_34 = arith.constant 640 : i32
      "tpu.region"() ({
        %run_scoped3A = tpu.sem_alloc : memref<!tpu.dma_semaphore, #tpu.memory_space<semaphore_mem>>
        %dma_start3A = arith.constant 0 : i32
        %dma_start3A_35 = tpu.memref_slice %arg3[%mul3A_0, %dma_start3A] : memref<10240x16xf32, #tpu.memory_space<hbm>> -> memref<640x16xf32, #tpu.memory_space<hbm>>
        %dma_start3A_36 = arith.constant 0 : i32
        %dma_start3A_37 = tpu.memref_slice %arg3[%mul3A_0, %dma_start3A_36] : memref<10240x16xf32, #tpu.memory_space<hbm>> -> memref<640x16xf32, #tpu.memory_space<hbm>>
        tpu.enqueue_dma source(%arg7 : memref<640x16xf32, #tpu.memory_space<vmem>>) target(%dma_start3A_37 : memref<640x16xf32, #tpu.memory_space<hbm>>) target_semaphore(%run_scoped3A : memref<!tpu.dma_semaphore, #tpu.memory_space<semaphore_mem>>)
        %dma_wait3A = arith.constant 0 : i32
        %dma_wait3A_38 = tpu.memref_slice %arg3[%mul3A_0, %dma_wait3A] : memref<10240x16xf32, #tpu.memory_space<hbm>> -> memref<640x16xf32, #tpu.memory_space<hbm>>
        %dma_wait3A_39 = arith.constant 0 : i32
        %dma_wait3A_40 = tpu.memref_slice %arg3[%mul3A_0, %dma_wait3A_39] : memref<10240x16xf32, #tpu.memory_space<hbm>> -> memref<640x16xf32, #tpu.memory_space<hbm>>
        tpu.wait_dma2 semaphore(%run_scoped3A : memref<!tpu.dma_semaphore, #tpu.memory_space<semaphore_mem>>) src(%arg7 : memref<640x16xf32, #tpu.memory_space<vmem>>) dst(%dma_wait3A_40 : memref<640x16xf32, #tpu.memory_space<hbm>>)
        tpu.yield
      }) : () -> ()
    } else {
    }
    return
  }
}

#map = affine_map<(d0, d1) -> (0, 0, 0)>
#map1 = affine_map<(d0, d1) -> (0, 0)>
module attributes {stable_mosaic.version = 14 : i64} {
  func.func @_diff_body(%arg0: i32, %arg1: i32, %arg2: memref<32x80x128xi32, #tpu.memory_space<hbm>>, %arg3: memref<32x80x128xi32, #tpu.memory_space<hbm>>, %arg4: memref<10240x16xf32, #tpu.memory_space<hbm>>, %arg5: memref<10240x16xf32, #tpu.memory_space<hbm>>, %arg6: memref<10240x16xf32, #tpu.memory_space<hbm>>, %arg7: memref<10240x16xf32, #tpu.memory_space<hbm>>, %arg8: memref<10240x16xf32, #tpu.memory_space<hbm>>, %arg9: memref<10240x16xf32, #tpu.memory_space<hbm>>, %arg10: memref<10240x16xf32, #tpu.memory_space<hbm>>, %arg11: memref<10240x16xf32, #tpu.memory_space<hbm>>, %arg12: memref<10240x16xf32, #tpu.memory_space<hbm>>, %arg13: memref<10240x16xf32, #tpu.memory_space<vmem_shared>>, %arg14: memref<80x128xi32, #tpu.memory_space<vmem>>, %arg15: memref<80x128xi32, #tpu.memory_space<vmem>>, %arg16: memref<128x16xf32, #tpu.memory_space<vmem>>, %arg17: memref<128x16xf32, #tpu.memory_space<vmem>>, %arg18: memref<128x16xf32, #tpu.memory_space<vmem>>, %arg19: memref<128x16xf32, #tpu.memory_space<vmem>>, %arg20: memref<640x16xf32, #tpu.memory_space<vmem>>, %arg21: memref<640x16xf32, #tpu.memory_space<vmem>>, %arg22: memref<640x16xf32, #tpu.memory_space<vmem>>, %arg23: memref<640x16xf32, #tpu.memory_space<vmem>>, %arg24: memref<640x16xf32, #tpu.memory_space<vmem>>, %arg25: memref<640x16xf32, #tpu.memory_space<vmem>>, %arg26: memref<!tpu.dma_semaphore, #tpu.memory_space<semaphore_mem>>, %arg27: memref<!tpu.dma_semaphore, #tpu.memory_space<semaphore_mem>>, %arg28: memref<!tpu.dma_semaphore, #tpu.memory_space<semaphore_mem>>, %arg29: memref<!tpu.dma_semaphore, #tpu.memory_space<semaphore_mem>>, %arg30: memref<!tpu.dma_semaphore, #tpu.memory_space<semaphore_mem>>, %arg31: memref<!tpu.dma_semaphore, #tpu.memory_space<semaphore_mem>>, %arg32: memref<!tpu.dma_semaphore, #tpu.memory_space<semaphore_mem>>, %arg33: memref<!tpu.dma_semaphore, #tpu.memory_space<semaphore_mem>>, %arg34: memref<!tpu.semaphore, #tpu.memory_space<semaphore_mem>>) attributes {dimension_semantics = [#tpu.dimension_semantics<core_parallel>, #tpu.dimension_semantics<subcore_parallel>], iteration_bounds = array<i64: 2, 16>, scalar_prefetch = 0 : i64, scratch_operands = 22 : i64, tpu.core_type = #tpu.core_type<sc_vector_subcore>, window_params = [{transform_indices = #map}, {transform_indices = #map}, {transform_indices = #map1}, {transform_indices = #map1}, {transform_indices = #map1}, {transform_indices = #map1}, {transform_indices = #map1}, {transform_indices = #map1}, {transform_indices = #map1}, {transform_indices = #map1}, {transform_indices = #map1}]} {
    %mul3A = arith.constant 640 : i32
    %mul3A_0 = arith.muli %arg1, %mul3A : i32
    %mul3A_1 = arith.constant 16 : i32
    %mul3A_2 = arith.muli %arg0, %mul3A_1 : i32
    %add3A = arith.addi %mul3A_2, %arg1 : i32
    "tpu.region"() ({
      %run_scoped3A = tpu.sem_alloc : memref<!tpu.dma_semaphore, #tpu.memory_space<semaphore_mem>>
      %dma_start3A = arith.constant 0 : i32
      %dma_start3A_25 = arith.constant 0 : i32
      %dma_start3A_26 = tpu.memref_slice %arg2[%add3A, %dma_start3A, %dma_start3A_25] : memref<32x80x128xi32, #tpu.memory_space<hbm>> -> memref<1x80x128xi32, #tpu.memory_space<hbm>>
      %dma_start3A_27 = tpu.memref_squeeze %dma_start3A_26 : memref<1x80x128xi32, #tpu.memory_space<hbm>> -> memref<80x128xi32, #tpu.memory_space<hbm>>
      %dma_start3A_28 = arith.constant 0 : i32
      %dma_start3A_29 = arith.constant 0 : i32
      %dma_start3A_30 = tpu.memref_slice %arg2[%add3A, %dma_start3A_28, %dma_start3A_29] : memref<32x80x128xi32, #tpu.memory_space<hbm>> -> memref<1x80x128xi32, #tpu.memory_space<hbm>>
      %dma_start3A_31 = tpu.memref_squeeze %dma_start3A_30 : memref<1x80x128xi32, #tpu.memory_space<hbm>> -> memref<80x128xi32, #tpu.memory_space<hbm>>
      tpu.enqueue_dma source(%dma_start3A_31 : memref<80x128xi32, #tpu.memory_space<hbm>>) target(%arg14 : memref<80x128xi32, #tpu.memory_space<vmem>>) target_semaphore(%run_scoped3A : memref<!tpu.dma_semaphore, #tpu.memory_space<semaphore_mem>>)
      %dma_wait3A = arith.constant 0 : i32
      %dma_wait3A_32 = arith.constant 0 : i32
      %dma_wait3A_33 = tpu.memref_slice %arg2[%add3A, %dma_wait3A, %dma_wait3A_32] : memref<32x80x128xi32, #tpu.memory_space<hbm>> -> memref<1x80x128xi32, #tpu.memory_space<hbm>>
      %dma_wait3A_34 = tpu.memref_squeeze %dma_wait3A_33 : memref<1x80x128xi32, #tpu.memory_space<hbm>> -> memref<80x128xi32, #tpu.memory_space<hbm>>
      %dma_wait3A_35 = arith.constant 0 : i32
      %dma_wait3A_36 = arith.constant 0 : i32
      %dma_wait3A_37 = tpu.memref_slice %arg2[%add3A, %dma_wait3A_35, %dma_wait3A_36] : memref<32x80x128xi32, #tpu.memory_space<hbm>> -> memref<1x80x128xi32, #tpu.memory_space<hbm>>
      %dma_wait3A_38 = tpu.memref_squeeze %dma_wait3A_37 : memref<1x80x128xi32, #tpu.memory_space<hbm>> -> memref<80x128xi32, #tpu.memory_space<hbm>>
      tpu.wait_dma2 semaphore(%run_scoped3A : memref<!tpu.dma_semaphore, #tpu.memory_space<semaphore_mem>>) src(%dma_wait3A_38 : memref<80x128xi32, #tpu.memory_space<hbm>>) dst(%arg14 : memref<80x128xi32, #tpu.memory_space<vmem>>)
      tpu.yield
    }) : () -> ()
    "tpu.region"() ({
      %run_scoped3A = tpu.sem_alloc : memref<!tpu.dma_semaphore, #tpu.memory_space<semaphore_mem>>
      %dma_start3A = arith.constant 0 : i32
      %dma_start3A_25 = arith.constant 0 : i32
      %dma_start3A_26 = tpu.memref_slice %arg3[%add3A, %dma_start3A, %dma_start3A_25] : memref<32x80x128xi32, #tpu.memory_space<hbm>> -> memref<1x80x128xi32, #tpu.memory_space<hbm>>
      %dma_start3A_27 = tpu.memref_squeeze %dma_start3A_26 : memref<1x80x128xi32, #tpu.memory_space<hbm>> -> memref<80x128xi32, #tpu.memory_space<hbm>>
      %dma_start3A_28 = arith.constant 0 : i32
      %dma_start3A_29 = arith.constant 0 : i32
      %dma_start3A_30 = tpu.memref_slice %arg3[%add3A, %dma_start3A_28, %dma_start3A_29] : memref<32x80x128xi32, #tpu.memory_space<hbm>> -> memref<1x80x128xi32, #tpu.memory_space<hbm>>
      %dma_start3A_31 = tpu.memref_squeeze %dma_start3A_30 : memref<1x80x128xi32, #tpu.memory_space<hbm>> -> memref<80x128xi32, #tpu.memory_space<hbm>>
      tpu.enqueue_dma source(%dma_start3A_31 : memref<80x128xi32, #tpu.memory_space<hbm>>) target(%arg15 : memref<80x128xi32, #tpu.memory_space<vmem>>) target_semaphore(%run_scoped3A : memref<!tpu.dma_semaphore, #tpu.memory_space<semaphore_mem>>)
      %dma_wait3A = arith.constant 0 : i32
      %dma_wait3A_32 = arith.constant 0 : i32
      %dma_wait3A_33 = tpu.memref_slice %arg3[%add3A, %dma_wait3A, %dma_wait3A_32] : memref<32x80x128xi32, #tpu.memory_space<hbm>> -> memref<1x80x128xi32, #tpu.memory_space<hbm>>
      %dma_wait3A_34 = tpu.memref_squeeze %dma_wait3A_33 : memref<1x80x128xi32, #tpu.memory_space<hbm>> -> memref<80x128xi32, #tpu.memory_space<hbm>>
      %dma_wait3A_35 = arith.constant 0 : i32
      %dma_wait3A_36 = arith.constant 0 : i32
      %dma_wait3A_37 = tpu.memref_slice %arg3[%add3A, %dma_wait3A_35, %dma_wait3A_36] : memref<32x80x128xi32, #tpu.memory_space<hbm>> -> memref<1x80x128xi32, #tpu.memory_space<hbm>>
      %dma_wait3A_38 = tpu.memref_squeeze %dma_wait3A_37 : memref<1x80x128xi32, #tpu.memory_space<hbm>> -> memref<80x128xi32, #tpu.memory_space<hbm>>
      tpu.wait_dma2 semaphore(%run_scoped3A : memref<!tpu.dma_semaphore, #tpu.memory_space<semaphore_mem>>) src(%dma_wait3A_38 : memref<80x128xi32, #tpu.memory_space<hbm>>) dst(%arg15 : memref<80x128xi32, #tpu.memory_space<vmem>>)
      tpu.yield
    }) : () -> ()
    "tpu.region"() ({
      %run_scoped3A = tpu.sem_alloc : memref<!tpu.dma_semaphore, #tpu.memory_space<semaphore_mem>>
      %dma_start3A = arith.constant 0 : i32
      %dma_start3A_25 = tpu.memref_slice %arg4[%mul3A_0, %dma_start3A] : memref<10240x16xf32, #tpu.memory_space<hbm>> -> memref<640x16xf32, #tpu.memory_space<hbm>>
      %dma_start3A_26 = arith.constant 0 : i32
      %dma_start3A_27 = tpu.memref_slice %arg4[%mul3A_0, %dma_start3A_26] : memref<10240x16xf32, #tpu.memory_space<hbm>> -> memref<640x16xf32, #tpu.memory_space<hbm>>
      tpu.enqueue_dma source(%dma_start3A_27 : memref<640x16xf32, #tpu.memory_space<hbm>>) target(%arg20 : memref<640x16xf32, #tpu.memory_space<vmem>>) target_semaphore(%run_scoped3A : memref<!tpu.dma_semaphore, #tpu.memory_space<semaphore_mem>>)
      %dma_wait3A = arith.constant 0 : i32
      %dma_wait3A_28 = tpu.memref_slice %arg4[%mul3A_0, %dma_wait3A] : memref<10240x16xf32, #tpu.memory_space<hbm>> -> memref<640x16xf32, #tpu.memory_space<hbm>>
      %dma_wait3A_29 = arith.constant 0 : i32
      %dma_wait3A_30 = tpu.memref_slice %arg4[%mul3A_0, %dma_wait3A_29] : memref<10240x16xf32, #tpu.memory_space<hbm>> -> memref<640x16xf32, #tpu.memory_space<hbm>>
      tpu.wait_dma2 semaphore(%run_scoped3A : memref<!tpu.dma_semaphore, #tpu.memory_space<semaphore_mem>>) src(%dma_wait3A_30 : memref<640x16xf32, #tpu.memory_space<hbm>>) dst(%arg20 : memref<640x16xf32, #tpu.memory_space<vmem>>)
      tpu.yield
    }) : () -> ()
    "tpu.region"() ({
      %run_scoped3A = tpu.sem_alloc : memref<!tpu.dma_semaphore, #tpu.memory_space<semaphore_mem>>
      %dma_start3A = arith.constant 0 : i32
      %dma_start3A_25 = tpu.memref_slice %arg5[%mul3A_0, %dma_start3A] : memref<10240x16xf32, #tpu.memory_space<hbm>> -> memref<640x16xf32, #tpu.memory_space<hbm>>
      %dma_start3A_26 = arith.constant 0 : i32
      %dma_start3A_27 = tpu.memref_slice %arg5[%mul3A_0, %dma_start3A_26] : memref<10240x16xf32, #tpu.memory_space<hbm>> -> memref<640x16xf32, #tpu.memory_space<hbm>>
      tpu.enqueue_dma source(%dma_start3A_27 : memref<640x16xf32, #tpu.memory_space<hbm>>) target(%arg21 : memref<640x16xf32, #tpu.memory_space<vmem>>) target_semaphore(%run_scoped3A : memref<!tpu.dma_semaphore, #tpu.memory_space<semaphore_mem>>)
      %dma_wait3A = arith.constant 0 : i32
      %dma_wait3A_28 = tpu.memref_slice %arg5[%mul3A_0, %dma_wait3A] : memref<10240x16xf32, #tpu.memory_space<hbm>> -> memref<640x16xf32, #tpu.memory_space<hbm>>
      %dma_wait3A_29 = arith.constant 0 : i32
      %dma_wait3A_30 = tpu.memref_slice %arg5[%mul3A_0, %dma_wait3A_29] : memref<10240x16xf32, #tpu.memory_space<hbm>> -> memref<640x16xf32, #tpu.memory_space<hbm>>
      tpu.wait_dma2 semaphore(%run_scoped3A : memref<!tpu.dma_semaphore, #tpu.memory_space<semaphore_mem>>) src(%dma_wait3A_30 : memref<640x16xf32, #tpu.memory_space<hbm>>) dst(%arg21 : memref<640x16xf32, #tpu.memory_space<vmem>>)
      tpu.yield
    }) : () -> ()
    "tpu.region"() ({
      %run_scoped3A = tpu.sem_alloc : memref<!tpu.dma_semaphore, #tpu.memory_space<semaphore_mem>>
      %dma_start3A = arith.constant 0 : i32
      %dma_start3A_25 = tpu.memref_slice %arg6[%mul3A_0, %dma_start3A] : memref<10240x16xf32, #tpu.memory_space<hbm>> -> memref<640x16xf32, #tpu.memory_space<hbm>>
      %dma_start3A_26 = arith.constant 0 : i32
      %dma_start3A_27 = tpu.memref_slice %arg6[%mul3A_0, %dma_start3A_26] : memref<10240x16xf32, #tpu.memory_space<hbm>> -> memref<640x16xf32, #tpu.memory_space<hbm>>
      tpu.enqueue_dma source(%dma_start3A_27 : memref<640x16xf32, #tpu.memory_space<hbm>>) target(%arg22 : memref<640x16xf32, #tpu.memory_space<vmem>>) target_semaphore(%run_scoped3A : memref<!tpu.dma_semaphore, #tpu.memory_space<semaphore_mem>>)
      %dma_wait3A = arith.constant 0 : i32
      %dma_wait3A_28 = tpu.memref_slice %arg6[%mul3A_0, %dma_wait3A] : memref<10240x16xf32, #tpu.memory_space<hbm>> -> memref<640x16xf32, #tpu.memory_space<hbm>>
      %dma_wait3A_29 = arith.constant 0 : i32
      %dma_wait3A_30 = tpu.memref_slice %arg6[%mul3A_0, %dma_wait3A_29] : memref<10240x16xf32, #tpu.memory_space<hbm>> -> memref<640x16xf32, #tpu.memory_space<hbm>>
      tpu.wait_dma2 semaphore(%run_scoped3A : memref<!tpu.dma_semaphore, #tpu.memory_space<semaphore_mem>>) src(%dma_wait3A_30 : memref<640x16xf32, #tpu.memory_space<hbm>>) dst(%arg22 : memref<640x16xf32, #tpu.memory_space<vmem>>)
      tpu.yield
    }) : () -> ()
    %broadcast_in_dim3A = arith.constant 0.000000e+00 : f32
    %broadcast_in_dim3A_3 = vector.broadcast %broadcast_in_dim3A : f32 to vector<16xf32>
    %scan3A = arith.constant 0 : i32
    %scan3A_4 = arith.constant 640 : i32
    %scan3A_5 = arith.addi %scan3A, %scan3A_4 : i32
    %scan3A_6 = arith.constant 1 : i32
    scf.for %scan3A_25 = %scan3A to %scan3A_5 step %scan3A_6  : i32 {
      %mul3A_26 = arith.constant 1 : i32
      %mul3A_27 = arith.muli %scan3A_25, %mul3A_26 : i32
      %add3A_28 = arith.constant 0 : i32
      %add3A_29 = arith.addi %add3A_28, %mul3A_27 : i32
      %swap3A = arith.index_cast %add3A_29 : i32 to index
      %swap3A_30 = arith.constant 0 : index
      %swap3A_31 = tpu.vector_load %arg25[%swap3A, %swap3A_30] {strides = array<i32>} : memref<640x16xf32, #tpu.memory_space<vmem>>, vector<1x16xf32>,
      %swap3A_32 = vector.shape_cast %swap3A_31 : vector<1x16xf32> to vector<16xf32>
      %swap3A_33 = vector.shape_cast %broadcast_in_dim3A_3 : vector<16xf32> to vector<1x16xf32>
      tpu.vector_store %arg25[%swap3A, %swap3A_30], %swap3A_33 {strides = array<i32>} : memref<640x16xf32, #tpu.memory_space<vmem>>, vector<1x16xf32>,
    }
    %scan3A_7 = arith.constant 640 : i32
    "tpu.region"() ({
      %run_scoped3A = tpu.sem_alloc : memref<!tpu.dma_semaphore, #tpu.memory_space<semaphore_mem>>
      %dma_start3A = arith.constant 0 : i32
      %dma_start3A_25 = tpu.memref_slice %arg13[%mul3A_0, %dma_start3A] : memref<10240x16xf32, #tpu.memory_space<vmem_shared>> -> memref<640x16xf32, #tpu.memory_space<vmem_shared>>
      %dma_start3A_26 = arith.constant 0 : i32
      %dma_start3A_27 = tpu.memref_slice %arg13[%mul3A_0, %dma_start3A_26] : memref<10240x16xf32, #tpu.memory_space<vmem_shared>> -> memref<640x16xf32, #tpu.memory_space<vmem_shared>>
      tpu.enqueue_dma source(%arg25 : memref<640x16xf32, #tpu.memory_space<vmem>>) target(%dma_start3A_27 : memref<640x16xf32, #tpu.memory_space<vmem_shared>>) target_semaphore(%run_scoped3A : memref<!tpu.dma_semaphore, #tpu.memory_space<semaphore_mem>>)
      %dma_wait3A = arith.constant 0 : i32
      %dma_wait3A_28 = tpu.memref_slice %arg13[%mul3A_0, %dma_wait3A] : memref<10240x16xf32, #tpu.memory_space<vmem_shared>> -> memref<640x16xf32, #tpu.memory_space<vmem_shared>>
      %dma_wait3A_29 = arith.constant 0 : i32
      %dma_wait3A_30 = tpu.memref_slice %arg13[%mul3A_0, %dma_wait3A_29] : memref<10240x16xf32, #tpu.memory_space<vmem_shared>> -> memref<640x16xf32, #tpu.memory_space<vmem_shared>>
      tpu.wait_dma2 semaphore(%run_scoped3A : memref<!tpu.dma_semaphore, #tpu.memory_space<semaphore_mem>>) src(%arg25 : memref<640x16xf32, #tpu.memory_space<vmem>>) dst(%dma_wait3A_30 : memref<640x16xf32, #tpu.memory_space<vmem_shared>>)
      tpu.yield
    }) : () -> ()
    %eq3A = arith.constant 0 : i32
    %eq3A_8 = arith.cmpi eq, %arg0, %eq3A : i32
    %convert_element_type3A = arith.extui %eq3A_8 : i1 to i32
    %cond3A = arith.constant 0 : i32
    %cond3A_9 = arith.cmpi ne, %convert_element_type3A, %cond3A : i32
    scf.if %cond3A_9 {
      "tpu.region"() ({
        %run_scoped3A = tpu.sem_alloc : memref<!tpu.dma_semaphore, #tpu.memory_space<semaphore_mem>>
        %dma_start3A = arith.constant 0 : i32
        %dma_start3A_25 = tpu.memref_slice %arg9[%mul3A_0, %dma_start3A] : memref<10240x16xf32, #tpu.memory_space<hbm>> -> memref<640x16xf32, #tpu.memory_space<hbm>>
        %dma_start3A_26 = arith.constant 0 : i32
        %dma_start3A_27 = tpu.memref_slice %arg9[%mul3A_0, %dma_start3A_26] : memref<10240x16xf32, #tpu.memory_space<hbm>> -> memref<640x16xf32, #tpu.memory_space<hbm>>
        tpu.enqueue_dma source(%arg20 : memref<640x16xf32, #tpu.memory_space<vmem>>) target(%dma_start3A_27 : memref<640x16xf32, #tpu.memory_space<hbm>>) target_semaphore(%run_scoped3A : memref<!tpu.dma_semaphore, #tpu.memory_space<semaphore_mem>>)
        %dma_wait3A = arith.constant 0 : i32
        %dma_wait3A_28 = tpu.memref_slice %arg9[%mul3A_0, %dma_wait3A] : memref<10240x16xf32, #tpu.memory_space<hbm>> -> memref<640x16xf32, #tpu.memory_space<hbm>>
        %dma_wait3A_29 = arith.constant 0 : i32
        %dma_wait3A_30 = tpu.memref_slice %arg9[%mul3A_0, %dma_wait3A_29] : memref<10240x16xf32, #tpu.memory_space<hbm>> -> memref<640x16xf32, #tpu.memory_space<hbm>>
        tpu.wait_dma2 semaphore(%run_scoped3A : memref<!tpu.dma_semaphore, #tpu.memory_space<semaphore_mem>>) src(%arg20 : memref<640x16xf32, #tpu.memory_space<vmem>>) dst(%dma_wait3A_30 : memref<640x16xf32, #tpu.memory_space<hbm>>)
        tpu.yield
      }) : () -> ()
    } else {
    }
    %eq3A_10 = arith.constant 1 : i32
    %eq3A_11 = arith.cmpi eq, %arg0, %eq3A_10 : i32
    %convert_element_type3A_12 = arith.extui %eq3A_11 : i1 to i32
    %cond3A_13 = arith.constant 0 : i32
    %cond3A_14 = arith.cmpi ne, %convert_element_type3A_12, %cond3A_13 : i32
    scf.if %cond3A_14 {
      "tpu.region"() ({
        %run_scoped3A = tpu.sem_alloc : memref<!tpu.dma_semaphore, #tpu.memory_space<semaphore_mem>>
        %dma_start3A = arith.constant 0 : i32
        %dma_start3A_25 = tpu.memref_slice %arg10[%mul3A_0, %dma_start3A] : memref<10240x16xf32, #tpu.memory_space<hbm>> -> memref<640x16xf32, #tpu.memory_space<hbm>>
        %dma_start3A_26 = arith.constant 0 : i32
        %dma_start3A_27 = tpu.memref_slice %arg10[%mul3A_0, %dma_start3A_26] : memref<10240x16xf32, #tpu.memory_space<hbm>> -> memref<640x16xf32, #tpu.memory_space<hbm>>
        tpu.enqueue_dma source(%arg20 : memref<640x16xf32, #tpu.memory_space<vmem>>) target(%dma_start3A_27 : memref<640x16xf32, #tpu.memory_space<hbm>>) target_semaphore(%run_scoped3A : memref<!tpu.dma_semaphore, #tpu.memory_space<semaphore_mem>>)
        %dma_wait3A = arith.constant 0 : i32
        %dma_wait3A_28 = tpu.memref_slice %arg10[%mul3A_0, %dma_wait3A] : memref<10240x16xf32, #tpu.memory_space<hbm>> -> memref<640x16xf32, #tpu.memory_space<hbm>>
        %dma_wait3A_29 = arith.constant 0 : i32
        %dma_wait3A_30 = tpu.memref_slice %arg10[%mul3A_0, %dma_wait3A_29] : memref<10240x16xf32, #tpu.memory_space<hbm>> -> memref<640x16xf32, #tpu.memory_space<hbm>>
        tpu.wait_dma2 semaphore(%run_scoped3A : memref<!tpu.dma_semaphore, #tpu.memory_space<semaphore_mem>>) src(%arg20 : memref<640x16xf32, #tpu.memory_space<vmem>>) dst(%dma_wait3A_30 : memref<640x16xf32, #tpu.memory_space<hbm>>)
        tpu.yield
      }) : () -> ()
    } else {
    }
    %barrier3A = arith.constant 0 : index
    tpu.barrier barrier_id(%barrier3A)
    %scan3A_15 = arith.constant 0 : i32
    %scan3A_16 = arith.constant 10 : i32
    %scan3A_17 = arith.addi %scan3A_15, %scan3A_16 : i32
    %scan3A_18 = arith.constant 1 : i32
    scf.for %scan3A_25 = %scan3A_15 to %scan3A_17 step %scan3A_18  : i32 {
      %mul3A_26 = arith.constant 1 : i32
      %mul3A_27 = arith.muli %scan3A_25, %mul3A_26 : i32
      %add3A_28 = arith.constant 0 : i32
      %add3A_29 = arith.addi %add3A_28, %mul3A_27 : i32
      %eq3A_30 = arith.constant 0 : i32
      %eq3A_31 = arith.cmpi eq, %arg0, %eq3A_30 : i32
      %convert_element_type3A_32 = arith.extui %eq3A_31 : i1 to i32
      %cond3A_33 = arith.constant 0 : i32
      %cond3A_34 = arith.cmpi ne, %convert_element_type3A_32, %cond3A_33 : i32
      scf.if %cond3A_34 {
        %dma_start3A = arith.constant 0 : i32
        %dma_start3A_52 = arith.constant 0 : i32
        %dma_start3A_53 = tpu.memref_slice %arg14[%dma_start3A, %dma_start3A_52] : memref<80x128xi32, #tpu.memory_space<vmem>> -> memref<1x128xi32, #tpu.memory_space<vmem>>
        %dma_start3A_54 = tpu.memref_squeeze %dma_start3A_53 : memref<1x128xi32, #tpu.memory_space<vmem>> -> memref<128xi32, #tpu.memory_space<vmem>>
        %dma_start3A_55 = arith.constant 0 : i32
        %dma_start3A_56 = arith.constant 0 : i32
        %dma_start3A_57 = tpu.memref_slice %arg9[%dma_start3A_55, %dma_start3A_56] : memref<10240x16xf32, #tpu.memory_space<hbm>> -> memref<10240x16xf32, #tpu.memory_space<hbm>>
        tpu.enqueue_indirect_dma source(%dma_start3A_57 : memref<10240x16xf32, #tpu.memory_space<hbm>>) target(%arg16 : memref<128x16xf32, #tpu.memory_space<vmem>>) offsets(%dma_start3A_54 : memref<128xi32, #tpu.memory_space<vmem>>) semaphore(%arg26 : memref<!tpu.dma_semaphore, #tpu.memory_space<semaphore_mem>>)
        %dma_start3A_58 = arith.constant 1 : i32
        %dma_start3A_59 = arith.constant 0 : i32
        %dma_start3A_60 = tpu.memref_slice %arg14[%dma_start3A_58, %dma_start3A_59] : memref<80x128xi32, #tpu.memory_space<vmem>> -> memref<1x128xi32, #tpu.memory_space<vmem>>
        %dma_start3A_61 = tpu.memref_squeeze %dma_start3A_60 : memref<1x128xi32, #tpu.memory_space<vmem>> -> memref<128xi32, #tpu.memory_space<vmem>>
        %dma_start3A_62 = arith.constant 0 : i32
        %dma_start3A_63 = arith.constant 0 : i32
        %dma_start3A_64 = tpu.memref_slice %arg9[%dma_start3A_62, %dma_start3A_63] : memref<10240x16xf32, #tpu.memory_space<hbm>> -> memref<10240x16xf32, #tpu.memory_space<hbm>>
        tpu.enqueue_indirect_dma source(%dma_start3A_64 : memref<10240x16xf32, #tpu.memory_space<hbm>>) target(%arg17 : memref<128x16xf32, #tpu.memory_space<vmem>>) offsets(%dma_start3A_61 : memref<128xi32, #tpu.memory_space<vmem>>) semaphore(%arg27 : memref<!tpu.dma_semaphore, #tpu.memory_space<semaphore_mem>>)
        %dma_start3A_65 = arith.constant 2 : i32
        %dma_start3A_66 = arith.constant 0 : i32
        %dma_start3A_67 = tpu.memref_slice %arg14[%dma_start3A_65, %dma_start3A_66] : memref<80x128xi32, #tpu.memory_space<vmem>> -> memref<1x128xi32, #tpu.memory_space<vmem>>
        %dma_start3A_68 = tpu.memref_squeeze %dma_start3A_67 : memref<1x128xi32, #tpu.memory_space<vmem>> -> memref<128xi32, #tpu.memory_space<vmem>>
        %dma_start3A_69 = arith.constant 0 : i32
        %dma_start3A_70 = arith.constant 0 : i32
        %dma_start3A_71 = tpu.memref_slice %arg9[%dma_start3A_69, %dma_start3A_70] : memref<10240x16xf32, #tpu.memory_space<hbm>> -> memref<10240x16xf32, #tpu.memory_space<hbm>>
        tpu.enqueue_indirect_dma source(%dma_start3A_71 : memref<10240x16xf32, #tpu.memory_space<hbm>>) target(%arg18 : memref<128x16xf32, #tpu.memory_space<vmem>>) offsets(%dma_start3A_68 : memref<128xi32, #tpu.memory_space<vmem>>) semaphore(%arg28 : memref<!tpu.dma_semaphore, #tpu.memory_space<semaphore_mem>>)
        %dma_start3A_72 = arith.constant 3 : i32
        %dma_start3A_73 = arith.constant 0 : i32
        %dma_start3A_74 = tpu.memref_slice %arg14[%dma_start3A_72, %dma_start3A_73] : memref<80x128xi32, #tpu.memory_space<vmem>> -> memref<1x128xi32, #tpu.memory_space<vmem>>
        %dma_start3A_75 = tpu.memref_squeeze %dma_start3A_74 : memref<1x128xi32, #tpu.memory_space<vmem>> -> memref<128xi32, #tpu.memory_space<vmem>>
        %dma_start3A_76 = arith.constant 0 : i32
        %dma_start3A_77 = arith.constant 0 : i32
        %dma_start3A_78 = tpu.memref_slice %arg9[%dma_start3A_76, %dma_start3A_77] : memref<10240x16xf32, #tpu.memory_space<hbm>> -> memref<10240x16xf32, #tpu.memory_space<hbm>>
        tpu.enqueue_indirect_dma source(%dma_start3A_78 : memref<10240x16xf32, #tpu.memory_space<hbm>>) target(%arg19 : memref<128x16xf32, #tpu.memory_space<vmem>>) offsets(%dma_start3A_75 : memref<128xi32, #tpu.memory_space<vmem>>) semaphore(%arg29 : memref<!tpu.dma_semaphore, #tpu.memory_space<semaphore_mem>>)
        %scan3A_79 = arith.constant 0 : i32
        %scan3A_80 = arith.constant 20 : i32
        %scan3A_81 = arith.addi %scan3A_79, %scan3A_80 : i32
        %scan3A_82 = arith.constant 1 : i32
        scf.for %scan3A_84 = %scan3A_79 to %scan3A_81 step %scan3A_82  : i32 {
          %mul3A_85 = arith.constant 4 : i32
          %mul3A_86 = arith.muli %scan3A_84, %mul3A_85 : i32
          %add3A_87 = arith.constant 0 : i32
          %add3A_88 = arith.addi %add3A_87, %mul3A_86 : i32
          %add3A_89 = arith.constant 0 : i32
          %add3A_90 = arith.addi %add3A_88, %add3A_89 : i32
          %dma_wait3A = arith.constant 0 : i32
          %dma_wait3A_91 = tpu.memref_slice %arg14[%add3A_90, %dma_wait3A] : memref<80x128xi32, #tpu.memory_space<vmem>> -> memref<1x128xi32, #tpu.memory_space<vmem>>
          %dma_wait3A_92 = tpu.memref_squeeze %dma_wait3A_91 : memref<1x128xi32, #tpu.memory_space<vmem>> -> memref<128xi32, #tpu.memory_space<vmem>>
          %dma_wait3A_93 = arith.constant 0 : i32
          %dma_wait3A_94 = arith.constant 0 : i32
          %dma_wait3A_95 = tpu.memref_slice %arg9[%dma_wait3A_93, %dma_wait3A_94] : memref<10240x16xf32, #tpu.memory_space<hbm>> -> memref<10240x16xf32, #tpu.memory_space<hbm>>
          tpu.wait_indirect_dma semaphore(%arg26 : memref<!tpu.dma_semaphore, #tpu.memory_space<semaphore_mem>>) src(%dma_wait3A_95 : memref<10240x16xf32, #tpu.memory_space<hbm>>) dst(%arg16 : memref<128x16xf32, #tpu.memory_space<vmem>>)
          %add3A_96 = arith.constant 0 : i32
          %add3A_97 = arith.addi %add3A_88, %add3A_96 : i32
          %dma_start3A_98 = arith.constant 0 : i32
          %dma_start3A_99 = tpu.memref_slice %arg15[%add3A_97, %dma_start3A_98] : memref<80x128xi32, #tpu.memory_space<vmem>> -> memref<1x128xi32, #tpu.memory_space<vmem>>
          %dma_start3A_100 = tpu.memref_squeeze %dma_start3A_99 : memref<1x128xi32, #tpu.memory_space<vmem>> -> memref<128xi32, #tpu.memory_space<vmem>>
          %dma_start3A_101 = arith.constant 0 : i32
          %dma_start3A_102 = arith.constant 0 : i32
          %dma_start3A_103 = tpu.memref_slice %arg13[%dma_start3A_101, %dma_start3A_102] : memref<10240x16xf32, #tpu.memory_space<vmem_shared>> -> memref<10240x16xf32, #tpu.memory_space<vmem_shared>>
          tpu.enqueue_indirect_dma source(%arg16 : memref<128x16xf32, #tpu.memory_space<vmem>>) target(%dma_start3A_103 : memref<10240x16xf32, #tpu.memory_space<vmem_shared>>) offsets(%dma_start3A_100 : memref<128xi32, #tpu.memory_space<vmem>>) semaphore(%arg30 : memref<!tpu.dma_semaphore, #tpu.memory_space<semaphore_mem>>) {add = true}
          %add3A_104 = arith.constant 1 : i32
          %add3A_105 = arith.addi %add3A_88, %add3A_104 : i32
          %dma_wait3A_106 = arith.constant 0 : i32
          %dma_wait3A_107 = tpu.memref_slice %arg14[%add3A_105, %dma_wait3A_106] : memref<80x128xi32, #tpu.memory_space<vmem>> -> memref<1x128xi32, #tpu.memory_space<vmem>>
          %dma_wait3A_108 = tpu.memref_squeeze %dma_wait3A_107 : memref<1x128xi32, #tpu.memory_space<vmem>> -> memref<128xi32, #tpu.memory_space<vmem>>
          %dma_wait3A_109 = arith.constant 0 : i32
          %dma_wait3A_110 = arith.constant 0 : i32
          %dma_wait3A_111 = tpu.memref_slice %arg9[%dma_wait3A_109, %dma_wait3A_110] : memref<10240x16xf32, #tpu.memory_space<hbm>> -> memref<10240x16xf32, #tpu.memory_space<hbm>>
          tpu.wait_indirect_dma semaphore(%arg27 : memref<!tpu.dma_semaphore, #tpu.memory_space<semaphore_mem>>) src(%dma_wait3A_111 : memref<10240x16xf32, #tpu.memory_space<hbm>>) dst(%arg17 : memref<128x16xf32, #tpu.memory_space<vmem>>)
          %add3A_112 = arith.constant 1 : i32
          %add3A_113 = arith.addi %add3A_88, %add3A_112 : i32
          %dma_start3A_114 = arith.constant 0 : i32
          %dma_start3A_115 = tpu.memref_slice %arg15[%add3A_113, %dma_start3A_114] : memref<80x128xi32, #tpu.memory_space<vmem>> -> memref<1x128xi32, #tpu.memory_space<vmem>>
          %dma_start3A_116 = tpu.memref_squeeze %dma_start3A_115 : memref<1x128xi32, #tpu.memory_space<vmem>> -> memref<128xi32, #tpu.memory_space<vmem>>
          %dma_start3A_117 = arith.constant 0 : i32
          %dma_start3A_118 = arith.constant 0 : i32
          %dma_start3A_119 = tpu.memref_slice %arg13[%dma_start3A_117, %dma_start3A_118] : memref<10240x16xf32, #tpu.memory_space<vmem_shared>> -> memref<10240x16xf32, #tpu.memory_space<vmem_shared>>
          tpu.enqueue_indirect_dma source(%arg17 : memref<128x16xf32, #tpu.memory_space<vmem>>) target(%dma_start3A_119 : memref<10240x16xf32, #tpu.memory_space<vmem_shared>>) offsets(%dma_start3A_116 : memref<128xi32, #tpu.memory_space<vmem>>) semaphore(%arg31 : memref<!tpu.dma_semaphore, #tpu.memory_space<semaphore_mem>>) {add = true}
          %add3A_120 = arith.constant 2 : i32
          %add3A_121 = arith.addi %add3A_88, %add3A_120 : i32
          %dma_wait3A_122 = arith.constant 0 : i32
          %dma_wait3A_123 = tpu.memref_slice %arg14[%add3A_121, %dma_wait3A_122] : memref<80x128xi32, #tpu.memory_space<vmem>> -> memref<1x128xi32, #tpu.memory_space<vmem>>
          %dma_wait3A_124 = tpu.memref_squeeze %dma_wait3A_123 : memref<1x128xi32, #tpu.memory_space<vmem>> -> memref<128xi32, #tpu.memory_space<vmem>>
          %dma_wait3A_125 = arith.constant 0 : i32
          %dma_wait3A_126 = arith.constant 0 : i32
          %dma_wait3A_127 = tpu.memref_slice %arg9[%dma_wait3A_125, %dma_wait3A_126] : memref<10240x16xf32, #tpu.memory_space<hbm>> -> memref<10240x16xf32, #tpu.memory_space<hbm>>
          tpu.wait_indirect_dma semaphore(%arg28 : memref<!tpu.dma_semaphore, #tpu.memory_space<semaphore_mem>>) src(%dma_wait3A_127 : memref<10240x16xf32, #tpu.memory_space<hbm>>) dst(%arg18 : memref<128x16xf32, #tpu.memory_space<vmem>>)
          %add3A_128 = arith.constant 2 : i32
          %add3A_129 = arith.addi %add3A_88, %add3A_128 : i32
          %dma_start3A_130 = arith.constant 0 : i32
          %dma_start3A_131 = tpu.memref_slice %arg15[%add3A_129, %dma_start3A_130] : memref<80x128xi32, #tpu.memory_space<vmem>> -> memref<1x128xi32, #tpu.memory_space<vmem>>
          %dma_start3A_132 = tpu.memref_squeeze %dma_start3A_131 : memref<1x128xi32, #tpu.memory_space<vmem>> -> memref<128xi32, #tpu.memory_space<vmem>>
          %dma_start3A_133 = arith.constant 0 : i32
          %dma_start3A_134 = arith.constant 0 : i32
          %dma_start3A_135 = tpu.memref_slice %arg13[%dma_start3A_133, %dma_start3A_134] : memref<10240x16xf32, #tpu.memory_space<vmem_shared>> -> memref<10240x16xf32, #tpu.memory_space<vmem_shared>>
          tpu.enqueue_indirect_dma source(%arg18 : memref<128x16xf32, #tpu.memory_space<vmem>>) target(%dma_start3A_135 : memref<10240x16xf32, #tpu.memory_space<vmem_shared>>) offsets(%dma_start3A_132 : memref<128xi32, #tpu.memory_space<vmem>>) semaphore(%arg32 : memref<!tpu.dma_semaphore, #tpu.memory_space<semaphore_mem>>) {add = true}
          %add3A_136 = arith.constant 3 : i32
          %add3A_137 = arith.addi %add3A_88, %add3A_136 : i32
          %dma_wait3A_138 = arith.constant 0 : i32
          %dma_wait3A_139 = tpu.memref_slice %arg14[%add3A_137, %dma_wait3A_138] : memref<80x128xi32, #tpu.memory_space<vmem>> -> memref<1x128xi32, #tpu.memory_space<vmem>>
          %dma_wait3A_140 = tpu.memref_squeeze %dma_wait3A_139 : memref<1x128xi32, #tpu.memory_space<vmem>> -> memref<128xi32, #tpu.memory_space<vmem>>
          %dma_wait3A_141 = arith.constant 0 : i32
          %dma_wait3A_142 = arith.constant 0 : i32
          %dma_wait3A_143 = tpu.memref_slice %arg9[%dma_wait3A_141, %dma_wait3A_142] : memref<10240x16xf32, #tpu.memory_space<hbm>> -> memref<10240x16xf32, #tpu.memory_space<hbm>>
          tpu.wait_indirect_dma semaphore(%arg29 : memref<!tpu.dma_semaphore, #tpu.memory_space<semaphore_mem>>) src(%dma_wait3A_143 : memref<10240x16xf32, #tpu.memory_space<hbm>>) dst(%arg19 : memref<128x16xf32, #tpu.memory_space<vmem>>)
          %add3A_144 = arith.constant 3 : i32
          %add3A_145 = arith.addi %add3A_88, %add3A_144 : i32
          %dma_start3A_146 = arith.constant 0 : i32
          %dma_start3A_147 = tpu.memref_slice %arg15[%add3A_145, %dma_start3A_146] : memref<80x128xi32, #tpu.memory_space<vmem>> -> memref<1x128xi32, #tpu.memory_space<vmem>>
          %dma_start3A_148 = tpu.memref_squeeze %dma_start3A_147 : memref<1x128xi32, #tpu.memory_space<vmem>> -> memref<128xi32, #tpu.memory_space<vmem>>
          %dma_start3A_149 = arith.constant 0 : i32
          %dma_start3A_150 = arith.constant 0 : i32
          %dma_start3A_151 = tpu.memref_slice %arg13[%dma_start3A_149, %dma_start3A_150] : memref<10240x16xf32, #tpu.memory_space<vmem_shared>> -> memref<10240x16xf32, #tpu.memory_space<vmem_shared>>
          tpu.enqueue_indirect_dma source(%arg19 : memref<128x16xf32, #tpu.memory_space<vmem>>) target(%dma_start3A_151 : memref<10240x16xf32, #tpu.memory_space<vmem_shared>>) offsets(%dma_start3A_148 : memref<128xi32, #tpu.memory_space<vmem>>) semaphore(%arg33 : memref<!tpu.dma_semaphore, #tpu.memory_space<semaphore_mem>>) {add = true}
          %add3A_152 = arith.constant 0 : i32
          %add3A_153 = arith.addi %add3A_88, %add3A_152 : i32
          %dma_wait3A_154 = arith.constant 0 : i32
          %dma_wait3A_155 = tpu.memref_slice %arg15[%add3A_153, %dma_wait3A_154] : memref<80x128xi32, #tpu.memory_space<vmem>> -> memref<1x128xi32, #tpu.memory_space<vmem>>
          %dma_wait3A_156 = tpu.memref_squeeze %dma_wait3A_155 : memref<1x128xi32, #tpu.memory_space<vmem>> -> memref<128xi32, #tpu.memory_space<vmem>>
          %dma_wait3A_157 = arith.constant 0 : i32
          %dma_wait3A_158 = arith.constant 0 : i32
          %dma_wait3A_159 = tpu.memref_slice %arg13[%dma_wait3A_157, %dma_wait3A_158] : memref<10240x16xf32, #tpu.memory_space<vmem_shared>> -> memref<10240x16xf32, #tpu.memory_space<vmem_shared>>
          tpu.wait_indirect_dma semaphore(%arg30 : memref<!tpu.dma_semaphore, #tpu.memory_space<semaphore_mem>>) src(%arg16 : memref<128x16xf32, #tpu.memory_space<vmem>>) dst(%dma_wait3A_159 : memref<10240x16xf32, #tpu.memory_space<vmem_shared>>)
          %add3A_160 = arith.constant 0 : i32
          %add3A_161 = arith.addi %add3A_88, %add3A_160 : i32
          %add3A_162 = arith.constant 4 : i32
          %add3A_163 = arith.addi %add3A_161, %add3A_162 : i32
          %lt3A = arith.constant 80 : i32
          %lt3A_164 = arith.cmpi slt, %add3A_163, %lt3A : i32
          %convert_element_type3A_165 = arith.extui %lt3A_164 : i1 to i32
          %cond3A_166 = arith.constant 0 : i32
          %cond3A_167 = arith.cmpi ne, %convert_element_type3A_165, %cond3A_166 : i32
          scf.if %cond3A_167 {
            %add3A_219 = arith.constant 0 : i32
            %add3A_220 = arith.addi %add3A_88, %add3A_219 : i32
            %add3A_221 = arith.constant 4 : i32
            %add3A_222 = arith.addi %add3A_220, %add3A_221 : i32
            %dma_start3A_223 = arith.constant 0 : i32
            %dma_start3A_224 = tpu.memref_slice %arg14[%add3A_222, %dma_start3A_223] : memref<80x128xi32, #tpu.memory_space<vmem>> -> memref<1x128xi32, #tpu.memory_space<vmem>>
            %dma_start3A_225 = tpu.memref_squeeze %dma_start3A_224 : memref<1x128xi32, #tpu.memory_space<vmem>> -> memref<128xi32, #tpu.memory_space<vmem>>
            %dma_start3A_226 = arith.constant 0 : i32
            %dma_start3A_227 = arith.constant 0 : i32
            %dma_start3A_228 = tpu.memref_slice %arg9[%dma_start3A_226, %dma_start3A_227] : memref<10240x16xf32, #tpu.memory_space<hbm>> -> memref<10240x16xf32, #tpu.memory_space<hbm>>
            tpu.enqueue_indirect_dma source(%dma_start3A_228 : memref<10240x16xf32, #tpu.memory_space<hbm>>) target(%arg16 : memref<128x16xf32, #tpu.memory_space<vmem>>) offsets(%dma_start3A_225 : memref<128xi32, #tpu.memory_space<vmem>>) semaphore(%arg26 : memref<!tpu.dma_semaphore, #tpu.memory_space<semaphore_mem>>)
          } else {
          }
          %add3A_168 = arith.constant 1 : i32
          %add3A_169 = arith.addi %add3A_88, %add3A_168 : i32
          %dma_wait3A_170 = arith.constant 0 : i32
          %dma_wait3A_171 = tpu.memref_slice %arg15[%add3A_169, %dma_wait3A_170] : memref<80x128xi32, #tpu.memory_space<vmem>> -> memref<1x128xi32, #tpu.memory_space<vmem>>
          %dma_wait3A_172 = tpu.memref_squeeze %dma_wait3A_171 : memref<1x128xi32, #tpu.memory_space<vmem>> -> memref<128xi32, #tpu.memory_space<vmem>>
          %dma_wait3A_173 = arith.constant 0 : i32
          %dma_wait3A_174 = arith.constant 0 : i32
          %dma_wait3A_175 = tpu.memref_slice %arg13[%dma_wait3A_173, %dma_wait3A_174] : memref<10240x16xf32, #tpu.memory_space<vmem_shared>> -> memref<10240x16xf32, #tpu.memory_space<vmem_shared>>
          tpu.wait_indirect_dma semaphore(%arg31 : memref<!tpu.dma_semaphore, #tpu.memory_space<semaphore_mem>>) src(%arg17 : memref<128x16xf32, #tpu.memory_space<vmem>>) dst(%dma_wait3A_175 : memref<10240x16xf32, #tpu.memory_space<vmem_shared>>)
          %add3A_176 = arith.constant 1 : i32
          %add3A_177 = arith.addi %add3A_88, %add3A_176 : i32
          %add3A_178 = arith.constant 4 : i32
          %add3A_179 = arith.addi %add3A_177, %add3A_178 : i32
          %lt3A_180 = arith.constant 80 : i32
          %lt3A_181 = arith.cmpi slt, %add3A_179, %lt3A_180 : i32
          %convert_element_type3A_182 = arith.extui %lt3A_181 : i1 to i32
          %cond3A_183 = arith.constant 0 : i32
          %cond3A_184 = arith.cmpi ne, %convert_element_type3A_182, %cond3A_183 : i32
          scf.if %cond3A_184 {
            %add3A_219 = arith.constant 1 : i32
            %add3A_220 = arith.addi %add3A_88, %add3A_219 : i32
            %add3A_221 = arith.constant 4 : i32
            %add3A_222 = arith.addi %add3A_220, %add3A_221 : i32
            %dma_start3A_223 = arith.constant 0 : i32
            %dma_start3A_224 = tpu.memref_slice %arg14[%add3A_222, %dma_start3A_223] : memref<80x128xi32, #tpu.memory_space<vmem>> -> memref<1x128xi32, #tpu.memory_space<vmem>>
            %dma_start3A_225 = tpu.memref_squeeze %dma_start3A_224 : memref<1x128xi32, #tpu.memory_space<vmem>> -> memref<128xi32, #tpu.memory_space<vmem>>
            %dma_start3A_226 = arith.constant 0 : i32
            %dma_start3A_227 = arith.constant 0 : i32
            %dma_start3A_228 = tpu.memref_slice %arg9[%dma_start3A_226, %dma_start3A_227] : memref<10240x16xf32, #tpu.memory_space<hbm>> -> memref<10240x16xf32, #tpu.memory_space<hbm>>
            tpu.enqueue_indirect_dma source(%dma_start3A_228 : memref<10240x16xf32, #tpu.memory_space<hbm>>) target(%arg17 : memref<128x16xf32, #tpu.memory_space<vmem>>) offsets(%dma_start3A_225 : memref<128xi32, #tpu.memory_space<vmem>>) semaphore(%arg27 : memref<!tpu.dma_semaphore, #tpu.memory_space<semaphore_mem>>)
          } else {
          }
          %add3A_185 = arith.constant 2 : i32
          %add3A_186 = arith.addi %add3A_88, %add3A_185 : i32
          %dma_wait3A_187 = arith.constant 0 : i32
          %dma_wait3A_188 = tpu.memref_slice %arg15[%add3A_186, %dma_wait3A_187] : memref<80x128xi32, #tpu.memory_space<vmem>> -> memref<1x128xi32, #tpu.memory_space<vmem>>
          %dma_wait3A_189 = tpu.memref_squeeze %dma_wait3A_188 : memref<1x128xi32, #tpu.memory_space<vmem>> -> memref<128xi32, #tpu.memory_space<vmem>>
          %dma_wait3A_190 = arith.constant 0 : i32
          %dma_wait3A_191 = arith.constant 0 : i32
          %dma_wait3A_192 = tpu.memref_slice %arg13[%dma_wait3A_190, %dma_wait3A_191] : memref<10240x16xf32, #tpu.memory_space<vmem_shared>> -> memref<10240x16xf32, #tpu.memory_space<vmem_shared>>
          tpu.wait_indirect_dma semaphore(%arg32 : memref<!tpu.dma_semaphore, #tpu.memory_space<semaphore_mem>>) src(%arg18 : memref<128x16xf32, #tpu.memory_space<vmem>>) dst(%dma_wait3A_192 : memref<10240x16xf32, #tpu.memory_space<vmem_shared>>)
          %add3A_193 = arith.constant 2 : i32
          %add3A_194 = arith.addi %add3A_88, %add3A_193 : i32
          %add3A_195 = arith.constant 4 : i32
          %add3A_196 = arith.addi %add3A_194, %add3A_195 : i32
          %lt3A_197 = arith.constant 80 : i32
          %lt3A_198 = arith.cmpi slt, %add3A_196, %lt3A_197 : i32
          %convert_element_type3A_199 = arith.extui %lt3A_198 : i1 to i32
          %cond3A_200 = arith.constant 0 : i32
          %cond3A_201 = arith.cmpi ne, %convert_element_type3A_199, %cond3A_200 : i32
          scf.if %cond3A_201 {
            %add3A_219 = arith.constant 2 : i32
            %add3A_220 = arith.addi %add3A_88, %add3A_219 : i32
            %add3A_221 = arith.constant 4 : i32
            %add3A_222 = arith.addi %add3A_220, %add3A_221 : i32
            %dma_start3A_223 = arith.constant 0 : i32
            %dma_start3A_224 = tpu.memref_slice %arg14[%add3A_222, %dma_start3A_223] : memref<80x128xi32, #tpu.memory_space<vmem>> -> memref<1x128xi32, #tpu.memory_space<vmem>>
            %dma_start3A_225 = tpu.memref_squeeze %dma_start3A_224 : memref<1x128xi32, #tpu.memory_space<vmem>> -> memref<128xi32, #tpu.memory_space<vmem>>
            %dma_start3A_226 = arith.constant 0 : i32
            %dma_start3A_227 = arith.constant 0 : i32
            %dma_start3A_228 = tpu.memref_slice %arg9[%dma_start3A_226, %dma_start3A_227] : memref<10240x16xf32, #tpu.memory_space<hbm>> -> memref<10240x16xf32, #tpu.memory_space<hbm>>
            tpu.enqueue_indirect_dma source(%dma_start3A_228 : memref<10240x16xf32, #tpu.memory_space<hbm>>) target(%arg18 : memref<128x16xf32, #tpu.memory_space<vmem>>) offsets(%dma_start3A_225 : memref<128xi32, #tpu.memory_space<vmem>>) semaphore(%arg28 : memref<!tpu.dma_semaphore, #tpu.memory_space<semaphore_mem>>)
          } else {
          }
          %add3A_202 = arith.constant 3 : i32
          %add3A_203 = arith.addi %add3A_88, %add3A_202 : i32
          %dma_wait3A_204 = arith.constant 0 : i32
          %dma_wait3A_205 = tpu.memref_slice %arg15[%add3A_203, %dma_wait3A_204] : memref<80x128xi32, #tpu.memory_space<vmem>> -> memref<1x128xi32, #tpu.memory_space<vmem>>
          %dma_wait3A_206 = tpu.memref_squeeze %dma_wait3A_205 : memref<1x128xi32, #tpu.memory_space<vmem>> -> memref<128xi32, #tpu.memory_space<vmem>>
          %dma_wait3A_207 = arith.constant 0 : i32
          %dma_wait3A_208 = arith.constant 0 : i32
          %dma_wait3A_209 = tpu.memref_slice %arg13[%dma_wait3A_207, %dma_wait3A_208] : memref<10240x16xf32, #tpu.memory_space<vmem_shared>> -> memref<10240x16xf32, #tpu.memory_space<vmem_shared>>
          tpu.wait_indirect_dma semaphore(%arg33 : memref<!tpu.dma_semaphore, #tpu.memory_space<semaphore_mem>>) src(%arg19 : memref<128x16xf32, #tpu.memory_space<vmem>>) dst(%dma_wait3A_209 : memref<10240x16xf32, #tpu.memory_space<vmem_shared>>)
          %add3A_210 = arith.constant 3 : i32
          %add3A_211 = arith.addi %add3A_88, %add3A_210 : i32
          %add3A_212 = arith.constant 4 : i32
          %add3A_213 = arith.addi %add3A_211, %add3A_212 : i32
          %lt3A_214 = arith.constant 80 : i32
          %lt3A_215 = arith.cmpi slt, %add3A_213, %lt3A_214 : i32
          %convert_element_type3A_216 = arith.extui %lt3A_215 : i1 to i32
          %cond3A_217 = arith.constant 0 : i32
          %cond3A_218 = arith.cmpi ne, %convert_element_type3A_216, %cond3A_217 : i32
          scf.if %cond3A_218 {
            %add3A_219 = arith.constant 3 : i32
            %add3A_220 = arith.addi %add3A_88, %add3A_219 : i32
            %add3A_221 = arith.constant 4 : i32
            %add3A_222 = arith.addi %add3A_220, %add3A_221 : i32
            %dma_start3A_223 = arith.constant 0 : i32
            %dma_start3A_224 = tpu.memref_slice %arg14[%add3A_222, %dma_start3A_223] : memref<80x128xi32, #tpu.memory_space<vmem>> -> memref<1x128xi32, #tpu.memory_space<vmem>>
            %dma_start3A_225 = tpu.memref_squeeze %dma_start3A_224 : memref<1x128xi32, #tpu.memory_space<vmem>> -> memref<128xi32, #tpu.memory_space<vmem>>
            %dma_start3A_226 = arith.constant 0 : i32
            %dma_start3A_227 = arith.constant 0 : i32
            %dma_start3A_228 = tpu.memref_slice %arg9[%dma_start3A_226, %dma_start3A_227] : memref<10240x16xf32, #tpu.memory_space<hbm>> -> memref<10240x16xf32, #tpu.memory_space<hbm>>
            tpu.enqueue_indirect_dma source(%dma_start3A_228 : memref<10240x16xf32, #tpu.memory_space<hbm>>) target(%arg19 : memref<128x16xf32, #tpu.memory_space<vmem>>) offsets(%dma_start3A_225 : memref<128xi32, #tpu.memory_space<vmem>>) semaphore(%arg29 : memref<!tpu.dma_semaphore, #tpu.memory_space<semaphore_mem>>)
          } else {
          }
        }
        %scan3A_83 = arith.constant 20 : i32
      } else {
      }
      %eq3A_35 = arith.constant 1 : i32
      %eq3A_36 = arith.cmpi eq, %arg0, %eq3A_35 : i32
      %convert_element_type3A_37 = arith.extui %eq3A_36 : i1 to i32
      %cond3A_38 = arith.constant 0 : i32
      %cond3A_39 = arith.cmpi ne, %convert_element_type3A_37, %cond3A_38 : i32
      scf.if %cond3A_39 {
        %dma_start3A = arith.constant 0 : i32
        %dma_start3A_52 = arith.constant 0 : i32
        %dma_start3A_53 = tpu.memref_slice %arg14[%dma_start3A, %dma_start3A_52] : memref<80x128xi32, #tpu.memory_space<vmem>> -> memref<1x128xi32, #tpu.memory_space<vmem>>
        %dma_start3A_54 = tpu.memref_squeeze %dma_start3A_53 : memref<1x128xi32, #tpu.memory_space<vmem>> -> memref<128xi32, #tpu.memory_space<vmem>>
        %dma_start3A_55 = arith.constant 0 : i32
        %dma_start3A_56 = arith.constant 0 : i32
        %dma_start3A_57 = tpu.memref_slice %arg10[%dma_start3A_55, %dma_start3A_56] : memref<10240x16xf32, #tpu.memory_space<hbm>> -> memref<10240x16xf32, #tpu.memory_space<hbm>>
        tpu.enqueue_indirect_dma source(%dma_start3A_57 : memref<10240x16xf32, #tpu.memory_space<hbm>>) target(%arg16 : memref<128x16xf32, #tpu.memory_space<vmem>>) offsets(%dma_start3A_54 : memref<128xi32, #tpu.memory_space<vmem>>) semaphore(%arg26 : memref<!tpu.dma_semaphore, #tpu.memory_space<semaphore_mem>>)
        %dma_start3A_58 = arith.constant 1 : i32
        %dma_start3A_59 = arith.constant 0 : i32
        %dma_start3A_60 = tpu.memref_slice %arg14[%dma_start3A_58, %dma_start3A_59] : memref<80x128xi32, #tpu.memory_space<vmem>> -> memref<1x128xi32, #tpu.memory_space<vmem>>
        %dma_start3A_61 = tpu.memref_squeeze %dma_start3A_60 : memref<1x128xi32, #tpu.memory_space<vmem>> -> memref<128xi32, #tpu.memory_space<vmem>>
        %dma_start3A_62 = arith.constant 0 : i32
        %dma_start3A_63 = arith.constant 0 : i32
        %dma_start3A_64 = tpu.memref_slice %arg10[%dma_start3A_62, %dma_start3A_63] : memref<10240x16xf32, #tpu.memory_space<hbm>> -> memref<10240x16xf32, #tpu.memory_space<hbm>>
        tpu.enqueue_indirect_dma source(%dma_start3A_64 : memref<10240x16xf32, #tpu.memory_space<hbm>>) target(%arg17 : memref<128x16xf32, #tpu.memory_space<vmem>>) offsets(%dma_start3A_61 : memref<128xi32, #tpu.memory_space<vmem>>) semaphore(%arg27 : memref<!tpu.dma_semaphore, #tpu.memory_space<semaphore_mem>>)
        %dma_start3A_65 = arith.constant 2 : i32
        %dma_start3A_66 = arith.constant 0 : i32
        %dma_start3A_67 = tpu.memref_slice %arg14[%dma_start3A_65, %dma_start3A_66] : memref<80x128xi32, #tpu.memory_space<vmem>> -> memref<1x128xi32, #tpu.memory_space<vmem>>
        %dma_start3A_68 = tpu.memref_squeeze %dma_start3A_67 : memref<1x128xi32, #tpu.memory_space<vmem>> -> memref<128xi32, #tpu.memory_space<vmem>>
        %dma_start3A_69 = arith.constant 0 : i32
        %dma_start3A_70 = arith.constant 0 : i32
        %dma_start3A_71 = tpu.memref_slice %arg10[%dma_start3A_69, %dma_start3A_70] : memref<10240x16xf32, #tpu.memory_space<hbm>> -> memref<10240x16xf32, #tpu.memory_space<hbm>>
        tpu.enqueue_indirect_dma source(%dma_start3A_71 : memref<10240x16xf32, #tpu.memory_space<hbm>>) target(%arg18 : memref<128x16xf32, #tpu.memory_space<vmem>>) offsets(%dma_start3A_68 : memref<128xi32, #tpu.memory_space<vmem>>) semaphore(%arg28 : memref<!tpu.dma_semaphore, #tpu.memory_space<semaphore_mem>>)
        %dma_start3A_72 = arith.constant 3 : i32
        %dma_start3A_73 = arith.constant 0 : i32
        %dma_start3A_74 = tpu.memref_slice %arg14[%dma_start3A_72, %dma_start3A_73] : memref<80x128xi32, #tpu.memory_space<vmem>> -> memref<1x128xi32, #tpu.memory_space<vmem>>
        %dma_start3A_75 = tpu.memref_squeeze %dma_start3A_74 : memref<1x128xi32, #tpu.memory_space<vmem>> -> memref<128xi32, #tpu.memory_space<vmem>>
        %dma_start3A_76 = arith.constant 0 : i32
        %dma_start3A_77 = arith.constant 0 : i32
        %dma_start3A_78 = tpu.memref_slice %arg10[%dma_start3A_76, %dma_start3A_77] : memref<10240x16xf32, #tpu.memory_space<hbm>> -> memref<10240x16xf32, #tpu.memory_space<hbm>>
        tpu.enqueue_indirect_dma source(%dma_start3A_78 : memref<10240x16xf32, #tpu.memory_space<hbm>>) target(%arg19 : memref<128x16xf32, #tpu.memory_space<vmem>>) offsets(%dma_start3A_75 : memref<128xi32, #tpu.memory_space<vmem>>) semaphore(%arg29 : memref<!tpu.dma_semaphore, #tpu.memory_space<semaphore_mem>>)
        %scan3A_79 = arith.constant 0 : i32
        %scan3A_80 = arith.constant 20 : i32
        %scan3A_81 = arith.addi %scan3A_79, %scan3A_80 : i32
        %scan3A_82 = arith.constant 1 : i32
        scf.for %scan3A_84 = %scan3A_79 to %scan3A_81 step %scan3A_82  : i32 {
          %mul3A_85 = arith.constant 4 : i32
          %mul3A_86 = arith.muli %scan3A_84, %mul3A_85 : i32
          %add3A_87 = arith.constant 0 : i32
          %add3A_88 = arith.addi %add3A_87, %mul3A_86 : i32
          %add3A_89 = arith.constant 0 : i32
          %add3A_90 = arith.addi %add3A_88, %add3A_89 : i32
          %dma_wait3A = arith.constant 0 : i32
          %dma_wait3A_91 = tpu.memref_slice %arg14[%add3A_90, %dma_wait3A] : memref<80x128xi32, #tpu.memory_space<vmem>> -> memref<1x128xi32, #tpu.memory_space<vmem>>
          %dma_wait3A_92 = tpu.memref_squeeze %dma_wait3A_91 : memref<1x128xi32, #tpu.memory_space<vmem>> -> memref<128xi32, #tpu.memory_space<vmem>>
          %dma_wait3A_93 = arith.constant 0 : i32
          %dma_wait3A_94 = arith.constant 0 : i32
          %dma_wait3A_95 = tpu.memref_slice %arg10[%dma_wait3A_93, %dma_wait3A_94] : memref<10240x16xf32, #tpu.memory_space<hbm>> -> memref<10240x16xf32, #tpu.memory_space<hbm>>
          tpu.wait_indirect_dma semaphore(%arg26 : memref<!tpu.dma_semaphore, #tpu.memory_space<semaphore_mem>>) src(%dma_wait3A_95 : memref<10240x16xf32, #tpu.memory_space<hbm>>) dst(%arg16 : memref<128x16xf32, #tpu.memory_space<vmem>>)
          %add3A_96 = arith.constant 0 : i32
          %add3A_97 = arith.addi %add3A_88, %add3A_96 : i32
          %dma_start3A_98 = arith.constant 0 : i32
          %dma_start3A_99 = tpu.memref_slice %arg15[%add3A_97, %dma_start3A_98] : memref<80x128xi32, #tpu.memory_space<vmem>> -> memref<1x128xi32, #tpu.memory_space<vmem>>
          %dma_start3A_100 = tpu.memref_squeeze %dma_start3A_99 : memref<1x128xi32, #tpu.memory_space<vmem>> -> memref<128xi32, #tpu.memory_space<vmem>>
          %dma_start3A_101 = arith.constant 0 : i32
          %dma_start3A_102 = arith.constant 0 : i32
          %dma_start3A_103 = tpu.memref_slice %arg13[%dma_start3A_101, %dma_start3A_102] : memref<10240x16xf32, #tpu.memory_space<vmem_shared>> -> memref<10240x16xf32, #tpu.memory_space<vmem_shared>>
          tpu.enqueue_indirect_dma source(%arg16 : memref<128x16xf32, #tpu.memory_space<vmem>>) target(%dma_start3A_103 : memref<10240x16xf32, #tpu.memory_space<vmem_shared>>) offsets(%dma_start3A_100 : memref<128xi32, #tpu.memory_space<vmem>>) semaphore(%arg30 : memref<!tpu.dma_semaphore, #tpu.memory_space<semaphore_mem>>) {add = true}
          %add3A_104 = arith.constant 1 : i32
          %add3A_105 = arith.addi %add3A_88, %add3A_104 : i32
          %dma_wait3A_106 = arith.constant 0 : i32
          %dma_wait3A_107 = tpu.memref_slice %arg14[%add3A_105, %dma_wait3A_106] : memref<80x128xi32, #tpu.memory_space<vmem>> -> memref<1x128xi32, #tpu.memory_space<vmem>>
          %dma_wait3A_108 = tpu.memref_squeeze %dma_wait3A_107 : memref<1x128xi32, #tpu.memory_space<vmem>> -> memref<128xi32, #tpu.memory_space<vmem>>
          %dma_wait3A_109 = arith.constant 0 : i32
          %dma_wait3A_110 = arith.constant 0 : i32
          %dma_wait3A_111 = tpu.memref_slice %arg10[%dma_wait3A_109, %dma_wait3A_110] : memref<10240x16xf32, #tpu.memory_space<hbm>> -> memref<10240x16xf32, #tpu.memory_space<hbm>>
          tpu.wait_indirect_dma semaphore(%arg27 : memref<!tpu.dma_semaphore, #tpu.memory_space<semaphore_mem>>) src(%dma_wait3A_111 : memref<10240x16xf32, #tpu.memory_space<hbm>>) dst(%arg17 : memref<128x16xf32, #tpu.memory_space<vmem>>)
          %add3A_112 = arith.constant 1 : i32
          %add3A_113 = arith.addi %add3A_88, %add3A_112 : i32
          %dma_start3A_114 = arith.constant 0 : i32
          %dma_start3A_115 = tpu.memref_slice %arg15[%add3A_113, %dma_start3A_114] : memref<80x128xi32, #tpu.memory_space<vmem>> -> memref<1x128xi32, #tpu.memory_space<vmem>>
          %dma_start3A_116 = tpu.memref_squeeze %dma_start3A_115 : memref<1x128xi32, #tpu.memory_space<vmem>> -> memref<128xi32, #tpu.memory_space<vmem>>
          %dma_start3A_117 = arith.constant 0 : i32
          %dma_start3A_118 = arith.constant 0 : i32
          %dma_start3A_119 = tpu.memref_slice %arg13[%dma_start3A_117, %dma_start3A_118] : memref<10240x16xf32, #tpu.memory_space<vmem_shared>> -> memref<10240x16xf32, #tpu.memory_space<vmem_shared>>
          tpu.enqueue_indirect_dma source(%arg17 : memref<128x16xf32, #tpu.memory_space<vmem>>) target(%dma_start3A_119 : memref<10240x16xf32, #tpu.memory_space<vmem_shared>>) offsets(%dma_start3A_116 : memref<128xi32, #tpu.memory_space<vmem>>) semaphore(%arg31 : memref<!tpu.dma_semaphore, #tpu.memory_space<semaphore_mem>>) {add = true}
          %add3A_120 = arith.constant 2 : i32
          %add3A_121 = arith.addi %add3A_88, %add3A_120 : i32
          %dma_wait3A_122 = arith.constant 0 : i32
          %dma_wait3A_123 = tpu.memref_slice %arg14[%add3A_121, %dma_wait3A_122] : memref<80x128xi32, #tpu.memory_space<vmem>> -> memref<1x128xi32, #tpu.memory_space<vmem>>
          %dma_wait3A_124 = tpu.memref_squeeze %dma_wait3A_123 : memref<1x128xi32, #tpu.memory_space<vmem>> -> memref<128xi32, #tpu.memory_space<vmem>>
          %dma_wait3A_125 = arith.constant 0 : i32
          %dma_wait3A_126 = arith.constant 0 : i32
          %dma_wait3A_127 = tpu.memref_slice %arg10[%dma_wait3A_125, %dma_wait3A_126] : memref<10240x16xf32, #tpu.memory_space<hbm>> -> memref<10240x16xf32, #tpu.memory_space<hbm>>
          tpu.wait_indirect_dma semaphore(%arg28 : memref<!tpu.dma_semaphore, #tpu.memory_space<semaphore_mem>>) src(%dma_wait3A_127 : memref<10240x16xf32, #tpu.memory_space<hbm>>) dst(%arg18 : memref<128x16xf32, #tpu.memory_space<vmem>>)
          %add3A_128 = arith.constant 2 : i32
          %add3A_129 = arith.addi %add3A_88, %add3A_128 : i32
          %dma_start3A_130 = arith.constant 0 : i32
          %dma_start3A_131 = tpu.memref_slice %arg15[%add3A_129, %dma_start3A_130] : memref<80x128xi32, #tpu.memory_space<vmem>> -> memref<1x128xi32, #tpu.memory_space<vmem>>
          %dma_start3A_132 = tpu.memref_squeeze %dma_start3A_131 : memref<1x128xi32, #tpu.memory_space<vmem>> -> memref<128xi32, #tpu.memory_space<vmem>>
          %dma_start3A_133 = arith.constant 0 : i32
          %dma_start3A_134 = arith.constant 0 : i32
          %dma_start3A_135 = tpu.memref_slice %arg13[%dma_start3A_133, %dma_start3A_134] : memref<10240x16xf32, #tpu.memory_space<vmem_shared>> -> memref<10240x16xf32, #tpu.memory_space<vmem_shared>>
          tpu.enqueue_indirect_dma source(%arg18 : memref<128x16xf32, #tpu.memory_space<vmem>>) target(%dma_start3A_135 : memref<10240x16xf32, #tpu.memory_space<vmem_shared>>) offsets(%dma_start3A_132 : memref<128xi32, #tpu.memory_space<vmem>>) semaphore(%arg32 : memref<!tpu.dma_semaphore, #tpu.memory_space<semaphore_mem>>) {add = true}
          %add3A_136 = arith.constant 3 : i32
          %add3A_137 = arith.addi %add3A_88, %add3A_136 : i32
          %dma_wait3A_138 = arith.constant 0 : i32
          %dma_wait3A_139 = tpu.memref_slice %arg14[%add3A_137, %dma_wait3A_138] : memref<80x128xi32, #tpu.memory_space<vmem>> -> memref<1x128xi32, #tpu.memory_space<vmem>>
          %dma_wait3A_140 = tpu.memref_squeeze %dma_wait3A_139 : memref<1x128xi32, #tpu.memory_space<vmem>> -> memref<128xi32, #tpu.memory_space<vmem>>
          %dma_wait3A_141 = arith.constant 0 : i32
          %dma_wait3A_142 = arith.constant 0 : i32
          %dma_wait3A_143 = tpu.memref_slice %arg10[%dma_wait3A_141, %dma_wait3A_142] : memref<10240x16xf32, #tpu.memory_space<hbm>> -> memref<10240x16xf32, #tpu.memory_space<hbm>>
          tpu.wait_indirect_dma semaphore(%arg29 : memref<!tpu.dma_semaphore, #tpu.memory_space<semaphore_mem>>) src(%dma_wait3A_143 : memref<10240x16xf32, #tpu.memory_space<hbm>>) dst(%arg19 : memref<128x16xf32, #tpu.memory_space<vmem>>)
          %add3A_144 = arith.constant 3 : i32
          %add3A_145 = arith.addi %add3A_88, %add3A_144 : i32
          %dma_start3A_146 = arith.constant 0 : i32
          %dma_start3A_147 = tpu.memref_slice %arg15[%add3A_145, %dma_start3A_146] : memref<80x128xi32, #tpu.memory_space<vmem>> -> memref<1x128xi32, #tpu.memory_space<vmem>>
          %dma_start3A_148 = tpu.memref_squeeze %dma_start3A_147 : memref<1x128xi32, #tpu.memory_space<vmem>> -> memref<128xi32, #tpu.memory_space<vmem>>
          %dma_start3A_149 = arith.constant 0 : i32
          %dma_start3A_150 = arith.constant 0 : i32
          %dma_start3A_151 = tpu.memref_slice %arg13[%dma_start3A_149, %dma_start3A_150] : memref<10240x16xf32, #tpu.memory_space<vmem_shared>> -> memref<10240x16xf32, #tpu.memory_space<vmem_shared>>
          tpu.enqueue_indirect_dma source(%arg19 : memref<128x16xf32, #tpu.memory_space<vmem>>) target(%dma_start3A_151 : memref<10240x16xf32, #tpu.memory_space<vmem_shared>>) offsets(%dma_start3A_148 : memref<128xi32, #tpu.memory_space<vmem>>) semaphore(%arg33 : memref<!tpu.dma_semaphore, #tpu.memory_space<semaphore_mem>>) {add = true}
          %add3A_152 = arith.constant 0 : i32
          %add3A_153 = arith.addi %add3A_88, %add3A_152 : i32
          %dma_wait3A_154 = arith.constant 0 : i32
          %dma_wait3A_155 = tpu.memref_slice %arg15[%add3A_153, %dma_wait3A_154] : memref<80x128xi32, #tpu.memory_space<vmem>> -> memref<1x128xi32, #tpu.memory_space<vmem>>
          %dma_wait3A_156 = tpu.memref_squeeze %dma_wait3A_155 : memref<1x128xi32, #tpu.memory_space<vmem>> -> memref<128xi32, #tpu.memory_space<vmem>>
          %dma_wait3A_157 = arith.constant 0 : i32
          %dma_wait3A_158 = arith.constant 0 : i32
          %dma_wait3A_159 = tpu.memref_slice %arg13[%dma_wait3A_157, %dma_wait3A_158] : memref<10240x16xf32, #tpu.memory_space<vmem_shared>> -> memref<10240x16xf32, #tpu.memory_space<vmem_shared>>
          tpu.wait_indirect_dma semaphore(%arg30 : memref<!tpu.dma_semaphore, #tpu.memory_space<semaphore_mem>>) src(%arg16 : memref<128x16xf32, #tpu.memory_space<vmem>>) dst(%dma_wait3A_159 : memref<10240x16xf32, #tpu.memory_space<vmem_shared>>)
          %add3A_160 = arith.constant 0 : i32
          %add3A_161 = arith.addi %add3A_88, %add3A_160 : i32
          %add3A_162 = arith.constant 4 : i32
          %add3A_163 = arith.addi %add3A_161, %add3A_162 : i32
          %lt3A = arith.constant 80 : i32
          %lt3A_164 = arith.cmpi slt, %add3A_163, %lt3A : i32
          %convert_element_type3A_165 = arith.extui %lt3A_164 : i1 to i32
          %cond3A_166 = arith.constant 0 : i32
          %cond3A_167 = arith.cmpi ne, %convert_element_type3A_165, %cond3A_166 : i32
          scf.if %cond3A_167 {
            %add3A_219 = arith.constant 0 : i32
            %add3A_220 = arith.addi %add3A_88, %add3A_219 : i32
            %add3A_221 = arith.constant 4 : i32
            %add3A_222 = arith.addi %add3A_220, %add3A_221 : i32
            %dma_start3A_223 = arith.constant 0 : i32
            %dma_start3A_224 = tpu.memref_slice %arg14[%add3A_222, %dma_start3A_223] : memref<80x128xi32, #tpu.memory_space<vmem>> -> memref<1x128xi32, #tpu.memory_space<vmem>>
            %dma_start3A_225 = tpu.memref_squeeze %dma_start3A_224 : memref<1x128xi32, #tpu.memory_space<vmem>> -> memref<128xi32, #tpu.memory_space<vmem>>
            %dma_start3A_226 = arith.constant 0 : i32
            %dma_start3A_227 = arith.constant 0 : i32
            %dma_start3A_228 = tpu.memref_slice %arg10[%dma_start3A_226, %dma_start3A_227] : memref<10240x16xf32, #tpu.memory_space<hbm>> -> memref<10240x16xf32, #tpu.memory_space<hbm>>
            tpu.enqueue_indirect_dma source(%dma_start3A_228 : memref<10240x16xf32, #tpu.memory_space<hbm>>) target(%arg16 : memref<128x16xf32, #tpu.memory_space<vmem>>) offsets(%dma_start3A_225 : memref<128xi32, #tpu.memory_space<vmem>>) semaphore(%arg26 : memref<!tpu.dma_semaphore, #tpu.memory_space<semaphore_mem>>)
          } else {
          }
          %add3A_168 = arith.constant 1 : i32
          %add3A_169 = arith.addi %add3A_88, %add3A_168 : i32
          %dma_wait3A_170 = arith.constant 0 : i32
          %dma_wait3A_171 = tpu.memref_slice %arg15[%add3A_169, %dma_wait3A_170] : memref<80x128xi32, #tpu.memory_space<vmem>> -> memref<1x128xi32, #tpu.memory_space<vmem>>
          %dma_wait3A_172 = tpu.memref_squeeze %dma_wait3A_171 : memref<1x128xi32, #tpu.memory_space<vmem>> -> memref<128xi32, #tpu.memory_space<vmem>>
          %dma_wait3A_173 = arith.constant 0 : i32
          %dma_wait3A_174 = arith.constant 0 : i32
          %dma_wait3A_175 = tpu.memref_slice %arg13[%dma_wait3A_173, %dma_wait3A_174] : memref<10240x16xf32, #tpu.memory_space<vmem_shared>> -> memref<10240x16xf32, #tpu.memory_space<vmem_shared>>
          tpu.wait_indirect_dma semaphore(%arg31 : memref<!tpu.dma_semaphore, #tpu.memory_space<semaphore_mem>>) src(%arg17 : memref<128x16xf32, #tpu.memory_space<vmem>>) dst(%dma_wait3A_175 : memref<10240x16xf32, #tpu.memory_space<vmem_shared>>)
          %add3A_176 = arith.constant 1 : i32
          %add3A_177 = arith.addi %add3A_88, %add3A_176 : i32
          %add3A_178 = arith.constant 4 : i32
          %add3A_179 = arith.addi %add3A_177, %add3A_178 : i32
          %lt3A_180 = arith.constant 80 : i32
          %lt3A_181 = arith.cmpi slt, %add3A_179, %lt3A_180 : i32
          %convert_element_type3A_182 = arith.extui %lt3A_181 : i1 to i32
          %cond3A_183 = arith.constant 0 : i32
          %cond3A_184 = arith.cmpi ne, %convert_element_type3A_182, %cond3A_183 : i32
          scf.if %cond3A_184 {
            %add3A_219 = arith.constant 1 : i32
            %add3A_220 = arith.addi %add3A_88, %add3A_219 : i32
            %add3A_221 = arith.constant 4 : i32
            %add3A_222 = arith.addi %add3A_220, %add3A_221 : i32
            %dma_start3A_223 = arith.constant 0 : i32
            %dma_start3A_224 = tpu.memref_slice %arg14[%add3A_222, %dma_start3A_223] : memref<80x128xi32, #tpu.memory_space<vmem>> -> memref<1x128xi32, #tpu.memory_space<vmem>>
            %dma_start3A_225 = tpu.memref_squeeze %dma_start3A_224 : memref<1x128xi32, #tpu.memory_space<vmem>> -> memref<128xi32, #tpu.memory_space<vmem>>
            %dma_start3A_226 = arith.constant 0 : i32
            %dma_start3A_227 = arith.constant 0 : i32
            %dma_start3A_228 = tpu.memref_slice %arg10[%dma_start3A_226, %dma_start3A_227] : memref<10240x16xf32, #tpu.memory_space<hbm>> -> memref<10240x16xf32, #tpu.memory_space<hbm>>
            tpu.enqueue_indirect_dma source(%dma_start3A_228 : memref<10240x16xf32, #tpu.memory_space<hbm>>) target(%arg17 : memref<128x16xf32, #tpu.memory_space<vmem>>) offsets(%dma_start3A_225 : memref<128xi32, #tpu.memory_space<vmem>>) semaphore(%arg27 : memref<!tpu.dma_semaphore, #tpu.memory_space<semaphore_mem>>)
          } else {
          }
          %add3A_185 = arith.constant 2 : i32
          %add3A_186 = arith.addi %add3A_88, %add3A_185 : i32
          %dma_wait3A_187 = arith.constant 0 : i32
          %dma_wait3A_188 = tpu.memref_slice %arg15[%add3A_186, %dma_wait3A_187] : memref<80x128xi32, #tpu.memory_space<vmem>> -> memref<1x128xi32, #tpu.memory_space<vmem>>
          %dma_wait3A_189 = tpu.memref_squeeze %dma_wait3A_188 : memref<1x128xi32, #tpu.memory_space<vmem>> -> memref<128xi32, #tpu.memory_space<vmem>>
          %dma_wait3A_190 = arith.constant 0 : i32
          %dma_wait3A_191 = arith.constant 0 : i32
          %dma_wait3A_192 = tpu.memref_slice %arg13[%dma_wait3A_190, %dma_wait3A_191] : memref<10240x16xf32, #tpu.memory_space<vmem_shared>> -> memref<10240x16xf32, #tpu.memory_space<vmem_shared>>
          tpu.wait_indirect_dma semaphore(%arg32 : memref<!tpu.dma_semaphore, #tpu.memory_space<semaphore_mem>>) src(%arg18 : memref<128x16xf32, #tpu.memory_space<vmem>>) dst(%dma_wait3A_192 : memref<10240x16xf32, #tpu.memory_space<vmem_shared>>)
          %add3A_193 = arith.constant 2 : i32
          %add3A_194 = arith.addi %add3A_88, %add3A_193 : i32
          %add3A_195 = arith.constant 4 : i32
          %add3A_196 = arith.addi %add3A_194, %add3A_195 : i32
          %lt3A_197 = arith.constant 80 : i32
          %lt3A_198 = arith.cmpi slt, %add3A_196, %lt3A_197 : i32
          %convert_element_type3A_199 = arith.extui %lt3A_198 : i1 to i32
          %cond3A_200 = arith.constant 0 : i32
          %cond3A_201 = arith.cmpi ne, %convert_element_type3A_199, %cond3A_200 : i32
          scf.if %cond3A_201 {
            %add3A_219 = arith.constant 2 : i32
            %add3A_220 = arith.addi %add3A_88, %add3A_219 : i32
            %add3A_221 = arith.constant 4 : i32
            %add3A_222 = arith.addi %add3A_220, %add3A_221 : i32
            %dma_start3A_223 = arith.constant 0 : i32
            %dma_start3A_224 = tpu.memref_slice %arg14[%add3A_222, %dma_start3A_223] : memref<80x128xi32, #tpu.memory_space<vmem>> -> memref<1x128xi32, #tpu.memory_space<vmem>>
            %dma_start3A_225 = tpu.memref_squeeze %dma_start3A_224 : memref<1x128xi32, #tpu.memory_space<vmem>> -> memref<128xi32, #tpu.memory_space<vmem>>
            %dma_start3A_226 = arith.constant 0 : i32
            %dma_start3A_227 = arith.constant 0 : i32
            %dma_start3A_228 = tpu.memref_slice %arg10[%dma_start3A_226, %dma_start3A_227] : memref<10240x16xf32, #tpu.memory_space<hbm>> -> memref<10240x16xf32, #tpu.memory_space<hbm>>
            tpu.enqueue_indirect_dma source(%dma_start3A_228 : memref<10240x16xf32, #tpu.memory_space<hbm>>) target(%arg18 : memref<128x16xf32, #tpu.memory_space<vmem>>) offsets(%dma_start3A_225 : memref<128xi32, #tpu.memory_space<vmem>>) semaphore(%arg28 : memref<!tpu.dma_semaphore, #tpu.memory_space<semaphore_mem>>)
          } else {
          }
          %add3A_202 = arith.constant 3 : i32
          %add3A_203 = arith.addi %add3A_88, %add3A_202 : i32
          %dma_wait3A_204 = arith.constant 0 : i32
          %dma_wait3A_205 = tpu.memref_slice %arg15[%add3A_203, %dma_wait3A_204] : memref<80x128xi32, #tpu.memory_space<vmem>> -> memref<1x128xi32, #tpu.memory_space<vmem>>
          %dma_wait3A_206 = tpu.memref_squeeze %dma_wait3A_205 : memref<1x128xi32, #tpu.memory_space<vmem>> -> memref<128xi32, #tpu.memory_space<vmem>>
          %dma_wait3A_207 = arith.constant 0 : i32
          %dma_wait3A_208 = arith.constant 0 : i32
          %dma_wait3A_209 = tpu.memref_slice %arg13[%dma_wait3A_207, %dma_wait3A_208] : memref<10240x16xf32, #tpu.memory_space<vmem_shared>> -> memref<10240x16xf32, #tpu.memory_space<vmem_shared>>
          tpu.wait_indirect_dma semaphore(%arg33 : memref<!tpu.dma_semaphore, #tpu.memory_space<semaphore_mem>>) src(%arg19 : memref<128x16xf32, #tpu.memory_space<vmem>>) dst(%dma_wait3A_209 : memref<10240x16xf32, #tpu.memory_space<vmem_shared>>)
          %add3A_210 = arith.constant 3 : i32
          %add3A_211 = arith.addi %add3A_88, %add3A_210 : i32
          %add3A_212 = arith.constant 4 : i32
          %add3A_213 = arith.addi %add3A_211, %add3A_212 : i32
          %lt3A_214 = arith.constant 80 : i32
          %lt3A_215 = arith.cmpi slt, %add3A_213, %lt3A_214 : i32
          %convert_element_type3A_216 = arith.extui %lt3A_215 : i1 to i32
          %cond3A_217 = arith.constant 0 : i32
          %cond3A_218 = arith.cmpi ne, %convert_element_type3A_216, %cond3A_217 : i32
          scf.if %cond3A_218 {
            %add3A_219 = arith.constant 3 : i32
            %add3A_220 = arith.addi %add3A_88, %add3A_219 : i32
            %add3A_221 = arith.constant 4 : i32
            %add3A_222 = arith.addi %add3A_220, %add3A_221 : i32
            %dma_start3A_223 = arith.constant 0 : i32
            %dma_start3A_224 = tpu.memref_slice %arg14[%add3A_222, %dma_start3A_223] : memref<80x128xi32, #tpu.memory_space<vmem>> -> memref<1x128xi32, #tpu.memory_space<vmem>>
            %dma_start3A_225 = tpu.memref_squeeze %dma_start3A_224 : memref<1x128xi32, #tpu.memory_space<vmem>> -> memref<128xi32, #tpu.memory_space<vmem>>
            %dma_start3A_226 = arith.constant 0 : i32
            %dma_start3A_227 = arith.constant 0 : i32
            %dma_start3A_228 = tpu.memref_slice %arg10[%dma_start3A_226, %dma_start3A_227] : memref<10240x16xf32, #tpu.memory_space<hbm>> -> memref<10240x16xf32, #tpu.memory_space<hbm>>
            tpu.enqueue_indirect_dma source(%dma_start3A_228 : memref<10240x16xf32, #tpu.memory_space<hbm>>) target(%arg19 : memref<128x16xf32, #tpu.memory_space<vmem>>) offsets(%dma_start3A_225 : memref<128xi32, #tpu.memory_space<vmem>>) semaphore(%arg29 : memref<!tpu.dma_semaphore, #tpu.memory_space<semaphore_mem>>)
          } else {
          }
        }
        %scan3A_83 = arith.constant 20 : i32
      } else {
      }
      %barrier3A_40 = arith.constant 0 : index
      tpu.barrier barrier_id(%barrier3A_40)
      %eq3A_41 = arith.constant 0 : i32
      %eq3A_42 = arith.cmpi eq, %arg0, %eq3A_41 : i32
      %convert_element_type3A_43 = arith.extui %eq3A_42 : i1 to i32
      %cond3A_44 = arith.constant 0 : i32
      %cond3A_45 = arith.cmpi ne, %convert_element_type3A_43, %cond3A_44 : i32
      scf.if %cond3A_45 {
        "tpu.region"() ({
          %run_scoped3A = tpu.sem_alloc : memref<!tpu.dma_semaphore, #tpu.memory_space<semaphore_mem>>
          %dma_start3A = arith.constant 0 : i32
          %dma_start3A_59 = tpu.memref_slice %arg11[%mul3A_0, %dma_start3A] : memref<10240x16xf32, #tpu.memory_space<hbm>> -> memref<640x16xf32, #tpu.memory_space<hbm>>
          %dma_start3A_60 = arith.constant 0 : i32
          %dma_start3A_61 = tpu.memref_slice %arg13[%mul3A_0, %dma_start3A_60] : memref<10240x16xf32, #tpu.memory_space<vmem_shared>> -> memref<640x16xf32, #tpu.memory_space<vmem_shared>>
          tpu.enqueue_dma source(%dma_start3A_61 : memref<640x16xf32, #tpu.memory_space<vmem_shared>>) target(%dma_start3A_59 : memref<640x16xf32, #tpu.memory_space<hbm>>) target_semaphore(%run_scoped3A : memref<!tpu.dma_semaphore, #tpu.memory_space<semaphore_mem>>)
          %dma_wait3A = arith.constant 0 : i32
          %dma_wait3A_62 = tpu.memref_slice %arg11[%mul3A_0, %dma_wait3A] : memref<10240x16xf32, #tpu.memory_space<hbm>> -> memref<640x16xf32, #tpu.memory_space<hbm>>
          %dma_wait3A_63 = arith.constant 0 : i32
          %dma_wait3A_64 = tpu.memref_slice %arg13[%mul3A_0, %dma_wait3A_63] : memref<10240x16xf32, #tpu.memory_space<vmem_shared>> -> memref<640x16xf32, #tpu.memory_space<vmem_shared>>
          tpu.wait_dma2 semaphore(%run_scoped3A : memref<!tpu.dma_semaphore, #tpu.memory_space<semaphore_mem>>) src(%dma_wait3A_64 : memref<640x16xf32, #tpu.memory_space<vmem_shared>>) dst(%dma_wait3A_62 : memref<640x16xf32, #tpu.memory_space<hbm>>)
          tpu.yield
        }) : () -> ()
        %sub3A = arith.constant 1 : i32
        %sub3A_52 = arith.subi %sub3A, %arg0 : i32
        %semaphore_signal3A = arith.constant 1 : i32
        tpu.sem_signal %arg34, %semaphore_signal3A core_id %sub3A_52 : memref<!tpu.semaphore, #tpu.memory_space<semaphore_mem>>
        %semaphore_wait3A = arith.constant 1 : i32
        %semaphore_wait3A_53 = arith.constant true
        tpu.sem_wait %arg34, %semaphore_wait3A : memref<!tpu.semaphore, #tpu.memory_space<semaphore_mem>>
        "tpu.region"() ({
          %run_scoped3A = tpu.sem_alloc : memref<!tpu.dma_semaphore, #tpu.memory_space<semaphore_mem>>
          %dma_start3A = arith.constant 0 : i32
          %dma_start3A_59 = tpu.memref_slice %arg13[%mul3A_0, %dma_start3A] : memref<10240x16xf32, #tpu.memory_space<vmem_shared>> -> memref<640x16xf32, #tpu.memory_space<vmem_shared>>
          %dma_start3A_60 = arith.constant 0 : i32
          %dma_start3A_61 = tpu.memref_slice %arg13[%mul3A_0, %dma_start3A_60] : memref<10240x16xf32, #tpu.memory_space<vmem_shared>> -> memref<640x16xf32, #tpu.memory_space<vmem_shared>>
          tpu.enqueue_dma source(%dma_start3A_61 : memref<640x16xf32, #tpu.memory_space<vmem_shared>>) target(%arg23 : memref<640x16xf32, #tpu.memory_space<vmem>>) target_semaphore(%run_scoped3A : memref<!tpu.dma_semaphore, #tpu.memory_space<semaphore_mem>>)
          %dma_wait3A = arith.constant 0 : i32
          %dma_wait3A_62 = tpu.memref_slice %arg13[%mul3A_0, %dma_wait3A] : memref<10240x16xf32, #tpu.memory_space<vmem_shared>> -> memref<640x16xf32, #tpu.memory_space<vmem_shared>>
          %dma_wait3A_63 = arith.constant 0 : i32
          %dma_wait3A_64 = tpu.memref_slice %arg13[%mul3A_0, %dma_wait3A_63] : memref<10240x16xf32, #tpu.memory_space<vmem_shared>> -> memref<640x16xf32, #tpu.memory_space<vmem_shared>>
          tpu.wait_dma2 semaphore(%run_scoped3A : memref<!tpu.dma_semaphore, #tpu.memory_space<semaphore_mem>>) src(%dma_wait3A_64 : memref<640x16xf32, #tpu.memory_space<vmem_shared>>) dst(%arg23 : memref<640x16xf32, #tpu.memory_space<vmem>>)
          tpu.yield
        }) : () -> ()
        "tpu.region"() ({
          %run_scoped3A = tpu.sem_alloc : memref<!tpu.dma_semaphore, #tpu.memory_space<semaphore_mem>>
          %dma_start3A = arith.constant 0 : i32
          %dma_start3A_59 = tpu.memref_slice %arg12[%mul3A_0, %dma_start3A] : memref<10240x16xf32, #tpu.memory_space<hbm>> -> memref<640x16xf32, #tpu.memory_space<hbm>>
          %dma_start3A_60 = arith.constant 0 : i32
          %dma_start3A_61 = tpu.memref_slice %arg12[%mul3A_0, %dma_start3A_60] : memref<10240x16xf32, #tpu.memory_space<hbm>> -> memref<640x16xf32, #tpu.memory_space<hbm>>
          tpu.enqueue_dma source(%dma_start3A_61 : memref<640x16xf32, #tpu.memory_space<hbm>>) target(%arg24 : memref<640x16xf32, #tpu.memory_space<vmem>>) target_semaphore(%run_scoped3A : memref<!tpu.dma_semaphore, #tpu.memory_space<semaphore_mem>>)
          %dma_wait3A = arith.constant 0 : i32
          %dma_wait3A_62 = tpu.memref_slice %arg12[%mul3A_0, %dma_wait3A] : memref<10240x16xf32, #tpu.memory_space<hbm>> -> memref<640x16xf32, #tpu.memory_space<hbm>>
          %dma_wait3A_63 = arith.constant 0 : i32
          %dma_wait3A_64 = tpu.memref_slice %arg12[%mul3A_0, %dma_wait3A_63] : memref<10240x16xf32, #tpu.memory_space<hbm>> -> memref<640x16xf32, #tpu.memory_space<hbm>>
          tpu.wait_dma2 semaphore(%run_scoped3A : memref<!tpu.dma_semaphore, #tpu.memory_space<semaphore_mem>>) src(%dma_wait3A_64 : memref<640x16xf32, #tpu.memory_space<hbm>>) dst(%arg24 : memref<640x16xf32, #tpu.memory_space<vmem>>)
          tpu.yield
        }) : () -> ()
        %scan3A_54 = arith.constant 0 : i32
        %scan3A_55 = arith.constant 640 : i32
        %scan3A_56 = arith.addi %scan3A_54, %scan3A_55 : i32
        %scan3A_57 = arith.constant 4 : i32
        scf.for %scan3A_59 = %scan3A_54 to %scan3A_56 step %scan3A_57  : i32 {
          %mul3A_60 = arith.constant 1 : i32
          %mul3A_61 = arith.muli %scan3A_59, %mul3A_60 : i32
          %add3A_62 = arith.constant 0 : i32
          %add3A_63 = arith.addi %add3A_62, %mul3A_61 : i32
          %get3A = arith.index_cast %add3A_63 : i32 to index
          %get3A_64 = arith.constant 0 : index
          %get3A_65 = tpu.vector_load %arg22[%get3A, %get3A_64] {strides = array<i32>} : memref<640x16xf32, #tpu.memory_space<vmem>>, vector<1x16xf32>,
          %get3A_66 = vector.shape_cast %get3A_65 : vector<1x16xf32> to vector<16xf32>
          %get3A_67 = arith.index_cast %add3A_63 : i32 to index
          %get3A_68 = arith.constant 0 : index
          %get3A_69 = tpu.vector_load %arg23[%get3A_67, %get3A_68] {strides = array<i32>} : memref<640x16xf32, #tpu.memory_space<vmem>>, vector<1x16xf32>,
          %get3A_70 = vector.shape_cast %get3A_69 : vector<1x16xf32> to vector<16xf32>
          %get3A_71 = arith.index_cast %add3A_63 : i32 to index
          %get3A_72 = arith.constant 0 : index
          %get3A_73 = tpu.vector_load %arg24[%get3A_71, %get3A_72] {strides = array<i32>} : memref<640x16xf32, #tpu.memory_space<vmem>>, vector<1x16xf32>,
          %get3A_74 = vector.shape_cast %get3A_73 : vector<1x16xf32> to vector<16xf32>
          %add3A_75 = arith.addf %get3A_70, %get3A_74 : vector<16xf32>
          %get3A_76 = arith.index_cast %add3A_63 : i32 to index
          %get3A_77 = arith.constant 0 : index
          %get3A_78 = tpu.vector_load %arg20[%get3A_76, %get3A_77] {strides = array<i32>} : memref<640x16xf32, #tpu.memory_space<vmem>>, vector<1x16xf32>,
          %get3A_79 = vector.shape_cast %get3A_78 : vector<1x16xf32> to vector<16xf32>
          %add3A_80 = arith.addf %add3A_75, %get3A_79 : vector<16xf32>
          %mul3A_81 = arith.mulf %get3A_66, %add3A_80 : vector<16xf32>
          %get3A_82 = arith.index_cast %add3A_63 : i32 to index
          %get3A_83 = arith.constant 0 : index
          %get3A_84 = tpu.vector_load %arg21[%get3A_82, %get3A_83] {strides = array<i32>} : memref<640x16xf32, #tpu.memory_space<vmem>>, vector<1x16xf32>,
          %get3A_85 = vector.shape_cast %get3A_84 : vector<1x16xf32> to vector<16xf32>
          %add3A_86 = arith.addf %mul3A_81, %get3A_85 : vector<16xf32>
          %swap3A = arith.index_cast %add3A_63 : i32 to index
          %swap3A_87 = arith.constant 0 : index
          %swap3A_88 = tpu.vector_load %arg20[%swap3A, %swap3A_87] {strides = array<i32>} : memref<640x16xf32, #tpu.memory_space<vmem>>, vector<1x16xf32>,
          %swap3A_89 = vector.shape_cast %swap3A_88 : vector<1x16xf32> to vector<16xf32>
          %swap3A_90 = vector.shape_cast %add3A_86 : vector<16xf32> to vector<1x16xf32>
          tpu.vector_store %arg20[%swap3A, %swap3A_87], %swap3A_90 {strides = array<i32>} : memref<640x16xf32, #tpu.memory_space<vmem>>, vector<1x16xf32>,
          %scan3A_91 = arith.constant 1 : i32
          %scan3A_92 = arith.addi %scan3A_59, %scan3A_91 : i32
          %mul3A_93 = arith.constant 1 : i32
          %mul3A_94 = arith.muli %scan3A_92, %mul3A_93 : i32
          %add3A_95 = arith.constant 0 : i32
          %add3A_96 = arith.addi %add3A_95, %mul3A_94 : i32
          %get3A_97 = arith.index_cast %add3A_96 : i32 to index
          %get3A_98 = arith.constant 0 : index
          %get3A_99 = tpu.vector_load %arg22[%get3A_97, %get3A_98] {strides = array<i32>} : memref<640x16xf32, #tpu.memory_space<vmem>>, vector<1x16xf32>,
          %get3A_100 = vector.shape_cast %get3A_99 : vector<1x16xf32> to vector<16xf32>
          %get3A_101 = arith.index_cast %add3A_96 : i32 to index
          %get3A_102 = arith.constant 0 : index
          %get3A_103 = tpu.vector_load %arg23[%get3A_101, %get3A_102] {strides = array<i32>} : memref<640x16xf32, #tpu.memory_space<vmem>>, vector<1x16xf32>,
          %get3A_104 = vector.shape_cast %get3A_103 : vector<1x16xf32> to vector<16xf32>
          %get3A_105 = arith.index_cast %add3A_96 : i32 to index
          %get3A_106 = arith.constant 0 : index
          %get3A_107 = tpu.vector_load %arg24[%get3A_105, %get3A_106] {strides = array<i32>} : memref<640x16xf32, #tpu.memory_space<vmem>>, vector<1x16xf32>,
          %get3A_108 = vector.shape_cast %get3A_107 : vector<1x16xf32> to vector<16xf32>
          %add3A_109 = arith.addf %get3A_104, %get3A_108 : vector<16xf32>
          %get3A_110 = arith.index_cast %add3A_96 : i32 to index
          %get3A_111 = arith.constant 0 : index
          %get3A_112 = tpu.vector_load %arg20[%get3A_110, %get3A_111] {strides = array<i32>} : memref<640x16xf32, #tpu.memory_space<vmem>>, vector<1x16xf32>,
          %get3A_113 = vector.shape_cast %get3A_112 : vector<1x16xf32> to vector<16xf32>
          %add3A_114 = arith.addf %add3A_109, %get3A_113 : vector<16xf32>
          %mul3A_115 = arith.mulf %get3A_100, %add3A_114 : vector<16xf32>
          %get3A_116 = arith.index_cast %add3A_96 : i32 to index
          %get3A_117 = arith.constant 0 : index
          %get3A_118 = tpu.vector_load %arg21[%get3A_116, %get3A_117] {strides = array<i32>} : memref<640x16xf32, #tpu.memory_space<vmem>>, vector<1x16xf32>,
          %get3A_119 = vector.shape_cast %get3A_118 : vector<1x16xf32> to vector<16xf32>
          %add3A_120 = arith.addf %mul3A_115, %get3A_119 : vector<16xf32>
          %swap3A_121 = arith.index_cast %add3A_96 : i32 to index
          %swap3A_122 = arith.constant 0 : index
          %swap3A_123 = tpu.vector_load %arg20[%swap3A_121, %swap3A_122] {strides = array<i32>} : memref<640x16xf32, #tpu.memory_space<vmem>>, vector<1x16xf32>,
          %swap3A_124 = vector.shape_cast %swap3A_123 : vector<1x16xf32> to vector<16xf32>
          %swap3A_125 = vector.shape_cast %add3A_120 : vector<16xf32> to vector<1x16xf32>
          tpu.vector_store %arg20[%swap3A_121, %swap3A_122], %swap3A_125 {strides = array<i32>} : memref<640x16xf32, #tpu.memory_space<vmem>>, vector<1x16xf32>,
          %scan3A_126 = arith.constant 2 : i32
          %scan3A_127 = arith.addi %scan3A_59, %scan3A_126 : i32
          %mul3A_128 = arith.constant 1 : i32
          %mul3A_129 = arith.muli %scan3A_127, %mul3A_128 : i32
          %add3A_130 = arith.constant 0 : i32
          %add3A_131 = arith.addi %add3A_130, %mul3A_129 : i32
          %get3A_132 = arith.index_cast %add3A_131 : i32 to index
          %get3A_133 = arith.constant 0 : index
          %get3A_134 = tpu.vector_load %arg22[%get3A_132, %get3A_133] {strides = array<i32>} : memref<640x16xf32, #tpu.memory_space<vmem>>, vector<1x16xf32>,
          %get3A_135 = vector.shape_cast %get3A_134 : vector<1x16xf32> to vector<16xf32>
          %get3A_136 = arith.index_cast %add3A_131 : i32 to index
          %get3A_137 = arith.constant 0 : index
          %get3A_138 = tpu.vector_load %arg23[%get3A_136, %get3A_137] {strides = array<i32>} : memref<640x16xf32, #tpu.memory_space<vmem>>, vector<1x16xf32>,
          %get3A_139 = vector.shape_cast %get3A_138 : vector<1x16xf32> to vector<16xf32>
          %get3A_140 = arith.index_cast %add3A_131 : i32 to index
          %get3A_141 = arith.constant 0 : index
          %get3A_142 = tpu.vector_load %arg24[%get3A_140, %get3A_141] {strides = array<i32>} : memref<640x16xf32, #tpu.memory_space<vmem>>, vector<1x16xf32>,
          %get3A_143 = vector.shape_cast %get3A_142 : vector<1x16xf32> to vector<16xf32>
          %add3A_144 = arith.addf %get3A_139, %get3A_143 : vector<16xf32>
          %get3A_145 = arith.index_cast %add3A_131 : i32 to index
          %get3A_146 = arith.constant 0 : index
          %get3A_147 = tpu.vector_load %arg20[%get3A_145, %get3A_146] {strides = array<i32>} : memref<640x16xf32, #tpu.memory_space<vmem>>, vector<1x16xf32>,
          %get3A_148 = vector.shape_cast %get3A_147 : vector<1x16xf32> to vector<16xf32>
          %add3A_149 = arith.addf %add3A_144, %get3A_148 : vector<16xf32>
          %mul3A_150 = arith.mulf %get3A_135, %add3A_149 : vector<16xf32>
          %get3A_151 = arith.index_cast %add3A_131 : i32 to index
          %get3A_152 = arith.constant 0 : index
          %get3A_153 = tpu.vector_load %arg21[%get3A_151, %get3A_152] {strides = array<i32>} : memref<640x16xf32, #tpu.memory_space<vmem>>, vector<1x16xf32>,
          %get3A_154 = vector.shape_cast %get3A_153 : vector<1x16xf32> to vector<16xf32>
          %add3A_155 = arith.addf %mul3A_150, %get3A_154 : vector<16xf32>
          %swap3A_156 = arith.index_cast %add3A_131 : i32 to index
          %swap3A_157 = arith.constant 0 : index
          %swap3A_158 = tpu.vector_load %arg20[%swap3A_156, %swap3A_157] {strides = array<i32>} : memref<640x16xf32, #tpu.memory_space<vmem>>, vector<1x16xf32>,
          %swap3A_159 = vector.shape_cast %swap3A_158 : vector<1x16xf32> to vector<16xf32>
          %swap3A_160 = vector.shape_cast %add3A_155 : vector<16xf32> to vector<1x16xf32>
          tpu.vector_store %arg20[%swap3A_156, %swap3A_157], %swap3A_160 {strides = array<i32>} : memref<640x16xf32, #tpu.memory_space<vmem>>, vector<1x16xf32>,
          %scan3A_161 = arith.constant 3 : i32
          %scan3A_162 = arith.addi %scan3A_59, %scan3A_161 : i32
          %mul3A_163 = arith.constant 1 : i32
          %mul3A_164 = arith.muli %scan3A_162, %mul3A_163 : i32
          %add3A_165 = arith.constant 0 : i32
          %add3A_166 = arith.addi %add3A_165, %mul3A_164 : i32
          %get3A_167 = arith.index_cast %add3A_166 : i32 to index
          %get3A_168 = arith.constant 0 : index
          %get3A_169 = tpu.vector_load %arg22[%get3A_167, %get3A_168] {strides = array<i32>} : memref<640x16xf32, #tpu.memory_space<vmem>>, vector<1x16xf32>,
          %get3A_170 = vector.shape_cast %get3A_169 : vector<1x16xf32> to vector<16xf32>
          %get3A_171 = arith.index_cast %add3A_166 : i32 to index
          %get3A_172 = arith.constant 0 : index
          %get3A_173 = tpu.vector_load %arg23[%get3A_171, %get3A_172] {strides = array<i32>} : memref<640x16xf32, #tpu.memory_space<vmem>>, vector<1x16xf32>,
          %get3A_174 = vector.shape_cast %get3A_173 : vector<1x16xf32> to vector<16xf32>
          %get3A_175 = arith.index_cast %add3A_166 : i32 to index
          %get3A_176 = arith.constant 0 : index
          %get3A_177 = tpu.vector_load %arg24[%get3A_175, %get3A_176] {strides = array<i32>} : memref<640x16xf32, #tpu.memory_space<vmem>>, vector<1x16xf32>,
          %get3A_178 = vector.shape_cast %get3A_177 : vector<1x16xf32> to vector<16xf32>
          %add3A_179 = arith.addf %get3A_174, %get3A_178 : vector<16xf32>
          %get3A_180 = arith.index_cast %add3A_166 : i32 to index
          %get3A_181 = arith.constant 0 : index
          %get3A_182 = tpu.vector_load %arg20[%get3A_180, %get3A_181] {strides = array<i32>} : memref<640x16xf32, #tpu.memory_space<vmem>>, vector<1x16xf32>,
          %get3A_183 = vector.shape_cast %get3A_182 : vector<1x16xf32> to vector<16xf32>
          %add3A_184 = arith.addf %add3A_179, %get3A_183 : vector<16xf32>
          %mul3A_185 = arith.mulf %get3A_170, %add3A_184 : vector<16xf32>
          %get3A_186 = arith.index_cast %add3A_166 : i32 to index
          %get3A_187 = arith.constant 0 : index
          %get3A_188 = tpu.vector_load %arg21[%get3A_186, %get3A_187] {strides = array<i32>} : memref<640x16xf32, #tpu.memory_space<vmem>>, vector<1x16xf32>,
          %get3A_189 = vector.shape_cast %get3A_188 : vector<1x16xf32> to vector<16xf32>
          %add3A_190 = arith.addf %mul3A_185, %get3A_189 : vector<16xf32>
          %swap3A_191 = arith.index_cast %add3A_166 : i32 to index
          %swap3A_192 = arith.constant 0 : index
          %swap3A_193 = tpu.vector_load %arg20[%swap3A_191, %swap3A_192] {strides = array<i32>} : memref<640x16xf32, #tpu.memory_space<vmem>>, vector<1x16xf32>,
          %swap3A_194 = vector.shape_cast %swap3A_193 : vector<1x16xf32> to vector<16xf32>
          %swap3A_195 = vector.shape_cast %add3A_190 : vector<16xf32> to vector<1x16xf32>
          tpu.vector_store %arg20[%swap3A_191, %swap3A_192], %swap3A_195 {strides = array<i32>} : memref<640x16xf32, #tpu.memory_space<vmem>>, vector<1x16xf32>,
        }
        %scan3A_58 = arith.constant 640 : i32
        "tpu.region"() ({
          %run_scoped3A = tpu.sem_alloc : memref<!tpu.dma_semaphore, #tpu.memory_space<semaphore_mem>>
          %dma_start3A = arith.constant 0 : i32
          %dma_start3A_59 = tpu.memref_slice %arg13[%mul3A_0, %dma_start3A] : memref<10240x16xf32, #tpu.memory_space<vmem_shared>> -> memref<640x16xf32, #tpu.memory_space<vmem_shared>>
          %dma_start3A_60 = arith.constant 0 : i32
          %dma_start3A_61 = tpu.memref_slice %arg13[%mul3A_0, %dma_start3A_60] : memref<10240x16xf32, #tpu.memory_space<vmem_shared>> -> memref<640x16xf32, #tpu.memory_space<vmem_shared>>
          tpu.enqueue_dma source(%arg25 : memref<640x16xf32, #tpu.memory_space<vmem>>) target(%dma_start3A_61 : memref<640x16xf32, #tpu.memory_space<vmem_shared>>) target_semaphore(%run_scoped3A : memref<!tpu.dma_semaphore, #tpu.memory_space<semaphore_mem>>)
          %dma_wait3A = arith.constant 0 : i32
          %dma_wait3A_62 = tpu.memref_slice %arg13[%mul3A_0, %dma_wait3A] : memref<10240x16xf32, #tpu.memory_space<vmem_shared>> -> memref<640x16xf32, #tpu.memory_space<vmem_shared>>
          %dma_wait3A_63 = arith.constant 0 : i32
          %dma_wait3A_64 = tpu.memref_slice %arg13[%mul3A_0, %dma_wait3A_63] : memref<10240x16xf32, #tpu.memory_space<vmem_shared>> -> memref<640x16xf32, #tpu.memory_space<vmem_shared>>
          tpu.wait_dma2 semaphore(%run_scoped3A : memref<!tpu.dma_semaphore, #tpu.memory_space<semaphore_mem>>) src(%arg25 : memref<640x16xf32, #tpu.memory_space<vmem>>) dst(%dma_wait3A_64 : memref<640x16xf32, #tpu.memory_space<vmem_shared>>)
          tpu.yield
        }) : () -> ()
        "tpu.region"() ({
          %run_scoped3A = tpu.sem_alloc : memref<!tpu.dma_semaphore, #tpu.memory_space<semaphore_mem>>
          %dma_start3A = arith.constant 0 : i32
          %dma_start3A_59 = tpu.memref_slice %arg9[%mul3A_0, %dma_start3A] : memref<10240x16xf32, #tpu.memory_space<hbm>> -> memref<640x16xf32, #tpu.memory_space<hbm>>
          %dma_start3A_60 = arith.constant 0 : i32
          %dma_start3A_61 = tpu.memref_slice %arg9[%mul3A_0, %dma_start3A_60] : memref<10240x16xf32, #tpu.memory_space<hbm>> -> memref<640x16xf32, #tpu.memory_space<hbm>>
          tpu.enqueue_dma source(%arg20 : memref<640x16xf32, #tpu.memory_space<vmem>>) target(%dma_start3A_61 : memref<640x16xf32, #tpu.memory_space<hbm>>) target_semaphore(%run_scoped3A : memref<!tpu.dma_semaphore, #tpu.memory_space<semaphore_mem>>)
          %dma_wait3A = arith.constant 0 : i32
          %dma_wait3A_62 = tpu.memref_slice %arg9[%mul3A_0, %dma_wait3A] : memref<10240x16xf32, #tpu.memory_space<hbm>> -> memref<640x16xf32, #tpu.memory_space<hbm>>
          %dma_wait3A_63 = arith.constant 0 : i32
          %dma_wait3A_64 = tpu.memref_slice %arg9[%mul3A_0, %dma_wait3A_63] : memref<10240x16xf32, #tpu.memory_space<hbm>> -> memref<640x16xf32, #tpu.memory_space<hbm>>
          tpu.wait_dma2 semaphore(%run_scoped3A : memref<!tpu.dma_semaphore, #tpu.memory_space<semaphore_mem>>) src(%arg20 : memref<640x16xf32, #tpu.memory_space<vmem>>) dst(%dma_wait3A_64 : memref<640x16xf32, #tpu.memory_space<hbm>>)
          tpu.yield
        }) : () -> ()
      } else {
      }
      %eq3A_46 = arith.constant 1 : i32
      %eq3A_47 = arith.cmpi eq, %arg0, %eq3A_46 : i32
      %convert_element_type3A_48 = arith.extui %eq3A_47 : i1 to i32
      %cond3A_49 = arith.constant 0 : i32
      %cond3A_50 = arith.cmpi ne, %convert_element_type3A_48, %cond3A_49 : i32
      scf.if %cond3A_50 {
        "tpu.region"() ({
          %run_scoped3A = tpu.sem_alloc : memref<!tpu.dma_semaphore, #tpu.memory_space<semaphore_mem>>
          %dma_start3A = arith.constant 0 : i32
          %dma_start3A_59 = tpu.memref_slice %arg12[%mul3A_0, %dma_start3A] : memref<10240x16xf32, #tpu.memory_space<hbm>> -> memref<640x16xf32, #tpu.memory_space<hbm>>
          %dma_start3A_60 = arith.constant 0 : i32
          %dma_start3A_61 = tpu.memref_slice %arg13[%mul3A_0, %dma_start3A_60] : memref<10240x16xf32, #tpu.memory_space<vmem_shared>> -> memref<640x16xf32, #tpu.memory_space<vmem_shared>>
          tpu.enqueue_dma source(%dma_start3A_61 : memref<640x16xf32, #tpu.memory_space<vmem_shared>>) target(%dma_start3A_59 : memref<640x16xf32, #tpu.memory_space<hbm>>) target_semaphore(%run_scoped3A : memref<!tpu.dma_semaphore, #tpu.memory_space<semaphore_mem>>)
          %dma_wait3A = arith.constant 0 : i32
          %dma_wait3A_62 = tpu.memref_slice %arg12[%mul3A_0, %dma_wait3A] : memref<10240x16xf32, #tpu.memory_space<hbm>> -> memref<640x16xf32, #tpu.memory_space<hbm>>
          %dma_wait3A_63 = arith.constant 0 : i32
          %dma_wait3A_64 = tpu.memref_slice %arg13[%mul3A_0, %dma_wait3A_63] : memref<10240x16xf32, #tpu.memory_space<vmem_shared>> -> memref<640x16xf32, #tpu.memory_space<vmem_shared>>
          tpu.wait_dma2 semaphore(%run_scoped3A : memref<!tpu.dma_semaphore, #tpu.memory_space<semaphore_mem>>) src(%dma_wait3A_64 : memref<640x16xf32, #tpu.memory_space<vmem_shared>>) dst(%dma_wait3A_62 : memref<640x16xf32, #tpu.memory_space<hbm>>)
          tpu.yield
        }) : () -> ()
        %sub3A = arith.constant 1 : i32
        %sub3A_52 = arith.subi %sub3A, %arg0 : i32
        %semaphore_signal3A = arith.constant 1 : i32
        tpu.sem_signal %arg34, %semaphore_signal3A core_id %sub3A_52 : memref<!tpu.semaphore, #tpu.memory_space<semaphore_mem>>
        %semaphore_wait3A = arith.constant 1 : i32
        %semaphore_wait3A_53 = arith.constant true
        tpu.sem_wait %arg34, %semaphore_wait3A : memref<!tpu.semaphore, #tpu.memory_space<semaphore_mem>>
        "tpu.region"() ({
          %run_scoped3A = tpu.sem_alloc : memref<!tpu.dma_semaphore, #tpu.memory_space<semaphore_mem>>
          %dma_start3A = arith.constant 0 : i32
          %dma_start3A_59 = tpu.memref_slice %arg13[%mul3A_0, %dma_start3A] : memref<10240x16xf32, #tpu.memory_space<vmem_shared>> -> memref<640x16xf32, #tpu.memory_space<vmem_shared>>
          %dma_start3A_60 = arith.constant 0 : i32
          %dma_start3A_61 = tpu.memref_slice %arg13[%mul3A_0, %dma_start3A_60] : memref<10240x16xf32, #tpu.memory_space<vmem_shared>> -> memref<640x16xf32, #tpu.memory_space<vmem_shared>>
          tpu.enqueue_dma source(%dma_start3A_61 : memref<640x16xf32, #tpu.memory_space<vmem_shared>>) target(%arg23 : memref<640x16xf32, #tpu.memory_space<vmem>>) target_semaphore(%run_scoped3A : memref<!tpu.dma_semaphore, #tpu.memory_space<semaphore_mem>>)
          %dma_wait3A = arith.constant 0 : i32
          %dma_wait3A_62 = tpu.memref_slice %arg13[%mul3A_0, %dma_wait3A] : memref<10240x16xf32, #tpu.memory_space<vmem_shared>> -> memref<640x16xf32, #tpu.memory_space<vmem_shared>>
          %dma_wait3A_63 = arith.constant 0 : i32
          %dma_wait3A_64 = tpu.memref_slice %arg13[%mul3A_0, %dma_wait3A_63] : memref<10240x16xf32, #tpu.memory_space<vmem_shared>> -> memref<640x16xf32, #tpu.memory_space<vmem_shared>>
          tpu.wait_dma2 semaphore(%run_scoped3A : memref<!tpu.dma_semaphore, #tpu.memory_space<semaphore_mem>>) src(%dma_wait3A_64 : memref<640x16xf32, #tpu.memory_space<vmem_shared>>) dst(%arg23 : memref<640x16xf32, #tpu.memory_space<vmem>>)
          tpu.yield
        }) : () -> ()
        "tpu.region"() ({
          %run_scoped3A = tpu.sem_alloc : memref<!tpu.dma_semaphore, #tpu.memory_space<semaphore_mem>>
          %dma_start3A = arith.constant 0 : i32
          %dma_start3A_59 = tpu.memref_slice %arg11[%mul3A_0, %dma_start3A] : memref<10240x16xf32, #tpu.memory_space<hbm>> -> memref<640x16xf32, #tpu.memory_space<hbm>>
          %dma_start3A_60 = arith.constant 0 : i32
          %dma_start3A_61 = tpu.memref_slice %arg11[%mul3A_0, %dma_start3A_60] : memref<10240x16xf32, #tpu.memory_space<hbm>> -> memref<640x16xf32, #tpu.memory_space<hbm>>
          tpu.enqueue_dma source(%dma_start3A_61 : memref<640x16xf32, #tpu.memory_space<hbm>>) target(%arg24 : memref<640x16xf32, #tpu.memory_space<vmem>>) target_semaphore(%run_scoped3A : memref<!tpu.dma_semaphore, #tpu.memory_space<semaphore_mem>>)
          %dma_wait3A = arith.constant 0 : i32
          %dma_wait3A_62 = tpu.memref_slice %arg11[%mul3A_0, %dma_wait3A] : memref<10240x16xf32, #tpu.memory_space<hbm>> -> memref<640x16xf32, #tpu.memory_space<hbm>>
          %dma_wait3A_63 = arith.constant 0 : i32
          %dma_wait3A_64 = tpu.memref_slice %arg11[%mul3A_0, %dma_wait3A_63] : memref<10240x16xf32, #tpu.memory_space<hbm>> -> memref<640x16xf32, #tpu.memory_space<hbm>>
          tpu.wait_dma2 semaphore(%run_scoped3A : memref<!tpu.dma_semaphore, #tpu.memory_space<semaphore_mem>>) src(%dma_wait3A_64 : memref<640x16xf32, #tpu.memory_space<hbm>>) dst(%arg24 : memref<640x16xf32, #tpu.memory_space<vmem>>)
          tpu.yield
        }) : () -> ()
        %scan3A_54 = arith.constant 0 : i32
        %scan3A_55 = arith.constant 640 : i32
        %scan3A_56 = arith.addi %scan3A_54, %scan3A_55 : i32
        %scan3A_57 = arith.constant 4 : i32
        scf.for %scan3A_59 = %scan3A_54 to %scan3A_56 step %scan3A_57  : i32 {
          %mul3A_60 = arith.constant 1 : i32
          %mul3A_61 = arith.muli %scan3A_59, %mul3A_60 : i32
          %add3A_62 = arith.constant 0 : i32
          %add3A_63 = arith.addi %add3A_62, %mul3A_61 : i32
          %get3A = arith.index_cast %add3A_63 : i32 to index
          %get3A_64 = arith.constant 0 : index
          %get3A_65 = tpu.vector_load %arg22[%get3A, %get3A_64] {strides = array<i32>} : memref<640x16xf32, #tpu.memory_space<vmem>>, vector<1x16xf32>,
          %get3A_66 = vector.shape_cast %get3A_65 : vector<1x16xf32> to vector<16xf32>
          %get3A_67 = arith.index_cast %add3A_63 : i32 to index
          %get3A_68 = arith.constant 0 : index
          %get3A_69 = tpu.vector_load %arg23[%get3A_67, %get3A_68] {strides = array<i32>} : memref<640x16xf32, #tpu.memory_space<vmem>>, vector<1x16xf32>,
          %get3A_70 = vector.shape_cast %get3A_69 : vector<1x16xf32> to vector<16xf32>
          %get3A_71 = arith.index_cast %add3A_63 : i32 to index
          %get3A_72 = arith.constant 0 : index
          %get3A_73 = tpu.vector_load %arg24[%get3A_71, %get3A_72] {strides = array<i32>} : memref<640x16xf32, #tpu.memory_space<vmem>>, vector<1x16xf32>,
          %get3A_74 = vector.shape_cast %get3A_73 : vector<1x16xf32> to vector<16xf32>
          %add3A_75 = arith.addf %get3A_70, %get3A_74 : vector<16xf32>
          %get3A_76 = arith.index_cast %add3A_63 : i32 to index
          %get3A_77 = arith.constant 0 : index
          %get3A_78 = tpu.vector_load %arg20[%get3A_76, %get3A_77] {strides = array<i32>} : memref<640x16xf32, #tpu.memory_space<vmem>>, vector<1x16xf32>,
          %get3A_79 = vector.shape_cast %get3A_78 : vector<1x16xf32> to vector<16xf32>
          %add3A_80 = arith.addf %add3A_75, %get3A_79 : vector<16xf32>
          %mul3A_81 = arith.mulf %get3A_66, %add3A_80 : vector<16xf32>
          %get3A_82 = arith.index_cast %add3A_63 : i32 to index
          %get3A_83 = arith.constant 0 : index
          %get3A_84 = tpu.vector_load %arg21[%get3A_82, %get3A_83] {strides = array<i32>} : memref<640x16xf32, #tpu.memory_space<vmem>>, vector<1x16xf32>,
          %get3A_85 = vector.shape_cast %get3A_84 : vector<1x16xf32> to vector<16xf32>
          %add3A_86 = arith.addf %mul3A_81, %get3A_85 : vector<16xf32>
          %swap3A = arith.index_cast %add3A_63 : i32 to index
          %swap3A_87 = arith.constant 0 : index
          %swap3A_88 = tpu.vector_load %arg20[%swap3A, %swap3A_87] {strides = array<i32>} : memref<640x16xf32, #tpu.memory_space<vmem>>, vector<1x16xf32>,
          %swap3A_89 = vector.shape_cast %swap3A_88 : vector<1x16xf32> to vector<16xf32>
          %swap3A_90 = vector.shape_cast %add3A_86 : vector<16xf32> to vector<1x16xf32>
          tpu.vector_store %arg20[%swap3A, %swap3A_87], %swap3A_90 {strides = array<i32>} : memref<640x16xf32, #tpu.memory_space<vmem>>, vector<1x16xf32>,
          %scan3A_91 = arith.constant 1 : i32
          %scan3A_92 = arith.addi %scan3A_59, %scan3A_91 : i32
          %mul3A_93 = arith.constant 1 : i32
          %mul3A_94 = arith.muli %scan3A_92, %mul3A_93 : i32
          %add3A_95 = arith.constant 0 : i32
          %add3A_96 = arith.addi %add3A_95, %mul3A_94 : i32
          %get3A_97 = arith.index_cast %add3A_96 : i32 to index
          %get3A_98 = arith.constant 0 : index
          %get3A_99 = tpu.vector_load %arg22[%get3A_97, %get3A_98] {strides = array<i32>} : memref<640x16xf32, #tpu.memory_space<vmem>>, vector<1x16xf32>,
          %get3A_100 = vector.shape_cast %get3A_99 : vector<1x16xf32> to vector<16xf32>
          %get3A_101 = arith.index_cast %add3A_96 : i32 to index
          %get3A_102 = arith.constant 0 : index
          %get3A_103 = tpu.vector_load %arg23[%get3A_101, %get3A_102] {strides = array<i32>} : memref<640x16xf32, #tpu.memory_space<vmem>>, vector<1x16xf32>,
          %get3A_104 = vector.shape_cast %get3A_103 : vector<1x16xf32> to vector<16xf32>
          %get3A_105 = arith.index_cast %add3A_96 : i32 to index
          %get3A_106 = arith.constant 0 : index
          %get3A_107 = tpu.vector_load %arg24[%get3A_105, %get3A_106] {strides = array<i32>} : memref<640x16xf32, #tpu.memory_space<vmem>>, vector<1x16xf32>,
          %get3A_108 = vector.shape_cast %get3A_107 : vector<1x16xf32> to vector<16xf32>
          %add3A_109 = arith.addf %get3A_104, %get3A_108 : vector<16xf32>
          %get3A_110 = arith.index_cast %add3A_96 : i32 to index
          %get3A_111 = arith.constant 0 : index
          %get3A_112 = tpu.vector_load %arg20[%get3A_110, %get3A_111] {strides = array<i32>} : memref<640x16xf32, #tpu.memory_space<vmem>>, vector<1x16xf32>,
          %get3A_113 = vector.shape_cast %get3A_112 : vector<1x16xf32> to vector<16xf32>
          %add3A_114 = arith.addf %add3A_109, %get3A_113 : vector<16xf32>
          %mul3A_115 = arith.mulf %get3A_100, %add3A_114 : vector<16xf32>
          %get3A_116 = arith.index_cast %add3A_96 : i32 to index
          %get3A_117 = arith.constant 0 : index
          %get3A_118 = tpu.vector_load %arg21[%get3A_116, %get3A_117] {strides = array<i32>} : memref<640x16xf32, #tpu.memory_space<vmem>>, vector<1x16xf32>,
          %get3A_119 = vector.shape_cast %get3A_118 : vector<1x16xf32> to vector<16xf32>
          %add3A_120 = arith.addf %mul3A_115, %get3A_119 : vector<16xf32>
          %swap3A_121 = arith.index_cast %add3A_96 : i32 to index
          %swap3A_122 = arith.constant 0 : index
          %swap3A_123 = tpu.vector_load %arg20[%swap3A_121, %swap3A_122] {strides = array<i32>} : memref<640x16xf32, #tpu.memory_space<vmem>>, vector<1x16xf32>,
          %swap3A_124 = vector.shape_cast %swap3A_123 : vector<1x16xf32> to vector<16xf32>
          %swap3A_125 = vector.shape_cast %add3A_120 : vector<16xf32> to vector<1x16xf32>
          tpu.vector_store %arg20[%swap3A_121, %swap3A_122], %swap3A_125 {strides = array<i32>} : memref<640x16xf32, #tpu.memory_space<vmem>>, vector<1x16xf32>,
          %scan3A_126 = arith.constant 2 : i32
          %scan3A_127 = arith.addi %scan3A_59, %scan3A_126 : i32
          %mul3A_128 = arith.constant 1 : i32
          %mul3A_129 = arith.muli %scan3A_127, %mul3A_128 : i32
          %add3A_130 = arith.constant 0 : i32
          %add3A_131 = arith.addi %add3A_130, %mul3A_129 : i32
          %get3A_132 = arith.index_cast %add3A_131 : i32 to index
          %get3A_133 = arith.constant 0 : index
          %get3A_134 = tpu.vector_load %arg22[%get3A_132, %get3A_133] {strides = array<i32>} : memref<640x16xf32, #tpu.memory_space<vmem>>, vector<1x16xf32>,
          %get3A_135 = vector.shape_cast %get3A_134 : vector<1x16xf32> to vector<16xf32>
          %get3A_136 = arith.index_cast %add3A_131 : i32 to index
          %get3A_137 = arith.constant 0 : index
          %get3A_138 = tpu.vector_load %arg23[%get3A_136, %get3A_137] {strides = array<i32>} : memref<640x16xf32, #tpu.memory_space<vmem>>, vector<1x16xf32>,
          %get3A_139 = vector.shape_cast %get3A_138 : vector<1x16xf32> to vector<16xf32>
          %get3A_140 = arith.index_cast %add3A_131 : i32 to index
          %get3A_141 = arith.constant 0 : index
          %get3A_142 = tpu.vector_load %arg24[%get3A_140, %get3A_141] {strides = array<i32>} : memref<640x16xf32, #tpu.memory_space<vmem>>, vector<1x16xf32>,
          %get3A_143 = vector.shape_cast %get3A_142 : vector<1x16xf32> to vector<16xf32>
          %add3A_144 = arith.addf %get3A_139, %get3A_143 : vector<16xf32>
          %get3A_145 = arith.index_cast %add3A_131 : i32 to index
          %get3A_146 = arith.constant 0 : index
          %get3A_147 = tpu.vector_load %arg20[%get3A_145, %get3A_146] {strides = array<i32>} : memref<640x16xf32, #tpu.memory_space<vmem>>, vector<1x16xf32>,
          %get3A_148 = vector.shape_cast %get3A_147 : vector<1x16xf32> to vector<16xf32>
          %add3A_149 = arith.addf %add3A_144, %get3A_148 : vector<16xf32>
          %mul3A_150 = arith.mulf %get3A_135, %add3A_149 : vector<16xf32>
          %get3A_151 = arith.index_cast %add3A_131 : i32 to index
          %get3A_152 = arith.constant 0 : index
          %get3A_153 = tpu.vector_load %arg21[%get3A_151, %get3A_152] {strides = array<i32>} : memref<640x16xf32, #tpu.memory_space<vmem>>, vector<1x16xf32>,
          %get3A_154 = vector.shape_cast %get3A_153 : vector<1x16xf32> to vector<16xf32>
          %add3A_155 = arith.addf %mul3A_150, %get3A_154 : vector<16xf32>
          %swap3A_156 = arith.index_cast %add3A_131 : i32 to index
          %swap3A_157 = arith.constant 0 : index
          %swap3A_158 = tpu.vector_load %arg20[%swap3A_156, %swap3A_157] {strides = array<i32>} : memref<640x16xf32, #tpu.memory_space<vmem>>, vector<1x16xf32>,
          %swap3A_159 = vector.shape_cast %swap3A_158 : vector<1x16xf32> to vector<16xf32>
          %swap3A_160 = vector.shape_cast %add3A_155 : vector<16xf32> to vector<1x16xf32>
          tpu.vector_store %arg20[%swap3A_156, %swap3A_157], %swap3A_160 {strides = array<i32>} : memref<640x16xf32, #tpu.memory_space<vmem>>, vector<1x16xf32>,
          %scan3A_161 = arith.constant 3 : i32
          %scan3A_162 = arith.addi %scan3A_59, %scan3A_161 : i32
          %mul3A_163 = arith.constant 1 : i32
          %mul3A_164 = arith.muli %scan3A_162, %mul3A_163 : i32
          %add3A_165 = arith.constant 0 : i32
          %add3A_166 = arith.addi %add3A_165, %mul3A_164 : i32
          %get3A_167 = arith.index_cast %add3A_166 : i32 to index
          %get3A_168 = arith.constant 0 : index
          %get3A_169 = tpu.vector_load %arg22[%get3A_167, %get3A_168] {strides = array<i32>} : memref<640x16xf32, #tpu.memory_space<vmem>>, vector<1x16xf32>,
          %get3A_170 = vector.shape_cast %get3A_169 : vector<1x16xf32> to vector<16xf32>
          %get3A_171 = arith.index_cast %add3A_166 : i32 to index
          %get3A_172 = arith.constant 0 : index
          %get3A_173 = tpu.vector_load %arg23[%get3A_171, %get3A_172] {strides = array<i32>} : memref<640x16xf32, #tpu.memory_space<vmem>>, vector<1x16xf32>,
          %get3A_174 = vector.shape_cast %get3A_173 : vector<1x16xf32> to vector<16xf32>
          %get3A_175 = arith.index_cast %add3A_166 : i32 to index
          %get3A_176 = arith.constant 0 : index
          %get3A_177 = tpu.vector_load %arg24[%get3A_175, %get3A_176] {strides = array<i32>} : memref<640x16xf32, #tpu.memory_space<vmem>>, vector<1x16xf32>,
          %get3A_178 = vector.shape_cast %get3A_177 : vector<1x16xf32> to vector<16xf32>
          %add3A_179 = arith.addf %get3A_174, %get3A_178 : vector<16xf32>
          %get3A_180 = arith.index_cast %add3A_166 : i32 to index
          %get3A_181 = arith.constant 0 : index
          %get3A_182 = tpu.vector_load %arg20[%get3A_180, %get3A_181] {strides = array<i32>} : memref<640x16xf32, #tpu.memory_space<vmem>>, vector<1x16xf32>,
          %get3A_183 = vector.shape_cast %get3A_182 : vector<1x16xf32> to vector<16xf32>
          %add3A_184 = arith.addf %add3A_179, %get3A_183 : vector<16xf32>
          %mul3A_185 = arith.mulf %get3A_170, %add3A_184 : vector<16xf32>
          %get3A_186 = arith.index_cast %add3A_166 : i32 to index
          %get3A_187 = arith.constant 0 : index
          %get3A_188 = tpu.vector_load %arg21[%get3A_186, %get3A_187] {strides = array<i32>} : memref<640x16xf32, #tpu.memory_space<vmem>>, vector<1x16xf32>,
          %get3A_189 = vector.shape_cast %get3A_188 : vector<1x16xf32> to vector<16xf32>
          %add3A_190 = arith.addf %mul3A_185, %get3A_189 : vector<16xf32>
          %swap3A_191 = arith.index_cast %add3A_166 : i32 to index
          %swap3A_192 = arith.constant 0 : index
          %swap3A_193 = tpu.vector_load %arg20[%swap3A_191, %swap3A_192] {strides = array<i32>} : memref<640x16xf32, #tpu.memory_space<vmem>>, vector<1x16xf32>,
          %swap3A_194 = vector.shape_cast %swap3A_193 : vector<1x16xf32> to vector<16xf32>
          %swap3A_195 = vector.shape_cast %add3A_190 : vector<16xf32> to vector<1x16xf32>
          tpu.vector_store %arg20[%swap3A_191, %swap3A_192], %swap3A_195 {strides = array<i32>} : memref<640x16xf32, #tpu.memory_space<vmem>>, vector<1x16xf32>,
        }
        %scan3A_58 = arith.constant 640 : i32
        "tpu.region"() ({
          %run_scoped3A = tpu.sem_alloc : memref<!tpu.dma_semaphore, #tpu.memory_space<semaphore_mem>>
          %dma_start3A = arith.constant 0 : i32
          %dma_start3A_59 = tpu.memref_slice %arg13[%mul3A_0, %dma_start3A] : memref<10240x16xf32, #tpu.memory_space<vmem_shared>> -> memref<640x16xf32, #tpu.memory_space<vmem_shared>>
          %dma_start3A_60 = arith.constant 0 : i32
          %dma_start3A_61 = tpu.memref_slice %arg13[%mul3A_0, %dma_start3A_60] : memref<10240x16xf32, #tpu.memory_space<vmem_shared>> -> memref<640x16xf32, #tpu.memory_space<vmem_shared>>
          tpu.enqueue_dma source(%arg25 : memref<640x16xf32, #tpu.memory_space<vmem>>) target(%dma_start3A_61 : memref<640x16xf32, #tpu.memory_space<vmem_shared>>) target_semaphore(%run_scoped3A : memref<!tpu.dma_semaphore, #tpu.memory_space<semaphore_mem>>)
          %dma_wait3A = arith.constant 0 : i32
          %dma_wait3A_62 = tpu.memref_slice %arg13[%mul3A_0, %dma_wait3A] : memref<10240x16xf32, #tpu.memory_space<vmem_shared>> -> memref<640x16xf32, #tpu.memory_space<vmem_shared>>
          %dma_wait3A_63 = arith.constant 0 : i32
          %dma_wait3A_64 = tpu.memref_slice %arg13[%mul3A_0, %dma_wait3A_63] : memref<10240x16xf32, #tpu.memory_space<vmem_shared>> -> memref<640x16xf32, #tpu.memory_space<vmem_shared>>
          tpu.wait_dma2 semaphore(%run_scoped3A : memref<!tpu.dma_semaphore, #tpu.memory_space<semaphore_mem>>) src(%arg25 : memref<640x16xf32, #tpu.memory_space<vmem>>) dst(%dma_wait3A_64 : memref<640x16xf32, #tpu.memory_space<vmem_shared>>)
          tpu.yield
        }) : () -> ()
        "tpu.region"() ({
          %run_scoped3A = tpu.sem_alloc : memref<!tpu.dma_semaphore, #tpu.memory_space<semaphore_mem>>
          %dma_start3A = arith.constant 0 : i32
          %dma_start3A_59 = tpu.memref_slice %arg10[%mul3A_0, %dma_start3A] : memref<10240x16xf32, #tpu.memory_space<hbm>> -> memref<640x16xf32, #tpu.memory_space<hbm>>
          %dma_start3A_60 = arith.constant 0 : i32
          %dma_start3A_61 = tpu.memref_slice %arg10[%mul3A_0, %dma_start3A_60] : memref<10240x16xf32, #tpu.memory_space<hbm>> -> memref<640x16xf32, #tpu.memory_space<hbm>>
          tpu.enqueue_dma source(%arg20 : memref<640x16xf32, #tpu.memory_space<vmem>>) target(%dma_start3A_61 : memref<640x16xf32, #tpu.memory_space<hbm>>) target_semaphore(%run_scoped3A : memref<!tpu.dma_semaphore, #tpu.memory_space<semaphore_mem>>)
          %dma_wait3A = arith.constant 0 : i32
          %dma_wait3A_62 = tpu.memref_slice %arg10[%mul3A_0, %dma_wait3A] : memref<10240x16xf32, #tpu.memory_space<hbm>> -> memref<640x16xf32, #tpu.memory_space<hbm>>
          %dma_wait3A_63 = arith.constant 0 : i32
          %dma_wait3A_64 = tpu.memref_slice %arg10[%mul3A_0, %dma_wait3A_63] : memref<10240x16xf32, #tpu.memory_space<hbm>> -> memref<640x16xf32, #tpu.memory_space<hbm>>
          tpu.wait_dma2 semaphore(%run_scoped3A : memref<!tpu.dma_semaphore, #tpu.memory_space<semaphore_mem>>) src(%arg20 : memref<640x16xf32, #tpu.memory_space<vmem>>) dst(%dma_wait3A_64 : memref<640x16xf32, #tpu.memory_space<hbm>>)
          tpu.yield
        }) : () -> ()
      } else {
      }
      %barrier3A_51 = arith.constant 0 : index
      tpu.barrier barrier_id(%barrier3A_51)
    }
    %scan3A_19 = arith.constant 10 : i32
    %eq3A_20 = arith.constant 0 : i32
    %eq3A_21 = arith.cmpi eq, %arg0, %eq3A_20 : i32
    %convert_element_type3A_22 = arith.extui %eq3A_21 : i1 to i32
    %cond3A_23 = arith.constant 0 : i32
    %cond3A_24 = arith.cmpi ne, %convert_element_type3A_22, %cond3A_23 : i32
    scf.if %cond3A_24 {
      "tpu.region"() ({
        %run_scoped3A = tpu.sem_alloc : memref<!tpu.dma_semaphore, #tpu.memory_space<semaphore_mem>>
        %dma_start3A = arith.constant 0 : i32
        %dma_start3A_30 = tpu.memref_slice %arg7[%mul3A_0, %dma_start3A] : memref<10240x16xf32, #tpu.memory_space<hbm>> -> memref<640x16xf32, #tpu.memory_space<hbm>>
        %dma_start3A_31 = arith.constant 0 : i32
        %dma_start3A_32 = tpu.memref_slice %arg7[%mul3A_0, %dma_start3A_31] : memref<10240x16xf32, #tpu.memory_space<hbm>> -> memref<640x16xf32, #tpu.memory_space<hbm>>
        tpu.enqueue_dma source(%dma_start3A_32 : memref<640x16xf32, #tpu.memory_space<hbm>>) target(%arg21 : memref<640x16xf32, #tpu.memory_space<vmem>>) target_semaphore(%run_scoped3A : memref<!tpu.dma_semaphore, #tpu.memory_space<semaphore_mem>>)
        %dma_wait3A = arith.constant 0 : i32
        %dma_wait3A_33 = tpu.memref_slice %arg7[%mul3A_0, %dma_wait3A] : memref<10240x16xf32, #tpu.memory_space<hbm>> -> memref<640x16xf32, #tpu.memory_space<hbm>>
        %dma_wait3A_34 = arith.constant 0 : i32
        %dma_wait3A_35 = tpu.memref_slice %arg7[%mul3A_0, %dma_wait3A_34] : memref<10240x16xf32, #tpu.memory_space<hbm>> -> memref<640x16xf32, #tpu.memory_space<hbm>>
        tpu.wait_dma2 semaphore(%run_scoped3A : memref<!tpu.dma_semaphore, #tpu.memory_space<semaphore_mem>>) src(%dma_wait3A_35 : memref<640x16xf32, #tpu.memory_space<hbm>>) dst(%arg21 : memref<640x16xf32, #tpu.memory_space<vmem>>)
        tpu.yield
      }) : () -> ()
      %scan3A_25 = arith.constant 0 : i32
      %scan3A_26 = arith.constant 640 : i32
      %scan3A_27 = arith.addi %scan3A_25, %scan3A_26 : i32
      %scan3A_28 = arith.constant 1 : i32
      scf.for %scan3A_30 = %scan3A_25 to %scan3A_27 step %scan3A_28  : i32 {
        %mul3A_31 = arith.constant 1 : i32
        %mul3A_32 = arith.muli %scan3A_30, %mul3A_31 : i32
        %add3A_33 = arith.constant 0 : i32
        %add3A_34 = arith.addi %add3A_33, %mul3A_32 : i32
        %get3A = arith.index_cast %add3A_34 : i32 to index
        %get3A_35 = arith.constant 0 : index
        %get3A_36 = tpu.vector_load %arg20[%get3A, %get3A_35] {strides = array<i32>} : memref<640x16xf32, #tpu.memory_space<vmem>>, vector<1x16xf32>,
        %get3A_37 = vector.shape_cast %get3A_36 : vector<1x16xf32> to vector<16xf32>
        %get3A_38 = arith.index_cast %add3A_34 : i32 to index
        %get3A_39 = arith.constant 0 : index
        %get3A_40 = tpu.vector_load %arg21[%get3A_38, %get3A_39] {strides = array<i32>} : memref<640x16xf32, #tpu.memory_space<vmem>>, vector<1x16xf32>,
        %get3A_41 = vector.shape_cast %get3A_40 : vector<1x16xf32> to vector<16xf32>
        %mul3A_42 = arith.mulf %get3A_37, %get3A_41 : vector<16xf32>
        %swap3A = arith.index_cast %add3A_34 : i32 to index
        %swap3A_43 = arith.constant 0 : index
        %swap3A_44 = tpu.vector_load %arg20[%swap3A, %swap3A_43] {strides = array<i32>} : memref<640x16xf32, #tpu.memory_space<vmem>>, vector<1x16xf32>,
        %swap3A_45 = vector.shape_cast %swap3A_44 : vector<1x16xf32> to vector<16xf32>
        %swap3A_46 = vector.shape_cast %mul3A_42 : vector<16xf32> to vector<1x16xf32>
        tpu.vector_store %arg20[%swap3A, %swap3A_43], %swap3A_46 {strides = array<i32>} : memref<640x16xf32, #tpu.memory_space<vmem>>, vector<1x16xf32>,
      }
      %scan3A_29 = arith.constant 640 : i32
      "tpu.region"() ({
        %run_scoped3A = tpu.sem_alloc : memref<!tpu.dma_semaphore, #tpu.memory_space<semaphore_mem>>
        %dma_start3A = arith.constant 0 : i32
        %dma_start3A_30 = tpu.memref_slice %arg8[%mul3A_0, %dma_start3A] : memref<10240x16xf32, #tpu.memory_space<hbm>> -> memref<640x16xf32, #tpu.memory_space<hbm>>
        %dma_start3A_31 = arith.constant 0 : i32
        %dma_start3A_32 = tpu.memref_slice %arg8[%mul3A_0, %dma_start3A_31] : memref<10240x16xf32, #tpu.memory_space<hbm>> -> memref<640x16xf32, #tpu.memory_space<hbm>>
        tpu.enqueue_dma source(%arg20 : memref<640x16xf32, #tpu.memory_space<vmem>>) target(%dma_start3A_32 : memref<640x16xf32, #tpu.memory_space<hbm>>) target_semaphore(%run_scoped3A : memref<!tpu.dma_semaphore, #tpu.memory_space<semaphore_mem>>)
        %dma_wait3A = arith.constant 0 : i32
        %dma_wait3A_33 = tpu.memref_slice %arg8[%mul3A_0, %dma_wait3A] : memref<10240x16xf32, #tpu.memory_space<hbm>> -> memref<640x16xf32, #tpu.memory_space<hbm>>
        %dma_wait3A_34 = arith.constant 0 : i32
        %dma_wait3A_35 = tpu.memref_slice %arg8[%mul3A_0, %dma_wait3A_34] : memref<10240x16xf32, #tpu.memory_space<hbm>> -> memref<640x16xf32, #tpu.memory_space<hbm>>
        tpu.wait_dma2 semaphore(%run_scoped3A : memref<!tpu.dma_semaphore, #tpu.memory_space<semaphore_mem>>) src(%arg20 : memref<640x16xf32, #tpu.memory_space<vmem>>) dst(%dma_wait3A_35 : memref<640x16xf32, #tpu.memory_space<hbm>>)
        tpu.yield
      }) : () -> ()
    } else {
    }
    return
  }
}

module attributes {stable_mosaic.version = 14 : i64} {
  func.func @_prep_body(%arg0: i32, %arg1: memref<2560x16xf32, #tpu.memory_space<vmem>>, %arg2: memref<2560x128xf32, #tpu.memory_space<vmem>>, %arg3: memref<16x128xf32, #tpu.memory_space<vmem>>, %arg4: memref<1x16xf32, #tpu.memory_space<vmem>>, %arg5: memref<64x128xf32, #tpu.memory_space<vmem>>, %arg6: memref<1x64xf32, #tpu.memory_space<vmem>>, %arg7: memref<2560x16xf32, #tpu.memory_space<vmem>>, %arg8: memref<2560x16xf32, #tpu.memory_space<vmem>>, %arg9: memref<2560x16xf32, #tpu.memory_space<vmem>>, %arg10: memref<2560x16xf32, #tpu.memory_space<vmem>>, %arg11: memref<2560x16xf32, #tpu.memory_space<vmem>>, %arg12: memref<2560x64xf32, #tpu.memory_space<vmem>>) attributes {dimension_semantics = [#tpu.dimension_semantics<arbitrary>], iteration_bounds = array<i64: 4>, scalar_prefetch = 0 : i64, scratch_operands = 0 : i64, tpu.core_type = #tpu.core_type<tc>, window_params = [{transform_indices = @transform_0, window_bounds = array<i64: 2560, 16>}, {transform_indices = @transform_1, window_bounds = array<i64: 2560, 128>}, {pipeline_mode = #tpu.pipeline_mode<synchronous>, transform_indices = @transform_2, window_bounds = array<i64: 16, 128>}, {pipeline_mode = #tpu.pipeline_mode<synchronous>, transform_indices = @transform_3, window_bounds = array<i64: 1, 16>}, {pipeline_mode = #tpu.pipeline_mode<synchronous>, transform_indices = @transform_4, window_bounds = array<i64: 64, 128>}, {pipeline_mode = #tpu.pipeline_mode<synchronous>, transform_indices = @transform_5, window_bounds = array<i64: 1, 64>}, {transform_indices = @transform_6, window_bounds = array<i64: 2560, 16>}, {transform_indices = @transform_7, window_bounds = array<i64: 2560, 16>}, {transform_indices = @transform_8, window_bounds = array<i64: 2560, 16>}, {transform_indices = @transform_9, window_bounds = array<i64: 2560, 16>}, {transform_indices = @transform_10, window_bounds = array<i64: 2560, 16>}, {transform_indices = @transform_11, window_bounds = array<i64: 2560, 64>}]} {
    %get3A = arith.constant 0 : index
    %get3A_0 = arith.constant 0 : index
    %get3A_1 = vector.load %arg1[%get3A, %get3A_0] : memref<2560x16xf32, #tpu.memory_space<vmem>>, vector<2560x16xf32>
    %add3A = arith.constant 1.000000e+00 : f32
    %add3A_2 = vector.broadcast %add3A : f32 to vector<2560x16xf32>
    %add3A_3 = arith.addf %get3A_1, %add3A_2 : vector<2560x16xf32>
    %rsqrt3A = math.rsqrt %add3A_3 : vector<2560x16xf32>
    %get3A_4 = arith.constant 0 : index
    %get3A_5 = arith.constant 0 : index
    %get3A_6 = vector.load %arg2[%get3A_4, %get3A_5] : memref<2560x128xf32, #tpu.memory_space<vmem>>, vector<2560x128xf32>
    %get3A_7 = arith.constant 0 : index
    %get3A_8 = arith.constant 0 : index
    %get3A_9 = vector.load %arg3[%get3A_7, %get3A_8] : memref<16x128xf32, #tpu.memory_space<vmem>>, vector<16x128xf32>
    %dot_general3A = arith.constant dense<0.000000e+00> : vector<2560x16xf32>
    %dot_general3A_10 = tpu.matmul %get3A_6, %get3A_9, %dot_general3A {dimension_numbers = #tpu.dot_dimension_numbers<[1], [1], [0], [0], [0, 0, 1, 0], [], []>, transpose_lhs_hint = false} : vector<2560x128xf32>, vector<16x128xf32>, vector<2560x16xf32> -> vector<2560x16xf32>
    %get3A_11 = arith.constant 0 : index
    %get3A_12 = arith.constant 0 : index
    %get3A_13 = vector.load %arg4[%get3A_11, %get3A_12] : memref<1x16xf32, #tpu.memory_space<vmem>>, vector<1x16xf32>
    %add3A_14 = vector.broadcast %get3A_13 : vector<1x16xf32> to vector<2560x16xf32>
    %add3A_15 = arith.addf %dot_general3A_10, %add3A_14 : vector<2560x16xf32>
    %mul3A = arith.mulf %rsqrt3A, %add3A_15 : vector<2560x16xf32>
    %swap3A = arith.constant 0 : index
    %swap3A_16 = arith.constant 0 : index
    %swap3A_17 = vector.load %arg7[%swap3A, %swap3A_16] : memref<2560x16xf32, #tpu.memory_space<vmem>>, vector<2560x16xf32>
    tpu.vector_store %arg7[%swap3A, %swap3A_16], %mul3A {strides = array<i32>} : memref<2560x16xf32, #tpu.memory_space<vmem>>, vector<2560x16xf32>,
    %mul3A_18 = arith.constant 1.000000e-01 : f32
    %mul3A_19 = vector.broadcast %mul3A_18 : f32 to vector<2560x16xf32>
    %mul3A_20 = arith.mulf %mul3A_19, %mul3A : vector<2560x16xf32>
    %swap3A_21 = arith.constant 0 : index
    %swap3A_22 = arith.constant 0 : index
    %swap3A_23 = vector.load %arg8[%swap3A_21, %swap3A_22] : memref<2560x16xf32, #tpu.memory_space<vmem>>, vector<2560x16xf32>
    tpu.vector_store %arg8[%swap3A_21, %swap3A_22], %mul3A_20 {strides = array<i32>} : memref<2560x16xf32, #tpu.memory_space<vmem>>, vector<2560x16xf32>,
    %mul3A_24 = arith.constant 0.899999976 : f32
    %mul3A_25 = vector.broadcast %mul3A_24 : f32 to vector<2560x16xf32>
    %mul3A_26 = arith.mulf %mul3A_25, %rsqrt3A : vector<2560x16xf32>
    %mul3A_27 = arith.mulf %mul3A_26, %rsqrt3A : vector<2560x16xf32>
    %swap3A_28 = arith.constant 0 : index
    %swap3A_29 = arith.constant 0 : index
    %swap3A_30 = vector.load %arg9[%swap3A_28, %swap3A_29] : memref<2560x16xf32, #tpu.memory_space<vmem>>, vector<2560x16xf32>
    tpu.vector_store %arg9[%swap3A_28, %swap3A_29], %mul3A_27 {strides = array<i32>} : memref<2560x16xf32, #tpu.memory_space<vmem>>, vector<2560x16xf32>,
    %sqrt3A = math.sqrt %add3A_3 : vector<2560x16xf32>
    %swap3A_31 = arith.constant 0 : index
    %swap3A_32 = arith.constant 0 : index
    %swap3A_33 = vector.load %arg10[%swap3A_31, %swap3A_32] : memref<2560x16xf32, #tpu.memory_space<vmem>>, vector<2560x16xf32>
    tpu.vector_store %arg10[%swap3A_31, %swap3A_32], %sqrt3A {strides = array<i32>} : memref<2560x16xf32, #tpu.memory_space<vmem>>, vector<2560x16xf32>,
    %swap3A_34 = arith.constant 0 : index
    %swap3A_35 = arith.constant 0 : index
    %swap3A_36 = vector.load %arg11[%swap3A_34, %swap3A_35] : memref<2560x16xf32, #tpu.memory_space<vmem>>, vector<2560x16xf32>
    tpu.vector_store %arg11[%swap3A_34, %swap3A_35], %rsqrt3A {strides = array<i32>} : memref<2560x16xf32, #tpu.memory_space<vmem>>, vector<2560x16xf32>,
    %get3A_37 = arith.constant 0 : index
    %get3A_38 = arith.constant 0 : index
    %get3A_39 = vector.load %arg2[%get3A_37, %get3A_38] : memref<2560x128xf32, #tpu.memory_space<vmem>>, vector<2560x128xf32>
    %get3A_40 = arith.constant 0 : index
    %get3A_41 = arith.constant 0 : index
    %get3A_42 = vector.load %arg5[%get3A_40, %get3A_41] : memref<64x128xf32, #tpu.memory_space<vmem>>, vector<64x128xf32>
    %dot_general3A_43 = arith.constant dense<0.000000e+00> : vector<2560x64xf32>
    %dot_general3A_44 = tpu.matmul %get3A_39, %get3A_42, %dot_general3A_43 {dimension_numbers = #tpu.dot_dimension_numbers<[1], [1], [0], [0], [0, 0, 1, 0], [], []>, transpose_lhs_hint = false} : vector<2560x128xf32>, vector<64x128xf32>, vector<2560x64xf32> -> vector<2560x64xf32>
    %get3A_45 = arith.constant 0 : index
    %get3A_46 = arith.constant 0 : index
    %get3A_47 = vector.load %arg6[%get3A_45, %get3A_46] : memref<1x64xf32, #tpu.memory_space<vmem>>, vector<1x64xf32>
    %add3A_48 = vector.broadcast %get3A_47 : vector<1x64xf32> to vector<2560x64xf32>
    %add3A_49 = arith.addf %dot_general3A_44, %add3A_48 : vector<2560x64xf32>
    %swap3A_50 = arith.constant 0 : index
    %swap3A_51 = arith.constant 0 : index
    %swap3A_52 = vector.load %arg12[%swap3A_50, %swap3A_51] : memref<2560x64xf32, #tpu.memory_space<vmem>>, vector<2560x64xf32>
    tpu.vector_store %arg12[%swap3A_50, %swap3A_51], %add3A_49 {strides = array<i32>} : memref<2560x64xf32, #tpu.memory_space<vmem>>, vector<2560x64xf32>,
    return
  }
  func.func @transform_0(%arg0: i32) -> (i32, i32) {
    %c0_i32 = arith.constant 0 : i32
    %c0_i32_0 = arith.constant 0 : i32
    return %arg0, %c0_i32 : i32, i32
  }
  func.func @transform_1(%arg0: i32) -> (i32, i32) {
    %c0_i32 = arith.constant 0 : i32
    %c0_i32_0 = arith.constant 0 : i32
    return %arg0, %c0_i32 : i32, i32
  }
  func.func @transform_2(%arg0: i32) -> (i32, i32) {
    %c0_i32 = arith.constant 0 : i32
    %c0_i32_0 = arith.constant 0 : i32
    %c0_i32_1 = arith.constant 0 : i32
    return %c0_i32, %c0_i32_0 : i32, i32
  }
  func.func @transform_3(%arg0: i32) -> (i32, i32) {
    %c0_i32 = arith.constant 0 : i32
    %c0_i32_0 = arith.constant 0 : i32
    %c0_i32_1 = arith.constant 0 : i32
    return %c0_i32, %c0_i32_0 : i32, i32
  }
  func.func @transform_4(%arg0: i32) -> (i32, i32) {
    %c0_i32 = arith.constant 0 : i32
    %c0_i32_0 = arith.constant 0 : i32
    %c0_i32_1 = arith.constant 0 : i32
    return %c0_i32, %c0_i32_0 : i32, i32
  }
  func.func @transform_5(%arg0: i32) -> (i32, i32) {
    %c0_i32 = arith.constant 0 : i32
    %c0_i32_0 = arith.constant 0 : i32
    %c0_i32_1 = arith.constant 0 : i32
    return %c0_i32, %c0_i32_0 : i32, i32
  }
  func.func @transform_6(%arg0: i32) -> (i32, i32) {
    %c0_i32 = arith.constant 0 : i32
    %c0_i32_0 = arith.constant 0 : i32
    return %arg0, %c0_i32 : i32, i32
  }
  func.func @transform_7(%arg0: i32) -> (i32, i32) {
    %c0_i32 = arith.constant 0 : i32
    %c0_i32_0 = arith.constant 0 : i32
    return %arg0, %c0_i32 : i32, i32
  }
  func.func @transform_8(%arg0: i32) -> (i32, i32) {
    %c0_i32 = arith.constant 0 : i32
    %c0_i32_0 = arith.constant 0 : i32
    return %arg0, %c0_i32 : i32, i32
  }
  func.func @transform_9(%arg0: i32) -> (i32, i32) {
    %c0_i32 = arith.constant 0 : i32
    %c0_i32_0 = arith.constant 0 : i32
    return %arg0, %c0_i32 : i32, i32
  }
  func.func @transform_10(%arg0: i32) -> (i32, i32) {
    %c0_i32 = arith.constant 0 : i32
    %c0_i32_0 = arith.constant 0 : i32
    return %arg0, %c0_i32 : i32, i32
  }
  func.func @transform_11(%arg0: i32) -> (i32, i32) {
    %c0_i32 = arith.constant 0 : i32
    %c0_i32_0 = arith.constant 0 : i32
    return %arg0, %c0_i32 : i32, i32
  }
}

module attributes {stable_mosaic.version = 14 : i64} {
  func.func @_mlp_body(%arg0: i32, %arg1: memref<2560x16xf32, #tpu.memory_space<vmem>>, %arg2: memref<2560x64xf32, #tpu.memory_space<vmem>>, %arg3: memref<1x64xf32, #tpu.memory_space<vmem>>, %arg4: memref<16x64xf32, #tpu.memory_space<vmem>>, %arg5: memref<64x1xf32, #tpu.memory_space<vmem>>, %arg6: memref<1x1xf32, #tpu.memory_space<vmem>>, %arg7: memref<2560x16xf32, #tpu.memory_space<vmem>>, %arg8: memref<2560x16xf32, #tpu.memory_space<vmem>>, %arg9: memref<2560x16xf32, #tpu.memory_space<vmem>>) attributes {dimension_semantics = [#tpu.dimension_semantics<arbitrary>], iteration_bounds = array<i64: 4>, scalar_prefetch = 0 : i64, scratch_operands = 0 : i64, tpu.core_type = #tpu.core_type<tc>, window_params = [{transform_indices = @transform_0, window_bounds = array<i64: 2560, 16>}, {transform_indices = @transform_1, window_bounds = array<i64: 2560, 64>}, {pipeline_mode = #tpu.pipeline_mode<synchronous>, transform_indices = @transform_2, window_bounds = array<i64: 1, 64>}, {pipeline_mode = #tpu.pipeline_mode<synchronous>, transform_indices = @transform_3, window_bounds = array<i64: 16, 64>}, {pipeline_mode = #tpu.pipeline_mode<synchronous>, transform_indices = @transform_4, window_bounds = array<i64: 64, 1>}, {pipeline_mode = #tpu.pipeline_mode<synchronous>, transform_indices = @transform_5, window_bounds = array<i64: 1, 1>}, {transform_indices = @transform_6, window_bounds = array<i64: 2560, 16>}, {transform_indices = @transform_7, window_bounds = array<i64: 2560, 16>}, {transform_indices = @transform_8, window_bounds = array<i64: 2560, 16>}]} {
    %get3A = arith.constant 0 : index
    %get3A_0 = arith.constant 0 : index
    %get3A_1 = vector.load %arg1[%get3A, %get3A_0] : memref<2560x16xf32, #tpu.memory_space<vmem>>, vector<2560x16xf32>
    %get3A_2 = arith.constant 0 : index
    %get3A_3 = arith.constant 0 : index
    %get3A_4 = vector.load %arg2[%get3A_2, %get3A_3] : memref<2560x64xf32, #tpu.memory_space<vmem>>, vector<2560x64xf32>
    %get3A_5 = arith.constant 0 : index
    %get3A_6 = arith.constant 0 : index
    %get3A_7 = vector.load %arg3[%get3A_5, %get3A_6] : memref<1x64xf32, #tpu.memory_space<vmem>>, vector<1x64xf32>
    %get3A_8 = arith.constant 0 : index
    %get3A_9 = arith.constant 0 : index
    %get3A_10 = vector.load %arg5[%get3A_8, %get3A_9] : memref<64x1xf32, #tpu.memory_space<vmem>>, vector<64x1xf32>
    %get3A_11 = arith.constant 0 : index
    %get3A_12 = arith.constant 0 : index
    %get3A_13 = vector.load %arg6[%get3A_11, %get3A_12] : memref<1x1xf32, #tpu.memory_space<vmem>>, vector<1x1xf32>
    %get3A_14 = vector.extract %get3A_13[0, 0] : f32 from vector<1x1xf32>
    %get3A_15 = arith.constant 0 : index
    %get3A_16 = arith.constant 0 : index
    %get3A_17 = vector.load %arg4[%get3A_15, %get3A_16] : memref<16x64xf32, #tpu.memory_space<vmem>>, vector<1x64xf32>
    %add3A = vector.broadcast %get3A_17 : vector<1x64xf32> to vector<2560x64xf32>
    %add3A_18 = arith.addf %get3A_4, %add3A : vector<2560x64xf32>
    %slice3A = vector.extract_strided_slice %get3A_1 {offsets = [0, 0], sizes = [2560, 1], strides = [1, 1]} : vector<2560x16xf32> to vector<2560x1xf32>
    %mul3A = vector.broadcast %slice3A : vector<2560x1xf32> to vector<2560x64xf32>
    %mul3A_19 = vector.broadcast %get3A_7 : vector<1x64xf32> to vector<2560x64xf32>
    %mul3A_20 = arith.mulf %mul3A, %mul3A_19 : vector<2560x64xf32>
    %add3A_21 = arith.addf %add3A_18, %mul3A_20 : vector<2560x64xf32>
    %max3A = arith.constant 0.000000e+00 : f32
    %max3A_22 = vector.broadcast %max3A : f32 to vector<2560x64xf32>
    %max3A_23 = arith.maximumf %add3A_21, %max3A_22 : vector<2560x64xf32>
    %dot_general3A = arith.constant dense<0.000000e+00> : vector<2560x1xf32>
    %dot_general3A_24 = tpu.matmul %max3A_23, %get3A_10, %dot_general3A {dimension_numbers = #tpu.dot_dimension_numbers<[1], [0], [0], [1], [0, 0, 1, 1], [], []>, transpose_lhs_hint = false} : vector<2560x64xf32>, vector<64x1xf32>, vector<2560x1xf32> -> vector<2560x1xf32>
    %get3A_25 = arith.constant 1 : index
    %get3A_26 = arith.constant 0 : index
    %get3A_27 = vector.load %arg4[%get3A_25, %get3A_26] : memref<16x64xf32, #tpu.memory_space<vmem>>, vector<1x64xf32>
    %add3A_28 = vector.broadcast %get3A_27 : vector<1x64xf32> to vector<2560x64xf32>
    %add3A_29 = arith.addf %get3A_4, %add3A_28 : vector<2560x64xf32>
    %slice3A_30 = vector.extract_strided_slice %get3A_1 {offsets = [0, 1], sizes = [2560, 1], strides = [1, 1]} : vector<2560x16xf32> to vector<2560x1xf32>
    %mul3A_31 = vector.broadcast %slice3A_30 : vector<2560x1xf32> to vector<2560x64xf32>
    %mul3A_32 = vector.broadcast %get3A_7 : vector<1x64xf32> to vector<2560x64xf32>
    %mul3A_33 = arith.mulf %mul3A_31, %mul3A_32 : vector<2560x64xf32>
    %add3A_34 = arith.addf %add3A_29, %mul3A_33 : vector<2560x64xf32>
    %max3A_35 = arith.constant 0.000000e+00 : f32
    %max3A_36 = vector.broadcast %max3A_35 : f32 to vector<2560x64xf32>
    %max3A_37 = arith.maximumf %add3A_34, %max3A_36 : vector<2560x64xf32>
    %dot_general3A_38 = arith.constant dense<0.000000e+00> : vector<2560x1xf32>
    %dot_general3A_39 = tpu.matmul %max3A_37, %get3A_10, %dot_general3A_38 {dimension_numbers = #tpu.dot_dimension_numbers<[1], [0], [0], [1], [0, 0, 1, 1], [], []>, transpose_lhs_hint = false} : vector<2560x64xf32>, vector<64x1xf32>, vector<2560x1xf32> -> vector<2560x1xf32>
    %get3A_40 = arith.constant 2 : index
    %get3A_41 = arith.constant 0 : index
    %get3A_42 = vector.load %arg4[%get3A_40, %get3A_41] : memref<16x64xf32, #tpu.memory_space<vmem>>, vector<1x64xf32>
    %add3A_43 = vector.broadcast %get3A_42 : vector<1x64xf32> to vector<2560x64xf32>
    %add3A_44 = arith.addf %get3A_4, %add3A_43 : vector<2560x64xf32>
    %slice3A_45 = vector.extract_strided_slice %get3A_1 {offsets = [0, 2], sizes = [2560, 1], strides = [1, 1]} : vector<2560x16xf32> to vector<2560x1xf32>
    %mul3A_46 = vector.broadcast %slice3A_45 : vector<2560x1xf32> to vector<2560x64xf32>
    %mul3A_47 = vector.broadcast %get3A_7 : vector<1x64xf32> to vector<2560x64xf32>
    %mul3A_48 = arith.mulf %mul3A_46, %mul3A_47 : vector<2560x64xf32>
    %add3A_49 = arith.addf %add3A_44, %mul3A_48 : vector<2560x64xf32>
    %max3A_50 = arith.constant 0.000000e+00 : f32
    %max3A_51 = vector.broadcast %max3A_50 : f32 to vector<2560x64xf32>
    %max3A_52 = arith.maximumf %add3A_49, %max3A_51 : vector<2560x64xf32>
    %dot_general3A_53 = arith.constant dense<0.000000e+00> : vector<2560x1xf32>
    %dot_general3A_54 = tpu.matmul %max3A_52, %get3A_10, %dot_general3A_53 {dimension_numbers = #tpu.dot_dimension_numbers<[1], [0], [0], [1], [0, 0, 1, 1], [], []>, transpose_lhs_hint = false} : vector<2560x64xf32>, vector<64x1xf32>, vector<2560x1xf32> -> vector<2560x1xf32>
    %get3A_55 = arith.constant 3 : index
    %get3A_56 = arith.constant 0 : index
    %get3A_57 = vector.load %arg4[%get3A_55, %get3A_56] : memref<16x64xf32, #tpu.memory_space<vmem>>, vector<1x64xf32>
    %add3A_58 = vector.broadcast %get3A_57 : vector<1x64xf32> to vector<2560x64xf32>
    %add3A_59 = arith.addf %get3A_4, %add3A_58 : vector<2560x64xf32>
    %slice3A_60 = vector.extract_strided_slice %get3A_1 {offsets = [0, 3], sizes = [2560, 1], strides = [1, 1]} : vector<2560x16xf32> to vector<2560x1xf32>
    %mul3A_61 = vector.broadcast %slice3A_60 : vector<2560x1xf32> to vector<2560x64xf32>
    %mul3A_62 = vector.broadcast %get3A_7 : vector<1x64xf32> to vector<2560x64xf32>
    %mul3A_63 = arith.mulf %mul3A_61, %mul3A_62 : vector<2560x64xf32>
    %add3A_64 = arith.addf %add3A_59, %mul3A_63 : vector<2560x64xf32>
    %max3A_65 = arith.constant 0.000000e+00 : f32
    %max3A_66 = vector.broadcast %max3A_65 : f32 to vector<2560x64xf32>
    %max3A_67 = arith.maximumf %add3A_64, %max3A_66 : vector<2560x64xf32>
    %dot_general3A_68 = arith.constant dense<0.000000e+00> : vector<2560x1xf32>
    %dot_general3A_69 = tpu.matmul %max3A_67, %get3A_10, %dot_general3A_68 {dimension_numbers = #tpu.dot_dimension_numbers<[1], [0], [0], [1], [0, 0, 1, 1], [], []>, transpose_lhs_hint = false} : vector<2560x64xf32>, vector<64x1xf32>, vector<2560x1xf32> -> vector<2560x1xf32>
    %get3A_70 = arith.constant 4 : index
    %get3A_71 = arith.constant 0 : index
    %get3A_72 = vector.load %arg4[%get3A_70, %get3A_71] : memref<16x64xf32, #tpu.memory_space<vmem>>, vector<1x64xf32>
    %add3A_73 = vector.broadcast %get3A_72 : vector<1x64xf32> to vector<2560x64xf32>
    %add3A_74 = arith.addf %get3A_4, %add3A_73 : vector<2560x64xf32>
    %slice3A_75 = vector.extract_strided_slice %get3A_1 {offsets = [0, 4], sizes = [2560, 1], strides = [1, 1]} : vector<2560x16xf32> to vector<2560x1xf32>
    %mul3A_76 = vector.broadcast %slice3A_75 : vector<2560x1xf32> to vector<2560x64xf32>
    %mul3A_77 = vector.broadcast %get3A_7 : vector<1x64xf32> to vector<2560x64xf32>
    %mul3A_78 = arith.mulf %mul3A_76, %mul3A_77 : vector<2560x64xf32>
    %add3A_79 = arith.addf %add3A_74, %mul3A_78 : vector<2560x64xf32>
    %max3A_80 = arith.constant 0.000000e+00 : f32
    %max3A_81 = vector.broadcast %max3A_80 : f32 to vector<2560x64xf32>
    %max3A_82 = arith.maximumf %add3A_79, %max3A_81 : vector<2560x64xf32>
    %dot_general3A_83 = arith.constant dense<0.000000e+00> : vector<2560x1xf32>
    %dot_general3A_84 = tpu.matmul %max3A_82, %get3A_10, %dot_general3A_83 {dimension_numbers = #tpu.dot_dimension_numbers<[1], [0], [0], [1], [0, 0, 1, 1], [], []>, transpose_lhs_hint = false} : vector<2560x64xf32>, vector<64x1xf32>, vector<2560x1xf32> -> vector<2560x1xf32>
    %get3A_85 = arith.constant 5 : index
    %get3A_86 = arith.constant 0 : index
    %get3A_87 = vector.load %arg4[%get3A_85, %get3A_86] : memref<16x64xf32, #tpu.memory_space<vmem>>, vector<1x64xf32>
    %add3A_88 = vector.broadcast %get3A_87 : vector<1x64xf32> to vector<2560x64xf32>
    %add3A_89 = arith.addf %get3A_4, %add3A_88 : vector<2560x64xf32>
    %slice3A_90 = vector.extract_strided_slice %get3A_1 {offsets = [0, 5], sizes = [2560, 1], strides = [1, 1]} : vector<2560x16xf32> to vector<2560x1xf32>
    %mul3A_91 = vector.broadcast %slice3A_90 : vector<2560x1xf32> to vector<2560x64xf32>
    %mul3A_92 = vector.broadcast %get3A_7 : vector<1x64xf32> to vector<2560x64xf32>
    %mul3A_93 = arith.mulf %mul3A_91, %mul3A_92 : vector<2560x64xf32>
    %add3A_94 = arith.addf %add3A_89, %mul3A_93 : vector<2560x64xf32>
    %max3A_95 = arith.constant 0.000000e+00 : f32
    %max3A_96 = vector.broadcast %max3A_95 : f32 to vector<2560x64xf32>
    %max3A_97 = arith.maximumf %add3A_94, %max3A_96 : vector<2560x64xf32>
    %dot_general3A_98 = arith.constant dense<0.000000e+00> : vector<2560x1xf32>
    %dot_general3A_99 = tpu.matmul %max3A_97, %get3A_10, %dot_general3A_98 {dimension_numbers = #tpu.dot_dimension_numbers<[1], [0], [0], [1], [0, 0, 1, 1], [], []>, transpose_lhs_hint = false} : vector<2560x64xf32>, vector<64x1xf32>, vector<2560x1xf32> -> vector<2560x1xf32>
    %get3A_100 = arith.constant 6 : index
    %get3A_101 = arith.constant 0 : index
    %get3A_102 = vector.load %arg4[%get3A_100, %get3A_101] : memref<16x64xf32, #tpu.memory_space<vmem>>, vector<1x64xf32>
    %add3A_103 = vector.broadcast %get3A_102 : vector<1x64xf32> to vector<2560x64xf32>
    %add3A_104 = arith.addf %get3A_4, %add3A_103 : vector<2560x64xf32>
    %slice3A_105 = vector.extract_strided_slice %get3A_1 {offsets = [0, 6], sizes = [2560, 1], strides = [1, 1]} : vector<2560x16xf32> to vector<2560x1xf32>
    %mul3A_106 = vector.broadcast %slice3A_105 : vector<2560x1xf32> to vector<2560x64xf32>
    %mul3A_107 = vector.broadcast %get3A_7 : vector<1x64xf32> to vector<2560x64xf32>
    %mul3A_108 = arith.mulf %mul3A_106, %mul3A_107 : vector<2560x64xf32>
    %add3A_109 = arith.addf %add3A_104, %mul3A_108 : vector<2560x64xf32>
    %max3A_110 = arith.constant 0.000000e+00 : f32
    %max3A_111 = vector.broadcast %max3A_110 : f32 to vector<2560x64xf32>
    %max3A_112 = arith.maximumf %add3A_109, %max3A_111 : vector<2560x64xf32>
    %dot_general3A_113 = arith.constant dense<0.000000e+00> : vector<2560x1xf32>
    %dot_general3A_114 = tpu.matmul %max3A_112, %get3A_10, %dot_general3A_113 {dimension_numbers = #tpu.dot_dimension_numbers<[1], [0], [0], [1], [0, 0, 1, 1], [], []>, transpose_lhs_hint = false} : vector<2560x64xf32>, vector<64x1xf32>, vector<2560x1xf32> -> vector<2560x1xf32>
    %get3A_115 = arith.constant 7 : index
    %get3A_116 = arith.constant 0 : index
    %get3A_117 = vector.load %arg4[%get3A_115, %get3A_116] : memref<16x64xf32, #tpu.memory_space<vmem>>, vector<1x64xf32>
    %add3A_118 = vector.broadcast %get3A_117 : vector<1x64xf32> to vector<2560x64xf32>
    %add3A_119 = arith.addf %get3A_4, %add3A_118 : vector<2560x64xf32>
    %slice3A_120 = vector.extract_strided_slice %get3A_1 {offsets = [0, 7], sizes = [2560, 1], strides = [1, 1]} : vector<2560x16xf32> to vector<2560x1xf32>
    %mul3A_121 = vector.broadcast %slice3A_120 : vector<2560x1xf32> to vector<2560x64xf32>
    %mul3A_122 = vector.broadcast %get3A_7 : vector<1x64xf32> to vector<2560x64xf32>
    %mul3A_123 = arith.mulf %mul3A_121, %mul3A_122 : vector<2560x64xf32>
    %add3A_124 = arith.addf %add3A_119, %mul3A_123 : vector<2560x64xf32>
    %max3A_125 = arith.constant 0.000000e+00 : f32
    %max3A_126 = vector.broadcast %max3A_125 : f32 to vector<2560x64xf32>
    %max3A_127 = arith.maximumf %add3A_124, %max3A_126 : vector<2560x64xf32>
    %dot_general3A_128 = arith.constant dense<0.000000e+00> : vector<2560x1xf32>
    %dot_general3A_129 = tpu.matmul %max3A_127, %get3A_10, %dot_general3A_128 {dimension_numbers = #tpu.dot_dimension_numbers<[1], [0], [0], [1], [0, 0, 1, 1], [], []>, transpose_lhs_hint = false} : vector<2560x64xf32>, vector<64x1xf32>, vector<2560x1xf32> -> vector<2560x1xf32>
    %get3A_130 = arith.constant 8 : index
    %get3A_131 = arith.constant 0 : index
    %get3A_132 = vector.load %arg4[%get3A_130, %get3A_131] : memref<16x64xf32, #tpu.memory_space<vmem>>, vector<1x64xf32>
    %add3A_133 = vector.broadcast %get3A_132 : vector<1x64xf32> to vector<2560x64xf32>
    %add3A_134 = arith.addf %get3A_4, %add3A_133 : vector<2560x64xf32>
    %slice3A_135 = vector.extract_strided_slice %get3A_1 {offsets = [0, 8], sizes = [2560, 1], strides = [1, 1]} : vector<2560x16xf32> to vector<2560x1xf32>
    %mul3A_136 = vector.broadcast %slice3A_135 : vector<2560x1xf32> to vector<2560x64xf32>
    %mul3A_137 = vector.broadcast %get3A_7 : vector<1x64xf32> to vector<2560x64xf32>
    %mul3A_138 = arith.mulf %mul3A_136, %mul3A_137 : vector<2560x64xf32>
    %add3A_139 = arith.addf %add3A_134, %mul3A_138 : vector<2560x64xf32>
    %max3A_140 = arith.constant 0.000000e+00 : f32
    %max3A_141 = vector.broadcast %max3A_140 : f32 to vector<2560x64xf32>
    %max3A_142 = arith.maximumf %add3A_139, %max3A_141 : vector<2560x64xf32>
    %dot_general3A_143 = arith.constant dense<0.000000e+00> : vector<2560x1xf32>
    %dot_general3A_144 = tpu.matmul %max3A_142, %get3A_10, %dot_general3A_143 {dimension_numbers = #tpu.dot_dimension_numbers<[1], [0], [0], [1], [0, 0, 1, 1], [], []>, transpose_lhs_hint = false} : vector<2560x64xf32>, vector<64x1xf32>, vector<2560x1xf32> -> vector<2560x1xf32>
    %get3A_145 = arith.constant 9 : index
    %get3A_146 = arith.constant 0 : index
    %get3A_147 = vector.load %arg4[%get3A_145, %get3A_146] : memref<16x64xf32, #tpu.memory_space<vmem>>, vector<1x64xf32>
    %add3A_148 = vector.broadcast %get3A_147 : vector<1x64xf32> to vector<2560x64xf32>
    %add3A_149 = arith.addf %get3A_4, %add3A_148 : vector<2560x64xf32>
    %slice3A_150 = vector.extract_strided_slice %get3A_1 {offsets = [0, 9], sizes = [2560, 1], strides = [1, 1]} : vector<2560x16xf32> to vector<2560x1xf32>
    %mul3A_151 = vector.broadcast %slice3A_150 : vector<2560x1xf32> to vector<2560x64xf32>
    %mul3A_152 = vector.broadcast %get3A_7 : vector<1x64xf32> to vector<2560x64xf32>
    %mul3A_153 = arith.mulf %mul3A_151, %mul3A_152 : vector<2560x64xf32>
    %add3A_154 = arith.addf %add3A_149, %mul3A_153 : vector<2560x64xf32>
    %max3A_155 = arith.constant 0.000000e+00 : f32
    %max3A_156 = vector.broadcast %max3A_155 : f32 to vector<2560x64xf32>
    %max3A_157 = arith.maximumf %add3A_154, %max3A_156 : vector<2560x64xf32>
    %dot_general3A_158 = arith.constant dense<0.000000e+00> : vector<2560x1xf32>
    %dot_general3A_159 = tpu.matmul %max3A_157, %get3A_10, %dot_general3A_158 {dimension_numbers = #tpu.dot_dimension_numbers<[1], [0], [0], [1], [0, 0, 1, 1], [], []>, transpose_lhs_hint = false} : vector<2560x64xf32>, vector<64x1xf32>, vector<2560x1xf32> -> vector<2560x1xf32>
    %get3A_160 = arith.constant 10 : index
    %get3A_161 = arith.constant 0 : index
    %get3A_162 = vector.load %arg4[%get3A_160, %get3A_161] : memref<16x64xf32, #tpu.memory_space<vmem>>, vector<1x64xf32>
    %add3A_163 = vector.broadcast %get3A_162 : vector<1x64xf32> to vector<2560x64xf32>
    %add3A_164 = arith.addf %get3A_4, %add3A_163 : vector<2560x64xf32>
    %slice3A_165 = vector.extract_strided_slice %get3A_1 {offsets = [0, 10], sizes = [2560, 1], strides = [1, 1]} : vector<2560x16xf32> to vector<2560x1xf32>
    %mul3A_166 = vector.broadcast %slice3A_165 : vector<2560x1xf32> to vector<2560x64xf32>
    %mul3A_167 = vector.broadcast %get3A_7 : vector<1x64xf32> to vector<2560x64xf32>
    %mul3A_168 = arith.mulf %mul3A_166, %mul3A_167 : vector<2560x64xf32>
    %add3A_169 = arith.addf %add3A_164, %mul3A_168 : vector<2560x64xf32>
    %max3A_170 = arith.constant 0.000000e+00 : f32
    %max3A_171 = vector.broadcast %max3A_170 : f32 to vector<2560x64xf32>
    %max3A_172 = arith.maximumf %add3A_169, %max3A_171 : vector<2560x64xf32>
    %dot_general3A_173 = arith.constant dense<0.000000e+00> : vector<2560x1xf32>
    %dot_general3A_174 = tpu.matmul %max3A_172, %get3A_10, %dot_general3A_173 {dimension_numbers = #tpu.dot_dimension_numbers<[1], [0], [0], [1], [0, 0, 1, 1], [], []>, transpose_lhs_hint = false} : vector<2560x64xf32>, vector<64x1xf32>, vector<2560x1xf32> -> vector<2560x1xf32>
    %get3A_175 = arith.constant 11 : index
    %get3A_176 = arith.constant 0 : index
    %get3A_177 = vector.load %arg4[%get3A_175, %get3A_176] : memref<16x64xf32, #tpu.memory_space<vmem>>, vector<1x64xf32>
    %add3A_178 = vector.broadcast %get3A_177 : vector<1x64xf32> to vector<2560x64xf32>
    %add3A_179 = arith.addf %get3A_4, %add3A_178 : vector<2560x64xf32>
    %slice3A_180 = vector.extract_strided_slice %get3A_1 {offsets = [0, 11], sizes = [2560, 1], strides = [1, 1]} : vector<2560x16xf32> to vector<2560x1xf32>
    %mul3A_181 = vector.broadcast %slice3A_180 : vector<2560x1xf32> to vector<2560x64xf32>
    %mul3A_182 = vector.broadcast %get3A_7 : vector<1x64xf32> to vector<2560x64xf32>
    %mul3A_183 = arith.mulf %mul3A_181, %mul3A_182 : vector<2560x64xf32>
    %add3A_184 = arith.addf %add3A_179, %mul3A_183 : vector<2560x64xf32>
    %max3A_185 = arith.constant 0.000000e+00 : f32
    %max3A_186 = vector.broadcast %max3A_185 : f32 to vector<2560x64xf32>
    %max3A_187 = arith.maximumf %add3A_184, %max3A_186 : vector<2560x64xf32>
    %dot_general3A_188 = arith.constant dense<0.000000e+00> : vector<2560x1xf32>
    %dot_general3A_189 = tpu.matmul %max3A_187, %get3A_10, %dot_general3A_188 {dimension_numbers = #tpu.dot_dimension_numbers<[1], [0], [0], [1], [0, 0, 1, 1], [], []>, transpose_lhs_hint = false} : vector<2560x64xf32>, vector<64x1xf32>, vector<2560x1xf32> -> vector<2560x1xf32>
    %get3A_190 = arith.constant 12 : index
    %get3A_191 = arith.constant 0 : index
    %get3A_192 = vector.load %arg4[%get3A_190, %get3A_191] : memref<16x64xf32, #tpu.memory_space<vmem>>, vector<1x64xf32>
    %add3A_193 = vector.broadcast %get3A_192 : vector<1x64xf32> to vector<2560x64xf32>
    %add3A_194 = arith.addf %get3A_4, %add3A_193 : vector<2560x64xf32>
    %slice3A_195 = vector.extract_strided_slice %get3A_1 {offsets = [0, 12], sizes = [2560, 1], strides = [1, 1]} : vector<2560x16xf32> to vector<2560x1xf32>
    %mul3A_196 = vector.broadcast %slice3A_195 : vector<2560x1xf32> to vector<2560x64xf32>
    %mul3A_197 = vector.broadcast %get3A_7 : vector<1x64xf32> to vector<2560x64xf32>
    %mul3A_198 = arith.mulf %mul3A_196, %mul3A_197 : vector<2560x64xf32>
    %add3A_199 = arith.addf %add3A_194, %mul3A_198 : vector<2560x64xf32>
    %max3A_200 = arith.constant 0.000000e+00 : f32
    %max3A_201 = vector.broadcast %max3A_200 : f32 to vector<2560x64xf32>
    %max3A_202 = arith.maximumf %add3A_199, %max3A_201 : vector<2560x64xf32>
    %dot_general3A_203 = arith.constant dense<0.000000e+00> : vector<2560x1xf32>
    %dot_general3A_204 = tpu.matmul %max3A_202, %get3A_10, %dot_general3A_203 {dimension_numbers = #tpu.dot_dimension_numbers<[1], [0], [0], [1], [0, 0, 1, 1], [], []>, transpose_lhs_hint = false} : vector<2560x64xf32>, vector<64x1xf32>, vector<2560x1xf32> -> vector<2560x1xf32>
    %get3A_205 = arith.constant 13 : index
    %get3A_206 = arith.constant 0 : index
    %get3A_207 = vector.load %arg4[%get3A_205, %get3A_206] : memref<16x64xf32, #tpu.memory_space<vmem>>, vector<1x64xf32>
    %add3A_208 = vector.broadcast %get3A_207 : vector<1x64xf32> to vector<2560x64xf32>
    %add3A_209 = arith.addf %get3A_4, %add3A_208 : vector<2560x64xf32>
    %slice3A_210 = vector.extract_strided_slice %get3A_1 {offsets = [0, 13], sizes = [2560, 1], strides = [1, 1]} : vector<2560x16xf32> to vector<2560x1xf32>
    %mul3A_211 = vector.broadcast %slice3A_210 : vector<2560x1xf32> to vector<2560x64xf32>
    %mul3A_212 = vector.broadcast %get3A_7 : vector<1x64xf32> to vector<2560x64xf32>
    %mul3A_213 = arith.mulf %mul3A_211, %mul3A_212 : vector<2560x64xf32>
    %add3A_214 = arith.addf %add3A_209, %mul3A_213 : vector<2560x64xf32>
    %max3A_215 = arith.constant 0.000000e+00 : f32
    %max3A_216 = vector.broadcast %max3A_215 : f32 to vector<2560x64xf32>
    %max3A_217 = arith.maximumf %add3A_214, %max3A_216 : vector<2560x64xf32>
    %dot_general3A_218 = arith.constant dense<0.000000e+00> : vector<2560x1xf32>
    %dot_general3A_219 = tpu.matmul %max3A_217, %get3A_10, %dot_general3A_218 {dimension_numbers = #tpu.dot_dimension_numbers<[1], [0], [0], [1], [0, 0, 1, 1], [], []>, transpose_lhs_hint = false} : vector<2560x64xf32>, vector<64x1xf32>, vector<2560x1xf32> -> vector<2560x1xf32>
    %get3A_220 = arith.constant 14 : index
    %get3A_221 = arith.constant 0 : index
    %get3A_222 = vector.load %arg4[%get3A_220, %get3A_221] : memref<16x64xf32, #tpu.memory_space<vmem>>, vector<1x64xf32>
    %add3A_223 = vector.broadcast %get3A_222 : vector<1x64xf32> to vector<2560x64xf32>
    %add3A_224 = arith.addf %get3A_4, %add3A_223 : vector<2560x64xf32>
    %slice3A_225 = vector.extract_strided_slice %get3A_1 {offsets = [0, 14], sizes = [2560, 1], strides = [1, 1]} : vector<2560x16xf32> to vector<2560x1xf32>
    %mul3A_226 = vector.broadcast %slice3A_225 : vector<2560x1xf32> to vector<2560x64xf32>
    %mul3A_227 = vector.broadcast %get3A_7 : vector<1x64xf32> to vector<2560x64xf32>
    %mul3A_228 = arith.mulf %mul3A_226, %mul3A_227 : vector<2560x64xf32>
    %add3A_229 = arith.addf %add3A_224, %mul3A_228 : vector<2560x64xf32>
    %max3A_230 = arith.constant 0.000000e+00 : f32
    %max3A_231 = vector.broadcast %max3A_230 : f32 to vector<2560x64xf32>
    %max3A_232 = arith.maximumf %add3A_229, %max3A_231 : vector<2560x64xf32>
    %dot_general3A_233 = arith.constant dense<0.000000e+00> : vector<2560x1xf32>
    %dot_general3A_234 = tpu.matmul %max3A_232, %get3A_10, %dot_general3A_233 {dimension_numbers = #tpu.dot_dimension_numbers<[1], [0], [0], [1], [0, 0, 1, 1], [], []>, transpose_lhs_hint = false} : vector<2560x64xf32>, vector<64x1xf32>, vector<2560x1xf32> -> vector<2560x1xf32>
    %get3A_235 = arith.constant 15 : index
    %get3A_236 = arith.constant 0 : index
    %get3A_237 = vector.load %arg4[%get3A_235, %get3A_236] : memref<16x64xf32, #tpu.memory_space<vmem>>, vector<1x64xf32>
    %add3A_238 = vector.broadcast %get3A_237 : vector<1x64xf32> to vector<2560x64xf32>
    %add3A_239 = arith.addf %get3A_4, %add3A_238 : vector<2560x64xf32>
    %slice3A_240 = vector.extract_strided_slice %get3A_1 {offsets = [0, 15], sizes = [2560, 1], strides = [1, 1]} : vector<2560x16xf32> to vector<2560x1xf32>
    %mul3A_241 = vector.broadcast %slice3A_240 : vector<2560x1xf32> to vector<2560x64xf32>
    %mul3A_242 = vector.broadcast %get3A_7 : vector<1x64xf32> to vector<2560x64xf32>
    %mul3A_243 = arith.mulf %mul3A_241, %mul3A_242 : vector<2560x64xf32>
    %add3A_244 = arith.addf %add3A_239, %mul3A_243 : vector<2560x64xf32>
    %max3A_245 = arith.constant 0.000000e+00 : f32
    %max3A_246 = vector.broadcast %max3A_245 : f32 to vector<2560x64xf32>
    %max3A_247 = arith.maximumf %add3A_244, %max3A_246 : vector<2560x64xf32>
    %dot_general3A_248 = arith.constant dense<0.000000e+00> : vector<2560x1xf32>
    %dot_general3A_249 = tpu.matmul %max3A_247, %get3A_10, %dot_general3A_248 {dimension_numbers = #tpu.dot_dimension_numbers<[1], [0], [0], [1], [0, 0, 1, 1], [], []>, transpose_lhs_hint = false} : vector<2560x64xf32>, vector<64x1xf32>, vector<2560x1xf32> -> vector<2560x1xf32>
    %concatenate3A = tpu.concatenate %dot_general3A_24, %dot_general3A_39, %dot_general3A_54, %dot_general3A_69, %dot_general3A_84, %dot_general3A_99, %dot_general3A_114, %dot_general3A_129, %dot_general3A_144, %dot_general3A_159, %dot_general3A_174, %dot_general3A_189, %dot_general3A_204, %dot_general3A_219, %dot_general3A_234, %dot_general3A_249 in 1 : vector<2560x1xf32>, vector<2560x1xf32>, vector<2560x1xf32>, vector<2560x1xf32>, vector<2560x1xf32>, vector<2560x1xf32>, vector<2560x1xf32>, vector<2560x1xf32>, vector<2560x1xf32>, vector<2560x1xf32>, vector<2560x1xf32>, vector<2560x1xf32>, vector<2560x1xf32>, vector<2560x1xf32>, vector<2560x1xf32>, vector<2560x1xf32> -> vector<2560x16xf32>
    %add3A_250 = vector.broadcast %get3A_14 : f32 to vector<2560x16xf32>
    %add3A_251 = arith.addf %concatenate3A, %add3A_250 : vector<2560x16xf32>
    %max3A_252 = arith.constant 0.000000e+00 : f32
    %max3A_253 = vector.broadcast %max3A_252 : f32 to vector<2560x16xf32>
    %max3A_254 = arith.maximumf %add3A_251, %max3A_253 : vector<2560x16xf32>
    %get3A_255 = arith.constant 0 : index
    %get3A_256 = arith.constant 0 : index
    %get3A_257 = vector.load %arg7[%get3A_255, %get3A_256] : memref<2560x16xf32, #tpu.memory_space<vmem>>, vector<2560x16xf32>
    %mul3A_258 = arith.mulf %get3A_257, %max3A_254 : vector<2560x16xf32>
    %swap3A = arith.constant 0 : index
    %swap3A_259 = arith.constant 0 : index
    %swap3A_260 = vector.load %arg8[%swap3A, %swap3A_259] : memref<2560x16xf32, #tpu.memory_space<vmem>>, vector<2560x16xf32>
    tpu.vector_store %arg8[%swap3A, %swap3A_259], %mul3A_258 {strides = array<i32>} : memref<2560x16xf32, #tpu.memory_space<vmem>>, vector<2560x16xf32>,
    %mul3A_261 = arith.constant 1.000000e-01 : f32
    %mul3A_262 = vector.broadcast %mul3A_261 : f32 to vector<2560x16xf32>
    %mul3A_263 = arith.mulf %mul3A_262, %mul3A_258 : vector<2560x16xf32>
    %swap3A_264 = arith.constant 0 : index
    %swap3A_265 = arith.constant 0 : index
    %swap3A_266 = vector.load %arg9[%swap3A_264, %swap3A_265] : memref<2560x16xf32, #tpu.memory_space<vmem>>, vector<2560x16xf32>
    tpu.vector_store %arg9[%swap3A_264, %swap3A_265], %mul3A_263 {strides = array<i32>} : memref<2560x16xf32, #tpu.memory_space<vmem>>, vector<2560x16xf32>,
    return
  }
  func.func @transform_0(%arg0: i32) -> (i32, i32) {
    %c0_i32 = arith.constant 0 : i32
    %c0_i32_0 = arith.constant 0 : i32
    return %arg0, %c0_i32 : i32, i32
  }
  func.func @transform_1(%arg0: i32) -> (i32, i32) {
    %c0_i32 = arith.constant 0 : i32
    %c0_i32_0 = arith.constant 0 : i32
    return %arg0, %c0_i32 : i32, i32
  }
  func.func @transform_2(%arg0: i32) -> (i32, i32) {
    %c0_i32 = arith.constant 0 : i32
    %c0_i32_0 = arith.constant 0 : i32
    %c0_i32_1 = arith.constant 0 : i32
    return %c0_i32, %c0_i32_0 : i32, i32
  }
  func.func @transform_3(%arg0: i32) -> (i32, i32) {
    %c0_i32 = arith.constant 0 : i32
    %c0_i32_0 = arith.constant 0 : i32
    %c0_i32_1 = arith.constant 0 : i32
    return %c0_i32, %c0_i32_0 : i32, i32
  }
  func.func @transform_4(%arg0: i32) -> (i32, i32) {
    %c0_i32 = arith.constant 0 : i32
    %c0_i32_0 = arith.constant 0 : i32
    %c0_i32_1 = arith.constant 0 : i32
    return %c0_i32, %c0_i32_0 : i32, i32
  }
  func.func @transform_5(%arg0: i32) -> (i32, i32) {
    %c0_i32 = arith.constant 0 : i32
    %c0_i32_0 = arith.constant 0 : i32
    %c0_i32_1 = arith.constant 0 : i32
    return %c0_i32, %c0_i32_0 : i32, i32
  }
  func.func @transform_6(%arg0: i32) -> (i32, i32) {
    %c0_i32 = arith.constant 0 : i32
    %c0_i32_0 = arith.constant 0 : i32
    return %arg0, %c0_i32 : i32, i32
  }
  func.func @transform_7(%arg0: i32) -> (i32, i32) {
    %c0_i32 = arith.constant 0 : i32
    %c0_i32_0 = arith.constant 0 : i32
    return %arg0, %c0_i32 : i32, i32
  }
  func.func @transform_8(%arg0: i32) -> (i32, i32) {
    %c0_i32 = arith.constant 0 : i32
    %c0_i32_0 = arith.constant 0 : i32
    return %arg0, %c0_i32 : i32, i32
  }
}

</mosaic_0001>

<sc_bundles>
// kernel: kernel.10.cloned.1.call-start
scs
__scs_entry_jumppad:
0x0: {  	(pc) =	sbr.rel $0x88, $3  }
0x1: {  	(tag) =	ssettag $0x0;
	lr =	simm.s32 $0x1  }
0x2: {  	[smem:$0x3F99] =	sst lr;
	_ =	strace $0xD0000000  }
0x3: {  	_ = 	snop  }
0x4: {  	_ = 	snop  }
0x5: {  	_ = 	snop  }
0x6: {  	_ = 	snop  }
0x7: {  	_ = 	snop  }
__scs_overlays_trampoline_lowered:
0x8: {  	[smem:$0x3FA8] =	sst s0  }
0x9: {  	[smem:$0x3FA9] =	sst s1  }
0xa: {  	[smem:$0x3FAA] =	sst s2  }
0xb: {  	[smem:$0x3FAB] =	sst s3  }
0xc: {  	[smem:$0x3FAC] =	sst s4  }
0xd: {  	[smem:$0x3FAD] =	sst s5  }
0xe: {  	[smem:$0x3FAE] =	sst s6  }
0xf: {  	[smem:$0x3FAF] =	sst s7  }
0x10: {  	[smem:$0x3FB0] =	sst s8  }
0x11: {  	[smem:$0x3FB1] =	sst s9;
	s0 =	simm.s32 @!p0 $0x0  }
0x12: {  	s1 =	sld [smem:$0x3F97];
	s0 =	simm.s32 @p0 $0x1  }
0x13: {  	[smem:$0x3FB2] =	sst s0;
	s0 =	simm.s32 @!p1 $0x0  }
0x14: {  	s2 =	sld [smem:$0x3F96];
	s0 =	simm.s32 @p1 $0x1  }
0x15: {  	[smem:$0x3FB3] =	sst s0;
	s0 =	simm.s32 @!p2 $0x0  }
0x16: {  	s3 =	sld [smem:$0x3FDB];
	s0 =	simm.s32 @p2 $0x1  }
0x17: {  	s4 =	simm.s32 $0x1BF5;
	[smem:$0x3FB5] =	sst s0  }
0x18: {  	s0 =	sld [smem:$0x3F98];
	_ =	swait.ge [sflag:s4], $0x0  }
0x19: {  	s7 =	sld [smem:$0x3F99]  }
0x1a: {  	s8 =	sadd.s32 $0xFFFFE003, lr  }
0x1b: {  	s9 =	sadd.s32 $0xFFFFFEF7, lr;
	s5 =	simm.s32 $0xFFFFFFFF;
	p2 =	slt.u32 s8, $0xFFFFF086  }
0x1c: {  	p1 =	slt.u32 s9, $0xF7A;
	s5 =	simm.s32 @!p2 $0x0  }
0x1d: {  	s5 =	simm.s32 @p1 $0x1;
	p0 =	seq.s32 s7, s2  }
0x1e: {  	s7 =	smul.u32 @!p0 $0xF7A, s2;
	p2 =	seq.s32 @!p0 s5, $0x0  }
0x1f: {  	s9 =	smul.u32 $0xF7A, s1;
	s8 =	simm.s32 @!p0 $0x1BF5;
	p2 =	por !p2, p0  }
0x20: {  	[sflag:s8] =	ssyncset.s32 @!p0 $0xFFFFF086;
	s6 =	sadd.s32 @!p0 s3, s7;
	s7 =	simm.s32 @!p0 $0x108  }
0x21: {  	s3 =	sadd.s32 s3, s9;
	s6 =	sadd.s32 @!p0 $0x88, s6;
	s7 =	simm.s32 @p2 $0x1082  }
0x22: {  	[simem:s7], [sflag:s8] =	dma.local @!p0 [hbm:s6], $0xF7A  }
0x23: {  	s9 =	sor.u32 $0xD0000000, s2;
	s6 =	simm.s32 $0x108;
	_ =	swait.ge @!p0 [sflag:s8], $0x0  }
0x24: {  	s3 =	sadd.s32 $0x88, s3;
	s6 =	simm.s32 @!p1 $0x1082;
	[sflag:s4] =	ssyncset.s32 $0xFFFFF086  }
0x25: {  	[simem:s6], [sflag:s4] =	dma.local [hbm:s3], $0xF7A  }
0x26: {  	[smem:$0x3F99] =	sst s1;
	(tag) =	ssettag s2;
	_ =	strace s9  }
0x27: {  	s1 =	sld [smem:$0x3FA9]  }
0x28: {  	s2 =	sld [smem:$0x3FAA]  }
0x29: {  	s4 =	sld [smem:$0x3FAC]  }
0x2a: {  	p0 =	seq.s32 s5, $0x0;
	s5 =	sld [smem:$0x3FAD]  }
0x2b: {  	s6 =	sld [smem:$0x3FAE]  }
0x2c: {  	s7 =	sld [smem:$0x3FAF]  }
0x2d: {  	s3 =	simm.s32 $0x108;
	s8 =	sld [smem:$0x3FB0]  }
0x2e: {  	s3 =	simm.s32 @!p0 $0x1082;
	s9 =	sld [smem:$0x3FB1]  }
0x2f: {  	lr =	sadd.s32 s0, s3;
	s0 =	sld [smem:$0x3FA8]  }
0x30: {  	s3 =	sld [smem:$0x3FAB]  }
0x31: {  	[smem:$0x3FB4] =	sst s10  }
0x32: {  	s10 =	sld [smem:$0x3FB2];
	_ =	sdelay $0x3  }
0x33: {  	p0 =	seq.s32 s10, $0x1;
	s10 =	sld [smem:$0x3FB4];
	_ =	sdelay $0x3  }
0x34: {  	[smem:$0x3FB4] =	sst s10  }
0x35: {  	s10 =	sld [smem:$0x3FB3];
	_ =	sdelay $0x3  }
0x36: {  	p1 =	seq.s32 s10, $0x1;
	s10 =	sld [smem:$0x3FB4];
	_ =	sdelay $0x3  }
0x37: {  	[smem:$0x3FB4] =	sst s10  }
0x38: {  	s10 =	sld [smem:$0x3FB5]  }
0x39: {  	_ = 	snop;
	(pc) =	sbr.ind lr, $3  }
0x3a: {  	_ = 	snop  }
0x3b: {  	_ = 	snop  }
0x3c: {  	p2 =	seq.s32 s10, $0x1;
	s10 =	sld [smem:$0x3FB4]  }
0x3d: {  	_ =	shalt  }
0x3e: {  	_ =	shalt  }
0x3f: {  	_ =	shalt  }
0x40: {  	_ =	shalt  }
0x41: {  	_ =	shalt  }
0x42: {  	_ =	shalt  }
0x43: {  	_ =	shalt  }
0x44: {  	_ =	shalt  }
0x45: {  	_ =	shalt  }
0x46: {  	_ =	shalt  }
0x47: {  	_ =	shalt  }
0x48: {  	_ =	shalt  }
0x49: {  	_ =	shalt  }
0x4a: {  	_ =	shalt  }
0x4b: {  	_ =	shalt  }
0x4c: {  	_ =	shalt  }
0x4d: {  	_ =	shalt  }
0x4e: {  	_ =	shalt  }
0x4f: {  	_ =	shalt  }
0x50: {  	_ =	shalt  }
0x51: {  	_ =	shalt  }
0x52: {  	_ =	shalt  }
0x53: {  	_ =	shalt  }
0x54: {  	_ =	shalt  }
0x55: {  	_ =	shalt  }
0x56: {  	_ =	shalt  }
0x57: {  	_ =	shalt  }
0x58: {  	_ =	shalt  }
0x59: {  	_ =	shalt  }
0x5a: {  	_ =	shalt  }
0x5b: {  	_ =	shalt  }
0x5c: {  	_ =	shalt  }
0x5d: {  	_ =	shalt  }
0x5e: {  	_ =	shalt  }
0x5f: {  	_ =	shalt  }
0x60: {  	_ =	shalt  }
0x61: {  	_ =	shalt  }
0x62: {  	_ =	shalt  }
0x63: {  	_ =	shalt  }
0x64: {  	_ =	shalt  }
0x65: {  	_ =	shalt  }
0x66: {  	_ =	shalt  }
0x67: {  	_ =	shalt  }
0x68: {  	_ =	shalt  }
0x69: {  	_ =	shalt  }
0x6a: {  	_ =	shalt  }
0x6b: {  	_ =	shalt  }
0x6c: {  	_ =	shalt  }
0x6d: {  	_ =	shalt  }
0x6e: {  	_ =	shalt  }
0x6f: {  	_ =	shalt  }
0x70: {  	_ =	shalt  }
0x71: {  	_ =	shalt  }
0x72: {  	_ =	shalt  }
0x73: {  	_ =	shalt  }
0x74: {  	_ =	shalt  }
0x75: {  	_ =	shalt  }
0x76: {  	_ =	shalt  }
0x77: {  	_ =	shalt  }
0x78: {  	_ =	shalt  }
0x79: {  	_ =	shalt  }
0x7a: {  	_ =	shalt  }
0x7b: {  	_ =	shalt  }
0x7c: {  	_ =	shalt  }
0x7d: {  	_ =	shalt  }
0x7e: {  	_ =	shalt  }
0x7f: {  	_ =	shalt  }
0x80: {  	_ =	shalt  }
0x81: {  	_ =	shalt  }
0x82: {  	_ =	shalt  }
0x83: {  	_ =	shalt  }
0x84: {  	_ =	shalt  }
0x85: {  	_ =	shalt  }
0x86: {  	_ =	shalt  }
0x87: {  	_ =	shalt  }
.Lfunc_end0:
.L_simem_size_0:
called_computation.1_lowered:
.L_overlay_start_0:
0x88: {  	s2 =	sld [smem:$0x3FD9]  }
0x89: {  	s3 =	sld [smem:$0x3FFE];
	_ =	sdelay $0x1  }
0x8a: {  	s1 =	srdreg.scid  }
0x8b: {  	s0 =	sand.u32 $0x1, s1  }
0x8c: {  	s16 =	sshll.u32 s0, $0xA;
	s2 =	sadd.s32 s3, s2  }
0x8d: {  	s2 =	sadd.s32 s2, s16  }
0x8e: {  	[smem:$0x3FC0] =	sst s2  }
0x8f: {  	_ = 	snop  }
0x90: {  	(tm) =	ssettm $0x1  }
0x91: {  	s17 =	sld [smem:$0x3FFB];
	_ =	sdelay $0x3  }
0x92: {  	_ =	strace s17  }
0x93: {  	s2 =	sld [smem:$0x3FFC];
	_ =	sdelay $0x3  }
0x94: {  	_ =	strace s2  }
0x95: {  	s2 =	sld [smem:$0x3FFD];
	_ =	sdelay $0x3  }
0x96: {  	_ =	strace s2  }
0x97: {  	_ =	strace $0x8FFFFFFF  }
0x98: {  	s18 =	sld [smem:$0x3FDB];
	_ =	sdelay $0x1  }
0x99: {  	s19 =	simm.s32 $_scs_section_size  }
0x9a: {  	s4 =	simm.s32 $_size__tile_overlayer_lowered;
	s5 =	simm.s32 $_tile_overlayer_lowered  }
0x9b: {  	s22 =	simm.s32 $0x1BFF;
	s21 =	sshll.u32 s5, $0x1;
	s2 =	sadd.s32 s19, s18  }
0x9c: {  	s6 =	simm.s32 $0x0;
	s20 =	sshll.u32 s4, $0x1;
	s4 =	sadd.s32 s21, s2  }
0x9d: {  	[timem:s6], [sflag:s22] =	dma.local [hbm:s4], s20  }
0x9e: {  	_ =	swait.ge [sflag:s22], s20  }
0x9f: {  	s3 =	ssub.s32 $0x0, s20;
	[sflag:s22] =	ssyncset.done $0x0  }
0xa0: {  	[sflag:s22] =	ssyncadd.s32 s3;
	_ =	sdelay $0x1  }
0xa1: {  	s23 =	simm.s32 $0x1B8B  }
0xa2: {  	_ =	swait.ge [sflag:s23], $0x1  }
0xa3: {  	[sflag:s23] =	ssyncset.done $0x0  }
0xa4: {  	s25 =	simm.s32 $0x1B8E;
	s24 =	sld [smem:$0x3FFE];
	[sflag:s23] =	ssyncadd.s32 $0xFFFFFFFF  }
0xa5: {  	s26 =	simm.s32 $execute0_lowered;
	[smem:$0x3FD2] =	sst s25  }
0xa6: {  	s4 =	sshll.u32 s26, $0x1;
	_ =	strace $0x80000049;
	[dreg:$0x1] =	wrdreg $0xFFFFFFFF  }
0xa7: {  	s28 =	simm.s32 $_size_execute0_lowered;
	s2 =	sadd.s32 s2, s4;
	[dreg:$0x0] =	wrdreg $0x0  }
0xa8: {  	s4 =	sshll.u32 s28, $0x1;
	[dreg:$0x2] =	wrdreg s2  }
0xa9: {  	[dreg:$0x3] =	wrdreg s4  }
0xaa: {  	[dreg:$0x4] =	wrdreg $0xC0  }
0xab: {  	_ =	task [dreg:s6], $0x5FFFF  }
0xac: {  	[dreg:$0x1] =	wrdreg $0xFFFFFFFF  }
0xad: {  	[dreg:$0x0] =	wrdreg $0x60  }
0xae: {  	[dreg:$0x2] =	wrdreg s24  }
0xaf: {  	[dreg:$0x3] =	wrdreg $0x0  }
0xb0: {  	[dreg:$0x4] =	wrdreg $0x9  }
0xb1: {  	_ =	task.clear_ibuf [dreg:s6], $0x5FFFF;
	_ =	strace $0x90000049  }
0xb2: {  	s29 =	simm.s32 $0x9;
	_ =	strace $0x8000004B  }
0xb3: {  	_ =	swait.ge [sflag:s29], $0x1  }
0xb4: {  	[sflag:s29] =	ssyncadd.s32 $0xFFFFFFFF  }
0xb5: {  	_ =	strace $0x9000004B  }
0xb6: {  	_ =	sfence  }
0xb7: {  	s30 =	sld [smem:$0x0];
	_ =	sdelay $0x2  }
0xb8: {  	s31 =	sshll.u32 s1, $0xD;
	s1 =	sshrl.u32 s1, $0x2  }
0xb9: {  	s3 =	sand.u32 $0x4000, s31;
	s1 =	sadd.s32 s1, s30  }
0xba: {  	s0 =	sor.u32 s3, s0;
	s1 =	sshll.u32 s1, $0x11  }
0xbb: {  	s0 =	sor.u32 s1, s0  }
0xbc: {  	s0 =	sadd.s32 $0x8F2B, s0  }
0xbd: {  	[sflag:s0] =	ssyncadd.remote.s32 $0x1  }
0xbe: {  	_ =	sfence.sel $0xFFFF  }
0xbf: {  	[dreg:$0x0] =	wrdreg $0xFFFFFFFF;
	(pc) =	sbr.abs _section_cstart, $3  }
0xc0: {  	[dreg:$0x1] =	wrdreg $0xFFFFFFFF  }
0xc1: {  	_ =	task.clear_ibuf [dreg:s6], $0x2FFFF;
	_ =	strace $0x9FFFFFFF  }
0xc2: {  	(tm) =	ssettm $0x7FFFFFFF  }
0xc3: {  	_ =	shalt  }
tec
execute0_lowered:
.L_overlay_start_1:
0x0: {  	(tag) =	ssettag $0x1  }
0x1: {  	s0 =	rddreg [dreg:$0x0]  }
0x2: {  	s1 =	srdreg.scid;
	s2 =	rddreg [dreg:$0x1]  }
0x3: {  	s5 =	stileid.u32;
	s3 =	simm.s32 $0x0;
	s31 =	simm.s32 $0x80  }
0x4: {  	s29 =	simm.s32 $0x8000;
	s28 =	simm.s32 $0x9;
	s6 =	sand.u32 $0x1, s1  }
0x5: {  	s7 =	smul.u32 $0x2800, s5;
	[smem:$0x7FF] =	sst s3;
	s22 =	sand.u32 $0x2, s1  }
0x6: {  	s15 =	sshrl.u32 s1, $0x2;
	s1 =	simm.s32 $0x7;
	s4 =	sshll.u32 s6, $0x4  }
0x7: {  	_ =	strace $0x8000004A;
	s9 =	ssub.s32 $0x2, s6;
	p0 =	seq.s32 s6, $0x0  }
0x8: {  	s23 =	sor.u32 $0x5, s22;
	s4 =	sor.u32 s5, s4;
	s8 =	sshrl.u32 s7, $0x3  }
0x9: {  	s11 =	sshrl.u32 s9, $0x1;
	s5 =	sadd.s32 $0x2F600, s0;
	s26 =	sshll.u32 s23, $0xE  }
0xa: {  	s4 =	smul.u32 $0x500, s4;
	s12 =	sadd.s32 s8, s0;
	s13 =	ssub.s32 s9, s11  }
0xb: {  	s11 =	sadd.s32 s7, s2;
	s9 =	sadd.s32 s5, s8;
	[dreg:$0xe] =	wrdreg s26  }
0xc: {  	s7 =	sor.u32 $0x4, s22;
	s19 =	sadd.s32 $0x16600, s12;
	[dreg:$0x8] =	wrdreg s9  }
0xd: {  	s22 =	simm.s32 $0xA;
	s20 =	sadd.s32 $0x1B600, s12;
	[dreg:$0x5] =	wrdreg s19  }
0xe: {  	s21 =	sadd.s32 $0x20600, s12;
	s14 =	sadd.s32 $0x34600, s12;
	[dreg:$0x6] =	wrdreg s20  }
0xf: {  	s16 =	sadd.s32 $0x39600, s12;
	s24 =	sadd.s32 $0x25600, s12;
	[dreg:$0x7] =	wrdreg s21  }
0x10: {  	s25 =	sadd.s32 $0x3E600, s12;
	s30 =	sshll.u32 s7, $0xE;
	[dreg:$0xa] =	wrdreg s24  }
0x11: {  	s7 =	simm.s32 $0x1;
	s10 =	sadd.s32 s4, s0;
	[dreg:$0xb] =	wrdreg s25  }
0x12: {  	s4 =	sadd.s32 $0x2A600, s0;
	s0 =	smax.u32 s13, $0x1;
	[dreg:$0xf] =	wrdreg s30  }
0x13: {  	s19 =	simm.s32 $0x5;
	s20 =	simm.s32 $0x6;
	s13 =	simm.s32 $0x8  }
0x14: {  	s17 =	sadd.s32 $0xC600, s10;
	s18 =	sadd.s32 $0x2600, s10;
	[dreg:$0xc] =	wrdreg s0  }
.Ltmp0:
0x15: {  	s8 =	sadd.s32 s4, s8;
	[dreg:$0x3] =	wrdreg s17;
	(pc) =	sbr.rel .LBB2_1-.Ltmp0, $4  }
0x16: {  	s0 =	simm.s32 $0x7800;
	s10 =	simm.s32 $0x4;
	[dreg:$0x4] =	wrdreg s18  }
0x17: {  	[dreg:$0x9] =	wrdreg s8;
	s9 =	smov.u32 @p0 s8;
	p0 =	sne.s32 s6, $0x0  }
0x18: {  	s18 =	simm.s32 $0x8800;
	s6 =	simm.s32 $0x9000;
	s8 =	simm.s32 $0x2  }
0x19: {  	v0 =	vimm.f32 $0.0e+00;
	s17 =	simm.s32 $0x0;
	[dreg:$0xd] =	wrdreg s9;
	s9 =	simm.s32 $0x3  }
.LBB2_18:
0x1a: {  	s17 =	rddreg [dreg:$0x10]  }
0x1b: {  	s12 =	rddreg [dreg:$0xc];
	s17 =	sadd.s32 $0x1, s17  }
0x1c: {  	p1 =	sne.s32 s17, s12  }
.Ltmp1:
0x1d: {  	_ = 	snop;
	(pc) =	sbr.rel @!p1 .LBB2_19-.Ltmp1, $1  }
0x1e: {  	_ =	sdelay $0x3  }
.LBB2_1:
0x1f: {  	[dreg:$0x10] =	wrdreg s17  }
0x20: {  	s12 =	rddreg [dreg:$0x3];
	s25 =	simm.s32 $0x2800  }
0x21: {  	[tilespmem:s25], [sflag:$0xA] =	stream.linear.gather [hbm4b:s12+s3], $0x2800, $0x38;
	[tilespmem:$0x18800] =	vst v63  }
0x22: {  	_ =	swait.ge [sflag:s22], $0x2800  }
0x23: {  	[sflag:s22] =	ssyncset.done $0x0  }
0x24: {  	s30 =	simm.s32 $0x5000;
	s26 =	rddreg [dreg:$0x4];
	[sflag:s22] =	ssyncadd.s32 $0xFFFFD800  }
0x25: {  	[tilespmem:s30], [sflag:$0xA] =	stream.linear.gather [hbm4b:s26+s3], $0x2800, $0x38;
	[tilespmem:$0x18800] =	vst v63  }
0x26: {  	_ =	swait.ge [sflag:s22], $0x2800  }
0x27: {  	[sflag:s22] =	ssyncset.done $0x0  }
0x28: {  	s23 =	simm.s32 $0x9800;
	s21 =	rddreg [dreg:$0x5];
	[sflag:s22] =	ssyncadd.s32 $0xFFFFD800  }
0x29: {  	[tilespmem:s23], [sflag:$0xA] =	stream.linear.gather [hbm4b:s21+s3], $0x2800, $0x38;
	[tilespmem:$0x18800] =	vst v63  }
0x2a: {  	_ =	swait.ge [sflag:s22], $0x2800  }
0x2b: {  	[sflag:s22] =	ssyncset.done $0x0  }
0x2c: {  	s25 =	simm.s32 $0xC000;
	s24 =	rddreg [dreg:$0x6];
	[sflag:s22] =	ssyncadd.s32 $0xFFFFD800  }
0x2d: {  	[tilespmem:s25], [sflag:$0xA] =	stream.linear.gather [hbm4b:s24+s3], $0x2800, $0x38;
	[tilespmem:$0x18800] =	vst v63  }
0x2e: {  	_ =	swait.ge [sflag:s22], $0x2800  }
0x2f: {  	[sflag:s22] =	ssyncset.done $0x0  }
0x30: {  	s30 =	simm.s32 $0xE800;
	s26 =	rddreg [dreg:$0x7];
	[sflag:s22] =	ssyncadd.s32 $0xFFFFD800  }
0x31: {  	[tilespmem:s30], [sflag:$0xA] =	stream.linear.gather [hbm4b:s26+s3], $0x2800, $0x38;
	[tilespmem:$0x18800] =	vst v63  }
0x32: {  	_ =	swait.ge [sflag:s22], $0x2800  }
0x33: {  	[sflag:s22] =	ssyncset.done $0x0  }
0x34: {  	s17 =	simm.s32 $0x0;
	s12 =	simm.s32 $0x40;
	[sflag:s22] =	ssyncadd.s32 $0xFFFFD800  }
.LBB2_2:
0x35: {  	p1 =	sne.s32 s12, $0x9FC0;
	[tilespmem:s17+$0x16000] =	vst v0;
	s17 =	smov.u32 s12;
	s12 =	sadd.s32 $0x40, s12  }
.Ltmp2:
0x36: {  	(pc) =	sbr.rel @p1 .LBB2_2-.Ltmp2, $2  }
0x37: {  	_ =	sdelay $0x2  }
0x38: {  	s17 =	sshra.s32 s17, $0x2  }
0x39: {  	[tilespmem:s17+$0x16000] =	vst v0;
	s12 =	simm.s32 $0x16000  }
0x3a: {  	[spmem:s11] =	stream.linear.scatter [tilespmem:s12], [sflag:$0xA], $0x2800, $0x38;
	[tilespmem:$0x18800] =	vst v63  }
0x3b: {  	_ =	swait.ge [sflag:s22], $0x2800  }
0x3c: {  	s24 =	simm.s32 $0x0;
	[sflag:s22] =	ssyncset.done $0x0  }
0x3d: {  	s30 =	simm.s32 $0x9800;
	s26 =	rddreg [dreg:$0xd];
	[sflag:s22] =	ssyncadd.s32 $0xFFFFD800  }
0x3e: {  	[hbm4b:s26+s24] =	stream.linear.scatter [tilespmem:s30], [sflag:$0xA], $0x2800, $0x38;
	[tilespmem:$0x18800] =	vst v63  }
0x3f: {  	_ =	swait.ge [sflag:s22], $0x2800  }
0x40: {  	[sflag:s22] =	ssyncset.done $0x0  }
0x41: {  	[sflag:s22] =	ssyncadd.s32 $0xFFFFD800  }
0x42: {  	[bflag:$0x0] =	sbarrier.arrive $0xFFFF  }
.LBB2_4:
.Ltmp3:
0x43: {  	(pc) =	sbr.rel @p0 .LBB2_13-.Ltmp3, $2  }
0x44: {  	_ =	sdelay $0x2  }
0x45: {  	s12 =	simm.s32 $0x2800  }
0x46: {  	[tilespmem:s0], [sflag:$0x1] =	stream.indirect.gather [hbm4b:s4+s31], $0x10, s12, s31, $0xb8;
	[tilespmem:$0x18800] =	vst v63  }
0x47: {  	s23 =	simm.s32 $0x2880  }
0x48: {  	[tilespmem:s29], [sflag:$0x2] =	stream.indirect.gather [hbm4b:s4+s31], $0x10, s23, s31, $0xb8;
	[tilespmem:$0x18800] =	vst v63  }
0x49: {  	s25 =	simm.s32 $0x2900  }
0x4a: {  	[tilespmem:s18], [sflag:$0x3] =	stream.indirect.gather [hbm4b:s4+s31], $0x10, s25, s31, $0xb8;
	[tilespmem:$0x18800] =	vst v63  }
0x4b: {  	s26 =	simm.s32 $0x2980  }
0x4c: {  	[tilespmem:s6], [sflag:$0x4] =	stream.indirect.gather [hbm4b:s4+s31], $0x10, s26, s31, $0xb8;
	[tilespmem:$0x18800] =	vst v63  }
0x4d: {  	_ =	swait.ge [sflag:s7], $0x800  }
0x4e: {  	[sflag:s7] =	ssyncset.done $0x0  }
0x4f: {  	s30 =	simm.s32 $0x5000;
	[sflag:s7] =	ssyncadd.s32 $0xFFFFF800  }
0x50: {  	[spmem:s2] =	stream.indirect.scatter.add.f32 [tilespmem:s0], [sflag:$0x5], $0x10, s30, s31, $0xb8;
	[tilespmem:$0x18800] =	vst v63  }
0x51: {  	_ =	swait.ge [sflag:s8], $0x800  }
0x52: {  	[sflag:s8] =	ssyncset.done $0x0  }
0x53: {  	s17 =	simm.s32 $0x5080;
	[sflag:s8] =	ssyncadd.s32 $0xFFFFF800  }
0x54: {  	[spmem:s2] =	stream.indirect.scatter.add.f32 [tilespmem:s29], [sflag:$0x6], $0x10, s17, s31, $0xb8;
	[tilespmem:$0x18800] =	vst v63  }
0x55: {  	_ =	swait.ge [sflag:s9], $0x800  }
0x56: {  	[sflag:s9] =	ssyncset.done $0x0  }
0x57: {  	s21 =	simm.s32 $0x5100;
	[sflag:s9] =	ssyncadd.s32 $0xFFFFF800  }
0x58: {  	[spmem:s2] =	stream.indirect.scatter.add.f32 [tilespmem:s18], [sflag:$0x7], $0x10, s21, s31, $0xb8;
	[tilespmem:$0x18800] =	vst v63  }
0x59: {  	_ =	swait.ge [sflag:s10], $0x800  }
0x5a: {  	[sflag:s10] =	ssyncset.done $0x0  }
0x5b: {  	s23 =	simm.s32 $0x5180;
	[sflag:s10] =	ssyncadd.s32 $0xFFFFF800  }
0x5c: {  	[spmem:s2] =	stream.indirect.scatter.add.f32 [tilespmem:s6], [sflag:$0x8], $0x10, s23, s31, $0xb8;
	[tilespmem:$0x18800] =	vst v63  }
0x5d: {  	_ =	swait.ge [sflag:s19], $0x800  }
0x5e: {  	[sflag:s19] =	ssyncset.done $0x0  }
0x5f: {  	s25 =	simm.s32 $0x2A00;
	[sflag:s19] =	ssyncadd.s32 $0xFFFFF800  }
0x60: {  	[tilespmem:s0], [sflag:$0x1] =	stream.indirect.gather [hbm4b:s4+s31], $0x10, s25, s31, $0xb8;
	[tilespmem:$0x18800] =	vst v63  }
0x61: {  	_ =	swait.ge [sflag:s20], $0x800  }
0x62: {  	[sflag:s20] =	ssyncset.done $0x0  }
0x63: {  	s26 =	simm.s32 $0x2A80;
	[sflag:s20] =	ssyncadd.s32 $0xFFFFF800  }
0x64: {  	[tilespmem:s29], [sflag:$0x2] =	stream.indirect.gather [hbm4b:s4+s31], $0x10, s26, s31, $0xb8;
	[tilespmem:$0x18800] =	vst v63  }
0x65: {  	_ =	swait.ge [sflag:s1], $0x800  }
0x66: {  	[sflag:s1] =	ssyncset.done $0x0  }
0x67: {  	s30 =	simm.s32 $0x2B00;
	[sflag:s1] =	ssyncadd.s32 $0xFFFFF800  }
0x68: {  	[tilespmem:s18], [sflag:$0x3] =	stream.indirect.gather [hbm4b:s4+s31], $0x10, s30, s31, $0xb8;
	[tilespmem:$0x18800] =	vst v63  }
0x69: {  	_ =	swait.ge [sflag:s13], $0x800  }
0x6a: {  	[sflag:s13] =	ssyncset.done $0x0  }
0x6b: {  	s12 =	simm.s32 $0x800;
	s17 =	simm.s32 $0x2B80;
	[sflag:s13] =	ssyncadd.s32 $0xFFFFF800  }
.LBB2_6:
0x6c: {  	[tilespmem:s6], [sflag:$0x4] =	stream.indirect.gather [hbm4b:s4+s31], $0x10, s17, s31, $0xb8;
	[tilespmem:$0x18800] =	vst v63  }
0x6d: {  	s17 =	smov.u32 s12  }
0x6e: {  	p1 =	sne.s32 s12, $0x9000;
	s12 =	sadd.s32 $0x800, s12;
	_ =	swait.ge [sflag:s7], $0x800  }
0x6f: {  	s17 =	sshra.s32 s17, $0x2;
	[sflag:s7] =	ssyncset.done $0x0  }
0x70: {  	s21 =	sadd.s32 $0x5000, s17;
	[sflag:s7] =	ssyncadd.s32 $0xFFFFF800  }
0x71: {  	[spmem:s2] =	stream.indirect.scatter.add.f32 [tilespmem:s0], [sflag:$0x5], $0x10, s21, s31, $0xb8;
	[tilespmem:$0x18800] =	vst v63  }
0x72: {  	_ =	swait.ge [sflag:s8], $0x800  }
0x73: {  	[sflag:s8] =	ssyncset.done $0x0  }
0x74: {  	s21 =	sadd.s32 $0x5080, s17;
	[sflag:s8] =	ssyncadd.s32 $0xFFFFF800  }
0x75: {  	[spmem:s2] =	stream.indirect.scatter.add.f32 [tilespmem:s29], [sflag:$0x6], $0x10, s21, s31, $0xb8;
	[tilespmem:$0x18800] =	vst v63  }
0x76: {  	_ =	swait.ge [sflag:s9], $0x800  }
0x77: {  	[sflag:s9] =	ssyncset.done $0x0  }
0x78: {  	s21 =	sadd.s32 $0x5100, s17;
	[sflag:s9] =	ssyncadd.s32 $0xFFFFF800  }
0x79: {  	[spmem:s2] =	stream.indirect.scatter.add.f32 [tilespmem:s18], [sflag:$0x7], $0x10, s21, s31, $0xb8;
	[tilespmem:$0x18800] =	vst v63  }
0x7a: {  	_ =	swait.ge [sflag:s10], $0x800  }
0x7b: {  	[sflag:s10] =	ssyncset.done $0x0  }
0x7c: {  	s21 =	sadd.s32 $0x5180, s17;
	[sflag:s10] =	ssyncadd.s32 $0xFFFFF800  }
0x7d: {  	[spmem:s2] =	stream.indirect.scatter.add.f32 [tilespmem:s6], [sflag:$0x8], $0x10, s21, s31, $0xb8;
	[tilespmem:$0x18800] =	vst v63  }
0x7e: {  	_ =	swait.ge [sflag:s19], $0x800  }
0x7f: {  	[sflag:s19] =	ssyncset.done $0x0  }
0x80: {  	s21 =	sadd.s32 $0x2A00, s17;
	[sflag:s19] =	ssyncadd.s32 $0xFFFFF800  }
0x81: {  	[tilespmem:s0], [sflag:$0x1] =	stream.indirect.gather [hbm4b:s4+s31], $0x10, s21, s31, $0xb8;
	[tilespmem:$0x18800] =	vst v63  }
0x82: {  	_ =	swait.ge [sflag:s20], $0x800  }
0x83: {  	[sflag:s20] =	ssyncset.done $0x0  }
0x84: {  	s21 =	sadd.s32 $0x2A80, s17;
	[sflag:s20] =	ssyncadd.s32 $0xFFFFF800  }
0x85: {  	[tilespmem:s29], [sflag:$0x2] =	stream.indirect.gather [hbm4b:s4+s31], $0x10, s21, s31, $0xb8;
	[tilespmem:$0x18800] =	vst v63  }
0x86: {  	_ =	swait.ge [sflag:s1], $0x800  }
0x87: {  	[sflag:s1] =	ssyncset.done $0x0  }
.Ltmp4:
0x88: {  	s21 =	sadd.s32 $0x2B00, s17;
	[sflag:s1] =	ssyncadd.s32 $0xFFFFF800;
	(pc) =	sbr.rel @p1 .LBB2_6-.Ltmp4, $4  }
0x89: {  	[tilespmem:s18], [sflag:$0x3] =	stream.indirect.gather [hbm4b:s4+s31], $0x10, s21, s31, $0xb8;
	[tilespmem:$0x18800] =	vst v63  }
0x8a: {  	_ =	swait.ge [sflag:s13], $0x800  }
0x8b: {  	[sflag:s13] =	ssyncset.done $0x0  }
0x8c: {  	s17 =	sadd.s32 $0x2B80, s17;
	[sflag:s13] =	ssyncadd.s32 $0xFFFFF800  }
0x8d: {  	[tilespmem:s6], [sflag:$0x4] =	stream.indirect.gather [hbm4b:s4+s31], $0x10, s17, s31, $0xb8;
	[tilespmem:$0x18800] =	vst v63  }
0x8e: {  	_ =	swait.ge [sflag:s7], $0x800  }
0x8f: {  	[sflag:s7] =	ssyncset.done $0x0  }
0x90: {  	s12 =	simm.s32 $0x7600;
	[sflag:s7] =	ssyncadd.s32 $0xFFFFF800  }
0x91: {  	[spmem:s2] =	stream.indirect.scatter.add.f32 [tilespmem:s0], [sflag:$0x5], $0x10, s12, s31, $0xb8;
	[tilespmem:$0x18800] =	vst v63  }
0x92: {  	_ =	swait.ge [sflag:s8], $0x800  }
0x93: {  	[sflag:s8] =	ssyncset.done $0x0  }
0x94: {  	s26 =	simm.s32 $0x7680;
	[sflag:s8] =	ssyncadd.s32 $0xFFFFF800  }
0x95: {  	[spmem:s2] =	stream.indirect.scatter.add.f32 [tilespmem:s29], [sflag:$0x6], $0x10, s26, s31, $0xb8;
	[tilespmem:$0x18800] =	vst v63  }
0x96: {  	_ =	swait.ge [sflag:s9], $0x800  }
0x97: {  	[sflag:s9] =	ssyncset.done $0x0  }
0x98: {  	s17 =	simm.s32 $0x7700;
	[sflag:s9] =	ssyncadd.s32 $0xFFFFF800  }
0x99: {  	[spmem:s2] =	stream.indirect.scatter.add.f32 [tilespmem:s18], [sflag:$0x7], $0x10, s17, s31, $0xb8;
	[tilespmem:$0x18800] =	vst v63  }
0x9a: {  	_ =	swait.ge [sflag:s10], $0x800  }
0x9b: {  	[sflag:s10] =	ssyncset.done $0x0  }
0x9c: {  	s21 =	simm.s32 $0x7780;
	[sflag:s10] =	ssyncadd.s32 $0xFFFFF800  }
0x9d: {  	[spmem:s2] =	stream.indirect.scatter.add.f32 [tilespmem:s6], [sflag:$0x8], $0x10, s21, s31, $0xb8;
	[tilespmem:$0x18800] =	vst v63  }
0x9e: {  	_ =	swait.ge [sflag:s19], $0x800  }
0x9f: {  	[sflag:s19] =	ssyncset.done $0x0  }
0xa0: {  	[sflag:s19] =	ssyncadd.s32 $0xFFFFF800  }
0xa1: {  	_ =	swait.ge [sflag:s20], $0x800  }
0xa2: {  	[sflag:s20] =	ssyncset.done $0x0  }
0xa3: {  	[sflag:s20] =	ssyncadd.s32 $0xFFFFF800  }
0xa4: {  	_ =	swait.ge [sflag:s1], $0x800  }
0xa5: {  	[sflag:s1] =	ssyncset.done $0x0  }
0xa6: {  	[sflag:s1] =	ssyncadd.s32 $0xFFFFF800  }
0xa7: {  	_ =	swait.ge [sflag:s13], $0x800  }
0xa8: {  	s23 =	stileid.u32;
	[sflag:s13] =	ssyncset.done $0x0  }
0xa9: {  	s12 =	sshll.u32 s23, $0x6;
	[sflag:s13] =	ssyncadd.s32 $0xFFFFF800  }
0xaa: {  	s25 =	sor.u32 $0x1C0A, s12;
	s21 =	sshrl.u32 s11, $0x3;
	[bflag:$0x0] =	sbarrier.arrive $0xFFFF  }
0xab: {  	[hbm:s14], [sflag:s25] =	dma.local [spmem:s21], $0x500  }
0xac: {  	_ =	swait.ge [sflag:s22], $0x500  }
0xad: {  	[sflag:s22] =	ssyncset.done $0x0  }
0xae: {  	s26 =	simm.s32 $0x100000;
	[sflag:s22] =	ssyncadd.s32 $0xFFFFFB00  }
0xaf: {  	[smem:s26], [sflag:$0x0] =	smem.add.s32 $0x0  }
0xb0: {  	_ =	swait.done [sflag:s3]  }
0xb1: {  	s21 =	ssyncread [sflag:$0x0];
	_ =	sdelay $0x2  }
0xb2: {  	s23 =	rddreg [dreg:$0xe];
	s17 =	sadd.s32 s15, s21  }
0xb3: {  	s12 =	sor.u32 s23, s12;
	s17 =	sshll.u32 s17, $0x11  }
0xb4: {  	[sflag:s3] =	ssyncset.s32 $0x0;
	s12 =	sor.u32 s17, s12  }
0xb5: {  	[sflag:s3] =	ssyncset.done $0x0;
	s12 =	sor.u32 $0x1C09, s12  }
0xb6: {  	[sflag:s12] =	ssyncadd.remote.s32 $0x1  }
0xb7: {  	_ =	swait.ge [sflag:s28], $0x1  }
0xb8: {  	[sflag:s28] =	ssyncset.done $0x0  }
0xb9: {  	s25 =	simm.s32 $0x11000;
	[sflag:s28] =	ssyncadd.s32 $0xFFFFFFFF  }
0xba: {  	[tilespmem:s25], [sflag:$0xA] =	stream.linear.gather [spmem:s11], $0x2800, $0x38;
	[tilespmem:$0x18800] =	vst v63  }
0xbb: {  	_ =	swait.ge [sflag:s22], $0x2800  }
0xbc: {  	[sflag:s22] =	ssyncset.done $0x0  }
0xbd: {  	s26 =	simm.s32 $0x13800;
	[sflag:s22] =	ssyncadd.s32 $0xFFFFD800  }
0xbe: {  	[tilespmem:s26], [sflag:$0xA] =	stream.linear.gather [hbm4b:s16+s3], $0x2800, $0x38;
	[tilespmem:$0x18800] =	vst v63  }
0xbf: {  	_ =	swait.ge [sflag:s22], $0x2800  }
0xc0: {  	[sflag:s22] =	ssyncset.done $0x0  }
0xc1: {  	s17 =	simm.s32 $0x13820;
	[sflag:s22] =	ssyncadd.s32 $0xFFFFD800  }
0xc2: {  	s12 =	simm.s32 $0x11020;
	v1 =	vld [tilespmem:s17+$0xFFFFFFE0]  }
0xc3: {  	v2 =	vld [tilespmem:s12+$0xFFFFFFE0]  }
0xc4: {  	s23 =	simm.s32 $0x9820  }
0xc5: {  	v3 =	vld [tilespmem:s23+$0xFFFFFFE0]  }
0xc6: {  	s26 =	simm.s32 $0xE820  }
0xc7: {  	v4 =	vld [tilespmem:s26+$0xFFFFFFE0]  }
0xc8: {  	s25 =	simm.s32 $0xC020;
	v1 =	vadd.f32 v1, v2  }
0xc9: {  	v2 =	vld [tilespmem:s25+$0xFFFFFFE0]  }
0xca: {  	v1 =	vadd.f32 v3, v1;
	_ =	sdelay $0x1  }
0xcb: {  	v1 =	vmul.f32 v1, v4;
	_ =	sdelay $0x1  }
0xcc: {  	v1 =	vadd.f32 v1, v2;
	_ =	sdelay $0x1  }
0xcd: {  	[tilespmem:s23+$0xFFFFFFE0] =	vst v1  }
0xce: {  	v1 =	vld [tilespmem:s12+$0xFFFFFFF0]  }
0xcf: {  	v2 =	vld [tilespmem:s17+$0xFFFFFFF0];
	_ =	sdelay $0x1  }
0xd0: {  	v3 =	vld [tilespmem:s23+$0xFFFFFFF0];
	_ =	sdelay $0x1  }
0xd1: {  	v61 =	vld [tilespmem:s26+$0xFFFFFFF0]  }
0xd2: {  	v1 =	vadd.f32 v2, v1  }
0xd3: {  	v2 =	vld [tilespmem:s25+$0xFFFFFFF0]  }
0xd4: {  	v1 =	vadd.f32 v3, v1;
	_ =	sdelay $0x1  }
0xd5: {  	v1 =	vmul.f32 v1, v61;
	_ =	sdelay $0x1  }
0xd6: {  	v1 =	vadd.f32 v1, v2;
	_ =	sdelay $0x1  }
0xd7: {  	[tilespmem:s23+$0xFFFFFFF0] =	vst v1  }
0xd8: {  	v1 =	vld [tilespmem:s12+$0x0]  }
0xd9: {  	v2 =	vld [tilespmem:s17+$0x0];
	_ =	sdelay $0x1  }
0xda: {  	v3 =	vld [tilespmem:s23+$0x0];
	_ =	sdelay $0x1  }
0xdb: {  	v62 =	vld [tilespmem:s26+$0x0]  }
0xdc: {  	v1 =	vadd.f32 v2, v1  }
0xdd: {  	v2 =	vld [tilespmem:s25+$0x0]  }
0xde: {  	v1 =	vadd.f32 v3, v1;
	_ =	sdelay $0x1  }
0xdf: {  	v1 =	vmul.f32 v1, v62;
	_ =	sdelay $0x1  }
0xe0: {  	v1 =	vadd.f32 v1, v2;
	_ =	sdelay $0x1  }
0xe1: {  	[tilespmem:s23+$0x0] =	vst v1  }
0xe2: {  	v1 =	vld [tilespmem:s12+$0x10]  }
0xe3: {  	v2 =	vld [tilespmem:s17+$0x10];
	_ =	sdelay $0x1  }
0xe4: {  	v3 =	vld [tilespmem:s23+$0x10];
	_ =	sdelay $0x2  }
0xe5: {  	v63 =	vld [tilespmem:s26+$0x10];
	v1 =	vadd.f32 v2, v1;
	_ =	sdelay $0x1  }
0xe6: {  	v2 =	vadd.f32 v3, v1;
	v1 =	vld [tilespmem:s25+$0x10];
	_ =	sdelay $0x1  }
0xe7: {  	s30 =	simm.s32 $0x9820;
	s21 =	simm.s32 $0x11060  }
0xe8: {  	s17 =	simm.s32 $0x0;
	s12 =	simm.s32 $0x13860;
	s26 =	simm.s32 $0xE860;
	v2 =	vmul.f32 v2, v63  }
.LBB2_8:
0xe9: {  	s17 =	sadd.s32 $0x4, s17;
	s25 =	sadd.s32 $0x40, s25;
	s23 =	sadd.s32 $0x40, s23  }
0xea: {  	p1 =	slt.u32 s17, $0x27C;
	v1 =	vadd.f32 v2, v1;
	_ =	sdelay $0x1  }
0xeb: {  	[tilespmem:s30+$0x10] =	vst v1;
	s30 =	smov.u32 s23  }
0xec: {  	v1 =	vld [tilespmem:s12+$0xFFFFFFE0]  }
0xed: {  	v2 =	vld [tilespmem:s21+$0xFFFFFFE0];
	_ =	sdelay $0x1  }
0xee: {  	v3 =	vld [tilespmem:s23+$0xFFFFFFE0];
	_ =	sdelay $0x1  }
0xef: {  	v4 =	vld [tilespmem:s26+$0xFFFFFFE0]  }
0xf0: {  	v1 =	vadd.f32 v1, v2  }
0xf1: {  	v2 =	vld [tilespmem:s25+$0xFFFFFFE0]  }
0xf2: {  	v1 =	vadd.f32 v3, v1;
	_ =	sdelay $0x1  }
0xf3: {  	v1 =	vmul.f32 v1, v4;
	_ =	sdelay $0x1  }
0xf4: {  	v1 =	vadd.f32 v1, v2;
	_ =	sdelay $0x1  }
0xf5: {  	[tilespmem:s23+$0xFFFFFFE0] =	vst v1  }
0xf6: {  	v1 =	vld [tilespmem:s21+$0xFFFFFFF0]  }
0xf7: {  	v2 =	vld [tilespmem:s12+$0xFFFFFFF0]  }
0xf8: {  	v3 =	vld [tilespmem:s23+$0xFFFFFFF0];
	_ =	sdelay $0x1  }
0xf9: {  	v4 =	vld [tilespmem:s26+$0xFFFFFFF0];
	_ =	sdelay $0x1  }
0xfa: {  	v1 =	vadd.f32 v2, v1;
	v2 =	vld [tilespmem:s25+$0xFFFFFFF0];
	_ =	sdelay $0x1  }
0xfb: {  	v1 =	vadd.f32 v3, v1;
	_ =	sdelay $0x1  }
0xfc: {  	v1 =	vmul.f32 v1, v4;
	_ =	sdelay $0x1  }
0xfd: {  	v1 =	vadd.f32 v1, v2;
	_ =	sdelay $0x1  }
0xfe: {  	[tilespmem:s23+$0xFFFFFFF0] =	vst v1;
	v1 =	vld [tilespmem:s23+$0x0]  }
0xff: {  	v2 =	vld [tilespmem:s21+$0x0]  }
0x100: {  	v3 =	vld [tilespmem:s12+$0x0];
	_ =	sdelay $0x1  }
0x101: {  	v4 =	vld [tilespmem:s26+$0x0];
	_ =	sdelay $0x1  }
0x102: {  	v5 =	vld [tilespmem:s25+$0x0]  }
0x103: {  	v2 =	vadd.f32 v3, v2;
	_ =	sdelay $0x1  }
0x104: {  	v1 =	vadd.f32 v1, v2;
	_ =	sdelay $0x1  }
0x105: {  	v1 =	vmul.f32 v1, v4;
	_ =	sdelay $0x1  }
0x106: {  	v1 =	vadd.f32 v1, v5;
	_ =	sdelay $0x1  }
0x107: {  	[tilespmem:s23+$0x0] =	vst v1;
	v2 =	vld [tilespmem:s23+$0x10]  }
0x108: {  	v3 =	vld [tilespmem:s21+$0x10]  }
0x109: {  	v4 =	vld [tilespmem:s12+$0x10]  }
0x10a: {  	v5 =	vld [tilespmem:s26+$0x10]  }
0x10b: {  	v1 =	vld [tilespmem:s25+$0x10];
	_ =	sdelay $0x2  }
.Ltmp5:
0x10c: {  	v3 =	vadd.f32 v4, v3;
	(pc) =	sbr.rel @p1 .LBB2_8-.Ltmp5, $3  }
0x10d: {  	_ = 	snop  }
0x10e: {  	v2 =	vadd.f32 v2, v3;
	_ =	sdelay $0x1  }
0x10f: {  	s21 =	sadd.s32 $0x40, s21;
	s12 =	sadd.s32 $0x40, s12;
	s26 =	sadd.s32 $0x40, s26;
	v2 =	vmul.f32 v2, v5  }
0x110: {  	_ = 	snop  }
0x111: {  	v1 =	vadd.f32 v2, v1;
	_ =	sdelay $0x1  }
0x112: {  	s12 =	simm.s32 $0x16000;
	[tilespmem:s30+$0x10] =	vst v1  }
0x113: {  	[spmem:s11] =	stream.linear.scatter [tilespmem:s12], [sflag:$0xA], $0x2800, $0x38;
	[tilespmem:$0x18800] =	vst v63  }
0x114: {  	_ =	swait.ge [sflag:s22], $0x2800  }
0x115: {  	s17 =	simm.s32 $0x9800;
	s24 =	sadd.s32 $0x1, s24;
	[sflag:s22] =	ssyncset.done $0x0  }
0x116: {  	p1 =	seq.s32 s24, $0xA;
	s30 =	rddreg [dreg:$0x9];
	[sflag:s22] =	ssyncadd.s32 $0xFFFFD800  }
0x117: {  	[hbm4b:s30+s3] =	stream.linear.scatter [tilespmem:s17], [sflag:$0xA], $0x2800, $0x38;
	[tilespmem:$0x18800] =	vst v63  }
.Ltmp6:
0x118: {  	_ =	swait.ge [sflag:s22], $0x2800;
	(pc) =	sbr.rel @!p1 .LBB2_4-.Ltmp6, $4  }
.Ltmp7:
0x119: {  	[sflag:s22] =	ssyncset.done $0x0;
	(pc) =	sbr.rel @p1 .LBB2_10-.Ltmp7, $4  }
0x11a: {  	[sflag:s22] =	ssyncadd.s32 $0xFFFFD800  }
0x11b: {  	[bflag:$0x0] =	sbarrier.arrive $0xFFFF  }
0x11c: {  	_ = 	snop  }
0x11d: {  	_ = 	snop  }
.LBB2_13:
0x11e: {  	[tilespmem:s0], [sflag:$0x1] =	stream.indirect.gather [hbm4b:s5+s31], $0x10, s12, s31, $0xb8;
	[tilespmem:$0x18800] =	vst v63  }
0x11f: {  	s23 =	simm.s32 $0x2880  }
0x120: {  	[tilespmem:s29], [sflag:$0x2] =	stream.indirect.gather [hbm4b:s5+s31], $0x10, s23, s31, $0xb8;
	[tilespmem:$0x18800] =	vst v63  }
0x121: {  	s25 =	simm.s32 $0x2900  }
0x122: {  	[tilespmem:s18], [sflag:$0x3] =	stream.indirect.gather [hbm4b:s5+s31], $0x10, s25, s31, $0xb8;
	[tilespmem:$0x18800] =	vst v63  }
0x123: {  	s26 =	simm.s32 $0x2980  }
0x124: {  	[tilespmem:s6], [sflag:$0x4] =	stream.indirect.gather [hbm4b:s5+s31], $0x10, s26, s31, $0xb8;
	[tilespmem:$0x18800] =	vst v63  }
0x125: {  	_ =	swait.ge [sflag:s7], $0x800  }
0x126: {  	[sflag:s7] =	ssyncset.done $0x0  }
0x127: {  	s30 =	simm.s32 $0x5000;
	[sflag:s7] =	ssyncadd.s32 $0xFFFFF800  }
0x128: {  	[spmem:s2] =	stream.indirect.scatter.add.f32 [tilespmem:s0], [sflag:$0x5], $0x10, s30, s31, $0xb8;
	[tilespmem:$0x18800] =	vst v63  }
0x129: {  	_ =	swait.ge [sflag:s8], $0x800  }
0x12a: {  	[sflag:s8] =	ssyncset.done $0x0  }
0x12b: {  	s17 =	simm.s32 $0x5080;
	[sflag:s8] =	ssyncadd.s32 $0xFFFFF800  }
0x12c: {  	[spmem:s2] =	stream.indirect.scatter.add.f32 [tilespmem:s29], [sflag:$0x6], $0x10, s17, s31, $0xb8;
	[tilespmem:$0x18800] =	vst v63  }
0x12d: {  	_ =	swait.ge [sflag:s9], $0x800  }
0x12e: {  	[sflag:s9] =	ssyncset.done $0x0  }
0x12f: {  	s21 =	simm.s32 $0x5100;
	[sflag:s9] =	ssyncadd.s32 $0xFFFFF800  }
0x130: {  	[spmem:s2] =	stream.indirect.scatter.add.f32 [tilespmem:s18], [sflag:$0x7], $0x10, s21, s31, $0xb8;
	[tilespmem:$0x18800] =	vst v63  }
0x131: {  	_ =	swait.ge [sflag:s10], $0x800  }
0x132: {  	[sflag:s10] =	ssyncset.done $0x0  }
0x133: {  	s23 =	simm.s32 $0x5180;
	[sflag:s10] =	ssyncadd.s32 $0xFFFFF800  }
0x134: {  	[spmem:s2] =	stream.indirect.scatter.add.f32 [tilespmem:s6], [sflag:$0x8], $0x10, s23, s31, $0xb8;
	[tilespmem:$0x18800] =	vst v63  }
0x135: {  	_ =	swait.ge [sflag:s19], $0x800  }
0x136: {  	[sflag:s19] =	ssyncset.done $0x0  }
0x137: {  	s25 =	simm.s32 $0x2A00;
	[sflag:s19] =	ssyncadd.s32 $0xFFFFF800  }
0x138: {  	[tilespmem:s0], [sflag:$0x1] =	stream.indirect.gather [hbm4b:s5+s31], $0x10, s25, s31, $0xb8;
	[tilespmem:$0x18800] =	vst v63  }
0x139: {  	_ =	swait.ge [sflag:s20], $0x800  }
0x13a: {  	[sflag:s20] =	ssyncset.done $0x0  }
0x13b: {  	s26 =	simm.s32 $0x2A80;
	[sflag:s20] =	ssyncadd.s32 $0xFFFFF800  }
0x13c: {  	[tilespmem:s29], [sflag:$0x2] =	stream.indirect.gather [hbm4b:s5+s31], $0x10, s26, s31, $0xb8;
	[tilespmem:$0x18800] =	vst v63  }
0x13d: {  	_ =	swait.ge [sflag:s1], $0x800  }
0x13e: {  	[sflag:s1] =	ssyncset.done $0x0  }
0x13f: {  	s30 =	simm.s32 $0x2B00;
	[sflag:s1] =	ssyncadd.s32 $0xFFFFF800  }
0x140: {  	[tilespmem:s18], [sflag:$0x3] =	stream.indirect.gather [hbm4b:s5+s31], $0x10, s30, s31, $0xb8;
	[tilespmem:$0x18800] =	vst v63  }
0x141: {  	_ =	swait.ge [sflag:s13], $0x800  }
0x142: {  	[sflag:s13] =	ssyncset.done $0x0  }
0x143: {  	s12 =	simm.s32 $0x800;
	s17 =	simm.s32 $0x2B80;
	[sflag:s13] =	ssyncadd.s32 $0xFFFFF800  }
.LBB2_14:
0x144: {  	[tilespmem:s6], [sflag:$0x4] =	stream.indirect.gather [hbm4b:s5+s31], $0x10, s17, s31, $0xb8;
	[tilespmem:$0x18800] =	vst v63  }
0x145: {  	s17 =	smov.u32 s12  }
0x146: {  	p1 =	seq.s32 s12, $0x9000;
	s12 =	sadd.s32 $0x800, s12;
	_ =	swait.ge [sflag:s7], $0x800  }
0x147: {  	s17 =	sshra.s32 s17, $0x2;
	[sflag:s7] =	ssyncset.done $0x0  }
0x148: {  	s21 =	sadd.s32 $0x5000, s17;
	[sflag:s7] =	ssyncadd.s32 $0xFFFFF800  }
0x149: {  	[spmem:s2] =	stream.indirect.scatter.add.f32 [tilespmem:s0], [sflag:$0x5], $0x10, s21, s31, $0xb8;
	[tilespmem:$0x18800] =	vst v63  }
0x14a: {  	_ =	swait.ge [sflag:s8], $0x800  }
0x14b: {  	[sflag:s8] =	ssyncset.done $0x0  }
0x14c: {  	s21 =	sadd.s32 $0x5080, s17;
	[sflag:s8] =	ssyncadd.s32 $0xFFFFF800  }
0x14d: {  	[spmem:s2] =	stream.indirect.scatter.add.f32 [tilespmem:s29], [sflag:$0x6], $0x10, s21, s31, $0xb8;
	[tilespmem:$0x18800] =	vst v63  }
0x14e: {  	_ =	swait.ge [sflag:s9], $0x800  }
0x14f: {  	[sflag:s9] =	ssyncset.done $0x0  }
0x150: {  	s21 =	sadd.s32 $0x5100, s17;
	[sflag:s9] =	ssyncadd.s32 $0xFFFFF800  }
0x151: {  	[spmem:s2] =	stream.indirect.scatter.add.f32 [tilespmem:s18], [sflag:$0x7], $0x10, s21, s31, $0xb8;
	[tilespmem:$0x18800] =	vst v63  }
0x152: {  	_ =	swait.ge [sflag:s10], $0x800  }
0x153: {  	[sflag:s10] =	ssyncset.done $0x0  }
0x154: {  	s21 =	sadd.s32 $0x5180, s17;
	[sflag:s10] =	ssyncadd.s32 $0xFFFFF800  }
0x155: {  	[spmem:s2] =	stream.indirect.scatter.add.f32 [tilespmem:s6], [sflag:$0x8], $0x10, s21, s31, $0xb8;
	[tilespmem:$0x18800] =	vst v63  }
0x156: {  	_ =	swait.ge [sflag:s19], $0x800  }
0x157: {  	[sflag:s19] =	ssyncset.done $0x0  }
0x158: {  	s21 =	sadd.s32 $0x2A00, s17;
	[sflag:s19] =	ssyncadd.s32 $0xFFFFF800  }
0x159: {  	[tilespmem:s0], [sflag:$0x1] =	stream.indirect.gather [hbm4b:s5+s31], $0x10, s21, s31, $0xb8;
	[tilespmem:$0x18800] =	vst v63  }
0x15a: {  	_ =	swait.ge [sflag:s20], $0x800  }
0x15b: {  	[sflag:s20] =	ssyncset.done $0x0  }
0x15c: {  	s21 =	sadd.s32 $0x2A80, s17;
	[sflag:s20] =	ssyncadd.s32 $0xFFFFF800  }
0x15d: {  	[tilespmem:s29], [sflag:$0x2] =	stream.indirect.gather [hbm4b:s5+s31], $0x10, s21, s31, $0xb8;
	[tilespmem:$0x18800] =	vst v63  }
0x15e: {  	_ =	swait.ge [sflag:s1], $0x800  }
0x15f: {  	[sflag:s1] =	ssyncset.done $0x0  }
.Ltmp8:
0x160: {  	s21 =	sadd.s32 $0x2B00, s17;
	[sflag:s1] =	ssyncadd.s32 $0xFFFFF800;
	(pc) =	sbr.rel @!p1 .LBB2_14-.Ltmp8, $4  }
0x161: {  	[tilespmem:s18], [sflag:$0x3] =	stream.indirect.gather [hbm4b:s5+s31], $0x10, s21, s31, $0xb8;
	[tilespmem:$0x18800] =	vst v63  }
0x162: {  	_ =	swait.ge [sflag:s13], $0x800  }
0x163: {  	[sflag:s13] =	ssyncset.done $0x0  }
0x164: {  	s17 =	sadd.s32 $0x2B80, s17;
	[sflag:s13] =	ssyncadd.s32 $0xFFFFF800  }
0x165: {  	[tilespmem:s6], [sflag:$0x4] =	stream.indirect.gather [hbm4b:s5+s31], $0x10, s17, s31, $0xb8;
	[tilespmem:$0x18800] =	vst v63  }
0x166: {  	_ =	swait.ge [sflag:s7], $0x800  }
0x167: {  	[sflag:s7] =	ssyncset.done $0x0  }
0x168: {  	s12 =	simm.s32 $0x7600;
	[sflag:s7] =	ssyncadd.s32 $0xFFFFF800  }
0x169: {  	[spmem:s2] =	stream.indirect.scatter.add.f32 [tilespmem:s0], [sflag:$0x5], $0x10, s12, s31, $0xb8;
	[tilespmem:$0x18800] =	vst v63  }
0x16a: {  	_ =	swait.ge [sflag:s8], $0x800  }
0x16b: {  	[sflag:s8] =	ssyncset.done $0x0  }
0x16c: {  	s17 =	simm.s32 $0x7680;
	[sflag:s8] =	ssyncadd.s32 $0xFFFFF800  }
0x16d: {  	[spmem:s2] =	stream.indirect.scatter.add.f32 [tilespmem:s29], [sflag:$0x6], $0x10, s17, s31, $0xb8;
	[tilespmem:$0x18800] =	vst v63  }
0x16e: {  	_ =	swait.ge [sflag:s9], $0x800  }
0x16f: {  	[sflag:s9] =	ssyncset.done $0x0  }
0x170: {  	s21 =	simm.s32 $0x7700;
	[sflag:s9] =	ssyncadd.s32 $0xFFFFF800  }
0x171: {  	[spmem:s2] =	stream.indirect.scatter.add.f32 [tilespmem:s18], [sflag:$0x7], $0x10, s21, s31, $0xb8;
	[tilespmem:$0x18800] =	vst v63  }
0x172: {  	_ =	swait.ge [sflag:s10], $0x800  }
0x173: {  	[sflag:s10] =	ssyncset.done $0x0  }
0x174: {  	s23 =	simm.s32 $0x7780;
	[sflag:s10] =	ssyncadd.s32 $0xFFFFF800  }
0x175: {  	[spmem:s2] =	stream.indirect.scatter.add.f32 [tilespmem:s6], [sflag:$0x8], $0x10, s23, s31, $0xb8;
	[tilespmem:$0x18800] =	vst v63  }
0x176: {  	_ =	swait.ge [sflag:s19], $0x800  }
0x177: {  	[sflag:s19] =	ssyncset.done $0x0  }
0x178: {  	[sflag:s19] =	ssyncadd.s32 $0xFFFFF800  }
0x179: {  	_ =	swait.ge [sflag:s20], $0x800  }
0x17a: {  	[sflag:s20] =	ssyncset.done $0x0  }
0x17b: {  	[sflag:s20] =	ssyncadd.s32 $0xFFFFF800  }
0x17c: {  	_ =	swait.ge [sflag:s1], $0x800  }
0x17d: {  	[sflag:s1] =	ssyncset.done $0x0  }
0x17e: {  	[sflag:s1] =	ssyncadd.s32 $0xFFFFF800  }
0x17f: {  	_ =	swait.ge [sflag:s13], $0x800  }
0x180: {  	s25 =	stileid.u32;
	[sflag:s13] =	ssyncset.done $0x0  }
0x181: {  	s12 =	sshll.u32 s25, $0x6;
	[sflag:s13] =	ssyncadd.s32 $0xFFFFF800  }
0x182: {  	s26 =	sor.u32 $0x1C0A, s12;
	s21 =	sshrl.u32 s11, $0x3;
	[bflag:$0x0] =	sbarrier.arrive $0xFFFF  }
0x183: {  	[hbm:s16], [sflag:s26] =	dma.local [spmem:s21], $0x500  }
0x184: {  	_ =	swait.ge [sflag:s22], $0x500  }
0x185: {  	[sflag:s22] =	ssyncset.done $0x0  }
0x186: {  	s21 =	simm.s32 $0x100000;
	[sflag:s22] =	ssyncadd.s32 $0xFFFFFB00  }
0x187: {  	[smem:s21], [sflag:$0x0] =	smem.add.s32 $0x0  }
0x188: {  	_ =	swait.done [sflag:s3]  }
0x189: {  	s23 =	ssyncread [sflag:$0x0];
	_ =	sdelay $0x2  }
0x18a: {  	s25 =	rddreg [dreg:$0xf];
	s17 =	sadd.s32 s15, s23  }
0x18b: {  	s12 =	sor.u32 s25, s12;
	s17 =	sshll.u32 s17, $0x11  }
0x18c: {  	[sflag:s3] =	ssyncset.s32 $0x0;
	s12 =	sor.u32 s17, s12  }
0x18d: {  	[sflag:s3] =	ssyncset.done $0x0;
	s12 =	sor.u32 $0x1C09, s12  }
0x18e: {  	[sflag:s12] =	ssyncadd.remote.s32 $0x1  }
0x18f: {  	_ =	swait.ge [sflag:s28], $0x1  }
0x190: {  	[sflag:s28] =	ssyncset.done $0x0  }
0x191: {  	s26 =	simm.s32 $0x11000;
	[sflag:s28] =	ssyncadd.s32 $0xFFFFFFFF  }
0x192: {  	[tilespmem:s26], [sflag:$0xA] =	stream.linear.gather [spmem:s11], $0x2800, $0x38;
	[tilespmem:$0x18800] =	vst v63  }
0x193: {  	_ =	swait.ge [sflag:s22], $0x2800  }
0x194: {  	[sflag:s22] =	ssyncset.done $0x0  }
0x195: {  	s17 =	simm.s32 $0x13800;
	[sflag:s22] =	ssyncadd.s32 $0xFFFFD800  }
0x196: {  	[tilespmem:s17], [sflag:$0xA] =	stream.linear.gather [hbm4b:s14+s3], $0x2800, $0x38;
	[tilespmem:$0x18800] =	vst v63  }
0x197: {  	_ =	swait.ge [sflag:s22], $0x2800  }
0x198: {  	[sflag:s22] =	ssyncset.done $0x0  }
0x199: {  	s12 =	simm.s32 $0x13820;
	[sflag:s22] =	ssyncadd.s32 $0xFFFFD800  }
0x19a: {  	s21 =	simm.s32 $0x11020;
	v1 =	vld [tilespmem:s12+$0xFFFFFFE0]  }
0x19b: {  	v2 =	vld [tilespmem:s21+$0xFFFFFFE0]  }
0x19c: {  	s23 =	simm.s32 $0x9820  }
0x19d: {  	v3 =	vld [tilespmem:s23+$0xFFFFFFE0]  }
0x19e: {  	s26 =	simm.s32 $0xE820  }
0x19f: {  	v4 =	vld [tilespmem:s26+$0xFFFFFFE0]  }
0x1a0: {  	s25 =	simm.s32 $0xC020;
	v1 =	vadd.f32 v1, v2  }
0x1a1: {  	v2 =	vld [tilespmem:s25+$0xFFFFFFE0]  }
0x1a2: {  	v1 =	vadd.f32 v3, v1;
	_ =	sdelay $0x1  }
0x1a3: {  	v1 =	vmul.f32 v1, v4;
	_ =	sdelay $0x1  }
0x1a4: {  	v1 =	vadd.f32 v1, v2;
	_ =	sdelay $0x1  }
0x1a5: {  	[tilespmem:s23+$0xFFFFFFE0] =	vst v1  }
0x1a6: {  	v1 =	vld [tilespmem:s21+$0xFFFFFFF0]  }
0x1a7: {  	v2 =	vld [tilespmem:s12+$0xFFFFFFF0];
	_ =	sdelay $0x1  }
0x1a8: {  	v3 =	vld [tilespmem:s23+$0xFFFFFFF0];
	_ =	sdelay $0x1  }
0x1a9: {  	v61 =	vld [tilespmem:s26+$0xFFFFFFF0]  }
0x1aa: {  	v1 =	vadd.f32 v2, v1  }
0x1ab: {  	v2 =	vld [tilespmem:s25+$0xFFFFFFF0]  }
0x1ac: {  	v1 =	vadd.f32 v3, v1;
	_ =	sdelay $0x1  }
0x1ad: {  	v1 =	vmul.f32 v1, v61;
	_ =	sdelay $0x1  }
0x1ae: {  	v1 =	vadd.f32 v1, v2;
	_ =	sdelay $0x1  }
0x1af: {  	[tilespmem:s23+$0xFFFFFFF0] =	vst v1  }
0x1b0: {  	v1 =	vld [tilespmem:s21+$0x0]  }
0x1b1: {  	v2 =	vld [tilespmem:s12+$0x0];
	_ =	sdelay $0x1  }
0x1b2: {  	v3 =	vld [tilespmem:s23+$0x0];
	_ =	sdelay $0x1  }
0x1b3: {  	v62 =	vld [tilespmem:s26+$0x0]  }
0x1b4: {  	v1 =	vadd.f32 v2, v1  }
0x1b5: {  	v2 =	vld [tilespmem:s25+$0x0]  }
0x1b6: {  	v1 =	vadd.f32 v3, v1;
	_ =	sdelay $0x1  }
0x1b7: {  	v1 =	vmul.f32 v1, v62;
	_ =	sdelay $0x1  }
0x1b8: {  	v1 =	vadd.f32 v1, v2;
	_ =	sdelay $0x1  }
0x1b9: {  	[tilespmem:s23+$0x0] =	vst v1  }
0x1ba: {  	v1 =	vld [tilespmem:s21+$0x10]  }
0x1bb: {  	v2 =	vld [tilespmem:s12+$0x10];
	_ =	sdelay $0x1  }
0x1bc: {  	v3 =	vld [tilespmem:s23+$0x10];
	_ =	sdelay $0x2  }
0x1bd: {  	v63 =	vld [tilespmem:s26+$0x10];
	v1 =	vadd.f32 v2, v1;
	_ =	sdelay $0x1  }
0x1be: {  	v2 =	vadd.f32 v3, v1;
	v1 =	vld [tilespmem:s25+$0x10];
	_ =	sdelay $0x1  }
0x1bf: {  	s30 =	simm.s32 $0x9820;
	s17 =	simm.s32 $0x0  }
0x1c0: {  	s12 =	simm.s32 $0x13860;
	s21 =	simm.s32 $0x11060;
	s26 =	simm.s32 $0xE860;
	v2 =	vmul.f32 v2, v63  }
.LBB2_16:
0x1c1: {  	s17 =	sadd.s32 $0x4, s17;
	s25 =	sadd.s32 $0x40, s25;
	s23 =	sadd.s32 $0x40, s23  }
0x1c2: {  	p1 =	slt.u32 s17, $0x27C;
	v1 =	vadd.f32 v2, v1;
	_ =	sdelay $0x1  }
0x1c3: {  	[tilespmem:s30+$0x10] =	vst v1;
	s30 =	smov.u32 s23  }
0x1c4: {  	v1 =	vld [tilespmem:s12+$0xFFFFFFE0]  }
0x1c5: {  	v2 =	vld [tilespmem:s21+$0xFFFFFFE0];
	_ =	sdelay $0x1  }
0x1c6: {  	v3 =	vld [tilespmem:s23+$0xFFFFFFE0];
	_ =	sdelay $0x1  }
0x1c7: {  	v4 =	vld [tilespmem:s26+$0xFFFFFFE0]  }
0x1c8: {  	v1 =	vadd.f32 v1, v2  }
0x1c9: {  	v2 =	vld [tilespmem:s25+$0xFFFFFFE0]  }
0x1ca: {  	v1 =	vadd.f32 v3, v1;
	_ =	sdelay $0x1  }
0x1cb: {  	v1 =	vmul.f32 v1, v4;
	_ =	sdelay $0x1  }
0x1cc: {  	v1 =	vadd.f32 v1, v2;
	_ =	sdelay $0x1  }
0x1cd: {  	[tilespmem:s23+$0xFFFFFFE0] =	vst v1  }
0x1ce: {  	v1 =	vld [tilespmem:s21+$0xFFFFFFF0]  }
0x1cf: {  	v2 =	vld [tilespmem:s12+$0xFFFFFFF0]  }
0x1d0: {  	v3 =	vld [tilespmem:s23+$0xFFFFFFF0];
	_ =	sdelay $0x1  }
0x1d1: {  	v4 =	vld [tilespmem:s26+$0xFFFFFFF0];
	_ =	sdelay $0x1  }
0x1d2: {  	v1 =	vadd.f32 v2, v1;
	v2 =	vld [tilespmem:s25+$0xFFFFFFF0];
	_ =	sdelay $0x1  }
0x1d3: {  	v1 =	vadd.f32 v3, v1;
	_ =	sdelay $0x1  }
0x1d4: {  	v1 =	vmul.f32 v1, v4;
	_ =	sdelay $0x1  }
0x1d5: {  	v1 =	vadd.f32 v1, v2;
	_ =	sdelay $0x1  }
0x1d6: {  	[tilespmem:s23+$0xFFFFFFF0] =	vst v1;
	v1 =	vld [tilespmem:s23+$0x0]  }
0x1d7: {  	v2 =	vld [tilespmem:s21+$0x0]  }
0x1d8: {  	v3 =	vld [tilespmem:s12+$0x0];
	_ =	sdelay $0x1  }
0x1d9: {  	v4 =	vld [tilespmem:s26+$0x0];
	_ =	sdelay $0x1  }
0x1da: {  	v5 =	vld [tilespmem:s25+$0x0]  }
0x1db: {  	v2 =	vadd.f32 v3, v2;
	_ =	sdelay $0x1  }
0x1dc: {  	v1 =	vadd.f32 v1, v2;
	_ =	sdelay $0x1  }
0x1dd: {  	v1 =	vmul.f32 v1, v4;
	_ =	sdelay $0x1  }
0x1de: {  	v1 =	vadd.f32 v1, v5;
	_ =	sdelay $0x1  }
0x1df: {  	[tilespmem:s23+$0x0] =	vst v1;
	v2 =	vld [tilespmem:s23+$0x10]  }
0x1e0: {  	v3 =	vld [tilespmem:s21+$0x10]  }
0x1e1: {  	v4 =	vld [tilespmem:s12+$0x10]  }
0x1e2: {  	v5 =	vld [tilespmem:s26+$0x10]  }
0x1e3: {  	v1 =	vld [tilespmem:s25+$0x10];
	_ =	sdelay $0x2  }
.Ltmp9:
0x1e4: {  	v3 =	vadd.f32 v4, v3;
	(pc) =	sbr.rel @p1 .LBB2_16-.Ltmp9, $3  }
0x1e5: {  	_ = 	snop  }
0x1e6: {  	v2 =	vadd.f32 v2, v3;
	_ =	sdelay $0x1  }
0x1e7: {  	s21 =	sadd.s32 $0x40, s21;
	s12 =	sadd.s32 $0x40, s12;
	s26 =	sadd.s32 $0x40, s26;
	v2 =	vmul.f32 v2, v5  }
0x1e8: {  	_ = 	snop  }
0x1e9: {  	v1 =	vadd.f32 v2, v1;
	_ =	sdelay $0x1  }
0x1ea: {  	s12 =	simm.s32 $0x16000;
	[tilespmem:s30+$0x10] =	vst v1  }
0x1eb: {  	[spmem:s11] =	stream.linear.scatter [tilespmem:s12], [sflag:$0xA], $0x2800, $0x38;
	[tilespmem:$0x18800] =	vst v63  }
0x1ec: {  	_ =	swait.ge [sflag:s22], $0x2800  }
0x1ed: {  	s17 =	simm.s32 $0x9800;
	s24 =	sadd.s32 $0x1, s24;
	[sflag:s22] =	ssyncset.done $0x0  }
0x1ee: {  	p1 =	seq.s32 s24, $0xA;
	s30 =	rddreg [dreg:$0x8];
	[sflag:s22] =	ssyncadd.s32 $0xFFFFD800  }
0x1ef: {  	[hbm4b:s30+s3] =	stream.linear.scatter [tilespmem:s17], [sflag:$0xA], $0x2800, $0x38;
	[tilespmem:$0x18800] =	vst v63  }
.Ltmp10:
0x1f0: {  	_ =	swait.ge [sflag:s22], $0x2800;
	(pc) =	sbr.rel @!p1 .LBB2_4-.Ltmp10, $4  }
.Ltmp11:
0x1f1: {  	[sflag:s22] =	ssyncset.done $0x0;
	(pc) =	sbr.rel @p1 .LBB2_18-.Ltmp11, $4  }
0x1f2: {  	[sflag:s22] =	ssyncadd.s32 $0xFFFFD800  }
0x1f3: {  	[bflag:$0x0] =	sbarrier.arrive $0xFFFF  }
0x1f4: {  	_ = 	snop  }
0x1f5: {  	_ = 	snop  }
.LBB2_10:
0x1f6: {  	s12 =	simm.s32 $0x0;
	s17 =	rddreg [dreg:$0xa];
	s21 =	simm.s32 $0xC000  }
0x1f7: {  	[tilespmem:s21], [sflag:$0xA] =	stream.linear.gather [hbm4b:s17+s12], $0x2800, $0x38;
	[tilespmem:$0x18800] =	vst v63  }
0x1f8: {  	_ =	swait.ge [sflag:s22], $0x2800  }
0x1f9: {  	[sflag:s22] =	ssyncset.done $0x0  }
0x1fa: {  	s12 =	simm.s32 $0x0;
	[sflag:s22] =	ssyncadd.s32 $0xFFFFD800  }
0x1fb: {  	s17 =	simm.s32 $0x40;
	v1 =	vld [tilespmem:s12+$0xC000]  }
.LBB2_11:
0x1fc: {  	p1 =	sne.s32 s17, $0x9FC0;
	v2 =	vld [tilespmem:s12+$0x9800];
	_ =	sdelay $0x2  }
.Ltmp12:
0x1fd: {  	(pc) =	sbr.rel @p1 .LBB2_11-.Ltmp12, $4  }
0x1fe: {  	_ = 	snop  }
0x1ff: {  	v2 =	vmul.f32 v1, v2  }
0x200: {  	s21 =	sshra.s32 s17, $0x2  }
0x201: {  	s17 =	sadd.s32 $0x40, s17;
	v1 =	vld [tilespmem:s21+$0xC000];
	[tilespmem:s12+$0x9800] =	vst v2;
	s12 =	smov.u32 s21  }
0x202: {  	v2 =	vld [tilespmem:s12+$0x9800];
	_ =	sdelay $0x4  }
0x203: {  	v1 =	vmul.f32 v1, v2;
	_ =	sdelay $0x1  }
.Ltmp13:
0x204: {  	s30 =	rddreg [dreg:$0xb];
	s17 =	simm.s32 $0x9800;
	[tilespmem:s12+$0x9800] =	vst v1;
	(pc) =	sbr.rel .LBB2_18-.Ltmp13, $4  }
0x205: {  	[hbm4b:s30+s3] =	stream.linear.scatter [tilespmem:s17], [sflag:$0xA], $0x2800, $0x38;
	[tilespmem:$0x18800] =	vst v63  }
0x206: {  	_ =	swait.ge [sflag:s22], $0x2800  }
0x207: {  	[sflag:s22] =	ssyncset.done $0x0  }
0x208: {  	[sflag:s22] =	ssyncadd.s32 $0xFFFFD800  }
.LBB2_19:
0x209: {  	_ =	sfence.sel $0x180000  }
0x20a: {  	[bflag:$0x0] =	sbarrier.arrive $0xFFFF  }
0x20b: {  	_ =	strace $0x9000004A  }
0x20c: {  	s0 =	stileid.u32;
	[bflag:$0x2] =	sbarrier.arrive $0xFFFF  }
0x20d: {  	p0 =	sne.s32 s0, $0x0;
	s0 =	rddreg [dreg:$0x2]  }
0x20e: {  	s0 =	sadd.s32 @!p0 $0x100000, s0  }
0x20f: {  	[sflag:s0] =	ssyncadd.tile.s32 @!p0 $0x1;
	_ =	shalt  }
.Lfunc_end2:
_tile_overlayer_lowered:
.L_overlay_start_2:
0x210: {  	(tag) =	ssettag $0x2  }
0x211: {  	s0 =	rddreg [dreg:$0x0];
	s2 =	stileid.u32  }
0x212: {  	s1 =	rddreg [dreg:$0x1];
	p0 =	sne.s32 s2, $0x0  }
0x213: {  	s3 =	rddreg [dreg:$0x2];
	[bflag:$0x3] =	sbarrier.arrive $0xFFFF;
	s2 =	simm.s32 @!p0 $0x1C0A  }
0x214: {  	[timem:s3], [sflag:s2] =	dma.local @!p0 [hbm:s0], s1  }
0x215: {  	s0 =	simm.s32 @!p0 $0xA  }
0x216: {  	_ =	swait.ge @!p0 [sflag:s0], s1  }
0x217: {  	s1 =	ssub.s32 @!p0 $0x0, s1;
	[sflag:s0] =	ssyncset.done @!p0 $0x0  }
0x218: {  	[sflag:s0] =	ssyncadd.s32 @!p0 s1  }
0x219: {  	[bflag:$0x3] =	sbarrier.arrive $0xFFFF  }
0x21a: {  	_ =	shalt  }

// kernel: kernel.13.cloned.1.call-start
scs
__scs_entry_jumppad:
0x0: {  	(pc) =	sbr.rel $0x88, $3  }
0x1: {  	(tag) =	ssettag $0x0;
	lr =	simm.s32 $0x1  }
0x2: {  	[smem:$0x3F99] =	sst lr;
	_ =	strace $0xD0000000  }
0x3: {  	_ = 	snop  }
0x4: {  	_ = 	snop  }
0x5: {  	_ = 	snop  }
0x6: {  	_ = 	snop  }
0x7: {  	_ = 	snop  }
__scs_overlays_trampoline_lowered:
0x8: {  	[smem:$0x3FA8] =	sst s0  }
0x9: {  	[smem:$0x3FA9] =	sst s1  }
0xa: {  	[smem:$0x3FAA] =	sst s2  }
0xb: {  	[smem:$0x3FAB] =	sst s3  }
0xc: {  	[smem:$0x3FAC] =	sst s4  }
0xd: {  	[smem:$0x3FAD] =	sst s5  }
0xe: {  	[smem:$0x3FAE] =	sst s6  }
0xf: {  	[smem:$0x3FAF] =	sst s7  }
0x10: {  	[smem:$0x3FB0] =	sst s8  }
0x11: {  	[smem:$0x3FB1] =	sst s9;
	s0 =	simm.s32 @!p0 $0x0  }
0x12: {  	s1 =	sld [smem:$0x3F97];
	s0 =	simm.s32 @p0 $0x1  }
0x13: {  	[smem:$0x3FB2] =	sst s0;
	s0 =	simm.s32 @!p1 $0x0  }
0x14: {  	s2 =	sld [smem:$0x3F96];
	s0 =	simm.s32 @p1 $0x1  }
0x15: {  	[smem:$0x3FB3] =	sst s0;
	s0 =	simm.s32 @!p2 $0x0  }
0x16: {  	s3 =	sld [smem:$0x3FDB];
	s0 =	simm.s32 @p2 $0x1  }
0x17: {  	s4 =	simm.s32 $0x1BF5;
	[smem:$0x3FB5] =	sst s0  }
0x18: {  	s0 =	sld [smem:$0x3F98];
	_ =	swait.ge [sflag:s4], $0x0  }
0x19: {  	s7 =	sld [smem:$0x3F99]  }
0x1a: {  	s8 =	sadd.s32 $0xFFFFE003, lr  }
0x1b: {  	s9 =	sadd.s32 $0xFFFFFEF7, lr;
	s5 =	simm.s32 $0xFFFFFFFF;
	p2 =	slt.u32 s8, $0xFFFFF086  }
0x1c: {  	p1 =	slt.u32 s9, $0xF7A;
	s5 =	simm.s32 @!p2 $0x0  }
0x1d: {  	s5 =	simm.s32 @p1 $0x1;
	p0 =	seq.s32 s7, s2  }
0x1e: {  	s7 =	smul.u32 @!p0 $0xF7A, s2;
	p2 =	seq.s32 @!p0 s5, $0x0  }
0x1f: {  	s9 =	smul.u32 $0xF7A, s1;
	s8 =	simm.s32 @!p0 $0x1BF5;
	p2 =	por !p2, p0  }
0x20: {  	[sflag:s8] =	ssyncset.s32 @!p0 $0xFFFFF086;
	s6 =	sadd.s32 @!p0 s3, s7;
	s7 =	simm.s32 @!p0 $0x108  }
0x21: {  	s3 =	sadd.s32 s3, s9;
	s6 =	sadd.s32 @!p0 $0x88, s6;
	s7 =	simm.s32 @p2 $0x1082  }
0x22: {  	[simem:s7], [sflag:s8] =	dma.local @!p0 [hbm:s6], $0xF7A  }
0x23: {  	s9 =	sor.u32 $0xD0000000, s2;
	s6 =	simm.s32 $0x108;
	_ =	swait.ge @!p0 [sflag:s8], $0x0  }
0x24: {  	s3 =	sadd.s32 $0x88, s3;
	s6 =	simm.s32 @!p1 $0x1082;
	[sflag:s4] =	ssyncset.s32 $0xFFFFF086  }
0x25: {  	[simem:s6], [sflag:s4] =	dma.local [hbm:s3], $0xF7A  }
0x26: {  	[smem:$0x3F99] =	sst s1;
	(tag) =	ssettag s2;
	_ =	strace s9  }
0x27: {  	s1 =	sld [smem:$0x3FA9]  }
0x28: {  	s2 =	sld [smem:$0x3FAA]  }
0x29: {  	s4 =	sld [smem:$0x3FAC]  }
0x2a: {  	p0 =	seq.s32 s5, $0x0;
	s5 =	sld [smem:$0x3FAD]  }
0x2b: {  	s6 =	sld [smem:$0x3FAE]  }
0x2c: {  	s7 =	sld [smem:$0x3FAF]  }
0x2d: {  	s3 =	simm.s32 $0x108;
	s8 =	sld [smem:$0x3FB0]  }
0x2e: {  	s3 =	simm.s32 @!p0 $0x1082;
	s9 =	sld [smem:$0x3FB1]  }
0x2f: {  	lr =	sadd.s32 s0, s3;
	s0 =	sld [smem:$0x3FA8]  }
0x30: {  	s3 =	sld [smem:$0x3FAB]  }
0x31: {  	[smem:$0x3FB4] =	sst s10  }
0x32: {  	s10 =	sld [smem:$0x3FB2];
	_ =	sdelay $0x3  }
0x33: {  	p0 =	seq.s32 s10, $0x1;
	s10 =	sld [smem:$0x3FB4];
	_ =	sdelay $0x3  }
0x34: {  	[smem:$0x3FB4] =	sst s10  }
0x35: {  	s10 =	sld [smem:$0x3FB3];
	_ =	sdelay $0x3  }
0x36: {  	p1 =	seq.s32 s10, $0x1;
	s10 =	sld [smem:$0x3FB4];
	_ =	sdelay $0x3  }
0x37: {  	[smem:$0x3FB4] =	sst s10  }
0x38: {  	s10 =	sld [smem:$0x3FB5]  }
0x39: {  	_ = 	snop;
	(pc) =	sbr.ind lr, $3  }
0x3a: {  	_ = 	snop  }
0x3b: {  	_ = 	snop  }
0x3c: {  	p2 =	seq.s32 s10, $0x1;
	s10 =	sld [smem:$0x3FB4]  }
0x3d: {  	_ =	shalt  }
0x3e: {  	_ =	shalt  }
0x3f: {  	_ =	shalt  }
0x40: {  	_ =	shalt  }
0x41: {  	_ =	shalt  }
0x42: {  	_ =	shalt  }
0x43: {  	_ =	shalt  }
0x44: {  	_ =	shalt  }
0x45: {  	_ =	shalt  }
0x46: {  	_ =	shalt  }
0x47: {  	_ =	shalt  }
0x48: {  	_ =	shalt  }
0x49: {  	_ =	shalt  }
0x4a: {  	_ =	shalt  }
0x4b: {  	_ =	shalt  }
0x4c: {  	_ =	shalt  }
0x4d: {  	_ =	shalt  }
0x4e: {  	_ =	shalt  }
0x4f: {  	_ =	shalt  }
0x50: {  	_ =	shalt  }
0x51: {  	_ =	shalt  }
0x52: {  	_ =	shalt  }
0x53: {  	_ =	shalt  }
0x54: {  	_ =	shalt  }
0x55: {  	_ =	shalt  }
0x56: {  	_ =	shalt  }
0x57: {  	_ =	shalt  }
0x58: {  	_ =	shalt  }
0x59: {  	_ =	shalt  }
0x5a: {  	_ =	shalt  }
0x5b: {  	_ =	shalt  }
0x5c: {  	_ =	shalt  }
0x5d: {  	_ =	shalt  }
0x5e: {  	_ =	shalt  }
0x5f: {  	_ =	shalt  }
0x60: {  	_ =	shalt  }
0x61: {  	_ =	shalt  }
0x62: {  	_ =	shalt  }
0x63: {  	_ =	shalt  }
0x64: {  	_ =	shalt  }
0x65: {  	_ =	shalt  }
0x66: {  	_ =	shalt  }
0x67: {  	_ =	shalt  }
0x68: {  	_ =	shalt  }
0x69: {  	_ =	shalt  }
0x6a: {  	_ =	shalt  }
0x6b: {  	_ =	shalt  }
0x6c: {  	_ =	shalt  }
0x6d: {  	_ =	shalt  }
0x6e: {  	_ =	shalt  }
0x6f: {  	_ =	shalt  }
0x70: {  	_ =	shalt  }
0x71: {  	_ =	shalt  }
0x72: {  	_ =	shalt  }
0x73: {  	_ =	shalt  }
0x74: {  	_ =	shalt  }
0x75: {  	_ =	shalt  }
0x76: {  	_ =	shalt  }
0x77: {  	_ =	shalt  }
0x78: {  	_ =	shalt  }
0x79: {  	_ =	shalt  }
0x7a: {  	_ =	shalt  }
0x7b: {  	_ =	shalt  }
0x7c: {  	_ =	shalt  }
0x7d: {  	_ =	shalt  }
0x7e: {  	_ =	shalt  }
0x7f: {  	_ =	shalt  }
0x80: {  	_ =	shalt  }
0x81: {  	_ =	shalt  }
0x82: {  	_ =	shalt  }
0x83: {  	_ =	shalt  }
0x84: {  	_ =	shalt  }
0x85: {  	_ =	shalt  }
0x86: {  	_ =	shalt  }
0x87: {  	_ =	shalt  }
.Lfunc_end0:
.L_simem_size_0:
called_computation.2_lowered:
.L_overlay_start_0:
0x88: {  	s2 =	sld [smem:$0x3FD9]  }
0x89: {  	s3 =	sld [smem:$0x3FFE];
	_ =	sdelay $0x1  }
0x8a: {  	s1 =	srdreg.scid  }
0x8b: {  	s0 =	sand.u32 $0x1, s1  }
0x8c: {  	s16 =	sshll.u32 s0, $0xA;
	s2 =	sadd.s32 s3, s2  }
0x8d: {  	s2 =	sadd.s32 s2, s16  }
0x8e: {  	[smem:$0x3FC0] =	sst s2  }
0x8f: {  	_ = 	snop  }
0x90: {  	(tm) =	ssettm $0x1  }
0x91: {  	s17 =	sld [smem:$0x3FFB];
	_ =	sdelay $0x3  }
0x92: {  	_ =	strace s17  }
0x93: {  	s2 =	sld [smem:$0x3FFC];
	_ =	sdelay $0x3  }
0x94: {  	_ =	strace s2  }
0x95: {  	s2 =	sld [smem:$0x3FFD];
	_ =	sdelay $0x3  }
0x96: {  	_ =	strace s2  }
0x97: {  	_ =	strace $0x8FFFFFFF  }
0x98: {  	s18 =	sld [smem:$0x3FDB];
	_ =	sdelay $0x1  }
0x99: {  	s19 =	simm.s32 $_scs_section_size  }
0x9a: {  	s4 =	simm.s32 $_size__tile_overlayer_lowered;
	s5 =	simm.s32 $_tile_overlayer_lowered  }
0x9b: {  	s22 =	simm.s32 $0x1BFF;
	s21 =	sshll.u32 s5, $0x1;
	s2 =	sadd.s32 s19, s18  }
0x9c: {  	s6 =	simm.s32 $0x0;
	s20 =	sshll.u32 s4, $0x1;
	s4 =	sadd.s32 s21, s2  }
0x9d: {  	[timem:s6], [sflag:s22] =	dma.local [hbm:s4], s20  }
0x9e: {  	_ =	swait.ge [sflag:s22], s20  }
0x9f: {  	s3 =	ssub.s32 $0x0, s20;
	[sflag:s22] =	ssyncset.done $0x0  }
0xa0: {  	[sflag:s22] =	ssyncadd.s32 s3;
	_ =	sdelay $0x1  }
0xa1: {  	s23 =	simm.s32 $0x1B8B  }
0xa2: {  	_ =	swait.ge [sflag:s23], $0x1  }
0xa3: {  	[sflag:s23] =	ssyncset.done $0x0  }
0xa4: {  	s25 =	simm.s32 $0x1B8E;
	s24 =	sld [smem:$0x3FFE];
	[sflag:s23] =	ssyncadd.s32 $0xFFFFFFFF  }
0xa5: {  	s26 =	simm.s32 $execute0_lowered;
	[smem:$0x3FD2] =	sst s25  }
0xa6: {  	s4 =	sshll.u32 s26, $0x1;
	_ =	strace $0x8000004C;
	[dreg:$0x1] =	wrdreg $0xFFFFFFFF  }
0xa7: {  	s28 =	simm.s32 $_size_execute0_lowered;
	s2 =	sadd.s32 s2, s4;
	[dreg:$0x0] =	wrdreg $0x0  }
0xa8: {  	s4 =	sshll.u32 s28, $0x1;
	[dreg:$0x2] =	wrdreg s2  }
0xa9: {  	[dreg:$0x3] =	wrdreg s4  }
0xaa: {  	[dreg:$0x4] =	wrdreg $0xC0  }
0xab: {  	_ =	task [dreg:s6], $0x5FFFF  }
0xac: {  	[dreg:$0x1] =	wrdreg $0xFFFFFFFF  }
0xad: {  	[dreg:$0x0] =	wrdreg $0x60  }
0xae: {  	[dreg:$0x2] =	wrdreg s24  }
0xaf: {  	[dreg:$0x3] =	wrdreg $0x0  }
0xb0: {  	[dreg:$0x4] =	wrdreg $0x9  }
0xb1: {  	_ =	task.clear_ibuf [dreg:s6], $0x5FFFF;
	_ =	strace $0x9000004C  }
0xb2: {  	s29 =	simm.s32 $0x9;
	_ =	strace $0x8000004E  }
0xb3: {  	_ =	swait.ge [sflag:s29], $0x1  }
0xb4: {  	[sflag:s29] =	ssyncadd.s32 $0xFFFFFFFF  }
0xb5: {  	_ =	strace $0x9000004E  }
0xb6: {  	_ =	sfence  }
0xb7: {  	s30 =	sld [smem:$0x0];
	_ =	sdelay $0x2  }
0xb8: {  	s31 =	sshll.u32 s1, $0xD;
	s1 =	sshrl.u32 s1, $0x2  }
0xb9: {  	s3 =	sand.u32 $0x4000, s31;
	s1 =	sadd.s32 s1, s30  }
0xba: {  	s0 =	sor.u32 s3, s0;
	s1 =	sshll.u32 s1, $0x11  }
0xbb: {  	s0 =	sor.u32 s1, s0  }
0xbc: {  	s0 =	sadd.s32 $0x8F2B, s0  }
0xbd: {  	[sflag:s0] =	ssyncadd.remote.s32 $0x1  }
0xbe: {  	_ =	sfence.sel $0xFFFF  }
0xbf: {  	[dreg:$0x0] =	wrdreg $0xFFFFFFFF;
	(pc) =	sbr.abs _section_cstart, $3  }
0xc0: {  	[dreg:$0x1] =	wrdreg $0xFFFFFFFF  }
0xc1: {  	_ =	task.clear_ibuf [dreg:s6], $0x2FFFF;
	_ =	strace $0x9FFFFFFF  }
0xc2: {  	(tm) =	ssettm $0x7FFFFFFF  }
0xc3: {  	_ =	shalt  }
tec
execute0_lowered:
.L_overlay_start_1:
0x0: {  	(tag) =	ssettag $0x1  }
0x1: {  	s0 =	rddreg [dreg:$0x0]  }
0x2: {  	s1 =	srdreg.scid;
	s2 =	rddreg [dreg:$0x1]  }
0x3: {  	s5 =	stileid.u32;
	s3 =	simm.s32 $0x0;
	s31 =	simm.s32 $0x80  }
0x4: {  	s29 =	simm.s32 $0x8000;
	s28 =	simm.s32 $0x9;
	s6 =	sand.u32 $0x1, s1  }
0x5: {  	s7 =	smul.u32 $0x2800, s5;
	[smem:$0x7FF] =	sst s3;
	s22 =	sand.u32 $0x2, s1  }
0x6: {  	s15 =	sshrl.u32 s1, $0x2;
	s1 =	simm.s32 $0x7;
	s4 =	sshll.u32 s6, $0x4  }
0x7: {  	_ =	strace $0x8000004D;
	s9 =	ssub.s32 $0x2, s6;
	p0 =	seq.s32 s6, $0x0  }
0x8: {  	s23 =	sor.u32 $0x5, s22;
	s4 =	sor.u32 s5, s4;
	s8 =	sshrl.u32 s7, $0x3  }
0x9: {  	s11 =	sshrl.u32 s9, $0x1;
	s5 =	sadd.s32 $0x2F600, s0;
	s26 =	sshll.u32 s23, $0xE  }
0xa: {  	s4 =	smul.u32 $0x500, s4;
	s12 =	sadd.s32 s8, s0;
	s13 =	ssub.s32 s9, s11  }
0xb: {  	s11 =	sadd.s32 s7, s2;
	s9 =	sadd.s32 s5, s8;
	[dreg:$0xe] =	wrdreg s26  }
0xc: {  	s7 =	sor.u32 $0x4, s22;
	s19 =	sadd.s32 $0x16600, s12;
	[dreg:$0x8] =	wrdreg s9  }
0xd: {  	s22 =	simm.s32 $0xA;
	s20 =	sadd.s32 $0x1B600, s12;
	[dreg:$0x5] =	wrdreg s19  }
0xe: {  	s21 =	sadd.s32 $0x20600, s12;
	s14 =	sadd.s32 $0x34600, s12;
	[dreg:$0x6] =	wrdreg s20  }
0xf: {  	s16 =	sadd.s32 $0x39600, s12;
	s24 =	sadd.s32 $0x25600, s12;
	[dreg:$0x7] =	wrdreg s21  }
0x10: {  	s25 =	sadd.s32 $0x3E600, s12;
	s30 =	sshll.u32 s7, $0xE;
	[dreg:$0xa] =	wrdreg s24  }
0x11: {  	s7 =	simm.s32 $0x1;
	s10 =	sadd.s32 s4, s0;
	[dreg:$0xb] =	wrdreg s25  }
0x12: {  	s4 =	sadd.s32 $0x2A600, s0;
	s0 =	smax.u32 s13, $0x1;
	[dreg:$0xf] =	wrdreg s30  }
0x13: {  	s19 =	simm.s32 $0x5;
	s20 =	simm.s32 $0x6;
	s13 =	simm.s32 $0x8  }
0x14: {  	s17 =	sadd.s32 $0xC600, s10;
	s18 =	sadd.s32 $0x2600, s10;
	[dreg:$0xc] =	wrdreg s0  }
.Ltmp0:
0x15: {  	s8 =	sadd.s32 s4, s8;
	[dreg:$0x3] =	wrdreg s17;
	(pc) =	sbr.rel .LBB2_1-.Ltmp0, $4  }
0x16: {  	s0 =	simm.s32 $0x7800;
	s10 =	simm.s32 $0x4;
	[dreg:$0x4] =	wrdreg s18  }
0x17: {  	[dreg:$0x9] =	wrdreg s8;
	s9 =	smov.u32 @p0 s8;
	p0 =	sne.s32 s6, $0x0  }
0x18: {  	s18 =	simm.s32 $0x8800;
	s6 =	simm.s32 $0x9000;
	s8 =	simm.s32 $0x2  }
0x19: {  	v0 =	vimm.f32 $0.0e+00;
	s17 =	simm.s32 $0x0;
	[dreg:$0xd] =	wrdreg s9;
	s9 =	simm.s32 $0x3  }
.LBB2_18:
0x1a: {  	s17 =	rddreg [dreg:$0x10]  }
0x1b: {  	s12 =	rddreg [dreg:$0xc];
	s17 =	sadd.s32 $0x1, s17  }
0x1c: {  	p1 =	sne.s32 s17, s12  }
.Ltmp1:
0x1d: {  	_ = 	snop;
	(pc) =	sbr.rel @!p1 .LBB2_19-.Ltmp1, $1  }
0x1e: {  	_ =	sdelay $0x3  }
.LBB2_1:
0x1f: {  	[dreg:$0x10] =	wrdreg s17  }
0x20: {  	s12 =	rddreg [dreg:$0x3];
	s25 =	simm.s32 $0x2800  }
0x21: {  	[tilespmem:s25], [sflag:$0xA] =	stream.linear.gather [hbm4b:s12+s3], $0x2800, $0x38;
	[tilespmem:$0x18800] =	vst v63  }
0x22: {  	_ =	swait.ge [sflag:s22], $0x2800  }
0x23: {  	[sflag:s22] =	ssyncset.done $0x0  }
0x24: {  	s30 =	simm.s32 $0x5000;
	s26 =	rddreg [dreg:$0x4];
	[sflag:s22] =	ssyncadd.s32 $0xFFFFD800  }
0x25: {  	[tilespmem:s30], [sflag:$0xA] =	stream.linear.gather [hbm4b:s26+s3], $0x2800, $0x38;
	[tilespmem:$0x18800] =	vst v63  }
0x26: {  	_ =	swait.ge [sflag:s22], $0x2800  }
0x27: {  	[sflag:s22] =	ssyncset.done $0x0  }
0x28: {  	s23 =	simm.s32 $0x9800;
	s21 =	rddreg [dreg:$0x5];
	[sflag:s22] =	ssyncadd.s32 $0xFFFFD800  }
0x29: {  	[tilespmem:s23], [sflag:$0xA] =	stream.linear.gather [hbm4b:s21+s3], $0x2800, $0x38;
	[tilespmem:$0x18800] =	vst v63  }
0x2a: {  	_ =	swait.ge [sflag:s22], $0x2800  }
0x2b: {  	[sflag:s22] =	ssyncset.done $0x0  }
0x2c: {  	s25 =	simm.s32 $0xC000;
	s24 =	rddreg [dreg:$0x6];
	[sflag:s22] =	ssyncadd.s32 $0xFFFFD800  }
0x2d: {  	[tilespmem:s25], [sflag:$0xA] =	stream.linear.gather [hbm4b:s24+s3], $0x2800, $0x38;
	[tilespmem:$0x18800] =	vst v63  }
0x2e: {  	_ =	swait.ge [sflag:s22], $0x2800  }
0x2f: {  	[sflag:s22] =	ssyncset.done $0x0  }
0x30: {  	s30 =	simm.s32 $0xE800;
	s26 =	rddreg [dreg:$0x7];
	[sflag:s22] =	ssyncadd.s32 $0xFFFFD800  }
0x31: {  	[tilespmem:s30], [sflag:$0xA] =	stream.linear.gather [hbm4b:s26+s3], $0x2800, $0x38;
	[tilespmem:$0x18800] =	vst v63  }
0x32: {  	_ =	swait.ge [sflag:s22], $0x2800  }
0x33: {  	[sflag:s22] =	ssyncset.done $0x0  }
0x34: {  	s17 =	simm.s32 $0x0;
	s12 =	simm.s32 $0x40;
	[sflag:s22] =	ssyncadd.s32 $0xFFFFD800  }
.LBB2_2:
0x35: {  	p1 =	sne.s32 s12, $0x9FC0;
	[tilespmem:s17+$0x16000] =	vst v0;
	s17 =	smov.u32 s12;
	s12 =	sadd.s32 $0x40, s12  }
.Ltmp2:
0x36: {  	(pc) =	sbr.rel @p1 .LBB2_2-.Ltmp2, $2  }
0x37: {  	_ =	sdelay $0x2  }
0x38: {  	s17 =	sshra.s32 s17, $0x2  }
0x39: {  	[tilespmem:s17+$0x16000] =	vst v0;
	s12 =	simm.s32 $0x16000  }
0x3a: {  	[spmem:s11] =	stream.linear.scatter [tilespmem:s12], [sflag:$0xA], $0x2800, $0x38;
	[tilespmem:$0x18800] =	vst v63  }
0x3b: {  	_ =	swait.ge [sflag:s22], $0x2800  }
0x3c: {  	s24 =	simm.s32 $0x0;
	[sflag:s22] =	ssyncset.done $0x0  }
0x3d: {  	s30 =	simm.s32 $0x9800;
	s26 =	rddreg [dreg:$0xd];
	[sflag:s22] =	ssyncadd.s32 $0xFFFFD800  }
0x3e: {  	[hbm4b:s26+s24] =	stream.linear.scatter [tilespmem:s30], [sflag:$0xA], $0x2800, $0x38;
	[tilespmem:$0x18800] =	vst v63  }
0x3f: {  	_ =	swait.ge [sflag:s22], $0x2800  }
0x40: {  	[sflag:s22] =	ssyncset.done $0x0  }
0x41: {  	[sflag:s22] =	ssyncadd.s32 $0xFFFFD800  }
0x42: {  	[bflag:$0x0] =	sbarrier.arrive $0xFFFF  }
.LBB2_4:
.Ltmp3:
0x43: {  	(pc) =	sbr.rel @p0 .LBB2_13-.Ltmp3, $2  }
0x44: {  	_ =	sdelay $0x2  }
0x45: {  	s12 =	simm.s32 $0x2800  }
0x46: {  	[tilespmem:s0], [sflag:$0x1] =	stream.indirect.gather [hbm4b:s4+s31], $0x10, s12, s31, $0xb8;
	[tilespmem:$0x18800] =	vst v63  }
0x47: {  	s23 =	simm.s32 $0x2880  }
0x48: {  	[tilespmem:s29], [sflag:$0x2] =	stream.indirect.gather [hbm4b:s4+s31], $0x10, s23, s31, $0xb8;
	[tilespmem:$0x18800] =	vst v63  }
0x49: {  	s25 =	simm.s32 $0x2900  }
0x4a: {  	[tilespmem:s18], [sflag:$0x3] =	stream.indirect.gather [hbm4b:s4+s31], $0x10, s25, s31, $0xb8;
	[tilespmem:$0x18800] =	vst v63  }
0x4b: {  	s26 =	simm.s32 $0x2980  }
0x4c: {  	[tilespmem:s6], [sflag:$0x4] =	stream.indirect.gather [hbm4b:s4+s31], $0x10, s26, s31, $0xb8;
	[tilespmem:$0x18800] =	vst v63  }
0x4d: {  	_ =	swait.ge [sflag:s7], $0x800  }
0x4e: {  	[sflag:s7] =	ssyncset.done $0x0  }
0x4f: {  	s30 =	simm.s32 $0x5000;
	[sflag:s7] =	ssyncadd.s32 $0xFFFFF800  }
0x50: {  	[spmem:s2] =	stream.indirect.scatter.add.f32 [tilespmem:s0], [sflag:$0x5], $0x10, s30, s31, $0xb8;
	[tilespmem:$0x18800] =	vst v63  }
0x51: {  	_ =	swait.ge [sflag:s8], $0x800  }
0x52: {  	[sflag:s8] =	ssyncset.done $0x0  }
0x53: {  	s17 =	simm.s32 $0x5080;
	[sflag:s8] =	ssyncadd.s32 $0xFFFFF800  }
0x54: {  	[spmem:s2] =	stream.indirect.scatter.add.f32 [tilespmem:s29], [sflag:$0x6], $0x10, s17, s31, $0xb8;
	[tilespmem:$0x18800] =	vst v63  }
0x55: {  	_ =	swait.ge [sflag:s9], $0x800  }
0x56: {  	[sflag:s9] =	ssyncset.done $0x0  }
0x57: {  	s21 =	simm.s32 $0x5100;
	[sflag:s9] =	ssyncadd.s32 $0xFFFFF800  }
0x58: {  	[spmem:s2] =	stream.indirect.scatter.add.f32 [tilespmem:s18], [sflag:$0x7], $0x10, s21, s31, $0xb8;
	[tilespmem:$0x18800] =	vst v63  }
0x59: {  	_ =	swait.ge [sflag:s10], $0x800  }
0x5a: {  	[sflag:s10] =	ssyncset.done $0x0  }
0x5b: {  	s23 =	simm.s32 $0x5180;
	[sflag:s10] =	ssyncadd.s32 $0xFFFFF800  }
0x5c: {  	[spmem:s2] =	stream.indirect.scatter.add.f32 [tilespmem:s6], [sflag:$0x8], $0x10, s23, s31, $0xb8;
	[tilespmem:$0x18800] =	vst v63  }
0x5d: {  	_ =	swait.ge [sflag:s19], $0x800  }
0x5e: {  	[sflag:s19] =	ssyncset.done $0x0  }
0x5f: {  	s25 =	simm.s32 $0x2A00;
	[sflag:s19] =	ssyncadd.s32 $0xFFFFF800  }
0x60: {  	[tilespmem:s0], [sflag:$0x1] =	stream.indirect.gather [hbm4b:s4+s31], $0x10, s25, s31, $0xb8;
	[tilespmem:$0x18800] =	vst v63  }
0x61: {  	_ =	swait.ge [sflag:s20], $0x800  }
0x62: {  	[sflag:s20] =	ssyncset.done $0x0  }
0x63: {  	s26 =	simm.s32 $0x2A80;
	[sflag:s20] =	ssyncadd.s32 $0xFFFFF800  }
0x64: {  	[tilespmem:s29], [sflag:$0x2] =	stream.indirect.gather [hbm4b:s4+s31], $0x10, s26, s31, $0xb8;
	[tilespmem:$0x18800] =	vst v63  }
0x65: {  	_ =	swait.ge [sflag:s1], $0x800  }
0x66: {  	[sflag:s1] =	ssyncset.done $0x0  }
0x67: {  	s30 =	simm.s32 $0x2B00;
	[sflag:s1] =	ssyncadd.s32 $0xFFFFF800  }
0x68: {  	[tilespmem:s18], [sflag:$0x3] =	stream.indirect.gather [hbm4b:s4+s31], $0x10, s30, s31, $0xb8;
	[tilespmem:$0x18800] =	vst v63  }
0x69: {  	_ =	swait.ge [sflag:s13], $0x800  }
0x6a: {  	[sflag:s13] =	ssyncset.done $0x0  }
0x6b: {  	s12 =	simm.s32 $0x800;
	s17 =	simm.s32 $0x2B80;
	[sflag:s13] =	ssyncadd.s32 $0xFFFFF800  }
.LBB2_6:
0x6c: {  	[tilespmem:s6], [sflag:$0x4] =	stream.indirect.gather [hbm4b:s4+s31], $0x10, s17, s31, $0xb8;
	[tilespmem:$0x18800] =	vst v63  }
0x6d: {  	s17 =	smov.u32 s12  }
0x6e: {  	p1 =	sne.s32 s12, $0x9000;
	s12 =	sadd.s32 $0x800, s12;
	_ =	swait.ge [sflag:s7], $0x800  }
0x6f: {  	s17 =	sshra.s32 s17, $0x2;
	[sflag:s7] =	ssyncset.done $0x0  }
0x70: {  	s21 =	sadd.s32 $0x5000, s17;
	[sflag:s7] =	ssyncadd.s32 $0xFFFFF800  }
0x71: {  	[spmem:s2] =	stream.indirect.scatter.add.f32 [tilespmem:s0], [sflag:$0x5], $0x10, s21, s31, $0xb8;
	[tilespmem:$0x18800] =	vst v63  }
0x72: {  	_ =	swait.ge [sflag:s8], $0x800  }
0x73: {  	[sflag:s8] =	ssyncset.done $0x0  }
0x74: {  	s21 =	sadd.s32 $0x5080, s17;
	[sflag:s8] =	ssyncadd.s32 $0xFFFFF800  }
0x75: {  	[spmem:s2] =	stream.indirect.scatter.add.f32 [tilespmem:s29], [sflag:$0x6], $0x10, s21, s31, $0xb8;
	[tilespmem:$0x18800] =	vst v63  }
0x76: {  	_ =	swait.ge [sflag:s9], $0x800  }
0x77: {  	[sflag:s9] =	ssyncset.done $0x0  }
0x78: {  	s21 =	sadd.s32 $0x5100, s17;
	[sflag:s9] =	ssyncadd.s32 $0xFFFFF800  }
0x79: {  	[spmem:s2] =	stream.indirect.scatter.add.f32 [tilespmem:s18], [sflag:$0x7], $0x10, s21, s31, $0xb8;
	[tilespmem:$0x18800] =	vst v63  }
0x7a: {  	_ =	swait.ge [sflag:s10], $0x800  }
0x7b: {  	[sflag:s10] =	ssyncset.done $0x0  }
0x7c: {  	s21 =	sadd.s32 $0x5180, s17;
	[sflag:s10] =	ssyncadd.s32 $0xFFFFF800  }
0x7d: {  	[spmem:s2] =	stream.indirect.scatter.add.f32 [tilespmem:s6], [sflag:$0x8], $0x10, s21, s31, $0xb8;
	[tilespmem:$0x18800] =	vst v63  }
0x7e: {  	_ =	swait.ge [sflag:s19], $0x800  }
0x7f: {  	[sflag:s19] =	ssyncset.done $0x0  }
0x80: {  	s21 =	sadd.s32 $0x2A00, s17;
	[sflag:s19] =	ssyncadd.s32 $0xFFFFF800  }
0x81: {  	[tilespmem:s0], [sflag:$0x1] =	stream.indirect.gather [hbm4b:s4+s31], $0x10, s21, s31, $0xb8;
	[tilespmem:$0x18800] =	vst v63  }
0x82: {  	_ =	swait.ge [sflag:s20], $0x800  }
0x83: {  	[sflag:s20] =	ssyncset.done $0x0  }
0x84: {  	s21 =	sadd.s32 $0x2A80, s17;
	[sflag:s20] =	ssyncadd.s32 $0xFFFFF800  }
0x85: {  	[tilespmem:s29], [sflag:$0x2] =	stream.indirect.gather [hbm4b:s4+s31], $0x10, s21, s31, $0xb8;
	[tilespmem:$0x18800] =	vst v63  }
0x86: {  	_ =	swait.ge [sflag:s1], $0x800  }
0x87: {  	[sflag:s1] =	ssyncset.done $0x0  }
.Ltmp4:
0x88: {  	s21 =	sadd.s32 $0x2B00, s17;
	[sflag:s1] =	ssyncadd.s32 $0xFFFFF800;
	(pc) =	sbr.rel @p1 .LBB2_6-.Ltmp4, $4  }
0x89: {  	[tilespmem:s18], [sflag:$0x3] =	stream.indirect.gather [hbm4b:s4+s31], $0x10, s21, s31, $0xb8;
	[tilespmem:$0x18800] =	vst v63  }
0x8a: {  	_ =	swait.ge [sflag:s13], $0x800  }
0x8b: {  	[sflag:s13] =	ssyncset.done $0x0  }
0x8c: {  	s17 =	sadd.s32 $0x2B80, s17;
	[sflag:s13] =	ssyncadd.s32 $0xFFFFF800  }
0x8d: {  	[tilespmem:s6], [sflag:$0x4] =	stream.indirect.gather [hbm4b:s4+s31], $0x10, s17, s31, $0xb8;
	[tilespmem:$0x18800] =	vst v63  }
0x8e: {  	_ =	swait.ge [sflag:s7], $0x800  }
0x8f: {  	[sflag:s7] =	ssyncset.done $0x0  }
0x90: {  	s12 =	simm.s32 $0x7600;
	[sflag:s7] =	ssyncadd.s32 $0xFFFFF800  }
0x91: {  	[spmem:s2] =	stream.indirect.scatter.add.f32 [tilespmem:s0], [sflag:$0x5], $0x10, s12, s31, $0xb8;
	[tilespmem:$0x18800] =	vst v63  }
0x92: {  	_ =	swait.ge [sflag:s8], $0x800  }
0x93: {  	[sflag:s8] =	ssyncset.done $0x0  }
0x94: {  	s26 =	simm.s32 $0x7680;
	[sflag:s8] =	ssyncadd.s32 $0xFFFFF800  }
0x95: {  	[spmem:s2] =	stream.indirect.scatter.add.f32 [tilespmem:s29], [sflag:$0x6], $0x10, s26, s31, $0xb8;
	[tilespmem:$0x18800] =	vst v63  }
0x96: {  	_ =	swait.ge [sflag:s9], $0x800  }
0x97: {  	[sflag:s9] =	ssyncset.done $0x0  }
0x98: {  	s17 =	simm.s32 $0x7700;
	[sflag:s9] =	ssyncadd.s32 $0xFFFFF800  }
0x99: {  	[spmem:s2] =	stream.indirect.scatter.add.f32 [tilespmem:s18], [sflag:$0x7], $0x10, s17, s31, $0xb8;
	[tilespmem:$0x18800] =	vst v63  }
0x9a: {  	_ =	swait.ge [sflag:s10], $0x800  }
0x9b: {  	[sflag:s10] =	ssyncset.done $0x0  }
0x9c: {  	s21 =	simm.s32 $0x7780;
	[sflag:s10] =	ssyncadd.s32 $0xFFFFF800  }
0x9d: {  	[spmem:s2] =	stream.indirect.scatter.add.f32 [tilespmem:s6], [sflag:$0x8], $0x10, s21, s31, $0xb8;
	[tilespmem:$0x18800] =	vst v63  }
0x9e: {  	_ =	swait.ge [sflag:s19], $0x800  }
0x9f: {  	[sflag:s19] =	ssyncset.done $0x0  }
0xa0: {  	[sflag:s19] =	ssyncadd.s32 $0xFFFFF800  }
0xa1: {  	_ =	swait.ge [sflag:s20], $0x800  }
0xa2: {  	[sflag:s20] =	ssyncset.done $0x0  }
0xa3: {  	[sflag:s20] =	ssyncadd.s32 $0xFFFFF800  }
0xa4: {  	_ =	swait.ge [sflag:s1], $0x800  }
0xa5: {  	[sflag:s1] =	ssyncset.done $0x0  }
0xa6: {  	[sflag:s1] =	ssyncadd.s32 $0xFFFFF800  }
0xa7: {  	_ =	swait.ge [sflag:s13], $0x800  }
0xa8: {  	s23 =	stileid.u32;
	[sflag:s13] =	ssyncset.done $0x0  }
0xa9: {  	s12 =	sshll.u32 s23, $0x6;
	[sflag:s13] =	ssyncadd.s32 $0xFFFFF800  }
0xaa: {  	s25 =	sor.u32 $0x1C0A, s12;
	s21 =	sshrl.u32 s11, $0x3;
	[bflag:$0x0] =	sbarrier.arrive $0xFFFF  }
0xab: {  	[hbm:s14], [sflag:s25] =	dma.local [spmem:s21], $0x500  }
0xac: {  	_ =	swait.ge [sflag:s22], $0x500  }
0xad: {  	[sflag:s22] =	ssyncset.done $0x0  }
0xae: {  	s26 =	simm.s32 $0x100000;
	[sflag:s22] =	ssyncadd.s32 $0xFFFFFB00  }
0xaf: {  	[smem:s26], [sflag:$0x0] =	smem.add.s32 $0x0  }
0xb0: {  	_ =	swait.done [sflag:s3]  }
0xb1: {  	s21 =	ssyncread [sflag:$0x0];
	_ =	sdelay $0x2  }
0xb2: {  	s23 =	rddreg [dreg:$0xe];
	s17 =	sadd.s32 s15, s21  }
0xb3: {  	s12 =	sor.u32 s23, s12;
	s17 =	sshll.u32 s17, $0x11  }
0xb4: {  	[sflag:s3] =	ssyncset.s32 $0x0;
	s12 =	sor.u32 s17, s12  }
0xb5: {  	[sflag:s3] =	ssyncset.done $0x0;
	s12 =	sor.u32 $0x1C09, s12  }
0xb6: {  	[sflag:s12] =	ssyncadd.remote.s32 $0x1  }
0xb7: {  	_ =	swait.ge [sflag:s28], $0x1  }
0xb8: {  	[sflag:s28] =	ssyncset.done $0x0  }
0xb9: {  	s25 =	simm.s32 $0x11000;
	[sflag:s28] =	ssyncadd.s32 $0xFFFFFFFF  }
0xba: {  	[tilespmem:s25], [sflag:$0xA] =	stream.linear.gather [spmem:s11], $0x2800, $0x38;
	[tilespmem:$0x18800] =	vst v63  }
0xbb: {  	_ =	swait.ge [sflag:s22], $0x2800  }
0xbc: {  	[sflag:s22] =	ssyncset.done $0x0  }
0xbd: {  	s26 =	simm.s32 $0x13800;
	[sflag:s22] =	ssyncadd.s32 $0xFFFFD800  }
0xbe: {  	[tilespmem:s26], [sflag:$0xA] =	stream.linear.gather [hbm4b:s16+s3], $0x2800, $0x38;
	[tilespmem:$0x18800] =	vst v63  }
0xbf: {  	_ =	swait.ge [sflag:s22], $0x2800  }
0xc0: {  	[sflag:s22] =	ssyncset.done $0x0  }
0xc1: {  	s17 =	simm.s32 $0x13820;
	[sflag:s22] =	ssyncadd.s32 $0xFFFFD800  }
0xc2: {  	s12 =	simm.s32 $0x11020;
	v1 =	vld [tilespmem:s17+$0xFFFFFFE0]  }
0xc3: {  	v2 =	vld [tilespmem:s12+$0xFFFFFFE0]  }
0xc4: {  	s23 =	simm.s32 $0x9820  }
0xc5: {  	v3 =	vld [tilespmem:s23+$0xFFFFFFE0]  }
0xc6: {  	s26 =	simm.s32 $0xE820  }
0xc7: {  	v4 =	vld [tilespmem:s26+$0xFFFFFFE0]  }
0xc8: {  	s25 =	simm.s32 $0xC020;
	v1 =	vadd.f32 v1, v2  }
0xc9: {  	v2 =	vld [tilespmem:s25+$0xFFFFFFE0]  }
0xca: {  	v1 =	vadd.f32 v3, v1;
	_ =	sdelay $0x1  }
0xcb: {  	v1 =	vmul.f32 v1, v4;
	_ =	sdelay $0x1  }
0xcc: {  	v1 =	vadd.f32 v1, v2;
	_ =	sdelay $0x1  }
0xcd: {  	[tilespmem:s23+$0xFFFFFFE0] =	vst v1  }
0xce: {  	v1 =	vld [tilespmem:s12+$0xFFFFFFF0]  }
0xcf: {  	v2 =	vld [tilespmem:s17+$0xFFFFFFF0];
	_ =	sdelay $0x1  }
0xd0: {  	v3 =	vld [tilespmem:s23+$0xFFFFFFF0];
	_ =	sdelay $0x1  }
0xd1: {  	v61 =	vld [tilespmem:s26+$0xFFFFFFF0]  }
0xd2: {  	v1 =	vadd.f32 v2, v1  }
0xd3: {  	v2 =	vld [tilespmem:s25+$0xFFFFFFF0]  }
0xd4: {  	v1 =	vadd.f32 v3, v1;
	_ =	sdelay $0x1  }
0xd5: {  	v1 =	vmul.f32 v1, v61;
	_ =	sdelay $0x1  }
0xd6: {  	v1 =	vadd.f32 v1, v2;
	_ =	sdelay $0x1  }
0xd7: {  	[tilespmem:s23+$0xFFFFFFF0] =	vst v1  }
0xd8: {  	v1 =	vld [tilespmem:s12+$0x0]  }
0xd9: {  	v2 =	vld [tilespmem:s17+$0x0];
	_ =	sdelay $0x1  }
0xda: {  	v3 =	vld [tilespmem:s23+$0x0];
	_ =	sdelay $0x1  }
0xdb: {  	v62 =	vld [tilespmem:s26+$0x0]  }
0xdc: {  	v1 =	vadd.f32 v2, v1  }
0xdd: {  	v2 =	vld [tilespmem:s25+$0x0]  }
0xde: {  	v1 =	vadd.f32 v3, v1;
	_ =	sdelay $0x1  }
0xdf: {  	v1 =	vmul.f32 v1, v62;
	_ =	sdelay $0x1  }
0xe0: {  	v1 =	vadd.f32 v1, v2;
	_ =	sdelay $0x1  }
0xe1: {  	[tilespmem:s23+$0x0] =	vst v1  }
0xe2: {  	v1 =	vld [tilespmem:s12+$0x10]  }
0xe3: {  	v2 =	vld [tilespmem:s17+$0x10];
	_ =	sdelay $0x1  }
0xe4: {  	v3 =	vld [tilespmem:s23+$0x10];
	_ =	sdelay $0x2  }
0xe5: {  	v63 =	vld [tilespmem:s26+$0x10];
	v1 =	vadd.f32 v2, v1;
	_ =	sdelay $0x1  }
0xe6: {  	v2 =	vadd.f32 v3, v1;
	v1 =	vld [tilespmem:s25+$0x10];
	_ =	sdelay $0x1  }
0xe7: {  	s30 =	simm.s32 $0x9820;
	s21 =	simm.s32 $0x11060  }
0xe8: {  	s17 =	simm.s32 $0x0;
	s12 =	simm.s32 $0x13860;
	s26 =	simm.s32 $0xE860;
	v2 =	vmul.f32 v2, v63  }
.LBB2_8:
0xe9: {  	s17 =	sadd.s32 $0x4, s17;
	s25 =	sadd.s32 $0x40, s25;
	s23 =	sadd.s32 $0x40, s23  }
0xea: {  	p1 =	slt.u32 s17, $0x27C;
	v1 =	vadd.f32 v2, v1;
	_ =	sdelay $0x1  }
0xeb: {  	[tilespmem:s30+$0x10] =	vst v1;
	s30 =	smov.u32 s23  }
0xec: {  	v1 =	vld [tilespmem:s12+$0xFFFFFFE0]  }
0xed: {  	v2 =	vld [tilespmem:s21+$0xFFFFFFE0];
	_ =	sdelay $0x1  }
0xee: {  	v3 =	vld [tilespmem:s23+$0xFFFFFFE0];
	_ =	sdelay $0x1  }
0xef: {  	v4 =	vld [tilespmem:s26+$0xFFFFFFE0]  }
0xf0: {  	v1 =	vadd.f32 v1, v2  }
0xf1: {  	v2 =	vld [tilespmem:s25+$0xFFFFFFE0]  }
0xf2: {  	v1 =	vadd.f32 v3, v1;
	_ =	sdelay $0x1  }
0xf3: {  	v1 =	vmul.f32 v1, v4;
	_ =	sdelay $0x1  }
0xf4: {  	v1 =	vadd.f32 v1, v2;
	_ =	sdelay $0x1  }
0xf5: {  	[tilespmem:s23+$0xFFFFFFE0] =	vst v1  }
0xf6: {  	v1 =	vld [tilespmem:s21+$0xFFFFFFF0]  }
0xf7: {  	v2 =	vld [tilespmem:s12+$0xFFFFFFF0]  }
0xf8: {  	v3 =	vld [tilespmem:s23+$0xFFFFFFF0];
	_ =	sdelay $0x1  }
0xf9: {  	v4 =	vld [tilespmem:s26+$0xFFFFFFF0];
	_ =	sdelay $0x1  }
0xfa: {  	v1 =	vadd.f32 v2, v1;
	v2 =	vld [tilespmem:s25+$0xFFFFFFF0];
	_ =	sdelay $0x1  }
0xfb: {  	v1 =	vadd.f32 v3, v1;
	_ =	sdelay $0x1  }
0xfc: {  	v1 =	vmul.f32 v1, v4;
	_ =	sdelay $0x1  }
0xfd: {  	v1 =	vadd.f32 v1, v2;
	_ =	sdelay $0x1  }
0xfe: {  	[tilespmem:s23+$0xFFFFFFF0] =	vst v1;
	v1 =	vld [tilespmem:s23+$0x0]  }
0xff: {  	v2 =	vld [tilespmem:s21+$0x0]  }
0x100: {  	v3 =	vld [tilespmem:s12+$0x0];
	_ =	sdelay $0x1  }
0x101: {  	v4 =	vld [tilespmem:s26+$0x0];
	_ =	sdelay $0x1  }
0x102: {  	v5 =	vld [tilespmem:s25+$0x0]  }
0x103: {  	v2 =	vadd.f32 v3, v2;
	_ =	sdelay $0x1  }
0x104: {  	v1 =	vadd.f32 v1, v2;
	_ =	sdelay $0x1  }
0x105: {  	v1 =	vmul.f32 v1, v4;
	_ =	sdelay $0x1  }
0x106: {  	v1 =	vadd.f32 v1, v5;
	_ =	sdelay $0x1  }
0x107: {  	[tilespmem:s23+$0x0] =	vst v1;
	v2 =	vld [tilespmem:s23+$0x10]  }
0x108: {  	v3 =	vld [tilespmem:s21+$0x10]  }
0x109: {  	v4 =	vld [tilespmem:s12+$0x10]  }
0x10a: {  	v5 =	vld [tilespmem:s26+$0x10]  }
0x10b: {  	v1 =	vld [tilespmem:s25+$0x10];
	_ =	sdelay $0x2  }
.Ltmp5:
0x10c: {  	v3 =	vadd.f32 v4, v3;
	(pc) =	sbr.rel @p1 .LBB2_8-.Ltmp5, $3  }
0x10d: {  	_ = 	snop  }
0x10e: {  	v2 =	vadd.f32 v2, v3;
	_ =	sdelay $0x1  }
0x10f: {  	s21 =	sadd.s32 $0x40, s21;
	s12 =	sadd.s32 $0x40, s12;
	s26 =	sadd.s32 $0x40, s26;
	v2 =	vmul.f32 v2, v5  }
0x110: {  	_ = 	snop  }
0x111: {  	v1 =	vadd.f32 v2, v1;
	_ =	sdelay $0x1  }
0x112: {  	s12 =	simm.s32 $0x16000;
	[tilespmem:s30+$0x10] =	vst v1  }
0x113: {  	[spmem:s11] =	stream.linear.scatter [tilespmem:s12], [sflag:$0xA], $0x2800, $0x38;
	[tilespmem:$0x18800] =	vst v63  }
0x114: {  	_ =	swait.ge [sflag:s22], $0x2800  }
0x115: {  	s17 =	simm.s32 $0x9800;
	s24 =	sadd.s32 $0x1, s24;
	[sflag:s22] =	ssyncset.done $0x0  }
0x116: {  	p1 =	seq.s32 s24, $0xA;
	s30 =	rddreg [dreg:$0x9];
	[sflag:s22] =	ssyncadd.s32 $0xFFFFD800  }
0x117: {  	[hbm4b:s30+s3] =	stream.linear.scatter [tilespmem:s17], [sflag:$0xA], $0x2800, $0x38;
	[tilespmem:$0x18800] =	vst v63  }
.Ltmp6:
0x118: {  	_ =	swait.ge [sflag:s22], $0x2800;
	(pc) =	sbr.rel @!p1 .LBB2_4-.Ltmp6, $4  }
.Ltmp7:
0x119: {  	[sflag:s22] =	ssyncset.done $0x0;
	(pc) =	sbr.rel @p1 .LBB2_10-.Ltmp7, $4  }
0x11a: {  	[sflag:s22] =	ssyncadd.s32 $0xFFFFD800  }
0x11b: {  	[bflag:$0x0] =	sbarrier.arrive $0xFFFF  }
0x11c: {  	_ = 	snop  }
0x11d: {  	_ = 	snop  }
.LBB2_13:
0x11e: {  	[tilespmem:s0], [sflag:$0x1] =	stream.indirect.gather [hbm4b:s5+s31], $0x10, s12, s31, $0xb8;
	[tilespmem:$0x18800] =	vst v63  }
0x11f: {  	s23 =	simm.s32 $0x2880  }
0x120: {  	[tilespmem:s29], [sflag:$0x2] =	stream.indirect.gather [hbm4b:s5+s31], $0x10, s23, s31, $0xb8;
	[tilespmem:$0x18800] =	vst v63  }
0x121: {  	s25 =	simm.s32 $0x2900  }
0x122: {  	[tilespmem:s18], [sflag:$0x3] =	stream.indirect.gather [hbm4b:s5+s31], $0x10, s25, s31, $0xb8;
	[tilespmem:$0x18800] =	vst v63  }
0x123: {  	s26 =	simm.s32 $0x2980  }
0x124: {  	[tilespmem:s6], [sflag:$0x4] =	stream.indirect.gather [hbm4b:s5+s31], $0x10, s26, s31, $0xb8;
	[tilespmem:$0x18800] =	vst v63  }
0x125: {  	_ =	swait.ge [sflag:s7], $0x800  }
0x126: {  	[sflag:s7] =	ssyncset.done $0x0  }
0x127: {  	s30 =	simm.s32 $0x5000;
	[sflag:s7] =	ssyncadd.s32 $0xFFFFF800  }
0x128: {  	[spmem:s2] =	stream.indirect.scatter.add.f32 [tilespmem:s0], [sflag:$0x5], $0x10, s30, s31, $0xb8;
	[tilespmem:$0x18800] =	vst v63  }
0x129: {  	_ =	swait.ge [sflag:s8], $0x800  }
0x12a: {  	[sflag:s8] =	ssyncset.done $0x0  }
0x12b: {  	s17 =	simm.s32 $0x5080;
	[sflag:s8] =	ssyncadd.s32 $0xFFFFF800  }
0x12c: {  	[spmem:s2] =	stream.indirect.scatter.add.f32 [tilespmem:s29], [sflag:$0x6], $0x10, s17, s31, $0xb8;
	[tilespmem:$0x18800] =	vst v63  }
0x12d: {  	_ =	swait.ge [sflag:s9], $0x800  }
0x12e: {  	[sflag:s9] =	ssyncset.done $0x0  }
0x12f: {  	s21 =	simm.s32 $0x5100;
	[sflag:s9] =	ssyncadd.s32 $0xFFFFF800  }
0x130: {  	[spmem:s2] =	stream.indirect.scatter.add.f32 [tilespmem:s18], [sflag:$0x7], $0x10, s21, s31, $0xb8;
	[tilespmem:$0x18800] =	vst v63  }
0x131: {  	_ =	swait.ge [sflag:s10], $0x800  }
0x132: {  	[sflag:s10] =	ssyncset.done $0x0  }
0x133: {  	s23 =	simm.s32 $0x5180;
	[sflag:s10] =	ssyncadd.s32 $0xFFFFF800  }
0x134: {  	[spmem:s2] =	stream.indirect.scatter.add.f32 [tilespmem:s6], [sflag:$0x8], $0x10, s23, s31, $0xb8;
	[tilespmem:$0x18800] =	vst v63  }
0x135: {  	_ =	swait.ge [sflag:s19], $0x800  }
0x136: {  	[sflag:s19] =	ssyncset.done $0x0  }
0x137: {  	s25 =	simm.s32 $0x2A00;
	[sflag:s19] =	ssyncadd.s32 $0xFFFFF800  }
0x138: {  	[tilespmem:s0], [sflag:$0x1] =	stream.indirect.gather [hbm4b:s5+s31], $0x10, s25, s31, $0xb8;
	[tilespmem:$0x18800] =	vst v63  }
0x139: {  	_ =	swait.ge [sflag:s20], $0x800  }
0x13a: {  	[sflag:s20] =	ssyncset.done $0x0  }
0x13b: {  	s26 =	simm.s32 $0x2A80;
	[sflag:s20] =	ssyncadd.s32 $0xFFFFF800  }
0x13c: {  	[tilespmem:s29], [sflag:$0x2] =	stream.indirect.gather [hbm4b:s5+s31], $0x10, s26, s31, $0xb8;
	[tilespmem:$0x18800] =	vst v63  }
0x13d: {  	_ =	swait.ge [sflag:s1], $0x800  }
0x13e: {  	[sflag:s1] =	ssyncset.done $0x0  }
0x13f: {  	s30 =	simm.s32 $0x2B00;
	[sflag:s1] =	ssyncadd.s32 $0xFFFFF800  }
0x140: {  	[tilespmem:s18], [sflag:$0x3] =	stream.indirect.gather [hbm4b:s5+s31], $0x10, s30, s31, $0xb8;
	[tilespmem:$0x18800] =	vst v63  }
0x141: {  	_ =	swait.ge [sflag:s13], $0x800  }
0x142: {  	[sflag:s13] =	ssyncset.done $0x0  }
0x143: {  	s12 =	simm.s32 $0x800;
	s17 =	simm.s32 $0x2B80;
	[sflag:s13] =	ssyncadd.s32 $0xFFFFF800  }
.LBB2_14:
0x144: {  	[tilespmem:s6], [sflag:$0x4] =	stream.indirect.gather [hbm4b:s5+s31], $0x10, s17, s31, $0xb8;
	[tilespmem:$0x18800] =	vst v63  }
0x145: {  	s17 =	smov.u32 s12  }
0x146: {  	p1 =	seq.s32 s12, $0x9000;
	s12 =	sadd.s32 $0x800, s12;
	_ =	swait.ge [sflag:s7], $0x800  }
0x147: {  	s17 =	sshra.s32 s17, $0x2;
	[sflag:s7] =	ssyncset.done $0x0  }
0x148: {  	s21 =	sadd.s32 $0x5000, s17;
	[sflag:s7] =	ssyncadd.s32 $0xFFFFF800  }
0x149: {  	[spmem:s2] =	stream.indirect.scatter.add.f32 [tilespmem:s0], [sflag:$0x5], $0x10, s21, s31, $0xb8;
	[tilespmem:$0x18800] =	vst v63  }
0x14a: {  	_ =	swait.ge [sflag:s8], $0x800  }
0x14b: {  	[sflag:s8] =	ssyncset.done $0x0  }
0x14c: {  	s21 =	sadd.s32 $0x5080, s17;
	[sflag:s8] =	ssyncadd.s32 $0xFFFFF800  }
0x14d: {  	[spmem:s2] =	stream.indirect.scatter.add.f32 [tilespmem:s29], [sflag:$0x6], $0x10, s21, s31, $0xb8;
	[tilespmem:$0x18800] =	vst v63  }
0x14e: {  	_ =	swait.ge [sflag:s9], $0x800  }
0x14f: {  	[sflag:s9] =	ssyncset.done $0x0  }
0x150: {  	s21 =	sadd.s32 $0x5100, s17;
	[sflag:s9] =	ssyncadd.s32 $0xFFFFF800  }
0x151: {  	[spmem:s2] =	stream.indirect.scatter.add.f32 [tilespmem:s18], [sflag:$0x7], $0x10, s21, s31, $0xb8;
	[tilespmem:$0x18800] =	vst v63  }
0x152: {  	_ =	swait.ge [sflag:s10], $0x800  }
0x153: {  	[sflag:s10] =	ssyncset.done $0x0  }
0x154: {  	s21 =	sadd.s32 $0x5180, s17;
	[sflag:s10] =	ssyncadd.s32 $0xFFFFF800  }
0x155: {  	[spmem:s2] =	stream.indirect.scatter.add.f32 [tilespmem:s6], [sflag:$0x8], $0x10, s21, s31, $0xb8;
	[tilespmem:$0x18800] =	vst v63  }
0x156: {  	_ =	swait.ge [sflag:s19], $0x800  }
0x157: {  	[sflag:s19] =	ssyncset.done $0x0  }
0x158: {  	s21 =	sadd.s32 $0x2A00, s17;
	[sflag:s19] =	ssyncadd.s32 $0xFFFFF800  }
0x159: {  	[tilespmem:s0], [sflag:$0x1] =	stream.indirect.gather [hbm4b:s5+s31], $0x10, s21, s31, $0xb8;
	[tilespmem:$0x18800] =	vst v63  }
0x15a: {  	_ =	swait.ge [sflag:s20], $0x800  }
0x15b: {  	[sflag:s20] =	ssyncset.done $0x0  }
0x15c: {  	s21 =	sadd.s32 $0x2A80, s17;
	[sflag:s20] =	ssyncadd.s32 $0xFFFFF800  }
0x15d: {  	[tilespmem:s29], [sflag:$0x2] =	stream.indirect.gather [hbm4b:s5+s31], $0x10, s21, s31, $0xb8;
	[tilespmem:$0x18800] =	vst v63  }
0x15e: {  	_ =	swait.ge [sflag:s1], $0x800  }
0x15f: {  	[sflag:s1] =	ssyncset.done $0x0  }
.Ltmp8:
0x160: {  	s21 =	sadd.s32 $0x2B00, s17;
	[sflag:s1] =	ssyncadd.s32 $0xFFFFF800;
	(pc) =	sbr.rel @!p1 .LBB2_14-.Ltmp8, $4  }
0x161: {  	[tilespmem:s18], [sflag:$0x3] =	stream.indirect.gather [hbm4b:s5+s31], $0x10, s21, s31, $0xb8;
	[tilespmem:$0x18800] =	vst v63  }
0x162: {  	_ =	swait.ge [sflag:s13], $0x800  }
0x163: {  	[sflag:s13] =	ssyncset.done $0x0  }
0x164: {  	s17 =	sadd.s32 $0x2B80, s17;
	[sflag:s13] =	ssyncadd.s32 $0xFFFFF800  }
0x165: {  	[tilespmem:s6], [sflag:$0x4] =	stream.indirect.gather [hbm4b:s5+s31], $0x10, s17, s31, $0xb8;
	[tilespmem:$0x18800] =	vst v63  }
0x166: {  	_ =	swait.ge [sflag:s7], $0x800  }
0x167: {  	[sflag:s7] =	ssyncset.done $0x0  }
0x168: {  	s12 =	simm.s32 $0x7600;
	[sflag:s7] =	ssyncadd.s32 $0xFFFFF800  }
0x169: {  	[spmem:s2] =	stream.indirect.scatter.add.f32 [tilespmem:s0], [sflag:$0x5], $0x10, s12, s31, $0xb8;
	[tilespmem:$0x18800] =	vst v63  }
0x16a: {  	_ =	swait.ge [sflag:s8], $0x800  }
0x16b: {  	[sflag:s8] =	ssyncset.done $0x0  }
0x16c: {  	s17 =	simm.s32 $0x7680;
	[sflag:s8] =	ssyncadd.s32 $0xFFFFF800  }
0x16d: {  	[spmem:s2] =	stream.indirect.scatter.add.f32 [tilespmem:s29], [sflag:$0x6], $0x10, s17, s31, $0xb8;
	[tilespmem:$0x18800] =	vst v63  }
0x16e: {  	_ =	swait.ge [sflag:s9], $0x800  }
0x16f: {  	[sflag:s9] =	ssyncset.done $0x0  }
0x170: {  	s21 =	simm.s32 $0x7700;
	[sflag:s9] =	ssyncadd.s32 $0xFFFFF800  }
0x171: {  	[spmem:s2] =	stream.indirect.scatter.add.f32 [tilespmem:s18], [sflag:$0x7], $0x10, s21, s31, $0xb8;
	[tilespmem:$0x18800] =	vst v63  }
0x172: {  	_ =	swait.ge [sflag:s10], $0x800  }
0x173: {  	[sflag:s10] =	ssyncset.done $0x0  }
0x174: {  	s23 =	simm.s32 $0x7780;
	[sflag:s10] =	ssyncadd.s32 $0xFFFFF800  }
0x175: {  	[spmem:s2] =	stream.indirect.scatter.add.f32 [tilespmem:s6], [sflag:$0x8], $0x10, s23, s31, $0xb8;
	[tilespmem:$0x18800] =	vst v63  }
0x176: {  	_ =	swait.ge [sflag:s19], $0x800  }
0x177: {  	[sflag:s19] =	ssyncset.done $0x0  }
0x178: {  	[sflag:s19] =	ssyncadd.s32 $0xFFFFF800  }
0x179: {  	_ =	swait.ge [sflag:s20], $0x800  }
0x17a: {  	[sflag:s20] =	ssyncset.done $0x0  }
0x17b: {  	[sflag:s20] =	ssyncadd.s32 $0xFFFFF800  }
0x17c: {  	_ =	swait.ge [sflag:s1], $0x800  }
0x17d: {  	[sflag:s1] =	ssyncset.done $0x0  }
0x17e: {  	[sflag:s1] =	ssyncadd.s32 $0xFFFFF800  }
0x17f: {  	_ =	swait.ge [sflag:s13], $0x800  }
0x180: {  	s25 =	stileid.u32;
	[sflag:s13] =	ssyncset.done $0x0  }
0x181: {  	s12 =	sshll.u32 s25, $0x6;
	[sflag:s13] =	ssyncadd.s32 $0xFFFFF800  }
0x182: {  	s26 =	sor.u32 $0x1C0A, s12;
	s21 =	sshrl.u32 s11, $0x3;
	[bflag:$0x0] =	sbarrier.arrive $0xFFFF  }
0x183: {  	[hbm:s16], [sflag:s26] =	dma.local [spmem:s21], $0x500  }
0x184: {  	_ =	swait.ge [sflag:s22], $0x500  }
0x185: {  	[sflag:s22] =	ssyncset.done $0x0  }
0x186: {  	s21 =	simm.s32 $0x100000;
	[sflag:s22] =	ssyncadd.s32 $0xFFFFFB00  }
0x187: {  	[smem:s21], [sflag:$0x0] =	smem.add.s32 $0x0  }
0x188: {  	_ =	swait.done [sflag:s3]  }
0x189: {  	s23 =	ssyncread [sflag:$0x0];
	_ =	sdelay $0x2  }
0x18a: {  	s25 =	rddreg [dreg:$0xf];
	s17 =	sadd.s32 s15, s23  }
0x18b: {  	s12 =	sor.u32 s25, s12;
	s17 =	sshll.u32 s17, $0x11  }
0x18c: {  	[sflag:s3] =	ssyncset.s32 $0x0;
	s12 =	sor.u32 s17, s12  }
0x18d: {  	[sflag:s3] =	ssyncset.done $0x0;
	s12 =	sor.u32 $0x1C09, s12  }
0x18e: {  	[sflag:s12] =	ssyncadd.remote.s32 $0x1  }
0x18f: {  	_ =	swait.ge [sflag:s28], $0x1  }
0x190: {  	[sflag:s28] =	ssyncset.done $0x0  }
0x191: {  	s26 =	simm.s32 $0x11000;
	[sflag:s28] =	ssyncadd.s32 $0xFFFFFFFF  }
0x192: {  	[tilespmem:s26], [sflag:$0xA] =	stream.linear.gather [spmem:s11], $0x2800, $0x38;
	[tilespmem:$0x18800] =	vst v63  }
0x193: {  	_ =	swait.ge [sflag:s22], $0x2800  }
0x194: {  	[sflag:s22] =	ssyncset.done $0x0  }
0x195: {  	s17 =	simm.s32 $0x13800;
	[sflag:s22] =	ssyncadd.s32 $0xFFFFD800  }
0x196: {  	[tilespmem:s17], [sflag:$0xA] =	stream.linear.gather [hbm4b:s14+s3], $0x2800, $0x38;
	[tilespmem:$0x18800] =	vst v63  }
0x197: {  	_ =	swait.ge [sflag:s22], $0x2800  }
0x198: {  	[sflag:s22] =	ssyncset.done $0x0  }
0x199: {  	s12 =	simm.s32 $0x13820;
	[sflag:s22] =	ssyncadd.s32 $0xFFFFD800  }
0x19a: {  	s21 =	simm.s32 $0x11020;
	v1 =	vld [tilespmem:s12+$0xFFFFFFE0]  }
0x19b: {  	v2 =	vld [tilespmem:s21+$0xFFFFFFE0]  }
0x19c: {  	s23 =	simm.s32 $0x9820  }
0x19d: {  	v3 =	vld [tilespmem:s23+$0xFFFFFFE0]  }
0x19e: {  	s26 =	simm.s32 $0xE820  }
0x19f: {  	v4 =	vld [tilespmem:s26+$0xFFFFFFE0]  }
0x1a0: {  	s25 =	simm.s32 $0xC020;
	v1 =	vadd.f32 v1, v2  }
0x1a1: {  	v2 =	vld [tilespmem:s25+$0xFFFFFFE0]  }
0x1a2: {  	v1 =	vadd.f32 v3, v1;
	_ =	sdelay $0x1  }
0x1a3: {  	v1 =	vmul.f32 v1, v4;
	_ =	sdelay $0x1  }
0x1a4: {  	v1 =	vadd.f32 v1, v2;
	_ =	sdelay $0x1  }
0x1a5: {  	[tilespmem:s23+$0xFFFFFFE0] =	vst v1  }
0x1a6: {  	v1 =	vld [tilespmem:s21+$0xFFFFFFF0]  }
0x1a7: {  	v2 =	vld [tilespmem:s12+$0xFFFFFFF0];
	_ =	sdelay $0x1  }
0x1a8: {  	v3 =	vld [tilespmem:s23+$0xFFFFFFF0];
	_ =	sdelay $0x1  }
0x1a9: {  	v61 =	vld [tilespmem:s26+$0xFFFFFFF0]  }
0x1aa: {  	v1 =	vadd.f32 v2, v1  }
0x1ab: {  	v2 =	vld [tilespmem:s25+$0xFFFFFFF0]  }
0x1ac: {  	v1 =	vadd.f32 v3, v1;
	_ =	sdelay $0x1  }
0x1ad: {  	v1 =	vmul.f32 v1, v61;
	_ =	sdelay $0x1  }
0x1ae: {  	v1 =	vadd.f32 v1, v2;
	_ =	sdelay $0x1  }
0x1af: {  	[tilespmem:s23+$0xFFFFFFF0] =	vst v1  }
0x1b0: {  	v1 =	vld [tilespmem:s21+$0x0]  }
0x1b1: {  	v2 =	vld [tilespmem:s12+$0x0];
	_ =	sdelay $0x1  }
0x1b2: {  	v3 =	vld [tilespmem:s23+$0x0];
	_ =	sdelay $0x1  }
0x1b3: {  	v62 =	vld [tilespmem:s26+$0x0]  }
0x1b4: {  	v1 =	vadd.f32 v2, v1  }
0x1b5: {  	v2 =	vld [tilespmem:s25+$0x0]  }
0x1b6: {  	v1 =	vadd.f32 v3, v1;
	_ =	sdelay $0x1  }
0x1b7: {  	v1 =	vmul.f32 v1, v62;
	_ =	sdelay $0x1  }
0x1b8: {  	v1 =	vadd.f32 v1, v2;
	_ =	sdelay $0x1  }
0x1b9: {  	[tilespmem:s23+$0x0] =	vst v1  }
0x1ba: {  	v1 =	vld [tilespmem:s21+$0x10]  }
0x1bb: {  	v2 =	vld [tilespmem:s12+$0x10];
	_ =	sdelay $0x1  }
0x1bc: {  	v3 =	vld [tilespmem:s23+$0x10];
	_ =	sdelay $0x2  }
0x1bd: {  	v63 =	vld [tilespmem:s26+$0x10];
	v1 =	vadd.f32 v2, v1;
	_ =	sdelay $0x1  }
0x1be: {  	v2 =	vadd.f32 v3, v1;
	v1 =	vld [tilespmem:s25+$0x10];
	_ =	sdelay $0x1  }
0x1bf: {  	s30 =	simm.s32 $0x9820;
	s17 =	simm.s32 $0x0  }
0x1c0: {  	s12 =	simm.s32 $0x13860;
	s21 =	simm.s32 $0x11060;
	s26 =	simm.s32 $0xE860;
	v2 =	vmul.f32 v2, v63  }
.LBB2_16:
0x1c1: {  	s17 =	sadd.s32 $0x4, s17;
	s25 =	sadd.s32 $0x40, s25;
	s23 =	sadd.s32 $0x40, s23  }
0x1c2: {  	p1 =	slt.u32 s17, $0x27C;
	v1 =	vadd.f32 v2, v1;
	_ =	sdelay $0x1  }
0x1c3: {  	[tilespmem:s30+$0x10] =	vst v1;
	s30 =	smov.u32 s23  }
0x1c4: {  	v1 =	vld [tilespmem:s12+$0xFFFFFFE0]  }
0x1c5: {  	v2 =	vld [tilespmem:s21+$0xFFFFFFE0];
	_ =	sdelay $0x1  }
0x1c6: {  	v3 =	vld [tilespmem:s23+$0xFFFFFFE0];
	_ =	sdelay $0x1  }
0x1c7: {  	v4 =	vld [tilespmem:s26+$0xFFFFFFE0]  }
0x1c8: {  	v1 =	vadd.f32 v1, v2  }
0x1c9: {  	v2 =	vld [tilespmem:s25+$0xFFFFFFE0]  }
0x1ca: {  	v1 =	vadd.f32 v3, v1;
	_ =	sdelay $0x1  }
0x1cb: {  	v1 =	vmul.f32 v1, v4;
	_ =	sdelay $0x1  }
0x1cc: {  	v1 =	vadd.f32 v1, v2;
	_ =	sdelay $0x1  }
0x1cd: {  	[tilespmem:s23+$0xFFFFFFE0] =	vst v1  }
0x1ce: {  	v1 =	vld [tilespmem:s21+$0xFFFFFFF0]  }
0x1cf: {  	v2 =	vld [tilespmem:s12+$0xFFFFFFF0]  }
0x1d0: {  	v3 =	vld [tilespmem:s23+$0xFFFFFFF0];
	_ =	sdelay $0x1  }
0x1d1: {  	v4 =	vld [tilespmem:s26+$0xFFFFFFF0];
	_ =	sdelay $0x1  }
0x1d2: {  	v1 =	vadd.f32 v2, v1;
	v2 =	vld [tilespmem:s25+$0xFFFFFFF0];
	_ =	sdelay $0x1  }
0x1d3: {  	v1 =	vadd.f32 v3, v1;
	_ =	sdelay $0x1  }
0x1d4: {  	v1 =	vmul.f32 v1, v4;
	_ =	sdelay $0x1  }
0x1d5: {  	v1 =	vadd.f32 v1, v2;
	_ =	sdelay $0x1  }
0x1d6: {  	[tilespmem:s23+$0xFFFFFFF0] =	vst v1;
	v1 =	vld [tilespmem:s23+$0x0]  }
0x1d7: {  	v2 =	vld [tilespmem:s21+$0x0]  }
0x1d8: {  	v3 =	vld [tilespmem:s12+$0x0];
	_ =	sdelay $0x1  }
0x1d9: {  	v4 =	vld [tilespmem:s26+$0x0];
	_ =	sdelay $0x1  }
0x1da: {  	v5 =	vld [tilespmem:s25+$0x0]  }
0x1db: {  	v2 =	vadd.f32 v3, v2;
	_ =	sdelay $0x1  }
0x1dc: {  	v1 =	vadd.f32 v1, v2;
	_ =	sdelay $0x1  }
0x1dd: {  	v1 =	vmul.f32 v1, v4;
	_ =	sdelay $0x1  }
0x1de: {  	v1 =	vadd.f32 v1, v5;
	_ =	sdelay $0x1  }
0x1df: {  	[tilespmem:s23+$0x0] =	vst v1;
	v2 =	vld [tilespmem:s23+$0x10]  }
0x1e0: {  	v3 =	vld [tilespmem:s21+$0x10]  }
0x1e1: {  	v4 =	vld [tilespmem:s12+$0x10]  }
0x1e2: {  	v5 =	vld [tilespmem:s26+$0x10]  }
0x1e3: {  	v1 =	vld [tilespmem:s25+$0x10];
	_ =	sdelay $0x2  }
.Ltmp9:
0x1e4: {  	v3 =	vadd.f32 v4, v3;
	(pc) =	sbr.rel @p1 .LBB2_16-.Ltmp9, $3  }
0x1e5: {  	_ = 	snop  }
0x1e6: {  	v2 =	vadd.f32 v2, v3;
	_ =	sdelay $0x1  }
0x1e7: {  	s21 =	sadd.s32 $0x40, s21;
	s12 =	sadd.s32 $0x40, s12;
	s26 =	sadd.s32 $0x40, s26;
	v2 =	vmul.f32 v2, v5  }
0x1e8: {  	_ = 	snop  }
0x1e9: {  	v1 =	vadd.f32 v2, v1;
	_ =	sdelay $0x1  }
0x1ea: {  	s12 =	simm.s32 $0x16000;
	[tilespmem:s30+$0x10] =	vst v1  }
0x1eb: {  	[spmem:s11] =	stream.linear.scatter [tilespmem:s12], [sflag:$0xA], $0x2800, $0x38;
	[tilespmem:$0x18800] =	vst v63  }
0x1ec: {  	_ =	swait.ge [sflag:s22], $0x2800  }
0x1ed: {  	s17 =	simm.s32 $0x9800;
	s24 =	sadd.s32 $0x1, s24;
	[sflag:s22] =	ssyncset.done $0x0  }
0x1ee: {  	p1 =	seq.s32 s24, $0xA;
	s30 =	rddreg [dreg:$0x8];
	[sflag:s22] =	ssyncadd.s32 $0xFFFFD800  }
0x1ef: {  	[hbm4b:s30+s3] =	stream.linear.scatter [tilespmem:s17], [sflag:$0xA], $0x2800, $0x38;
	[tilespmem:$0x18800] =	vst v63  }
.Ltmp10:
0x1f0: {  	_ =	swait.ge [sflag:s22], $0x2800;
	(pc) =	sbr.rel @!p1 .LBB2_4-.Ltmp10, $4  }
.Ltmp11:
0x1f1: {  	[sflag:s22] =	ssyncset.done $0x0;
	(pc) =	sbr.rel @p1 .LBB2_18-.Ltmp11, $4  }
0x1f2: {  	[sflag:s22] =	ssyncadd.s32 $0xFFFFD800  }
0x1f3: {  	[bflag:$0x0] =	sbarrier.arrive $0xFFFF  }
0x1f4: {  	_ = 	snop  }
0x1f5: {  	_ = 	snop  }
.LBB2_10:
0x1f6: {  	s12 =	simm.s32 $0x0;
	s17 =	rddreg [dreg:$0xa];
	s21 =	simm.s32 $0xC000  }
0x1f7: {  	[tilespmem:s21], [sflag:$0xA] =	stream.linear.gather [hbm4b:s17+s12], $0x2800, $0x38;
	[tilespmem:$0x18800] =	vst v63  }
0x1f8: {  	_ =	swait.ge [sflag:s22], $0x2800  }
0x1f9: {  	[sflag:s22] =	ssyncset.done $0x0  }
0x1fa: {  	s12 =	simm.s32 $0x0;
	[sflag:s22] =	ssyncadd.s32 $0xFFFFD800  }
0x1fb: {  	s17 =	simm.s32 $0x40;
	v1 =	vld [tilespmem:s12+$0xC000]  }
.LBB2_11:
0x1fc: {  	p1 =	sne.s32 s17, $0x9FC0;
	v2 =	vld [tilespmem:s12+$0x9800];
	_ =	sdelay $0x2  }
.Ltmp12:
0x1fd: {  	(pc) =	sbr.rel @p1 .LBB2_11-.Ltmp12, $4  }
0x1fe: {  	_ = 	snop  }
0x1ff: {  	v2 =	vmul.f32 v1, v2  }
0x200: {  	s21 =	sshra.s32 s17, $0x2  }
0x201: {  	s17 =	sadd.s32 $0x40, s17;
	v1 =	vld [tilespmem:s21+$0xC000];
	[tilespmem:s12+$0x9800] =	vst v2;
	s12 =	smov.u32 s21  }
0x202: {  	v2 =	vld [tilespmem:s12+$0x9800];
	_ =	sdelay $0x4  }
0x203: {  	v1 =	vmul.f32 v1, v2;
	_ =	sdelay $0x1  }
.Ltmp13:
0x204: {  	s30 =	rddreg [dreg:$0xb];
	s17 =	simm.s32 $0x9800;
	[tilespmem:s12+$0x9800] =	vst v1;
	(pc) =	sbr.rel .LBB2_18-.Ltmp13, $4  }
0x205: {  	[hbm4b:s30+s3] =	stream.linear.scatter [tilespmem:s17], [sflag:$0xA], $0x2800, $0x38;
	[tilespmem:$0x18800] =	vst v63  }
0x206: {  	_ =	swait.ge [sflag:s22], $0x2800  }
0x207: {  	[sflag:s22] =	ssyncset.done $0x0  }
0x208: {  	[sflag:s22] =	ssyncadd.s32 $0xFFFFD800  }
.LBB2_19:
0x209: {  	_ =	sfence.sel $0x180000  }
0x20a: {  	[bflag:$0x0] =	sbarrier.arrive $0xFFFF  }
0x20b: {  	_ =	strace $0x9000004D  }
0x20c: {  	s0 =	stileid.u32;
	[bflag:$0x2] =	sbarrier.arrive $0xFFFF  }
0x20d: {  	p0 =	sne.s32 s0, $0x0;
	s0 =	rddreg [dreg:$0x2]  }
0x20e: {  	s0 =	sadd.s32 @!p0 $0x100000, s0  }
0x20f: {  	[sflag:s0] =	ssyncadd.tile.s32 @!p0 $0x1;
	_ =	shalt  }
.Lfunc_end2:
_tile_overlayer_lowered:
.L_overlay_start_2:
0x210: {  	(tag) =	ssettag $0x2  }
0x211: {  	s0 =	rddreg [dreg:$0x0];
	s2 =	stileid.u32  }
0x212: {  	s1 =	rddreg [dreg:$0x1];
	p0 =	sne.s32 s2, $0x0  }
0x213: {  	s3 =	rddreg [dreg:$0x2];
	[bflag:$0x3] =	sbarrier.arrive $0xFFFF;
	s2 =	simm.s32 @!p0 $0x1C0A  }
0x214: {  	[timem:s3], [sflag:s2] =	dma.local @!p0 [hbm:s0], s1  }
0x215: {  	s0 =	simm.s32 @!p0 $0xA  }
0x216: {  	_ =	swait.ge @!p0 [sflag:s0], s1  }
0x217: {  	s1 =	ssub.s32 @!p0 $0x0, s1;
	[sflag:s0] =	ssyncset.done @!p0 $0x0  }
0x218: {  	[sflag:s0] =	ssyncadd.s32 @!p0 s1  }
0x219: {  	[bflag:$0x3] =	sbarrier.arrive $0xFFFF  }
0x21a: {  	_ =	shalt  }

// kernel: kernel.7.cloned.1.call-start
scs
__scs_entry_jumppad:
0x0: {  	(pc) =	sbr.rel $0x88, $3  }
0x1: {  	(tag) =	ssettag $0x0;
	lr =	simm.s32 $0x1  }
0x2: {  	[smem:$0x3F99] =	sst lr;
	_ =	strace $0xD0000000  }
0x3: {  	_ = 	snop  }
0x4: {  	_ = 	snop  }
0x5: {  	_ = 	snop  }
0x6: {  	_ = 	snop  }
0x7: {  	_ = 	snop  }
__scs_overlays_trampoline_lowered:
0x8: {  	[smem:$0x3FA8] =	sst s0  }
0x9: {  	[smem:$0x3FA9] =	sst s1  }
0xa: {  	[smem:$0x3FAA] =	sst s2  }
0xb: {  	[smem:$0x3FAB] =	sst s3  }
0xc: {  	[smem:$0x3FAC] =	sst s4  }
0xd: {  	[smem:$0x3FAD] =	sst s5  }
0xe: {  	[smem:$0x3FAE] =	sst s6  }
0xf: {  	[smem:$0x3FAF] =	sst s7  }
0x10: {  	[smem:$0x3FB0] =	sst s8  }
0x11: {  	[smem:$0x3FB1] =	sst s9;
	s0 =	simm.s32 @!p0 $0x0  }
0x12: {  	s1 =	sld [smem:$0x3F97];
	s0 =	simm.s32 @p0 $0x1  }
0x13: {  	[smem:$0x3FB2] =	sst s0;
	s0 =	simm.s32 @!p1 $0x0  }
0x14: {  	s2 =	sld [smem:$0x3F96];
	s0 =	simm.s32 @p1 $0x1  }
0x15: {  	[smem:$0x3FB3] =	sst s0;
	s0 =	simm.s32 @!p2 $0x0  }
0x16: {  	s3 =	sld [smem:$0x3FDB];
	s0 =	simm.s32 @p2 $0x1  }
0x17: {  	s4 =	simm.s32 $0x1BF5;
	[smem:$0x3FB5] =	sst s0  }
0x18: {  	s0 =	sld [smem:$0x3F98];
	_ =	swait.ge [sflag:s4], $0x0  }
0x19: {  	s7 =	sld [smem:$0x3F99]  }
0x1a: {  	s8 =	sadd.s32 $0xFFFFE003, lr  }
0x1b: {  	s9 =	sadd.s32 $0xFFFFFEF7, lr;
	s5 =	simm.s32 $0xFFFFFFFF;
	p2 =	slt.u32 s8, $0xFFFFF086  }
0x1c: {  	p1 =	slt.u32 s9, $0xF7A;
	s5 =	simm.s32 @!p2 $0x0  }
0x1d: {  	s5 =	simm.s32 @p1 $0x1;
	p0 =	seq.s32 s7, s2  }
0x1e: {  	s7 =	smul.u32 @!p0 $0xF7A, s2;
	p2 =	seq.s32 @!p0 s5, $0x0  }
0x1f: {  	s9 =	smul.u32 $0xF7A, s1;
	s8 =	simm.s32 @!p0 $0x1BF5;
	p2 =	por !p2, p0  }
0x20: {  	[sflag:s8] =	ssyncset.s32 @!p0 $0xFFFFF086;
	s6 =	sadd.s32 @!p0 s3, s7;
	s7 =	simm.s32 @!p0 $0x108  }
0x21: {  	s3 =	sadd.s32 s3, s9;
	s6 =	sadd.s32 @!p0 $0x88, s6;
	s7 =	simm.s32 @p2 $0x1082  }
0x22: {  	[simem:s7], [sflag:s8] =	dma.local @!p0 [hbm:s6], $0xF7A  }
0x23: {  	s9 =	sor.u32 $0xD0000000, s2;
	s6 =	simm.s32 $0x108;
	_ =	swait.ge @!p0 [sflag:s8], $0x0  }
0x24: {  	s3 =	sadd.s32 $0x88, s3;
	s6 =	simm.s32 @!p1 $0x1082;
	[sflag:s4] =	ssyncset.s32 $0xFFFFF086  }
0x25: {  	[simem:s6], [sflag:s4] =	dma.local [hbm:s3], $0xF7A  }
0x26: {  	[smem:$0x3F99] =	sst s1;
	(tag) =	ssettag s2;
	_ =	strace s9  }
0x27: {  	s1 =	sld [smem:$0x3FA9]  }
0x28: {  	s2 =	sld [smem:$0x3FAA]  }
0x29: {  	s4 =	sld [smem:$0x3FAC]  }
0x2a: {  	p0 =	seq.s32 s5, $0x0;
	s5 =	sld [smem:$0x3FAD]  }
0x2b: {  	s6 =	sld [smem:$0x3FAE]  }
0x2c: {  	s7 =	sld [smem:$0x3FAF]  }
0x2d: {  	s3 =	simm.s32 $0x108;
	s8 =	sld [smem:$0x3FB0]  }
0x2e: {  	s3 =	simm.s32 @!p0 $0x1082;
	s9 =	sld [smem:$0x3FB1]  }
0x2f: {  	lr =	sadd.s32 s0, s3;
	s0 =	sld [smem:$0x3FA8]  }
0x30: {  	s3 =	sld [smem:$0x3FAB]  }
0x31: {  	[smem:$0x3FB4] =	sst s10  }
0x32: {  	s10 =	sld [smem:$0x3FB2];
	_ =	sdelay $0x3  }
0x33: {  	p0 =	seq.s32 s10, $0x1;
	s10 =	sld [smem:$0x3FB4];
	_ =	sdelay $0x3  }
0x34: {  	[smem:$0x3FB4] =	sst s10  }
0x35: {  	s10 =	sld [smem:$0x3FB3];
	_ =	sdelay $0x3  }
0x36: {  	p1 =	seq.s32 s10, $0x1;
	s10 =	sld [smem:$0x3FB4];
	_ =	sdelay $0x3  }
0x37: {  	[smem:$0x3FB4] =	sst s10  }
0x38: {  	s10 =	sld [smem:$0x3FB5]  }
0x39: {  	_ = 	snop;
	(pc) =	sbr.ind lr, $3  }
0x3a: {  	_ = 	snop  }
0x3b: {  	_ = 	snop  }
0x3c: {  	p2 =	seq.s32 s10, $0x1;
	s10 =	sld [smem:$0x3FB4]  }
0x3d: {  	_ =	shalt  }
0x3e: {  	_ =	shalt  }
0x3f: {  	_ =	shalt  }
0x40: {  	_ =	shalt  }
0x41: {  	_ =	shalt  }
0x42: {  	_ =	shalt  }
0x43: {  	_ =	shalt  }
0x44: {  	_ =	shalt  }
0x45: {  	_ =	shalt  }
0x46: {  	_ =	shalt  }
0x47: {  	_ =	shalt  }
0x48: {  	_ =	shalt  }
0x49: {  	_ =	shalt  }
0x4a: {  	_ =	shalt  }
0x4b: {  	_ =	shalt  }
0x4c: {  	_ =	shalt  }
0x4d: {  	_ =	shalt  }
0x4e: {  	_ =	shalt  }
0x4f: {  	_ =	shalt  }
0x50: {  	_ =	shalt  }
0x51: {  	_ =	shalt  }
0x52: {  	_ =	shalt  }
0x53: {  	_ =	shalt  }
0x54: {  	_ =	shalt  }
0x55: {  	_ =	shalt  }
0x56: {  	_ =	shalt  }
0x57: {  	_ =	shalt  }
0x58: {  	_ =	shalt  }
0x59: {  	_ =	shalt  }
0x5a: {  	_ =	shalt  }
0x5b: {  	_ =	shalt  }
0x5c: {  	_ =	shalt  }
0x5d: {  	_ =	shalt  }
0x5e: {  	_ =	shalt  }
0x5f: {  	_ =	shalt  }
0x60: {  	_ =	shalt  }
0x61: {  	_ =	shalt  }
0x62: {  	_ =	shalt  }
0x63: {  	_ =	shalt  }
0x64: {  	_ =	shalt  }
0x65: {  	_ =	shalt  }
0x66: {  	_ =	shalt  }
0x67: {  	_ =	shalt  }
0x68: {  	_ =	shalt  }
0x69: {  	_ =	shalt  }
0x6a: {  	_ =	shalt  }
0x6b: {  	_ =	shalt  }
0x6c: {  	_ =	shalt  }
0x6d: {  	_ =	shalt  }
0x6e: {  	_ =	shalt  }
0x6f: {  	_ =	shalt  }
0x70: {  	_ =	shalt  }
0x71: {  	_ =	shalt  }
0x72: {  	_ =	shalt  }
0x73: {  	_ =	shalt  }
0x74: {  	_ =	shalt  }
0x75: {  	_ =	shalt  }
0x76: {  	_ =	shalt  }
0x77: {  	_ =	shalt  }
0x78: {  	_ =	shalt  }
0x79: {  	_ =	shalt  }
0x7a: {  	_ =	shalt  }
0x7b: {  	_ =	shalt  }
0x7c: {  	_ =	shalt  }
0x7d: {  	_ =	shalt  }
0x7e: {  	_ =	shalt  }
0x7f: {  	_ =	shalt  }
0x80: {  	_ =	shalt  }
0x81: {  	_ =	shalt  }
0x82: {  	_ =	shalt  }
0x83: {  	_ =	shalt  }
0x84: {  	_ =	shalt  }
0x85: {  	_ =	shalt  }
0x86: {  	_ =	shalt  }
0x87: {  	_ =	shalt  }
.Lfunc_end0:
.L_simem_size_0:
called_computation_lowered:
.L_overlay_start_0:
0x88: {  	s2 =	sld [smem:$0x3FD9]  }
0x89: {  	s3 =	sld [smem:$0x3FFE];
	_ =	sdelay $0x1  }
0x8a: {  	s1 =	srdreg.scid  }
0x8b: {  	s0 =	sand.u32 $0x1, s1  }
0x8c: {  	s16 =	sshll.u32 s0, $0xA;
	s2 =	sadd.s32 s3, s2  }
0x8d: {  	s2 =	sadd.s32 s2, s16  }
0x8e: {  	[smem:$0x3FC0] =	sst s2  }
0x8f: {  	_ = 	snop  }
0x90: {  	(tm) =	ssettm $0x1  }
0x91: {  	s17 =	sld [smem:$0x3FFB];
	_ =	sdelay $0x3  }
0x92: {  	_ =	strace s17  }
0x93: {  	s2 =	sld [smem:$0x3FFC];
	_ =	sdelay $0x3  }
0x94: {  	_ =	strace s2  }
0x95: {  	s2 =	sld [smem:$0x3FFD];
	_ =	sdelay $0x3  }
0x96: {  	_ =	strace s2  }
0x97: {  	_ =	strace $0x8FFFFFFF  }
0x98: {  	s18 =	sld [smem:$0x3FDB];
	_ =	sdelay $0x1  }
0x99: {  	s19 =	simm.s32 $_scs_section_size  }
0x9a: {  	s4 =	simm.s32 $_size__tile_overlayer_lowered;
	s5 =	simm.s32 $_tile_overlayer_lowered  }
0x9b: {  	s22 =	simm.s32 $0x1BFF;
	s21 =	sshll.u32 s5, $0x1;
	s2 =	sadd.s32 s19, s18  }
0x9c: {  	s6 =	simm.s32 $0x0;
	s20 =	sshll.u32 s4, $0x1;
	s4 =	sadd.s32 s21, s2  }
0x9d: {  	[timem:s6], [sflag:s22] =	dma.local [hbm:s4], s20  }
0x9e: {  	_ =	swait.ge [sflag:s22], s20  }
0x9f: {  	s3 =	ssub.s32 $0x0, s20;
	[sflag:s22] =	ssyncset.done $0x0  }
0xa0: {  	[sflag:s22] =	ssyncadd.s32 s3;
	_ =	sdelay $0x1  }
0xa1: {  	s23 =	simm.s32 $0x1B8B  }
0xa2: {  	_ =	swait.ge [sflag:s23], $0x1  }
0xa3: {  	[sflag:s23] =	ssyncset.done $0x0  }
0xa4: {  	s25 =	simm.s32 $0x1B8E;
	s24 =	sld [smem:$0x3FFE];
	[sflag:s23] =	ssyncadd.s32 $0xFFFFFFFF  }
0xa5: {  	s26 =	simm.s32 $execute0_lowered;
	[smem:$0x3FD2] =	sst s25  }
0xa6: {  	s4 =	sshll.u32 s26, $0x1;
	_ =	strace $0x80000046;
	[dreg:$0x1] =	wrdreg $0xFFFFFFFF  }
0xa7: {  	s28 =	simm.s32 $_size_execute0_lowered;
	s2 =	sadd.s32 s2, s4;
	[dreg:$0x0] =	wrdreg $0x0  }
0xa8: {  	s4 =	sshll.u32 s28, $0x1;
	[dreg:$0x2] =	wrdreg s2  }
0xa9: {  	[dreg:$0x3] =	wrdreg s4  }
0xaa: {  	[dreg:$0x4] =	wrdreg $0xC0  }
0xab: {  	_ =	task [dreg:s6], $0x5FFFF  }
0xac: {  	[dreg:$0x1] =	wrdreg $0xFFFFFFFF  }
0xad: {  	[dreg:$0x0] =	wrdreg $0x60  }
0xae: {  	[dreg:$0x2] =	wrdreg s24  }
0xaf: {  	[dreg:$0x3] =	wrdreg $0x0  }
0xb0: {  	[dreg:$0x4] =	wrdreg $0x9  }
0xb1: {  	_ =	task.clear_ibuf [dreg:s6], $0x5FFFF;
	_ =	strace $0x90000046  }
0xb2: {  	s29 =	simm.s32 $0x9;
	_ =	strace $0x80000048  }
0xb3: {  	_ =	swait.ge [sflag:s29], $0x1  }
0xb4: {  	[sflag:s29] =	ssyncadd.s32 $0xFFFFFFFF  }
0xb5: {  	_ =	strace $0x90000048  }
0xb6: {  	_ =	sfence  }
0xb7: {  	s30 =	sld [smem:$0x0];
	_ =	sdelay $0x2  }
0xb8: {  	s31 =	sshll.u32 s1, $0xD;
	s1 =	sshrl.u32 s1, $0x2  }
0xb9: {  	s3 =	sand.u32 $0x4000, s31;
	s1 =	sadd.s32 s1, s30  }
0xba: {  	s0 =	sor.u32 s3, s0;
	s1 =	sshll.u32 s1, $0x11  }
0xbb: {  	s0 =	sor.u32 s1, s0  }
0xbc: {  	s0 =	sadd.s32 $0x8F2B, s0  }
0xbd: {  	[sflag:s0] =	ssyncadd.remote.s32 $0x1  }
0xbe: {  	_ =	sfence.sel $0xFFFF  }
0xbf: {  	[dreg:$0x0] =	wrdreg $0xFFFFFFFF;
	(pc) =	sbr.abs _section_cstart, $3  }
0xc0: {  	[dreg:$0x1] =	wrdreg $0xFFFFFFFF  }
0xc1: {  	_ =	task.clear_ibuf [dreg:s6], $0x2FFFF;
	_ =	strace $0x9FFFFFFF  }
0xc2: {  	(tm) =	ssettm $0x7FFFFFFF  }
0xc3: {  	_ =	shalt  }
tec
execute0_lowered:
.L_overlay_start_1:
0x0: {  	(tag) =	ssettag $0x1  }
0x1: {  	s4 =	rddreg [dreg:$0x0]  }
0x2: {  	s7 =	srdreg.scid;
	s2 =	rddreg [dreg:$0x1]  }
0x3: {  	s0 =	rddreg [dreg:$0x2];
	s1 =	stileid.u32  }
0x4: {  	s3 =	simm.s32 $0x0;
	s11 =	simm.s32 $0x5800;
	s12 =	simm.s32 $0x80  }
0x5: {  	s13 =	simm.s32 $0x5000;
	s14 =	simm.s32 $0x1;
	s19 =	simm.s32 $0x2  }
0x6: {  	s20 =	simm.s32 $0x8000;
	s21 =	simm.s32 $0x0;
	s17 =	sand.u32 $0x1, s7  }
0x7: {  	s6 =	smul.u32 $0x2800, s1;
	[smem:$0x7FF] =	sst s3;
	s30 =	sand.u32 $0x2, s7  }
0x8: {  	s7 =	sshrl.u32 s7, $0x2;
	s5 =	sshll.u32 s17, $0x4;
	s8 =	ssub.s32 $0x2, s17  }
0x9: {  	_ =	strace $0x80000047;
	s31 =	ssub.s32 s30, s17;
	p0 =	seq.s32 s17, $0x0  }
0xa: {  	p1 =	sne.s32 s17, $0x0;
	s17 =	simm.s32 $0x100000;
	s5 =	sor.u32 s1, s5  }
0xb: {  	s9 =	sshrl.u32 s6, $0x3;
	s10 =	sshrl.u32 s8, $0x1;
	s5 =	smul.u32 $0x500, s5  }
.Ltmp0:
0xc: {  	s18 =	sadd.s32 $0x5, s31;
	s15 =	sshll.u32 @!p0 s1, $0x6;
	(pc) =	sbr.rel .LBB2_1-.Ltmp0, $4  }
0xd: {  	s9 =	sadd.s32 s9, s4;
	s8 =	ssub.s32 s8, s10;
	s10 =	simm.s32 $0x3  }
0xe: {  	s15 =	sor.u32 @!p0 $0x1C03, s15;
	s18 =	sshll.u32 s18, $0xE;
	s5 =	sadd.s32 s5, s4  }
0xf: {  	s8 =	smax.u32 s8, $0x1;
	s4 =	sadd.s32 $0x2600, s5;
	s5 =	sadd.s32 s6, s2  }
0x10: {  	v0 =	vimm.f32 $1.000000000e+00;
	v1 =	vimm.f32 $0.0e+00;
	s6 =	sadd.s32 $0x16600, s9;
	s9 =	simm.s32 $0x2800;
	s16 =	sshrl.u32 @!p0 s5, $0x3  }
.LBB2_10:
0x11: {  	v3 =	vld [tilespmem:s22+$0x5800];
	_ =	sdelay $0x4  }
0x12: {  	v2 =	vadd.f32 v2, v3;
	_ =	sdelay $0x1  }
0x13: {  	[tilespmem:s22+$0x5800] =	vst v2  }
0x14: {  	[hbm4b:s6+s3] =	stream.linear.scatter [tilespmem:s11], [sflag:$0x3], $0x2800, $0x38;
	[tilespmem:$0xA800] =	vst v63  }
0x15: {  	_ =	swait.ge [sflag:s10], $0x2800  }
0x16: {  	[sflag:s10] =	ssyncset.done $0x0  }
0x17: {  	[sflag:s10] =	ssyncadd.s32 $0xFFFFD800  }
.LBB2_11:
0x18: {  	s21 =	sadd.s32 $0x1, s21  }
0x19: {  	p2 =	sne.s32 s21, s8  }
.Ltmp1:
0x1a: {  	_ = 	snop;
	(pc) =	sbr.rel @!p2 .LBB2_12-.Ltmp1, $1  }
0x1b: {  	_ =	sdelay $0x3  }
.LBB2_1:
0x1c: {  	[tilespmem:s9], [sflag:$0x3] =	stream.linear.gather [hbm4b:s4+s3], $0x2800, $0x38;
	[tilespmem:$0xA800] =	vst v63  }
0x1d: {  	_ =	swait.ge [sflag:s10], $0x2800  }
0x1e: {  	[sflag:s10] =	ssyncset.done $0x0  }
0x1f: {  	s22 =	simm.s32 $0x0;
	[sflag:s10] =	ssyncadd.s32 $0xFFFFD800  }
.LBB2_2:
0x20: {  	p2 =	sne.s32 s22, $0x1FC0  }
.Ltmp2:
0x21: {  	_ = 	snop;
	(pc) =	sbr.rel @p2 .LBB2_2-.Ltmp2, $3  }
0x22: {  	_ =	sdelay $0x1  }
0x23: {  	s23 =	sshra.s32 s22, $0x2  }
0x24: {  	s22 =	sadd.s32 $0x40, s22;
	[tilespmem:s23+$0x5000] =	vst v0  }
0x25: {  	s22 =	simm.s32 $0x40;
	s23 =	simm.s32 $0x0  }
.LBB2_4:
0x26: {  	p2 =	sne.s32 s22, $0x9FC0;
	[tilespmem:s23+$0x5800] =	vst v1;
	s23 =	smov.u32 s22;
	s22 =	sadd.s32 $0x40, s22  }
.Ltmp3:
0x27: {  	(pc) =	sbr.rel @p2 .LBB2_4-.Ltmp3, $2  }
0x28: {  	_ =	sdelay $0x2  }
0x29: {  	s23 =	sshra.s32 s23, $0x2  }
0x2a: {  	[tilespmem:s23+$0x5800] =	vst v1  }
0x2b: {  	[spmem:s5] =	stream.linear.scatter [tilespmem:s11], [sflag:$0x3], $0x2800, $0x38;
	[tilespmem:$0xA800] =	vst v63  }
0x2c: {  	_ =	swait.ge [sflag:s10], $0x2800  }
0x2d: {  	[sflag:s10] =	ssyncset.done $0x0  }
0x2e: {  	[sflag:s10] =	ssyncadd.s32 $0xFFFFD800  }
0x2f: {  	s22 =	simm.s32 $0x2800;
	[bflag:$0x0] =	sbarrier.arrive $0xFFFF  }
0x30: {  	[spmem:s2] =	stream.indirect.scatter.add.f32 [tilespmem:s13], [sflag:$0x1], $0x10, s22, s12, $0xb8;
	[tilespmem:$0xA800] =	vst v63  }
0x31: {  	s29 =	simm.s32 $0x2880  }
0x32: {  	[spmem:s2] =	stream.indirect.scatter.add.f32 [tilespmem:s13], [sflag:$0x1], $0x10, s29, s12, $0xb8;
	[tilespmem:$0xA800] =	vst v63  }
0x33: {  	s30 =	simm.s32 $0x2900  }
0x34: {  	[spmem:s2] =	stream.indirect.scatter.add.f32 [tilespmem:s13], [sflag:$0x1], $0x10, s30, s12, $0xb8;
	[tilespmem:$0xA800] =	vst v63  }
0x35: {  	s31 =	simm.s32 $0x2980  }
0x36: {  	[spmem:s2] =	stream.indirect.scatter.add.f32 [tilespmem:s13], [sflag:$0x1], $0x10, s31, s12, $0xb8;
	[tilespmem:$0xA800] =	vst v63  }
0x37: {  	_ =	swait.ge [sflag:s14], $0x800  }
0x38: {  	[sflag:s14] =	ssyncset.done $0x0  }
0x39: {  	[sflag:s14] =	ssyncadd.s32 $0xFFFFF800  }
0x3a: {  	_ =	swait.ge [sflag:s14], $0x800  }
0x3b: {  	[sflag:s14] =	ssyncset.done $0x0  }
0x3c: {  	[sflag:s14] =	ssyncadd.s32 $0xFFFFF800  }
0x3d: {  	_ =	swait.ge [sflag:s14], $0x800  }
0x3e: {  	[sflag:s14] =	ssyncset.done $0x0  }
0x3f: {  	[sflag:s14] =	ssyncadd.s32 $0xFFFFF800  }
0x40: {  	_ =	swait.ge [sflag:s14], $0x800  }
0x41: {  	s23 =	simm.s32 $0x1000;
	s22 =	simm.s32 $0x200;
	[sflag:s14] =	ssyncset.done $0x0  }
.LBB2_6:
0x42: {  	s24 =	sadd.s32 $0x2800, s22  }
0x43: {  	[sflag:s14] =	ssyncadd.s32 $0xFFFFF800;
	s25 =	smov.u32 s23;
	s26 =	sadd.s32 $0x800, s23  }
0x44: {  	[spmem:s2] =	stream.indirect.scatter.add.f32 [tilespmem:s13], [sflag:$0x1], $0x10, s24, s12, $0xb8;
	[tilespmem:$0xA800] =	vst v63  }
0x45: {  	p2 =	sne.s32 s23, $0x9800;
	s23 =	sadd.s32 $0x2880, s22  }
0x46: {  	[spmem:s2] =	stream.indirect.scatter.add.f32 [tilespmem:s13], [sflag:$0x1], $0x10, s23, s12, $0xb8;
	[tilespmem:$0xA800] =	vst v63  }
0x47: {  	s23 =	sadd.s32 $0x2900, s22  }
0x48: {  	[spmem:s2] =	stream.indirect.scatter.add.f32 [tilespmem:s13], [sflag:$0x1], $0x10, s23, s12, $0xb8;
	[tilespmem:$0xA800] =	vst v63  }
0x49: {  	s22 =	sadd.s32 $0x2980, s22  }
0x4a: {  	[spmem:s2] =	stream.indirect.scatter.add.f32 [tilespmem:s13], [sflag:$0x1], $0x10, s22, s12, $0xb8;
	[tilespmem:$0xA800] =	vst v63  }
0x4b: {  	_ =	swait.ge [sflag:s14], $0x800  }
0x4c: {  	[sflag:s14] =	ssyncset.done $0x0  }
0x4d: {  	[sflag:s14] =	ssyncadd.s32 $0xFFFFF800  }
0x4e: {  	_ =	swait.ge [sflag:s14], $0x800  }
0x4f: {  	[sflag:s14] =	ssyncset.done $0x0  }
0x50: {  	[sflag:s14] =	ssyncadd.s32 $0xFFFFF800  }
.Ltmp4:
0x51: {  	_ =	swait.ge [sflag:s14], $0x800;
	(pc) =	sbr.rel @p2 .LBB2_6-.Ltmp4, $4  }
0x52: {  	[sflag:s14] =	ssyncset.done $0x0  }
0x53: {  	[sflag:s14] =	ssyncadd.s32 $0xFFFFF800  }
0x54: {  	_ =	swait.ge [sflag:s14], $0x800  }
0x55: {  	s23 =	smov.u32 s26;
	s22 =	sshra.s32 s25, $0x2;
	[sflag:s14] =	ssyncset.done $0x0  }
0x56: {  	s23 =	sadd.s32 $0x2800, s22;
	[sflag:s14] =	ssyncadd.s32 $0xFFFFF800  }
0x57: {  	[spmem:s2] =	stream.indirect.scatter.add.f32 [tilespmem:s13], [sflag:$0x1], $0x10, s23, s12, $0xb8;
	[tilespmem:$0xA800] =	vst v63  }
0x58: {  	s26 =	sadd.s32 $0x2880, s22  }
0x59: {  	[spmem:s2] =	stream.indirect.scatter.add.f32 [tilespmem:s13], [sflag:$0x1], $0x10, s26, s12, $0xb8;
	[tilespmem:$0xA800] =	vst v63  }
0x5a: {  	s28 =	sadd.s32 $0x2900, s22  }
0x5b: {  	[spmem:s2] =	stream.indirect.scatter.add.f32 [tilespmem:s13], [sflag:$0x1], $0x10, s28, s12, $0xb8;
	[tilespmem:$0xA800] =	vst v63  }
0x5c: {  	s29 =	sadd.s32 $0x2980, s22  }
0x5d: {  	[spmem:s2] =	stream.indirect.scatter.add.f32 [tilespmem:s13], [sflag:$0x1], $0x10, s29, s12, $0xb8;
	[tilespmem:$0xA800] =	vst v63  }
0x5e: {  	_ =	swait.ge [sflag:s14], $0x800  }
0x5f: {  	[sflag:s14] =	ssyncset.done $0x0  }
0x60: {  	[sflag:s14] =	ssyncadd.s32 $0xFFFFF800  }
0x61: {  	_ =	swait.ge [sflag:s14], $0x800  }
0x62: {  	[sflag:s14] =	ssyncset.done $0x0  }
0x63: {  	[sflag:s14] =	ssyncadd.s32 $0xFFFFF800  }
0x64: {  	_ =	swait.ge [sflag:s14], $0x800  }
0x65: {  	[sflag:s14] =	ssyncset.done $0x0  }
0x66: {  	[sflag:s14] =	ssyncadd.s32 $0xFFFFF800  }
0x67: {  	_ =	swait.ge [sflag:s14], $0x800  }
0x68: {  	[sflag:s14] =	ssyncset.done $0x0  }
0x69: {  	[sflag:s14] =	ssyncadd.s32 $0xFFFFF800  }
0x6a: {  	s22 =	simm.s32 @!p0 $0x3;
	[bflag:$0x0] =	sbarrier.arrive $0xFFFF  }
0x6b: {  	[hbm:s6], [sflag:s15] =	dma.local @!p0 [spmem:s16], $0x500  }
0x6c: {  	_ =	swait.ge @!p0 [sflag:s22], $0x500  }
0x6d: {  	[sflag:s22] =	ssyncset.done @!p0 $0x0  }
0x6e: {  	[sflag:s22] =	ssyncadd.s32 @!p0 $0xFFFFFB00  }
0x6f: {  	[smem:s17], [sflag:$0x0] =	smem.add.s32 $0x0  }
0x70: {  	_ =	swait.done [sflag:s3]  }
0x71: {  	s30 =	ssyncread [sflag:$0x0];
	_ =	sdelay $0x2  }
0x72: {  	s31 =	sshll.u32 s1, $0x6;
	s22 =	sadd.s32 s7, s30  }
0x73: {  	s23 =	sor.u32 s18, s31;
	s22 =	sshll.u32 s22, $0x11  }
0x74: {  	[sflag:s3] =	ssyncset.s32 $0x0;
	s22 =	sor.u32 s22, s23  }
.Ltmp5:
0x75: {  	[sflag:s3] =	ssyncset.done $0x0;
	s22 =	sor.u32 $0x1C02, s22;
	(pc) =	sbr.rel @p1 .LBB2_11-.Ltmp5, $4  }
0x76: {  	[sflag:s22] =	ssyncadd.remote.s32 $0x1  }
0x77: {  	_ =	swait.ge [sflag:s19], $0x1  }
0x78: {  	[sflag:s19] =	ssyncset.done $0x0  }
0x79: {  	[sflag:s19] =	ssyncadd.s32 $0xFFFFFFFF  }
0x7a: {  	s22 =	simm.s32 $0x0  }
0x7b: {  	[tilespmem:s20], [sflag:$0x3] =	stream.linear.gather [hbm4b:s6+s22], $0x2800, $0x38;
	[tilespmem:$0xA800] =	vst v63  }
0x7c: {  	_ =	swait.ge [sflag:s10], $0x2800  }
0x7d: {  	[sflag:s10] =	ssyncset.done $0x0  }
0x7e: {  	[sflag:s10] =	ssyncadd.s32 $0xFFFFD800  }
0x7f: {  	[tilespmem:s11], [sflag:$0x3] =	stream.linear.gather [spmem:s5], $0x2800, $0x38;
	[tilespmem:$0xA800] =	vst v63  }
0x80: {  	_ =	swait.ge [sflag:s10], $0x2800  }
0x81: {  	[sflag:s10] =	ssyncset.done $0x0  }
0x82: {  	s22 =	simm.s32 $0x0;
	[sflag:s10] =	ssyncadd.s32 $0xFFFFD800  }
0x83: {  	s23 =	simm.s32 $0x40;
	v2 =	vld [tilespmem:s22+$0x8000]  }
.LBB2_9:
0x84: {  	p2 =	sne.s32 s23, $0x9FC0;
	v3 =	vld [tilespmem:s22+$0x5800];
	_ =	sdelay $0x2  }
.Ltmp6:
0x85: {  	(pc) =	sbr.rel @p2 .LBB2_9-.Ltmp6, $4  }
0x86: {  	_ = 	snop  }
0x87: {  	v3 =	vadd.f32 v2, v3  }
0x88: {  	s24 =	sshra.s32 s23, $0x2  }
0x89: {  	s23 =	sadd.s32 $0x40, s23;
	v2 =	vld [tilespmem:s24+$0x8000];
	[tilespmem:s22+$0x5800] =	vst v3;
	s22 =	smov.u32 s24  }
.Ltmp7:
0x8a: {  	_ = 	snop;
	(pc) =	sbr.rel .LBB2_10-.Ltmp7, $1  }
0x8b: {  	_ =	sdelay $0x3  }
.LBB2_12:
0x8c: {  	_ =	sfence.sel $0x180000  }
0x8d: {  	[bflag:$0x0] =	sbarrier.arrive $0xFFFF  }
0x8e: {  	p0 =	sne.s32 s1, $0x0;
	_ =	strace $0x90000047  }
0x8f: {  	s0 =	sadd.s32 @!p0 $0x100000, s0;
	[bflag:$0x2] =	sbarrier.arrive $0xFFFF  }
0x90: {  	[sflag:s0] =	ssyncadd.tile.s32 @!p0 $0x1;
	_ =	shalt  }
.Lfunc_end2:
_tile_overlayer_lowered:
.L_overlay_start_2:
0x91: {  	(tag) =	ssettag $0x2  }
0x92: {  	s0 =	rddreg [dreg:$0x0];
	s2 =	stileid.u32  }
0x93: {  	s1 =	rddreg [dreg:$0x1];
	p0 =	sne.s32 s2, $0x0  }
0x94: {  	s3 =	rddreg [dreg:$0x2];
	[bflag:$0x3] =	sbarrier.arrive $0xFFFF;
	s2 =	simm.s32 @!p0 $0x1C03  }
0x95: {  	[timem:s3], [sflag:s2] =	dma.local @!p0 [hbm:s0], s1  }
0x96: {  	s0 =	simm.s32 @!p0 $0x3  }
0x97: {  	_ =	swait.ge @!p0 [sflag:s0], s1  }
0x98: {  	s1 =	ssub.s32 @!p0 $0x0, s1;
	[sflag:s0] =	ssyncset.done @!p0 $0x0  }
0x99: {  	[sflag:s0] =	ssyncadd.s32 @!p0 s1  }
0x9a: {  	[bflag:$0x3] =	sbarrier.arrive $0xFFFF  }
0x9b: {  	_ =	shalt  }

</sc_bundles>
